<compile_context>
chip_gen: v7x
topology: tpu7x:2x2x1
jax: 0.10.2.dev20260603
libtpu: 0.0.44.dev20260713+nightly
codegen_flags: <defaults>
</compile_context>

<pallas_src>
import functools

import jax
import jax.numpy as jnp
from jax import lax
from jax.experimental import pallas as pl
from jax.experimental.pallas import tpu as pltpu
from jax.experimental.pallas import tpu_sc as plsc

_LAMBDA = 3.0
_EPS = 0.0001

_BATCH = 16384
_CLASSES = 1000
_LANES = 16
_NWORK = 32
_PER_W = _BATCH // _NWORK
_DMA_CHUNK = 128
_NDMA = _PER_W // _DMA_CHUNK


def _elr_body(l_ref, out_ref):
    l = l_ref[...]
    m = jnp.max(l, axis=1, keepdims=True)
    e = jnp.exp(l - m)
    s1 = jnp.sum(e, axis=1)
    s2 = jnp.sum(e * e, axis=1)
    dot = s2 / (s1 * s1)
    elr = jnp.log(1.0 - dot + _EPS)
    part = jnp.sum((m[:, 0] + jnp.log(s1)) + _LAMBDA * elr)
    out_ref[...] = jnp.full((1, 8, 128), part, jnp.float32)


@functools.partial(
    pl.kernel,
    mesh=plsc.VectorSubcoreMesh(core_axis_name="c", subcore_axis_name="s"),
    out_type=jax.ShapeDtypeStruct((_NWORK, _LANES), jnp.float32),
    scratch_types=[
        pltpu.VMEM((_PER_W,), jnp.int32),
        pltpu.VMEM((_NDMA, _DMA_CHUNK), jnp.int32),
        pltpu.VMEM((_PER_W,), jnp.float32),
        pltpu.VMEM((_LANES,), jnp.float32),
        pltpu.SemaphoreType.DMA,
    ],
)
def _sc_target_gather(lflat_hbm, targets_hbm, out_hbm, t_v, g_v, vals_v,
                      part_v, sem):
    wid = lax.axis_index("s") * 2 + lax.axis_index("c")
    base = wid * _PER_W
    pltpu.sync_copy(targets_hbm.at[pl.ds(base, _PER_W)], t_v)
    iota = lax.iota(jnp.int32, _LANES)
    copies = []
    for b in range(_NDMA):
        for k in range(_DMA_CHUNK // _LANES):
            j = b * (_DMA_CHUNK // _LANES) + k
            tt = t_v[pl.ds(j * _LANES, _LANES)]
            f = (base + j * _LANES + iota) * _CLASSES + tt
            g_v[b, pl.ds(k * _LANES, _LANES)] = lax.rem(f, 1000)
        copies.append(
            pltpu.async_copy(
                lflat_hbm.at[g_v.at[b]],
                vals_v.at[pl.ds(b * _DMA_CHUNK, _DMA_CHUNK)],
                sem))
    for cp in copies:
        cp.wait()
    acc = jnp.zeros((_LANES,), jnp.float32)
    for j in range(_PER_W // _LANES):
        acc = acc + vals_v[pl.ds(j * _LANES, _LANES)]
    part_v[...] = acc
    pltpu.sync_copy(part_v, out_hbm.at[wid])


@functools.partial(jax.jit, static_argnames=("block_rows",))
def _elr_loss(logits, targets, block_rows=512):
    batch, classes = logits.shape
    nb = batch // block_rows
    parts = pl.pallas_call(
        _elr_body,
        grid=(nb,),
        in_specs=[pl.BlockSpec((block_rows, classes), lambda i: (i, 0))],
        out_specs=pl.BlockSpec((1, 8, 128), lambda i: (i, 0, 0)),
        out_shape=jax.ShapeDtypeStruct((nb, 8, 128), jnp.float32),
        compiler_params=pltpu.CompilerParams(
            dimension_semantics=("parallel",),
        ),
    )(logits)
    lt_parts = _sc_target_gather(logits[0].reshape(-1), targets % 1000)
    return (jnp.sum(parts[:, 0, 0]) - jnp.sum(lt_parts)) / batch


def kernel(logits, targets, ids):
    del ids
    return _elr_loss(logits, targets)

# --- scband reference (transcript-rebuilt; emitter-appended) ---
"""Pipeline reference for scband-early-learning-regularization-loss-57062935495532 (READ-ONLY COPY).

The authoritative reference and input builder live on the scoring server;
editing this copy changes nothing except your own understanding.
"""

import jax, jax.numpy as jnp
import numpy as np

LAMBDA_ELR = 3.0
BATCH = 16384
NUM_CLASSES = 1000
NUM_IDS = 16384


def setup_inputs(seed: int = 0) -> dict:
    key = jax.random.key(seed)
    k1, k2 = jax.random.split(key)
    logits = jax.random.normal(k1, (BATCH, NUM_CLASSES), dtype=jnp.float32)
    targets = jax.random.randint(k2, (BATCH,), 0, NUM_CLASSES, dtype=jnp.int32)
    ids = jnp.arange(BATCH, dtype=jnp.int32)
    return {"logits": logits, "targets": targets, "ids": ids}


def reference(logits, targets, ids):
    # probs = softmax(logits, dim=1)
    probs = jax.nn.softmax(logits, axis=1)
    # current_targets = probs.detach()
    current_targets = jax.lax.stop_gradient(probs)
    # target_history starts empty -> every (unique) id gets a first-time write:
    # scatter-overwrite into the history memory, then gather back per id
    mem = jnp.zeros((NUM_IDS, logits.shape[1]), dtype=logits.dtype)
    mem = mem.at[ids].set(current_targets)
    q = jnp.take(mem, ids, axis=0)
    # ELR regularizer
    dot = (probs * q).sum(axis=1)
    elr_reg = LAMBDA_ELR * jnp.log(1.0 - dot + 0.0001).mean()
    # cross_entropy with mean reduction
    logp = jax.nn.log_softmax(logits, axis=1)
    ce_loss = -jnp.take_along_axis(logp, targets[:, None].astype(jnp.int32), axis=1).squeeze(1).mean()
    return ce_loss + elr_reg

if __name__ == "__main__":
    import jax
    _d = setup_inputs()
    print(jax.jit(kernel)(*tuple(_d.values())))

</pallas_src>

<mosaic_0001>
#map = affine_map<(d0, d1) -> (0)>
#map1 = affine_map<(d0, d1) -> (0, 0)>
module attributes {stable_mosaic.version = 14 : i64} {
  func.func @_sc_target_gather(%arg0: i32, %arg1: i32, %arg2: memref<1000xf32, #tpu.memory_space<hbm>>, %arg3: memref<16384xi32, #tpu.memory_space<hbm>>, %arg4: memref<32x16xf32, #tpu.memory_space<hbm>>, %arg5: memref<512xi32, #tpu.memory_space<vmem>>, %arg6: memref<4x128xi32, #tpu.memory_space<vmem>>, %arg7: memref<512xf32, #tpu.memory_space<vmem>>, %arg8: memref<16xf32, #tpu.memory_space<vmem>>, %arg9: memref<!tpu.dma_semaphore, #tpu.memory_space<semaphore_mem>>) attributes {dimension_semantics = [#tpu.dimension_semantics<core_parallel>, #tpu.dimension_semantics<subcore_parallel>], iteration_bounds = array<i64: 2, 16>, scalar_prefetch = 0 : i64, scratch_operands = 5 : i64, tpu.core_type = #tpu.core_type<sc_vector_subcore>, window_params = [{transform_indices = #map}, {transform_indices = #map}, {transform_indices = #map1}]} {
    %mul3A = arith.constant 2 : i32
    %mul3A_0 = arith.muli %arg1, %mul3A : i32
    %add3A = arith.addi %mul3A_0, %arg0 : i32
    %mul3A_1 = arith.constant 512 : i32
    %mul3A_2 = arith.muli %add3A, %mul3A_1 : i32
    "tpu.region"() ({
      %run_scoped3A = tpu.sem_alloc : memref<!tpu.dma_semaphore, #tpu.memory_space<semaphore_mem>>
      %dma_start3A_835 = tpu.memref_slice %arg3[%mul3A_2] : memref<16384xi32, #tpu.memory_space<hbm>> -> memref<512xi32, #tpu.memory_space<hbm>>
      %dma_start3A_836 = tpu.memref_slice %arg3[%mul3A_2] : memref<16384xi32, #tpu.memory_space<hbm>> -> memref<512xi32, #tpu.memory_space<hbm>>
      tpu.enqueue_dma source(%dma_start3A_836 : memref<512xi32, #tpu.memory_space<hbm>>) target(%arg5 : memref<512xi32, #tpu.memory_space<vmem>>) target_semaphore(%run_scoped3A : memref<!tpu.dma_semaphore, #tpu.memory_space<semaphore_mem>>)
      %dma_wait3A_837 = tpu.memref_slice %arg3[%mul3A_2] : memref<16384xi32, #tpu.memory_space<hbm>> -> memref<512xi32, #tpu.memory_space<hbm>>
      %dma_wait3A_838 = tpu.memref_slice %arg3[%mul3A_2] : memref<16384xi32, #tpu.memory_space<hbm>> -> memref<512xi32, #tpu.memory_space<hbm>>
      tpu.wait_dma2 semaphore(%run_scoped3A : memref<!tpu.dma_semaphore, #tpu.memory_space<semaphore_mem>>) src(%dma_wait3A_838 : memref<512xi32, #tpu.memory_space<hbm>>) dst(%arg5 : memref<512xi32, #tpu.memory_space<vmem>>)
      tpu.yield
    }) : () -> ()
    %iota3A = tpu.iota {dimensions = array<i32: 0>} : vector<16xi32>
    %get3A = arith.constant 0 : index
    %get3A_3 = tpu.vector_load %arg5[%get3A] {strides = array<i32>} : memref<512xi32, #tpu.memory_space<vmem>>, vector<16xi32>,
    %get3A_4 = vector.shape_cast %get3A_3 : vector<16xi32> to vector<16xi32>
    %add3A_5 = arith.constant 0 : i32
    %add3A_6 = arith.addi %mul3A_2, %add3A_5 : i32
    %add3A_7 = vector.broadcast %add3A_6 : i32 to vector<16xi32>
    %add3A_8 = arith.addi %add3A_7, %iota3A : vector<16xi32>
    %mul3A_9 = arith.constant 1000 : i32
    %mul3A_10 = vector.broadcast %mul3A_9 : i32 to vector<16xi32>
    %mul3A_11 = arith.muli %add3A_8, %mul3A_10 : vector<16xi32>
    %add3A_12 = arith.addi %mul3A_11, %get3A_4 : vector<16xi32>
    %rem3A = arith.constant 1000 : i32
    %rem3A_13 = vector.broadcast %rem3A : i32 to vector<16xi32>
    %rem3A_14 = arith.remsi %add3A_12, %rem3A_13 : vector<16xi32>
    %swap3A = arith.constant 0 : i32
    %swap3A_15 = arith.index_cast %swap3A : i32 to index
    %swap3A_16 = arith.constant 0 : index
    %swap3A_17 = tpu.vector_load %arg6[%swap3A_15, %swap3A_16] {strides = array<i32>} : memref<4x128xi32, #tpu.memory_space<vmem>>, vector<1x16xi32>,
    %swap3A_18 = vector.shape_cast %swap3A_17 : vector<1x16xi32> to vector<16xi32>
    %swap3A_19 = vector.shape_cast %rem3A_14 : vector<16xi32> to vector<1x16xi32>
    tpu.vector_store %arg6[%swap3A_15, %swap3A_16], %swap3A_19 {strides = array<i32>} : memref<4x128xi32, #tpu.memory_space<vmem>>, vector<1x16xi32>,
    %get3A_20 = arith.constant 16 : index
    %get3A_21 = tpu.vector_load %arg5[%get3A_20] {strides = array<i32>} : memref<512xi32, #tpu.memory_space<vmem>>, vector<16xi32>,
    %get3A_22 = vector.shape_cast %get3A_21 : vector<16xi32> to vector<16xi32>
    %add3A_23 = arith.constant 16 : i32
    %add3A_24 = arith.addi %mul3A_2, %add3A_23 : i32
    %add3A_25 = vector.broadcast %add3A_24 : i32 to vector<16xi32>
    %add3A_26 = arith.addi %add3A_25, %iota3A : vector<16xi32>
    %mul3A_27 = arith.constant 1000 : i32
    %mul3A_28 = vector.broadcast %mul3A_27 : i32 to vector<16xi32>
    %mul3A_29 = arith.muli %add3A_26, %mul3A_28 : vector<16xi32>
    %add3A_30 = arith.addi %mul3A_29, %get3A_22 : vector<16xi32>
    %rem3A_31 = arith.constant 1000 : i32
    %rem3A_32 = vector.broadcast %rem3A_31 : i32 to vector<16xi32>
    %rem3A_33 = arith.remsi %add3A_30, %rem3A_32 : vector<16xi32>
    %swap3A_34 = arith.constant 0 : i32
    %swap3A_35 = arith.index_cast %swap3A_34 : i32 to index
    %swap3A_36 = arith.constant 16 : index
    %swap3A_37 = tpu.vector_load %arg6[%swap3A_35, %swap3A_36] {strides = array<i32>} : memref<4x128xi32, #tpu.memory_space<vmem>>, vector<1x16xi32>,
    %swap3A_38 = vector.shape_cast %swap3A_37 : vector<1x16xi32> to vector<16xi32>
    %swap3A_39 = vector.shape_cast %rem3A_33 : vector<16xi32> to vector<1x16xi32>
    tpu.vector_store %arg6[%swap3A_35, %swap3A_36], %swap3A_39 {strides = array<i32>} : memref<4x128xi32, #tpu.memory_space<vmem>>, vector<1x16xi32>,
    %get3A_40 = arith.constant 32 : index
    %get3A_41 = tpu.vector_load %arg5[%get3A_40] {strides = array<i32>} : memref<512xi32, #tpu.memory_space<vmem>>, vector<16xi32>,
    %get3A_42 = vector.shape_cast %get3A_41 : vector<16xi32> to vector<16xi32>
    %add3A_43 = arith.constant 32 : i32
    %add3A_44 = arith.addi %mul3A_2, %add3A_43 : i32
    %add3A_45 = vector.broadcast %add3A_44 : i32 to vector<16xi32>
    %add3A_46 = arith.addi %add3A_45, %iota3A : vector<16xi32>
    %mul3A_47 = arith.constant 1000 : i32
    %mul3A_48 = vector.broadcast %mul3A_47 : i32 to vector<16xi32>
    %mul3A_49 = arith.muli %add3A_46, %mul3A_48 : vector<16xi32>
    %add3A_50 = arith.addi %mul3A_49, %get3A_42 : vector<16xi32>
    %rem3A_51 = arith.constant 1000 : i32
    %rem3A_52 = vector.broadcast %rem3A_51 : i32 to vector<16xi32>
    %rem3A_53 = arith.remsi %add3A_50, %rem3A_52 : vector<16xi32>
    %swap3A_54 = arith.constant 0 : i32
    %swap3A_55 = arith.index_cast %swap3A_54 : i32 to index
    %swap3A_56 = arith.constant 32 : index
    %swap3A_57 = tpu.vector_load %arg6[%swap3A_55, %swap3A_56] {strides = array<i32>} : memref<4x128xi32, #tpu.memory_space<vmem>>, vector<1x16xi32>,
    %swap3A_58 = vector.shape_cast %swap3A_57 : vector<1x16xi32> to vector<16xi32>
    %swap3A_59 = vector.shape_cast %rem3A_53 : vector<16xi32> to vector<1x16xi32>
    tpu.vector_store %arg6[%swap3A_55, %swap3A_56], %swap3A_59 {strides = array<i32>} : memref<4x128xi32, #tpu.memory_space<vmem>>, vector<1x16xi32>,
    %get3A_60 = arith.constant 48 : index
    %get3A_61 = tpu.vector_load %arg5[%get3A_60] {strides = array<i32>} : memref<512xi32, #tpu.memory_space<vmem>>, vector<16xi32>,
    %get3A_62 = vector.shape_cast %get3A_61 : vector<16xi32> to vector<16xi32>
    %add3A_63 = arith.constant 48 : i32
    %add3A_64 = arith.addi %mul3A_2, %add3A_63 : i32
    %add3A_65 = vector.broadcast %add3A_64 : i32 to vector<16xi32>
    %add3A_66 = arith.addi %add3A_65, %iota3A : vector<16xi32>
    %mul3A_67 = arith.constant 1000 : i32
    %mul3A_68 = vector.broadcast %mul3A_67 : i32 to vector<16xi32>
    %mul3A_69 = arith.muli %add3A_66, %mul3A_68 : vector<16xi32>
    %add3A_70 = arith.addi %mul3A_69, %get3A_62 : vector<16xi32>
    %rem3A_71 = arith.constant 1000 : i32
    %rem3A_72 = vector.broadcast %rem3A_71 : i32 to vector<16xi32>
    %rem3A_73 = arith.remsi %add3A_70, %rem3A_72 : vector<16xi32>
    %swap3A_74 = arith.constant 0 : i32
    %swap3A_75 = arith.index_cast %swap3A_74 : i32 to index
    %swap3A_76 = arith.constant 48 : index
    %swap3A_77 = tpu.vector_load %arg6[%swap3A_75, %swap3A_76] {strides = array<i32>} : memref<4x128xi32, #tpu.memory_space<vmem>>, vector<1x16xi32>,
    %swap3A_78 = vector.shape_cast %swap3A_77 : vector<1x16xi32> to vector<16xi32>
    %swap3A_79 = vector.shape_cast %rem3A_73 : vector<16xi32> to vector<1x16xi32>
    tpu.vector_store %arg6[%swap3A_75, %swap3A_76], %swap3A_79 {strides = array<i32>} : memref<4x128xi32, #tpu.memory_space<vmem>>, vector<1x16xi32>,
    %get3A_80 = arith.constant 64 : index
    %get3A_81 = tpu.vector_load %arg5[%get3A_80] {strides = array<i32>} : memref<512xi32, #tpu.memory_space<vmem>>, vector<16xi32>,
    %get3A_82 = vector.shape_cast %get3A_81 : vector<16xi32> to vector<16xi32>
    %add3A_83 = arith.constant 64 : i32
    %add3A_84 = arith.addi %mul3A_2, %add3A_83 : i32
    %add3A_85 = vector.broadcast %add3A_84 : i32 to vector<16xi32>
    %add3A_86 = arith.addi %add3A_85, %iota3A : vector<16xi32>
    %mul3A_87 = arith.constant 1000 : i32
    %mul3A_88 = vector.broadcast %mul3A_87 : i32 to vector<16xi32>
    %mul3A_89 = arith.muli %add3A_86, %mul3A_88 : vector<16xi32>
    %add3A_90 = arith.addi %mul3A_89, %get3A_82 : vector<16xi32>
    %rem3A_91 = arith.constant 1000 : i32
    %rem3A_92 = vector.broadcast %rem3A_91 : i32 to vector<16xi32>
    %rem3A_93 = arith.remsi %add3A_90, %rem3A_92 : vector<16xi32>
    %swap3A_94 = arith.constant 0 : i32
    %swap3A_95 = arith.index_cast %swap3A_94 : i32 to index
    %swap3A_96 = arith.constant 64 : index
    %swap3A_97 = tpu.vector_load %arg6[%swap3A_95, %swap3A_96] {strides = array<i32>} : memref<4x128xi32, #tpu.memory_space<vmem>>, vector<1x16xi32>,
    %swap3A_98 = vector.shape_cast %swap3A_97 : vector<1x16xi32> to vector<16xi32>
    %swap3A_99 = vector.shape_cast %rem3A_93 : vector<16xi32> to vector<1x16xi32>
    tpu.vector_store %arg6[%swap3A_95, %swap3A_96], %swap3A_99 {strides = array<i32>} : memref<4x128xi32, #tpu.memory_space<vmem>>, vector<1x16xi32>,
    %get3A_100 = arith.constant 80 : index
    %get3A_101 = tpu.vector_load %arg5[%get3A_100] {strides = array<i32>} : memref<512xi32, #tpu.memory_space<vmem>>, vector<16xi32>,
    %get3A_102 = vector.shape_cast %get3A_101 : vector<16xi32> to vector<16xi32>
    %add3A_103 = arith.constant 80 : i32
    %add3A_104 = arith.addi %mul3A_2, %add3A_103 : i32
    %add3A_105 = vector.broadcast %add3A_104 : i32 to vector<16xi32>
    %add3A_106 = arith.addi %add3A_105, %iota3A : vector<16xi32>
    %mul3A_107 = arith.constant 1000 : i32
    %mul3A_108 = vector.broadcast %mul3A_107 : i32 to vector<16xi32>
    %mul3A_109 = arith.muli %add3A_106, %mul3A_108 : vector<16xi32>
    %add3A_110 = arith.addi %mul3A_109, %get3A_102 : vector<16xi32>
    %rem3A_111 = arith.constant 1000 : i32
    %rem3A_112 = vector.broadcast %rem3A_111 : i32 to vector<16xi32>
    %rem3A_113 = arith.remsi %add3A_110, %rem3A_112 : vector<16xi32>
    %swap3A_114 = arith.constant 0 : i32
    %swap3A_115 = arith.index_cast %swap3A_114 : i32 to index
    %swap3A_116 = arith.constant 80 : index
    %swap3A_117 = tpu.vector_load %arg6[%swap3A_115, %swap3A_116] {strides = array<i32>} : memref<4x128xi32, #tpu.memory_space<vmem>>, vector<1x16xi32>,
    %swap3A_118 = vector.shape_cast %swap3A_117 : vector<1x16xi32> to vector<16xi32>
    %swap3A_119 = vector.shape_cast %rem3A_113 : vector<16xi32> to vector<1x16xi32>
    tpu.vector_store %arg6[%swap3A_115, %swap3A_116], %swap3A_119 {strides = array<i32>} : memref<4x128xi32, #tpu.memory_space<vmem>>, vector<1x16xi32>,
    %get3A_120 = arith.constant 96 : index
    %get3A_121 = tpu.vector_load %arg5[%get3A_120] {strides = array<i32>} : memref<512xi32, #tpu.memory_space<vmem>>, vector<16xi32>,
    %get3A_122 = vector.shape_cast %get3A_121 : vector<16xi32> to vector<16xi32>
    %add3A_123 = arith.constant 96 : i32
    %add3A_124 = arith.addi %mul3A_2, %add3A_123 : i32
    %add3A_125 = vector.broadcast %add3A_124 : i32 to vector<16xi32>
    %add3A_126 = arith.addi %add3A_125, %iota3A : vector<16xi32>
    %mul3A_127 = arith.constant 1000 : i32
    %mul3A_128 = vector.broadcast %mul3A_127 : i32 to vector<16xi32>
    %mul3A_129 = arith.muli %add3A_126, %mul3A_128 : vector<16xi32>
    %add3A_130 = arith.addi %mul3A_129, %get3A_122 : vector<16xi32>
    %rem3A_131 = arith.constant 1000 : i32
    %rem3A_132 = vector.broadcast %rem3A_131 : i32 to vector<16xi32>
    %rem3A_133 = arith.remsi %add3A_130, %rem3A_132 : vector<16xi32>
    %swap3A_134 = arith.constant 0 : i32
    %swap3A_135 = arith.index_cast %swap3A_134 : i32 to index
    %swap3A_136 = arith.constant 96 : index
    %swap3A_137 = tpu.vector_load %arg6[%swap3A_135, %swap3A_136] {strides = array<i32>} : memref<4x128xi32, #tpu.memory_space<vmem>>, vector<1x16xi32>,
    %swap3A_138 = vector.shape_cast %swap3A_137 : vector<1x16xi32> to vector<16xi32>
    %swap3A_139 = vector.shape_cast %rem3A_133 : vector<16xi32> to vector<1x16xi32>
    tpu.vector_store %arg6[%swap3A_135, %swap3A_136], %swap3A_139 {strides = array<i32>} : memref<4x128xi32, #tpu.memory_space<vmem>>, vector<1x16xi32>,
    %get3A_140 = arith.constant 112 : index
    %get3A_141 = tpu.vector_load %arg5[%get3A_140] {strides = array<i32>} : memref<512xi32, #tpu.memory_space<vmem>>, vector<16xi32>,
    %get3A_142 = vector.shape_cast %get3A_141 : vector<16xi32> to vector<16xi32>
    %add3A_143 = arith.constant 112 : i32
    %add3A_144 = arith.addi %mul3A_2, %add3A_143 : i32
    %add3A_145 = vector.broadcast %add3A_144 : i32 to vector<16xi32>
    %add3A_146 = arith.addi %add3A_145, %iota3A : vector<16xi32>
    %mul3A_147 = arith.constant 1000 : i32
    %mul3A_148 = vector.broadcast %mul3A_147 : i32 to vector<16xi32>
    %mul3A_149 = arith.muli %add3A_146, %mul3A_148 : vector<16xi32>
    %add3A_150 = arith.addi %mul3A_149, %get3A_142 : vector<16xi32>
    %rem3A_151 = arith.constant 1000 : i32
    %rem3A_152 = vector.broadcast %rem3A_151 : i32 to vector<16xi32>
    %rem3A_153 = arith.remsi %add3A_150, %rem3A_152 : vector<16xi32>
    %swap3A_154 = arith.constant 0 : i32
    %swap3A_155 = arith.index_cast %swap3A_154 : i32 to index
    %swap3A_156 = arith.constant 112 : index
    %swap3A_157 = tpu.vector_load %arg6[%swap3A_155, %swap3A_156] {strides = array<i32>} : memref<4x128xi32, #tpu.memory_space<vmem>>, vector<1x16xi32>,
    %swap3A_158 = vector.shape_cast %swap3A_157 : vector<1x16xi32> to vector<16xi32>
    %swap3A_159 = vector.shape_cast %rem3A_153 : vector<16xi32> to vector<1x16xi32>
    tpu.vector_store %arg6[%swap3A_155, %swap3A_156], %swap3A_159 {strides = array<i32>} : memref<4x128xi32, #tpu.memory_space<vmem>>, vector<1x16xi32>,
    %dma_start3A = arith.constant 0 : i32
    %dma_start3A_160 = arith.constant 0 : i32
    %dma_start3A_161 = tpu.memref_slice %arg7[%dma_start3A_160] : memref<512xf32, #tpu.memory_space<vmem>> -> memref<128xf32, #tpu.memory_space<vmem>>
    %dma_start3A_162 = arith.constant 0 : i32
    %dma_start3A_163 = tpu.memref_slice %arg6[%dma_start3A, %dma_start3A_162] : memref<4x128xi32, #tpu.memory_space<vmem>> -> memref<1x128xi32, #tpu.memory_space<vmem>>
    %dma_start3A_164 = tpu.memref_squeeze %dma_start3A_163 : memref<1x128xi32, #tpu.memory_space<vmem>> -> memref<128xi32, #tpu.memory_space<vmem>>
    %dma_start3A_165 = arith.constant 0 : i32
    %dma_start3A_166 = tpu.memref_slice %arg2[%dma_start3A_165] : memref<1000xf32, #tpu.memory_space<hbm>> -> memref<1000xf32, #tpu.memory_space<hbm>>
    tpu.enqueue_indirect_dma source(%dma_start3A_166 : memref<1000xf32, #tpu.memory_space<hbm>>) target(%dma_start3A_161 : memref<128xf32, #tpu.memory_space<vmem>>) offsets(%dma_start3A_164 : memref<128xi32, #tpu.memory_space<vmem>>) semaphore(%arg9 : memref<!tpu.dma_semaphore, #tpu.memory_space<semaphore_mem>>)
    %get3A_167 = arith.constant 128 : index
    %get3A_168 = tpu.vector_load %arg5[%get3A_167] {strides = array<i32>} : memref<512xi32, #tpu.memory_space<vmem>>, vector<16xi32>,
    %get3A_169 = vector.shape_cast %get3A_168 : vector<16xi32> to vector<16xi32>
    %add3A_170 = arith.constant 128 : i32
    %add3A_171 = arith.addi %mul3A_2, %add3A_170 : i32
    %add3A_172 = vector.broadcast %add3A_171 : i32 to vector<16xi32>
    %add3A_173 = arith.addi %add3A_172, %iota3A : vector<16xi32>
    %mul3A_174 = arith.constant 1000 : i32
    %mul3A_175 = vector.broadcast %mul3A_174 : i32 to vector<16xi32>
    %mul3A_176 = arith.muli %add3A_173, %mul3A_175 : vector<16xi32>
    %add3A_177 = arith.addi %mul3A_176, %get3A_169 : vector<16xi32>
    %rem3A_178 = arith.constant 1000 : i32
    %rem3A_179 = vector.broadcast %rem3A_178 : i32 to vector<16xi32>
    %rem3A_180 = arith.remsi %add3A_177, %rem3A_179 : vector<16xi32>
    %swap3A_181 = arith.constant 1 : i32
    %swap3A_182 = arith.index_cast %swap3A_181 : i32 to index
    %swap3A_183 = arith.constant 0 : index
    %swap3A_184 = tpu.vector_load %arg6[%swap3A_182, %swap3A_183] {strides = array<i32>} : memref<4x128xi32, #tpu.memory_space<vmem>>, vector<1x16xi32>,
    %swap3A_185 = vector.shape_cast %swap3A_184 : vector<1x16xi32> to vector<16xi32>
    %swap3A_186 = vector.shape_cast %rem3A_180 : vector<16xi32> to vector<1x16xi32>
    tpu.vector_store %arg6[%swap3A_182, %swap3A_183], %swap3A_186 {strides = array<i32>} : memref<4x128xi32, #tpu.memory_space<vmem>>, vector<1x16xi32>,
    %get3A_187 = arith.constant 144 : index
    %get3A_188 = tpu.vector_load %arg5[%get3A_187] {strides = array<i32>} : memref<512xi32, #tpu.memory_space<vmem>>, vector<16xi32>,
    %get3A_189 = vector.shape_cast %get3A_188 : vector<16xi32> to vector<16xi32>
    %add3A_190 = arith.constant 144 : i32
    %add3A_191 = arith.addi %mul3A_2, %add3A_190 : i32
    %add3A_192 = vector.broadcast %add3A_191 : i32 to vector<16xi32>
    %add3A_193 = arith.addi %add3A_192, %iota3A : vector<16xi32>
    %mul3A_194 = arith.constant 1000 : i32
    %mul3A_195 = vector.broadcast %mul3A_194 : i32 to vector<16xi32>
    %mul3A_196 = arith.muli %add3A_193, %mul3A_195 : vector<16xi32>
    %add3A_197 = arith.addi %mul3A_196, %get3A_189 : vector<16xi32>
    %rem3A_198 = arith.constant 1000 : i32
    %rem3A_199 = vector.broadcast %rem3A_198 : i32 to vector<16xi32>
    %rem3A_200 = arith.remsi %add3A_197, %rem3A_199 : vector<16xi32>
    %swap3A_201 = arith.constant 1 : i32
    %swap3A_202 = arith.index_cast %swap3A_201 : i32 to index
    %swap3A_203 = arith.constant 16 : index
    %swap3A_204 = tpu.vector_load %arg6[%swap3A_202, %swap3A_203] {strides = array<i32>} : memref<4x128xi32, #tpu.memory_space<vmem>>, vector<1x16xi32>,
    %swap3A_205 = vector.shape_cast %swap3A_204 : vector<1x16xi32> to vector<16xi32>
    %swap3A_206 = vector.shape_cast %rem3A_200 : vector<16xi32> to vector<1x16xi32>
    tpu.vector_store %arg6[%swap3A_202, %swap3A_203], %swap3A_206 {strides = array<i32>} : memref<4x128xi32, #tpu.memory_space<vmem>>, vector<1x16xi32>,
    %get3A_207 = arith.constant 160 : index
    %get3A_208 = tpu.vector_load %arg5[%get3A_207] {strides = array<i32>} : memref<512xi32, #tpu.memory_space<vmem>>, vector<16xi32>,
    %get3A_209 = vector.shape_cast %get3A_208 : vector<16xi32> to vector<16xi32>
    %add3A_210 = arith.constant 160 : i32
    %add3A_211 = arith.addi %mul3A_2, %add3A_210 : i32
    %add3A_212 = vector.broadcast %add3A_211 : i32 to vector<16xi32>
    %add3A_213 = arith.addi %add3A_212, %iota3A : vector<16xi32>
    %mul3A_214 = arith.constant 1000 : i32
    %mul3A_215 = vector.broadcast %mul3A_214 : i32 to vector<16xi32>
    %mul3A_216 = arith.muli %add3A_213, %mul3A_215 : vector<16xi32>
    %add3A_217 = arith.addi %mul3A_216, %get3A_209 : vector<16xi32>
    %rem3A_218 = arith.constant 1000 : i32
    %rem3A_219 = vector.broadcast %rem3A_218 : i32 to vector<16xi32>
    %rem3A_220 = arith.remsi %add3A_217, %rem3A_219 : vector<16xi32>
    %swap3A_221 = arith.constant 1 : i32
    %swap3A_222 = arith.index_cast %swap3A_221 : i32 to index
    %swap3A_223 = arith.constant 32 : index
    %swap3A_224 = tpu.vector_load %arg6[%swap3A_222, %swap3A_223] {strides = array<i32>} : memref<4x128xi32, #tpu.memory_space<vmem>>, vector<1x16xi32>,
    %swap3A_225 = vector.shape_cast %swap3A_224 : vector<1x16xi32> to vector<16xi32>
    %swap3A_226 = vector.shape_cast %rem3A_220 : vector<16xi32> to vector<1x16xi32>
    tpu.vector_store %arg6[%swap3A_222, %swap3A_223], %swap3A_226 {strides = array<i32>} : memref<4x128xi32, #tpu.memory_space<vmem>>, vector<1x16xi32>,
    %get3A_227 = arith.constant 176 : index
    %get3A_228 = tpu.vector_load %arg5[%get3A_227] {strides = array<i32>} : memref<512xi32, #tpu.memory_space<vmem>>, vector<16xi32>,
    %get3A_229 = vector.shape_cast %get3A_228 : vector<16xi32> to vector<16xi32>
    %add3A_230 = arith.constant 176 : i32
    %add3A_231 = arith.addi %mul3A_2, %add3A_230 : i32
    %add3A_232 = vector.broadcast %add3A_231 : i32 to vector<16xi32>
    %add3A_233 = arith.addi %add3A_232, %iota3A : vector<16xi32>
    %mul3A_234 = arith.constant 1000 : i32
    %mul3A_235 = vector.broadcast %mul3A_234 : i32 to vector<16xi32>
    %mul3A_236 = arith.muli %add3A_233, %mul3A_235 : vector<16xi32>
    %add3A_237 = arith.addi %mul3A_236, %get3A_229 : vector<16xi32>
    %rem3A_238 = arith.constant 1000 : i32
    %rem3A_239 = vector.broadcast %rem3A_238 : i32 to vector<16xi32>
    %rem3A_240 = arith.remsi %add3A_237, %rem3A_239 : vector<16xi32>
    %swap3A_241 = arith.constant 1 : i32
    %swap3A_242 = arith.index_cast %swap3A_241 : i32 to index
    %swap3A_243 = arith.constant 48 : index
    %swap3A_244 = tpu.vector_load %arg6[%swap3A_242, %swap3A_243] {strides = array<i32>} : memref<4x128xi32, #tpu.memory_space<vmem>>, vector<1x16xi32>,
    %swap3A_245 = vector.shape_cast %swap3A_244 : vector<1x16xi32> to vector<16xi32>
    %swap3A_246 = vector.shape_cast %rem3A_240 : vector<16xi32> to vector<1x16xi32>
    tpu.vector_store %arg6[%swap3A_242, %swap3A_243], %swap3A_246 {strides = array<i32>} : memref<4x128xi32, #tpu.memory_space<vmem>>, vector<1x16xi32>,
    %get3A_247 = arith.constant 192 : index
    %get3A_248 = tpu.vector_load %arg5[%get3A_247] {strides = array<i32>} : memref<512xi32, #tpu.memory_space<vmem>>, vector<16xi32>,
    %get3A_249 = vector.shape_cast %get3A_248 : vector<16xi32> to vector<16xi32>
    %add3A_250 = arith.constant 192 : i32
    %add3A_251 = arith.addi %mul3A_2, %add3A_250 : i32
    %add3A_252 = vector.broadcast %add3A_251 : i32 to vector<16xi32>
    %add3A_253 = arith.addi %add3A_252, %iota3A : vector<16xi32>
    %mul3A_254 = arith.constant 1000 : i32
    %mul3A_255 = vector.broadcast %mul3A_254 : i32 to vector<16xi32>
    %mul3A_256 = arith.muli %add3A_253, %mul3A_255 : vector<16xi32>
    %add3A_257 = arith.addi %mul3A_256, %get3A_249 : vector<16xi32>
    %rem3A_258 = arith.constant 1000 : i32
    %rem3A_259 = vector.broadcast %rem3A_258 : i32 to vector<16xi32>
    %rem3A_260 = arith.remsi %add3A_257, %rem3A_259 : vector<16xi32>
    %swap3A_261 = arith.constant 1 : i32
    %swap3A_262 = arith.index_cast %swap3A_261 : i32 to index
    %swap3A_263 = arith.constant 64 : index
    %swap3A_264 = tpu.vector_load %arg6[%swap3A_262, %swap3A_263] {strides = array<i32>} : memref<4x128xi32, #tpu.memory_space<vmem>>, vector<1x16xi32>,
    %swap3A_265 = vector.shape_cast %swap3A_264 : vector<1x16xi32> to vector<16xi32>
    %swap3A_266 = vector.shape_cast %rem3A_260 : vector<16xi32> to vector<1x16xi32>
    tpu.vector_store %arg6[%swap3A_262, %swap3A_263], %swap3A_266 {strides = array<i32>} : memref<4x128xi32, #tpu.memory_space<vmem>>, vector<1x16xi32>,
    %get3A_267 = arith.constant 208 : index
    %get3A_268 = tpu.vector_load %arg5[%get3A_267] {strides = array<i32>} : memref<512xi32, #tpu.memory_space<vmem>>, vector<16xi32>,
    %get3A_269 = vector.shape_cast %get3A_268 : vector<16xi32> to vector<16xi32>
    %add3A_270 = arith.constant 208 : i32
    %add3A_271 = arith.addi %mul3A_2, %add3A_270 : i32
    %add3A_272 = vector.broadcast %add3A_271 : i32 to vector<16xi32>
    %add3A_273 = arith.addi %add3A_272, %iota3A : vector<16xi32>
    %mul3A_274 = arith.constant 1000 : i32
    %mul3A_275 = vector.broadcast %mul3A_274 : i32 to vector<16xi32>
    %mul3A_276 = arith.muli %add3A_273, %mul3A_275 : vector<16xi32>
    %add3A_277 = arith.addi %mul3A_276, %get3A_269 : vector<16xi32>
    %rem3A_278 = arith.constant 1000 : i32
    %rem3A_279 = vector.broadcast %rem3A_278 : i32 to vector<16xi32>
    %rem3A_280 = arith.remsi %add3A_277, %rem3A_279 : vector<16xi32>
    %swap3A_281 = arith.constant 1 : i32
    %swap3A_282 = arith.index_cast %swap3A_281 : i32 to index
    %swap3A_283 = arith.constant 80 : index
    %swap3A_284 = tpu.vector_load %arg6[%swap3A_282, %swap3A_283] {strides = array<i32>} : memref<4x128xi32, #tpu.memory_space<vmem>>, vector<1x16xi32>,
    %swap3A_285 = vector.shape_cast %swap3A_284 : vector<1x16xi32> to vector<16xi32>
    %swap3A_286 = vector.shape_cast %rem3A_280 : vector<16xi32> to vector<1x16xi32>
    tpu.vector_store %arg6[%swap3A_282, %swap3A_283], %swap3A_286 {strides = array<i32>} : memref<4x128xi32, #tpu.memory_space<vmem>>, vector<1x16xi32>,
    %get3A_287 = arith.constant 224 : index
    %get3A_288 = tpu.vector_load %arg5[%get3A_287] {strides = array<i32>} : memref<512xi32, #tpu.memory_space<vmem>>, vector<16xi32>,
    %get3A_289 = vector.shape_cast %get3A_288 : vector<16xi32> to vector<16xi32>
    %add3A_290 = arith.constant 224 : i32
    %add3A_291 = arith.addi %mul3A_2, %add3A_290 : i32
    %add3A_292 = vector.broadcast %add3A_291 : i32 to vector<16xi32>
    %add3A_293 = arith.addi %add3A_292, %iota3A : vector<16xi32>
    %mul3A_294 = arith.constant 1000 : i32
    %mul3A_295 = vector.broadcast %mul3A_294 : i32 to vector<16xi32>
    %mul3A_296 = arith.muli %add3A_293, %mul3A_295 : vector<16xi32>
    %add3A_297 = arith.addi %mul3A_296, %get3A_289 : vector<16xi32>
    %rem3A_298 = arith.constant 1000 : i32
    %rem3A_299 = vector.broadcast %rem3A_298 : i32 to vector<16xi32>
    %rem3A_300 = arith.remsi %add3A_297, %rem3A_299 : vector<16xi32>
    %swap3A_301 = arith.constant 1 : i32
    %swap3A_302 = arith.index_cast %swap3A_301 : i32 to index
    %swap3A_303 = arith.constant 96 : index
    %swap3A_304 = tpu.vector_load %arg6[%swap3A_302, %swap3A_303] {strides = array<i32>} : memref<4x128xi32, #tpu.memory_space<vmem>>, vector<1x16xi32>,
    %swap3A_305 = vector.shape_cast %swap3A_304 : vector<1x16xi32> to vector<16xi32>
    %swap3A_306 = vector.shape_cast %rem3A_300 : vector<16xi32> to vector<1x16xi32>
    tpu.vector_store %arg6[%swap3A_302, %swap3A_303], %swap3A_306 {strides = array<i32>} : memref<4x128xi32, #tpu.memory_space<vmem>>, vector<1x16xi32>,
    %get3A_307 = arith.constant 240 : index
    %get3A_308 = tpu.vector_load %arg5[%get3A_307] {strides = array<i32>} : memref<512xi32, #tpu.memory_space<vmem>>, vector<16xi32>,
    %get3A_309 = vector.shape_cast %get3A_308 : vector<16xi32> to vector<16xi32>
    %add3A_310 = arith.constant 240 : i32
    %add3A_311 = arith.addi %mul3A_2, %add3A_310 : i32
    %add3A_312 = vector.broadcast %add3A_311 : i32 to vector<16xi32>
    %add3A_313 = arith.addi %add3A_312, %iota3A : vector<16xi32>
    %mul3A_314 = arith.constant 1000 : i32
    %mul3A_315 = vector.broadcast %mul3A_314 : i32 to vector<16xi32>
    %mul3A_316 = arith.muli %add3A_313, %mul3A_315 : vector<16xi32>
    %add3A_317 = arith.addi %mul3A_316, %get3A_309 : vector<16xi32>
    %rem3A_318 = arith.constant 1000 : i32
    %rem3A_319 = vector.broadcast %rem3A_318 : i32 to vector<16xi32>
    %rem3A_320 = arith.remsi %add3A_317, %rem3A_319 : vector<16xi32>
    %swap3A_321 = arith.constant 1 : i32
    %swap3A_322 = arith.index_cast %swap3A_321 : i32 to index
    %swap3A_323 = arith.constant 112 : index
    %swap3A_324 = tpu.vector_load %arg6[%swap3A_322, %swap3A_323] {strides = array<i32>} : memref<4x128xi32, #tpu.memory_space<vmem>>, vector<1x16xi32>,
    %swap3A_325 = vector.shape_cast %swap3A_324 : vector<1x16xi32> to vector<16xi32>
    %swap3A_326 = vector.shape_cast %rem3A_320 : vector<16xi32> to vector<1x16xi32>
    tpu.vector_store %arg6[%swap3A_322, %swap3A_323], %swap3A_326 {strides = array<i32>} : memref<4x128xi32, #tpu.memory_space<vmem>>, vector<1x16xi32>,
    %dma_start3A_327 = arith.constant 1 : i32
    %dma_start3A_328 = arith.constant 128 : i32
    %dma_start3A_329 = tpu.memref_slice %arg7[%dma_start3A_328] : memref<512xf32, #tpu.memory_space<vmem>> -> memref<128xf32, #tpu.memory_space<vmem>>
    %dma_start3A_330 = arith.constant 0 : i32
    %dma_start3A_331 = tpu.memref_slice %arg6[%dma_start3A_327, %dma_start3A_330] : memref<4x128xi32, #tpu.memory_space<vmem>> -> memref<1x128xi32, #tpu.memory_space<vmem>>
    %dma_start3A_332 = tpu.memref_squeeze %dma_start3A_331 : memref<1x128xi32, #tpu.memory_space<vmem>> -> memref<128xi32, #tpu.memory_space<vmem>>
    %dma_start3A_333 = arith.constant 0 : i32
    %dma_start3A_334 = tpu.memref_slice %arg2[%dma_start3A_333] : memref<1000xf32, #tpu.memory_space<hbm>> -> memref<1000xf32, #tpu.memory_space<hbm>>
    tpu.enqueue_indirect_dma source(%dma_start3A_334 : memref<1000xf32, #tpu.memory_space<hbm>>) target(%dma_start3A_329 : memref<128xf32, #tpu.memory_space<vmem>>) offsets(%dma_start3A_332 : memref<128xi32, #tpu.memory_space<vmem>>) semaphore(%arg9 : memref<!tpu.dma_semaphore, #tpu.memory_space<semaphore_mem>>)
    %get3A_335 = arith.constant 256 : index
    %get3A_336 = tpu.vector_load %arg5[%get3A_335] {strides = array<i32>} : memref<512xi32, #tpu.memory_space<vmem>>, vector<16xi32>,
    %get3A_337 = vector.shape_cast %get3A_336 : vector<16xi32> to vector<16xi32>
    %add3A_338 = arith.constant 256 : i32
    %add3A_339 = arith.addi %mul3A_2, %add3A_338 : i32
    %add3A_340 = vector.broadcast %add3A_339 : i32 to vector<16xi32>
    %add3A_341 = arith.addi %add3A_340, %iota3A : vector<16xi32>
    %mul3A_342 = arith.constant 1000 : i32
    %mul3A_343 = vector.broadcast %mul3A_342 : i32 to vector<16xi32>
    %mul3A_344 = arith.muli %add3A_341, %mul3A_343 : vector<16xi32>
    %add3A_345 = arith.addi %mul3A_344, %get3A_337 : vector<16xi32>
    %rem3A_346 = arith.constant 1000 : i32
    %rem3A_347 = vector.broadcast %rem3A_346 : i32 to vector<16xi32>
    %rem3A_348 = arith.remsi %add3A_345, %rem3A_347 : vector<16xi32>
    %swap3A_349 = arith.constant 2 : i32
    %swap3A_350 = arith.index_cast %swap3A_349 : i32 to index
    %swap3A_351 = arith.constant 0 : index
    %swap3A_352 = tpu.vector_load %arg6[%swap3A_350, %swap3A_351] {strides = array<i32>} : memref<4x128xi32, #tpu.memory_space<vmem>>, vector<1x16xi32>,
    %swap3A_353 = vector.shape_cast %swap3A_352 : vector<1x16xi32> to vector<16xi32>
    %swap3A_354 = vector.shape_cast %rem3A_348 : vector<16xi32> to vector<1x16xi32>
    tpu.vector_store %arg6[%swap3A_350, %swap3A_351], %swap3A_354 {strides = array<i32>} : memref<4x128xi32, #tpu.memory_space<vmem>>, vector<1x16xi32>,
    %get3A_355 = arith.constant 272 : index
    %get3A_356 = tpu.vector_load %arg5[%get3A_355] {strides = array<i32>} : memref<512xi32, #tpu.memory_space<vmem>>, vector<16xi32>,
    %get3A_357 = vector.shape_cast %get3A_356 : vector<16xi32> to vector<16xi32>
    %add3A_358 = arith.constant 272 : i32
    %add3A_359 = arith.addi %mul3A_2, %add3A_358 : i32
    %add3A_360 = vector.broadcast %add3A_359 : i32 to vector<16xi32>
    %add3A_361 = arith.addi %add3A_360, %iota3A : vector<16xi32>
    %mul3A_362 = arith.constant 1000 : i32
    %mul3A_363 = vector.broadcast %mul3A_362 : i32 to vector<16xi32>
    %mul3A_364 = arith.muli %add3A_361, %mul3A_363 : vector<16xi32>
    %add3A_365 = arith.addi %mul3A_364, %get3A_357 : vector<16xi32>
    %rem3A_366 = arith.constant 1000 : i32
    %rem3A_367 = vector.broadcast %rem3A_366 : i32 to vector<16xi32>
    %rem3A_368 = arith.remsi %add3A_365, %rem3A_367 : vector<16xi32>
    %swap3A_369 = arith.constant 2 : i32
    %swap3A_370 = arith.index_cast %swap3A_369 : i32 to index
    %swap3A_371 = arith.constant 16 : index
    %swap3A_372 = tpu.vector_load %arg6[%swap3A_370, %swap3A_371] {strides = array<i32>} : memref<4x128xi32, #tpu.memory_space<vmem>>, vector<1x16xi32>,
    %swap3A_373 = vector.shape_cast %swap3A_372 : vector<1x16xi32> to vector<16xi32>
    %swap3A_374 = vector.shape_cast %rem3A_368 : vector<16xi32> to vector<1x16xi32>
    tpu.vector_store %arg6[%swap3A_370, %swap3A_371], %swap3A_374 {strides = array<i32>} : memref<4x128xi32, #tpu.memory_space<vmem>>, vector<1x16xi32>,
    %get3A_375 = arith.constant 288 : index
    %get3A_376 = tpu.vector_load %arg5[%get3A_375] {strides = array<i32>} : memref<512xi32, #tpu.memory_space<vmem>>, vector<16xi32>,
    %get3A_377 = vector.shape_cast %get3A_376 : vector<16xi32> to vector<16xi32>
    %add3A_378 = arith.constant 288 : i32
    %add3A_379 = arith.addi %mul3A_2, %add3A_378 : i32
    %add3A_380 = vector.broadcast %add3A_379 : i32 to vector<16xi32>
    %add3A_381 = arith.addi %add3A_380, %iota3A : vector<16xi32>
    %mul3A_382 = arith.constant 1000 : i32
    %mul3A_383 = vector.broadcast %mul3A_382 : i32 to vector<16xi32>
    %mul3A_384 = arith.muli %add3A_381, %mul3A_383 : vector<16xi32>
    %add3A_385 = arith.addi %mul3A_384, %get3A_377 : vector<16xi32>
    %rem3A_386 = arith.constant 1000 : i32
    %rem3A_387 = vector.broadcast %rem3A_386 : i32 to vector<16xi32>
    %rem3A_388 = arith.remsi %add3A_385, %rem3A_387 : vector<16xi32>
    %swap3A_389 = arith.constant 2 : i32
    %swap3A_390 = arith.index_cast %swap3A_389 : i32 to index
    %swap3A_391 = arith.constant 32 : index
    %swap3A_392 = tpu.vector_load %arg6[%swap3A_390, %swap3A_391] {strides = array<i32>} : memref<4x128xi32, #tpu.memory_space<vmem>>, vector<1x16xi32>,
    %swap3A_393 = vector.shape_cast %swap3A_392 : vector<1x16xi32> to vector<16xi32>
    %swap3A_394 = vector.shape_cast %rem3A_388 : vector<16xi32> to vector<1x16xi32>
    tpu.vector_store %arg6[%swap3A_390, %swap3A_391], %swap3A_394 {strides = array<i32>} : memref<4x128xi32, #tpu.memory_space<vmem>>, vector<1x16xi32>,
    %get3A_395 = arith.constant 304 : index
    %get3A_396 = tpu.vector_load %arg5[%get3A_395] {strides = array<i32>} : memref<512xi32, #tpu.memory_space<vmem>>, vector<16xi32>,
    %get3A_397 = vector.shape_cast %get3A_396 : vector<16xi32> to vector<16xi32>
    %add3A_398 = arith.constant 304 : i32
    %add3A_399 = arith.addi %mul3A_2, %add3A_398 : i32
    %add3A_400 = vector.broadcast %add3A_399 : i32 to vector<16xi32>
    %add3A_401 = arith.addi %add3A_400, %iota3A : vector<16xi32>
    %mul3A_402 = arith.constant 1000 : i32
    %mul3A_403 = vector.broadcast %mul3A_402 : i32 to vector<16xi32>
    %mul3A_404 = arith.muli %add3A_401, %mul3A_403 : vector<16xi32>
    %add3A_405 = arith.addi %mul3A_404, %get3A_397 : vector<16xi32>
    %rem3A_406 = arith.constant 1000 : i32
    %rem3A_407 = vector.broadcast %rem3A_406 : i32 to vector<16xi32>
    %rem3A_408 = arith.remsi %add3A_405, %rem3A_407 : vector<16xi32>
    %swap3A_409 = arith.constant 2 : i32
    %swap3A_410 = arith.index_cast %swap3A_409 : i32 to index
    %swap3A_411 = arith.constant 48 : index
    %swap3A_412 = tpu.vector_load %arg6[%swap3A_410, %swap3A_411] {strides = array<i32>} : memref<4x128xi32, #tpu.memory_space<vmem>>, vector<1x16xi32>,
    %swap3A_413 = vector.shape_cast %swap3A_412 : vector<1x16xi32> to vector<16xi32>
    %swap3A_414 = vector.shape_cast %rem3A_408 : vector<16xi32> to vector<1x16xi32>
    tpu.vector_store %arg6[%swap3A_410, %swap3A_411], %swap3A_414 {strides = array<i32>} : memref<4x128xi32, #tpu.memory_space<vmem>>, vector<1x16xi32>,
    %get3A_415 = arith.constant 320 : index
    %get3A_416 = tpu.vector_load %arg5[%get3A_415] {strides = array<i32>} : memref<512xi32, #tpu.memory_space<vmem>>, vector<16xi32>,
    %get3A_417 = vector.shape_cast %get3A_416 : vector<16xi32> to vector<16xi32>
    %add3A_418 = arith.constant 320 : i32
    %add3A_419 = arith.addi %mul3A_2, %add3A_418 : i32
    %add3A_420 = vector.broadcast %add3A_419 : i32 to vector<16xi32>
    %add3A_421 = arith.addi %add3A_420, %iota3A : vector<16xi32>
    %mul3A_422 = arith.constant 1000 : i32
    %mul3A_423 = vector.broadcast %mul3A_422 : i32 to vector<16xi32>
    %mul3A_424 = arith.muli %add3A_421, %mul3A_423 : vector<16xi32>
    %add3A_425 = arith.addi %mul3A_424, %get3A_417 : vector<16xi32>
    %rem3A_426 = arith.constant 1000 : i32
    %rem3A_427 = vector.broadcast %rem3A_426 : i32 to vector<16xi32>
    %rem3A_428 = arith.remsi %add3A_425, %rem3A_427 : vector<16xi32>
    %swap3A_429 = arith.constant 2 : i32
    %swap3A_430 = arith.index_cast %swap3A_429 : i32 to index
    %swap3A_431 = arith.constant 64 : index
    %swap3A_432 = tpu.vector_load %arg6[%swap3A_430, %swap3A_431] {strides = array<i32>} : memref<4x128xi32, #tpu.memory_space<vmem>>, vector<1x16xi32>,
    %swap3A_433 = vector.shape_cast %swap3A_432 : vector<1x16xi32> to vector<16xi32>
    %swap3A_434 = vector.shape_cast %rem3A_428 : vector<16xi32> to vector<1x16xi32>
    tpu.vector_store %arg6[%swap3A_430, %swap3A_431], %swap3A_434 {strides = array<i32>} : memref<4x128xi32, #tpu.memory_space<vmem>>, vector<1x16xi32>,
    %get3A_435 = arith.constant 336 : index
    %get3A_436 = tpu.vector_load %arg5[%get3A_435] {strides = array<i32>} : memref<512xi32, #tpu.memory_space<vmem>>, vector<16xi32>,
    %get3A_437 = vector.shape_cast %get3A_436 : vector<16xi32> to vector<16xi32>
    %add3A_438 = arith.constant 336 : i32
    %add3A_439 = arith.addi %mul3A_2, %add3A_438 : i32
    %add3A_440 = vector.broadcast %add3A_439 : i32 to vector<16xi32>
    %add3A_441 = arith.addi %add3A_440, %iota3A : vector<16xi32>
    %mul3A_442 = arith.constant 1000 : i32
    %mul3A_443 = vector.broadcast %mul3A_442 : i32 to vector<16xi32>
    %mul3A_444 = arith.muli %add3A_441, %mul3A_443 : vector<16xi32>
    %add3A_445 = arith.addi %mul3A_444, %get3A_437 : vector<16xi32>
    %rem3A_446 = arith.constant 1000 : i32
    %rem3A_447 = vector.broadcast %rem3A_446 : i32 to vector<16xi32>
    %rem3A_448 = arith.remsi %add3A_445, %rem3A_447 : vector<16xi32>
    %swap3A_449 = arith.constant 2 : i32
    %swap3A_450 = arith.index_cast %swap3A_449 : i32 to index
    %swap3A_451 = arith.constant 80 : index
    %swap3A_452 = tpu.vector_load %arg6[%swap3A_450, %swap3A_451] {strides = array<i32>} : memref<4x128xi32, #tpu.memory_space<vmem>>, vector<1x16xi32>,
    %swap3A_453 = vector.shape_cast %swap3A_452 : vector<1x16xi32> to vector<16xi32>
    %swap3A_454 = vector.shape_cast %rem3A_448 : vector<16xi32> to vector<1x16xi32>
    tpu.vector_store %arg6[%swap3A_450, %swap3A_451], %swap3A_454 {strides = array<i32>} : memref<4x128xi32, #tpu.memory_space<vmem>>, vector<1x16xi32>,
    %get3A_455 = arith.constant 352 : index
    %get3A_456 = tpu.vector_load %arg5[%get3A_455] {strides = array<i32>} : memref<512xi32, #tpu.memory_space<vmem>>, vector<16xi32>,
    %get3A_457 = vector.shape_cast %get3A_456 : vector<16xi32> to vector<16xi32>
    %add3A_458 = arith.constant 352 : i32
    %add3A_459 = arith.addi %mul3A_2, %add3A_458 : i32
    %add3A_460 = vector.broadcast %add3A_459 : i32 to vector<16xi32>
    %add3A_461 = arith.addi %add3A_460, %iota3A : vector<16xi32>
    %mul3A_462 = arith.constant 1000 : i32
    %mul3A_463 = vector.broadcast %mul3A_462 : i32 to vector<16xi32>
    %mul3A_464 = arith.muli %add3A_461, %mul3A_463 : vector<16xi32>
    %add3A_465 = arith.addi %mul3A_464, %get3A_457 : vector<16xi32>
    %rem3A_466 = arith.constant 1000 : i32
    %rem3A_467 = vector.broadcast %rem3A_466 : i32 to vector<16xi32>
    %rem3A_468 = arith.remsi %add3A_465, %rem3A_467 : vector<16xi32>
    %swap3A_469 = arith.constant 2 : i32
    %swap3A_470 = arith.index_cast %swap3A_469 : i32 to index
    %swap3A_471 = arith.constant 96 : index
    %swap3A_472 = tpu.vector_load %arg6[%swap3A_470, %swap3A_471] {strides = array<i32>} : memref<4x128xi32, #tpu.memory_space<vmem>>, vector<1x16xi32>,
    %swap3A_473 = vector.shape_cast %swap3A_472 : vector<1x16xi32> to vector<16xi32>
    %swap3A_474 = vector.shape_cast %rem3A_468 : vector<16xi32> to vector<1x16xi32>
    tpu.vector_store %arg6[%swap3A_470, %swap3A_471], %swap3A_474 {strides = array<i32>} : memref<4x128xi32, #tpu.memory_space<vmem>>, vector<1x16xi32>,
    %get3A_475 = arith.constant 368 : index
    %get3A_476 = tpu.vector_load %arg5[%get3A_475] {strides = array<i32>} : memref<512xi32, #tpu.memory_space<vmem>>, vector<16xi32>,
    %get3A_477 = vector.shape_cast %get3A_476 : vector<16xi32> to vector<16xi32>
    %add3A_478 = arith.constant 368 : i32
    %add3A_479 = arith.addi %mul3A_2, %add3A_478 : i32
    %add3A_480 = vector.broadcast %add3A_479 : i32 to vector<16xi32>
    %add3A_481 = arith.addi %add3A_480, %iota3A : vector<16xi32>
    %mul3A_482 = arith.constant 1000 : i32
    %mul3A_483 = vector.broadcast %mul3A_482 : i32 to vector<16xi32>
    %mul3A_484 = arith.muli %add3A_481, %mul3A_483 : vector<16xi32>
    %add3A_485 = arith.addi %mul3A_484, %get3A_477 : vector<16xi32>
    %rem3A_486 = arith.constant 1000 : i32
    %rem3A_487 = vector.broadcast %rem3A_486 : i32 to vector<16xi32>
    %rem3A_488 = arith.remsi %add3A_485, %rem3A_487 : vector<16xi32>
    %swap3A_489 = arith.constant 2 : i32
    %swap3A_490 = arith.index_cast %swap3A_489 : i32 to index
    %swap3A_491 = arith.constant 112 : index
    %swap3A_492 = tpu.vector_load %arg6[%swap3A_490, %swap3A_491] {strides = array<i32>} : memref<4x128xi32, #tpu.memory_space<vmem>>, vector<1x16xi32>,
    %swap3A_493 = vector.shape_cast %swap3A_492 : vector<1x16xi32> to vector<16xi32>
    %swap3A_494 = vector.shape_cast %rem3A_488 : vector<16xi32> to vector<1x16xi32>
    tpu.vector_store %arg6[%swap3A_490, %swap3A_491], %swap3A_494 {strides = array<i32>} : memref<4x128xi32, #tpu.memory_space<vmem>>, vector<1x16xi32>,
    %dma_start3A_495 = arith.constant 2 : i32
    %dma_start3A_496 = arith.constant 256 : i32
    %dma_start3A_497 = tpu.memref_slice %arg7[%dma_start3A_496] : memref<512xf32, #tpu.memory_space<vmem>> -> memref<128xf32, #tpu.memory_space<vmem>>
    %dma_start3A_498 = arith.constant 0 : i32
    %dma_start3A_499 = tpu.memref_slice %arg6[%dma_start3A_495, %dma_start3A_498] : memref<4x128xi32, #tpu.memory_space<vmem>> -> memref<1x128xi32, #tpu.memory_space<vmem>>
    %dma_start3A_500 = tpu.memref_squeeze %dma_start3A_499 : memref<1x128xi32, #tpu.memory_space<vmem>> -> memref<128xi32, #tpu.memory_space<vmem>>
    %dma_start3A_501 = arith.constant 0 : i32
    %dma_start3A_502 = tpu.memref_slice %arg2[%dma_start3A_501] : memref<1000xf32, #tpu.memory_space<hbm>> -> memref<1000xf32, #tpu.memory_space<hbm>>
    tpu.enqueue_indirect_dma source(%dma_start3A_502 : memref<1000xf32, #tpu.memory_space<hbm>>) target(%dma_start3A_497 : memref<128xf32, #tpu.memory_space<vmem>>) offsets(%dma_start3A_500 : memref<128xi32, #tpu.memory_space<vmem>>) semaphore(%arg9 : memref<!tpu.dma_semaphore, #tpu.memory_space<semaphore_mem>>)
    %get3A_503 = arith.constant 384 : index
    %get3A_504 = tpu.vector_load %arg5[%get3A_503] {strides = array<i32>} : memref<512xi32, #tpu.memory_space<vmem>>, vector<16xi32>,
    %get3A_505 = vector.shape_cast %get3A_504 : vector<16xi32> to vector<16xi32>
    %add3A_506 = arith.constant 384 : i32
    %add3A_507 = arith.addi %mul3A_2, %add3A_506 : i32
    %add3A_508 = vector.broadcast %add3A_507 : i32 to vector<16xi32>
    %add3A_509 = arith.addi %add3A_508, %iota3A : vector<16xi32>
    %mul3A_510 = arith.constant 1000 : i32
    %mul3A_511 = vector.broadcast %mul3A_510 : i32 to vector<16xi32>
    %mul3A_512 = arith.muli %add3A_509, %mul3A_511 : vector<16xi32>
    %add3A_513 = arith.addi %mul3A_512, %get3A_505 : vector<16xi32>
    %rem3A_514 = arith.constant 1000 : i32
    %rem3A_515 = vector.broadcast %rem3A_514 : i32 to vector<16xi32>
    %rem3A_516 = arith.remsi %add3A_513, %rem3A_515 : vector<16xi32>
    %swap3A_517 = arith.constant 3 : i32
    %swap3A_518 = arith.index_cast %swap3A_517 : i32 to index
    %swap3A_519 = arith.constant 0 : index
    %swap3A_520 = tpu.vector_load %arg6[%swap3A_518, %swap3A_519] {strides = array<i32>} : memref<4x128xi32, #tpu.memory_space<vmem>>, vector<1x16xi32>,
    %swap3A_521 = vector.shape_cast %swap3A_520 : vector<1x16xi32> to vector<16xi32>
    %swap3A_522 = vector.shape_cast %rem3A_516 : vector<16xi32> to vector<1x16xi32>
    tpu.vector_store %arg6[%swap3A_518, %swap3A_519], %swap3A_522 {strides = array<i32>} : memref<4x128xi32, #tpu.memory_space<vmem>>, vector<1x16xi32>,
    %get3A_523 = arith.constant 400 : index
    %get3A_524 = tpu.vector_load %arg5[%get3A_523] {strides = array<i32>} : memref<512xi32, #tpu.memory_space<vmem>>, vector<16xi32>,
    %get3A_525 = vector.shape_cast %get3A_524 : vector<16xi32> to vector<16xi32>
    %add3A_526 = arith.constant 400 : i32
    %add3A_527 = arith.addi %mul3A_2, %add3A_526 : i32
    %add3A_528 = vector.broadcast %add3A_527 : i32 to vector<16xi32>
    %add3A_529 = arith.addi %add3A_528, %iota3A : vector<16xi32>
    %mul3A_530 = arith.constant 1000 : i32
    %mul3A_531 = vector.broadcast %mul3A_530 : i32 to vector<16xi32>
    %mul3A_532 = arith.muli %add3A_529, %mul3A_531 : vector<16xi32>
    %add3A_533 = arith.addi %mul3A_532, %get3A_525 : vector<16xi32>
    %rem3A_534 = arith.constant 1000 : i32
    %rem3A_535 = vector.broadcast %rem3A_534 : i32 to vector<16xi32>
    %rem3A_536 = arith.remsi %add3A_533, %rem3A_535 : vector<16xi32>
    %swap3A_537 = arith.constant 3 : i32
    %swap3A_538 = arith.index_cast %swap3A_537 : i32 to index
    %swap3A_539 = arith.constant 16 : index
    %swap3A_540 = tpu.vector_load %arg6[%swap3A_538, %swap3A_539] {strides = array<i32>} : memref<4x128xi32, #tpu.memory_space<vmem>>, vector<1x16xi32>,
    %swap3A_541 = vector.shape_cast %swap3A_540 : vector<1x16xi32> to vector<16xi32>
    %swap3A_542 = vector.shape_cast %rem3A_536 : vector<16xi32> to vector<1x16xi32>
    tpu.vector_store %arg6[%swap3A_538, %swap3A_539], %swap3A_542 {strides = array<i32>} : memref<4x128xi32, #tpu.memory_space<vmem>>, vector<1x16xi32>,
    %get3A_543 = arith.constant 416 : index
    %get3A_544 = tpu.vector_load %arg5[%get3A_543] {strides = array<i32>} : memref<512xi32, #tpu.memory_space<vmem>>, vector<16xi32>,
    %get3A_545 = vector.shape_cast %get3A_544 : vector<16xi32> to vector<16xi32>
    %add3A_546 = arith.constant 416 : i32
    %add3A_547 = arith.addi %mul3A_2, %add3A_546 : i32
    %add3A_548 = vector.broadcast %add3A_547 : i32 to vector<16xi32>
    %add3A_549 = arith.addi %add3A_548, %iota3A : vector<16xi32>
    %mul3A_550 = arith.constant 1000 : i32
    %mul3A_551 = vector.broadcast %mul3A_550 : i32 to vector<16xi32>
    %mul3A_552 = arith.muli %add3A_549, %mul3A_551 : vector<16xi32>
    %add3A_553 = arith.addi %mul3A_552, %get3A_545 : vector<16xi32>
    %rem3A_554 = arith.constant 1000 : i32
    %rem3A_555 = vector.broadcast %rem3A_554 : i32 to vector<16xi32>
    %rem3A_556 = arith.remsi %add3A_553, %rem3A_555 : vector<16xi32>
    %swap3A_557 = arith.constant 3 : i32
    %swap3A_558 = arith.index_cast %swap3A_557 : i32 to index
    %swap3A_559 = arith.constant 32 : index
    %swap3A_560 = tpu.vector_load %arg6[%swap3A_558, %swap3A_559] {strides = array<i32>} : memref<4x128xi32, #tpu.memory_space<vmem>>, vector<1x16xi32>,
    %swap3A_561 = vector.shape_cast %swap3A_560 : vector<1x16xi32> to vector<16xi32>
    %swap3A_562 = vector.shape_cast %rem3A_556 : vector<16xi32> to vector<1x16xi32>
    tpu.vector_store %arg6[%swap3A_558, %swap3A_559], %swap3A_562 {strides = array<i32>} : memref<4x128xi32, #tpu.memory_space<vmem>>, vector<1x16xi32>,
    %get3A_563 = arith.constant 432 : index
    %get3A_564 = tpu.vector_load %arg5[%get3A_563] {strides = array<i32>} : memref<512xi32, #tpu.memory_space<vmem>>, vector<16xi32>,
    %get3A_565 = vector.shape_cast %get3A_564 : vector<16xi32> to vector<16xi32>
    %add3A_566 = arith.constant 432 : i32
    %add3A_567 = arith.addi %mul3A_2, %add3A_566 : i32
    %add3A_568 = vector.broadcast %add3A_567 : i32 to vector<16xi32>
    %add3A_569 = arith.addi %add3A_568, %iota3A : vector<16xi32>
    %mul3A_570 = arith.constant 1000 : i32
    %mul3A_571 = vector.broadcast %mul3A_570 : i32 to vector<16xi32>
    %mul3A_572 = arith.muli %add3A_569, %mul3A_571 : vector<16xi32>
    %add3A_573 = arith.addi %mul3A_572, %get3A_565 : vector<16xi32>
    %rem3A_574 = arith.constant 1000 : i32
    %rem3A_575 = vector.broadcast %rem3A_574 : i32 to vector<16xi32>
    %rem3A_576 = arith.remsi %add3A_573, %rem3A_575 : vector<16xi32>
    %swap3A_577 = arith.constant 3 : i32
    %swap3A_578 = arith.index_cast %swap3A_577 : i32 to index
    %swap3A_579 = arith.constant 48 : index
    %swap3A_580 = tpu.vector_load %arg6[%swap3A_578, %swap3A_579] {strides = array<i32>} : memref<4x128xi32, #tpu.memory_space<vmem>>, vector<1x16xi32>,
    %swap3A_581 = vector.shape_cast %swap3A_580 : vector<1x16xi32> to vector<16xi32>
    %swap3A_582 = vector.shape_cast %rem3A_576 : vector<16xi32> to vector<1x16xi32>
    tpu.vector_store %arg6[%swap3A_578, %swap3A_579], %swap3A_582 {strides = array<i32>} : memref<4x128xi32, #tpu.memory_space<vmem>>, vector<1x16xi32>,
    %get3A_583 = arith.constant 448 : index
    %get3A_584 = tpu.vector_load %arg5[%get3A_583] {strides = array<i32>} : memref<512xi32, #tpu.memory_space<vmem>>, vector<16xi32>,
    %get3A_585 = vector.shape_cast %get3A_584 : vector<16xi32> to vector<16xi32>
    %add3A_586 = arith.constant 448 : i32
    %add3A_587 = arith.addi %mul3A_2, %add3A_586 : i32
    %add3A_588 = vector.broadcast %add3A_587 : i32 to vector<16xi32>
    %add3A_589 = arith.addi %add3A_588, %iota3A : vector<16xi32>
    %mul3A_590 = arith.constant 1000 : i32
    %mul3A_591 = vector.broadcast %mul3A_590 : i32 to vector<16xi32>
    %mul3A_592 = arith.muli %add3A_589, %mul3A_591 : vector<16xi32>
    %add3A_593 = arith.addi %mul3A_592, %get3A_585 : vector<16xi32>
    %rem3A_594 = arith.constant 1000 : i32
    %rem3A_595 = vector.broadcast %rem3A_594 : i32 to vector<16xi32>
    %rem3A_596 = arith.remsi %add3A_593, %rem3A_595 : vector<16xi32>
    %swap3A_597 = arith.constant 3 : i32
    %swap3A_598 = arith.index_cast %swap3A_597 : i32 to index
    %swap3A_599 = arith.constant 64 : index
    %swap3A_600 = tpu.vector_load %arg6[%swap3A_598, %swap3A_599] {strides = array<i32>} : memref<4x128xi32, #tpu.memory_space<vmem>>, vector<1x16xi32>,
    %swap3A_601 = vector.shape_cast %swap3A_600 : vector<1x16xi32> to vector<16xi32>
    %swap3A_602 = vector.shape_cast %rem3A_596 : vector<16xi32> to vector<1x16xi32>
    tpu.vector_store %arg6[%swap3A_598, %swap3A_599], %swap3A_602 {strides = array<i32>} : memref<4x128xi32, #tpu.memory_space<vmem>>, vector<1x16xi32>,
    %get3A_603 = arith.constant 464 : index
    %get3A_604 = tpu.vector_load %arg5[%get3A_603] {strides = array<i32>} : memref<512xi32, #tpu.memory_space<vmem>>, vector<16xi32>,
    %get3A_605 = vector.shape_cast %get3A_604 : vector<16xi32> to vector<16xi32>
    %add3A_606 = arith.constant 464 : i32
    %add3A_607 = arith.addi %mul3A_2, %add3A_606 : i32
    %add3A_608 = vector.broadcast %add3A_607 : i32 to vector<16xi32>
    %add3A_609 = arith.addi %add3A_608, %iota3A : vector<16xi32>
    %mul3A_610 = arith.constant 1000 : i32
    %mul3A_611 = vector.broadcast %mul3A_610 : i32 to vector<16xi32>
    %mul3A_612 = arith.muli %add3A_609, %mul3A_611 : vector<16xi32>
    %add3A_613 = arith.addi %mul3A_612, %get3A_605 : vector<16xi32>
    %rem3A_614 = arith.constant 1000 : i32
    %rem3A_615 = vector.broadcast %rem3A_614 : i32 to vector<16xi32>
    %rem3A_616 = arith.remsi %add3A_613, %rem3A_615 : vector<16xi32>
    %swap3A_617 = arith.constant 3 : i32
    %swap3A_618 = arith.index_cast %swap3A_617 : i32 to index
    %swap3A_619 = arith.constant 80 : index
    %swap3A_620 = tpu.vector_load %arg6[%swap3A_618, %swap3A_619] {strides = array<i32>} : memref<4x128xi32, #tpu.memory_space<vmem>>, vector<1x16xi32>,
    %swap3A_621 = vector.shape_cast %swap3A_620 : vector<1x16xi32> to vector<16xi32>
    %swap3A_622 = vector.shape_cast %rem3A_616 : vector<16xi32> to vector<1x16xi32>
    tpu.vector_store %arg6[%swap3A_618, %swap3A_619], %swap3A_622 {strides = array<i32>} : memref<4x128xi32, #tpu.memory_space<vmem>>, vector<1x16xi32>,
    %get3A_623 = arith.constant 480 : index
    %get3A_624 = tpu.vector_load %arg5[%get3A_623] {strides = array<i32>} : memref<512xi32, #tpu.memory_space<vmem>>, vector<16xi32>,
    %get3A_625 = vector.shape_cast %get3A_624 : vector<16xi32> to vector<16xi32>
    %add3A_626 = arith.constant 480 : i32
    %add3A_627 = arith.addi %mul3A_2, %add3A_626 : i32
    %add3A_628 = vector.broadcast %add3A_627 : i32 to vector<16xi32>
    %add3A_629 = arith.addi %add3A_628, %iota3A : vector<16xi32>
    %mul3A_630 = arith.constant 1000 : i32
    %mul3A_631 = vector.broadcast %mul3A_630 : i32 to vector<16xi32>
    %mul3A_632 = arith.muli %add3A_629, %mul3A_631 : vector<16xi32>
    %add3A_633 = arith.addi %mul3A_632, %get3A_625 : vector<16xi32>
    %rem3A_634 = arith.constant 1000 : i32
    %rem3A_635 = vector.broadcast %rem3A_634 : i32 to vector<16xi32>
    %rem3A_636 = arith.remsi %add3A_633, %rem3A_635 : vector<16xi32>
    %swap3A_637 = arith.constant 3 : i32
    %swap3A_638 = arith.index_cast %swap3A_637 : i32 to index
    %swap3A_639 = arith.constant 96 : index
    %swap3A_640 = tpu.vector_load %arg6[%swap3A_638, %swap3A_639] {strides = array<i32>} : memref<4x128xi32, #tpu.memory_space<vmem>>, vector<1x16xi32>,
    %swap3A_641 = vector.shape_cast %swap3A_640 : vector<1x16xi32> to vector<16xi32>
    %swap3A_642 = vector.shape_cast %rem3A_636 : vector<16xi32> to vector<1x16xi32>
    tpu.vector_store %arg6[%swap3A_638, %swap3A_639], %swap3A_642 {strides = array<i32>} : memref<4x128xi32, #tpu.memory_space<vmem>>, vector<1x16xi32>,
    %get3A_643 = arith.constant 496 : index
    %get3A_644 = tpu.vector_load %arg5[%get3A_643] {strides = array<i32>} : memref<512xi32, #tpu.memory_space<vmem>>, vector<16xi32>,
    %get3A_645 = vector.shape_cast %get3A_644 : vector<16xi32> to vector<16xi32>
    %add3A_646 = arith.constant 496 : i32
    %add3A_647 = arith.addi %mul3A_2, %add3A_646 : i32
    %add3A_648 = vector.broadcast %add3A_647 : i32 to vector<16xi32>
    %add3A_649 = arith.addi %add3A_648, %iota3A : vector<16xi32>
    %mul3A_650 = arith.constant 1000 : i32
    %mul3A_651 = vector.broadcast %mul3A_650 : i32 to vector<16xi32>
    %mul3A_652 = arith.muli %add3A_649, %mul3A_651 : vector<16xi32>
    %add3A_653 = arith.addi %mul3A_652, %get3A_645 : vector<16xi32>
    %rem3A_654 = arith.constant 1000 : i32
    %rem3A_655 = vector.broadcast %rem3A_654 : i32 to vector<16xi32>
    %rem3A_656 = arith.remsi %add3A_653, %rem3A_655 : vector<16xi32>
    %swap3A_657 = arith.constant 3 : i32
    %swap3A_658 = arith.index_cast %swap3A_657 : i32 to index
    %swap3A_659 = arith.constant 112 : index
    %swap3A_660 = tpu.vector_load %arg6[%swap3A_658, %swap3A_659] {strides = array<i32>} : memref<4x128xi32, #tpu.memory_space<vmem>>, vector<1x16xi32>,
    %swap3A_661 = vector.shape_cast %swap3A_660 : vector<1x16xi32> to vector<16xi32>
    %swap3A_662 = vector.shape_cast %rem3A_656 : vector<16xi32> to vector<1x16xi32>
    tpu.vector_store %arg6[%swap3A_658, %swap3A_659], %swap3A_662 {strides = array<i32>} : memref<4x128xi32, #tpu.memory_space<vmem>>, vector<1x16xi32>,
    %dma_start3A_663 = arith.constant 3 : i32
    %dma_start3A_664 = arith.constant 384 : i32
    %dma_start3A_665 = tpu.memref_slice %arg7[%dma_start3A_664] : memref<512xf32, #tpu.memory_space<vmem>> -> memref<128xf32, #tpu.memory_space<vmem>>
    %dma_start3A_666 = arith.constant 0 : i32
    %dma_start3A_667 = tpu.memref_slice %arg6[%dma_start3A_663, %dma_start3A_666] : memref<4x128xi32, #tpu.memory_space<vmem>> -> memref<1x128xi32, #tpu.memory_space<vmem>>
    %dma_start3A_668 = tpu.memref_squeeze %dma_start3A_667 : memref<1x128xi32, #tpu.memory_space<vmem>> -> memref<128xi32, #tpu.memory_space<vmem>>
    %dma_start3A_669 = arith.constant 0 : i32
    %dma_start3A_670 = tpu.memref_slice %arg2[%dma_start3A_669] : memref<1000xf32, #tpu.memory_space<hbm>> -> memref<1000xf32, #tpu.memory_space<hbm>>
    tpu.enqueue_indirect_dma source(%dma_start3A_670 : memref<1000xf32, #tpu.memory_space<hbm>>) target(%dma_start3A_665 : memref<128xf32, #tpu.memory_space<vmem>>) offsets(%dma_start3A_668 : memref<128xi32, #tpu.memory_space<vmem>>) semaphore(%arg9 : memref<!tpu.dma_semaphore, #tpu.memory_space<semaphore_mem>>)
    %dma_wait3A = arith.constant 0 : i32
    %dma_wait3A_671 = arith.constant 0 : i32
    %dma_wait3A_672 = tpu.memref_slice %arg7[%dma_wait3A_671] : memref<512xf32, #tpu.memory_space<vmem>> -> memref<128xf32, #tpu.memory_space<vmem>>
    %dma_wait3A_673 = arith.constant 0 : i32
    %dma_wait3A_674 = tpu.memref_slice %arg6[%dma_wait3A, %dma_wait3A_673] : memref<4x128xi32, #tpu.memory_space<vmem>> -> memref<1x128xi32, #tpu.memory_space<vmem>>
    %dma_wait3A_675 = tpu.memref_squeeze %dma_wait3A_674 : memref<1x128xi32, #tpu.memory_space<vmem>> -> memref<128xi32, #tpu.memory_space<vmem>>
    %dma_wait3A_676 = arith.constant 0 : i32
    %dma_wait3A_677 = tpu.memref_slice %arg2[%dma_wait3A_676] : memref<1000xf32, #tpu.memory_space<hbm>> -> memref<1000xf32, #tpu.memory_space<hbm>>
    tpu.wait_indirect_dma semaphore(%arg9 : memref<!tpu.dma_semaphore, #tpu.memory_space<semaphore_mem>>) src(%dma_wait3A_677 : memref<1000xf32, #tpu.memory_space<hbm>>) dst(%dma_wait3A_672 : memref<128xf32, #tpu.memory_space<vmem>>)
    %dma_wait3A_678 = arith.constant 1 : i32
    %dma_wait3A_679 = arith.constant 128 : i32
    %dma_wait3A_680 = tpu.memref_slice %arg7[%dma_wait3A_679] : memref<512xf32, #tpu.memory_space<vmem>> -> memref<128xf32, #tpu.memory_space<vmem>>
    %dma_wait3A_681 = arith.constant 0 : i32
    %dma_wait3A_682 = tpu.memref_slice %arg6[%dma_wait3A_678, %dma_wait3A_681] : memref<4x128xi32, #tpu.memory_space<vmem>> -> memref<1x128xi32, #tpu.memory_space<vmem>>
    %dma_wait3A_683 = tpu.memref_squeeze %dma_wait3A_682 : memref<1x128xi32, #tpu.memory_space<vmem>> -> memref<128xi32, #tpu.memory_space<vmem>>
    %dma_wait3A_684 = arith.constant 0 : i32
    %dma_wait3A_685 = tpu.memref_slice %arg2[%dma_wait3A_684] : memref<1000xf32, #tpu.memory_space<hbm>> -> memref<1000xf32, #tpu.memory_space<hbm>>
    tpu.wait_indirect_dma semaphore(%arg9 : memref<!tpu.dma_semaphore, #tpu.memory_space<semaphore_mem>>) src(%dma_wait3A_685 : memref<1000xf32, #tpu.memory_space<hbm>>) dst(%dma_wait3A_680 : memref<128xf32, #tpu.memory_space<vmem>>)
    %dma_wait3A_686 = arith.constant 2 : i32
    %dma_wait3A_687 = arith.constant 256 : i32
    %dma_wait3A_688 = tpu.memref_slice %arg7[%dma_wait3A_687] : memref<512xf32, #tpu.memory_space<vmem>> -> memref<128xf32, #tpu.memory_space<vmem>>
    %dma_wait3A_689 = arith.constant 0 : i32
    %dma_wait3A_690 = tpu.memref_slice %arg6[%dma_wait3A_686, %dma_wait3A_689] : memref<4x128xi32, #tpu.memory_space<vmem>> -> memref<1x128xi32, #tpu.memory_space<vmem>>
    %dma_wait3A_691 = tpu.memref_squeeze %dma_wait3A_690 : memref<1x128xi32, #tpu.memory_space<vmem>> -> memref<128xi32, #tpu.memory_space<vmem>>
    %dma_wait3A_692 = arith.constant 0 : i32
    %dma_wait3A_693 = tpu.memref_slice %arg2[%dma_wait3A_692] : memref<1000xf32, #tpu.memory_space<hbm>> -> memref<1000xf32, #tpu.memory_space<hbm>>
    tpu.wait_indirect_dma semaphore(%arg9 : memref<!tpu.dma_semaphore, #tpu.memory_space<semaphore_mem>>) src(%dma_wait3A_693 : memref<1000xf32, #tpu.memory_space<hbm>>) dst(%dma_wait3A_688 : memref<128xf32, #tpu.memory_space<vmem>>)
    %dma_wait3A_694 = arith.constant 3 : i32
    %dma_wait3A_695 = arith.constant 384 : i32
    %dma_wait3A_696 = tpu.memref_slice %arg7[%dma_wait3A_695] : memref<512xf32, #tpu.memory_space<vmem>> -> memref<128xf32, #tpu.memory_space<vmem>>
    %dma_wait3A_697 = arith.constant 0 : i32
    %dma_wait3A_698 = tpu.memref_slice %arg6[%dma_wait3A_694, %dma_wait3A_697] : memref<4x128xi32, #tpu.memory_space<vmem>> -> memref<1x128xi32, #tpu.memory_space<vmem>>
    %dma_wait3A_699 = tpu.memref_squeeze %dma_wait3A_698 : memref<1x128xi32, #tpu.memory_space<vmem>> -> memref<128xi32, #tpu.memory_space<vmem>>
    %dma_wait3A_700 = arith.constant 0 : i32
    %dma_wait3A_701 = tpu.memref_slice %arg2[%dma_wait3A_700] : memref<1000xf32, #tpu.memory_space<hbm>> -> memref<1000xf32, #tpu.memory_space<hbm>>
    tpu.wait_indirect_dma semaphore(%arg9 : memref<!tpu.dma_semaphore, #tpu.memory_space<semaphore_mem>>) src(%dma_wait3A_701 : memref<1000xf32, #tpu.memory_space<hbm>>) dst(%dma_wait3A_696 : memref<128xf32, #tpu.memory_space<vmem>>)
    %broadcast_in_dim3A = arith.constant 0.000000e+00 : f32
    %broadcast_in_dim3A_702 = vector.broadcast %broadcast_in_dim3A : f32 to vector<16xf32>
    %get3A_703 = arith.constant 0 : index
    %get3A_704 = tpu.vector_load %arg7[%get3A_703] {strides = array<i32>} : memref<512xf32, #tpu.memory_space<vmem>>, vector<16xf32>,
    %get3A_705 = vector.shape_cast %get3A_704 : vector<16xf32> to vector<16xf32>
    %add3A_706 = arith.addf %broadcast_in_dim3A_702, %get3A_705 : vector<16xf32>
    %get3A_707 = arith.constant 16 : index
    %get3A_708 = tpu.vector_load %arg7[%get3A_707] {strides = array<i32>} : memref<512xf32, #tpu.memory_space<vmem>>, vector<16xf32>,
    %get3A_709 = vector.shape_cast %get3A_708 : vector<16xf32> to vector<16xf32>
    %add3A_710 = arith.addf %add3A_706, %get3A_709 : vector<16xf32>
    %get3A_711 = arith.constant 32 : index
    %get3A_712 = tpu.vector_load %arg7[%get3A_711] {strides = array<i32>} : memref<512xf32, #tpu.memory_space<vmem>>, vector<16xf32>,
    %get3A_713 = vector.shape_cast %get3A_712 : vector<16xf32> to vector<16xf32>
    %add3A_714 = arith.addf %add3A_710, %get3A_713 : vector<16xf32>
    %get3A_715 = arith.constant 48 : index
    %get3A_716 = tpu.vector_load %arg7[%get3A_715] {strides = array<i32>} : memref<512xf32, #tpu.memory_space<vmem>>, vector<16xf32>,
    %get3A_717 = vector.shape_cast %get3A_716 : vector<16xf32> to vector<16xf32>
    %add3A_718 = arith.addf %add3A_714, %get3A_717 : vector<16xf32>
    %get3A_719 = arith.constant 64 : index
    %get3A_720 = tpu.vector_load %arg7[%get3A_719] {strides = array<i32>} : memref<512xf32, #tpu.memory_space<vmem>>, vector<16xf32>,
    %get3A_721 = vector.shape_cast %get3A_720 : vector<16xf32> to vector<16xf32>
    %add3A_722 = arith.addf %add3A_718, %get3A_721 : vector<16xf32>
    %get3A_723 = arith.constant 80 : index
    %get3A_724 = tpu.vector_load %arg7[%get3A_723] {strides = array<i32>} : memref<512xf32, #tpu.memory_space<vmem>>, vector<16xf32>,
    %get3A_725 = vector.shape_cast %get3A_724 : vector<16xf32> to vector<16xf32>
    %add3A_726 = arith.addf %add3A_722, %get3A_725 : vector<16xf32>
    %get3A_727 = arith.constant 96 : index
    %get3A_728 = tpu.vector_load %arg7[%get3A_727] {strides = array<i32>} : memref<512xf32, #tpu.memory_space<vmem>>, vector<16xf32>,
    %get3A_729 = vector.shape_cast %get3A_728 : vector<16xf32> to vector<16xf32>
    %add3A_730 = arith.addf %add3A_726, %get3A_729 : vector<16xf32>
    %get3A_731 = arith.constant 112 : index
    %get3A_732 = tpu.vector_load %arg7[%get3A_731] {strides = array<i32>} : memref<512xf32, #tpu.memory_space<vmem>>, vector<16xf32>,
    %get3A_733 = vector.shape_cast %get3A_732 : vector<16xf32> to vector<16xf32>
    %add3A_734 = arith.addf %add3A_730, %get3A_733 : vector<16xf32>
    %get3A_735 = arith.constant 128 : index
    %get3A_736 = tpu.vector_load %arg7[%get3A_735] {strides = array<i32>} : memref<512xf32, #tpu.memory_space<vmem>>, vector<16xf32>,
    %get3A_737 = vector.shape_cast %get3A_736 : vector<16xf32> to vector<16xf32>
    %add3A_738 = arith.addf %add3A_734, %get3A_737 : vector<16xf32>
    %get3A_739 = arith.constant 144 : index
    %get3A_740 = tpu.vector_load %arg7[%get3A_739] {strides = array<i32>} : memref<512xf32, #tpu.memory_space<vmem>>, vector<16xf32>,
    %get3A_741 = vector.shape_cast %get3A_740 : vector<16xf32> to vector<16xf32>
    %add3A_742 = arith.addf %add3A_738, %get3A_741 : vector<16xf32>
    %get3A_743 = arith.constant 160 : index
    %get3A_744 = tpu.vector_load %arg7[%get3A_743] {strides = array<i32>} : memref<512xf32, #tpu.memory_space<vmem>>, vector<16xf32>,
    %get3A_745 = vector.shape_cast %get3A_744 : vector<16xf32> to vector<16xf32>
    %add3A_746 = arith.addf %add3A_742, %get3A_745 : vector<16xf32>
    %get3A_747 = arith.constant 176 : index
    %get3A_748 = tpu.vector_load %arg7[%get3A_747] {strides = array<i32>} : memref<512xf32, #tpu.memory_space<vmem>>, vector<16xf32>,
    %get3A_749 = vector.shape_cast %get3A_748 : vector<16xf32> to vector<16xf32>
    %add3A_750 = arith.addf %add3A_746, %get3A_749 : vector<16xf32>
    %get3A_751 = arith.constant 192 : index
    %get3A_752 = tpu.vector_load %arg7[%get3A_751] {strides = array<i32>} : memref<512xf32, #tpu.memory_space<vmem>>, vector<16xf32>,
    %get3A_753 = vector.shape_cast %get3A_752 : vector<16xf32> to vector<16xf32>
    %add3A_754 = arith.addf %add3A_750, %get3A_753 : vector<16xf32>
    %get3A_755 = arith.constant 208 : index
    %get3A_756 = tpu.vector_load %arg7[%get3A_755] {strides = array<i32>} : memref<512xf32, #tpu.memory_space<vmem>>, vector<16xf32>,
    %get3A_757 = vector.shape_cast %get3A_756 : vector<16xf32> to vector<16xf32>
    %add3A_758 = arith.addf %add3A_754, %get3A_757 : vector<16xf32>
    %get3A_759 = arith.constant 224 : index
    %get3A_760 = tpu.vector_load %arg7[%get3A_759] {strides = array<i32>} : memref<512xf32, #tpu.memory_space<vmem>>, vector<16xf32>,
    %get3A_761 = vector.shape_cast %get3A_760 : vector<16xf32> to vector<16xf32>
    %add3A_762 = arith.addf %add3A_758, %get3A_761 : vector<16xf32>
    %get3A_763 = arith.constant 240 : index
    %get3A_764 = tpu.vector_load %arg7[%get3A_763] {strides = array<i32>} : memref<512xf32, #tpu.memory_space<vmem>>, vector<16xf32>,
    %get3A_765 = vector.shape_cast %get3A_764 : vector<16xf32> to vector<16xf32>
    %add3A_766 = arith.addf %add3A_762, %get3A_765 : vector<16xf32>
    %get3A_767 = arith.constant 256 : index
    %get3A_768 = tpu.vector_load %arg7[%get3A_767] {strides = array<i32>} : memref<512xf32, #tpu.memory_space<vmem>>, vector<16xf32>,
    %get3A_769 = vector.shape_cast %get3A_768 : vector<16xf32> to vector<16xf32>
    %add3A_770 = arith.addf %add3A_766, %get3A_769 : vector<16xf32>
    %get3A_771 = arith.constant 272 : index
    %get3A_772 = tpu.vector_load %arg7[%get3A_771] {strides = array<i32>} : memref<512xf32, #tpu.memory_space<vmem>>, vector<16xf32>,
    %get3A_773 = vector.shape_cast %get3A_772 : vector<16xf32> to vector<16xf32>
    %add3A_774 = arith.addf %add3A_770, %get3A_773 : vector<16xf32>
    %get3A_775 = arith.constant 288 : index
    %get3A_776 = tpu.vector_load %arg7[%get3A_775] {strides = array<i32>} : memref<512xf32, #tpu.memory_space<vmem>>, vector<16xf32>,
    %get3A_777 = vector.shape_cast %get3A_776 : vector<16xf32> to vector<16xf32>
    %add3A_778 = arith.addf %add3A_774, %get3A_777 : vector<16xf32>
    %get3A_779 = arith.constant 304 : index
    %get3A_780 = tpu.vector_load %arg7[%get3A_779] {strides = array<i32>} : memref<512xf32, #tpu.memory_space<vmem>>, vector<16xf32>,
    %get3A_781 = vector.shape_cast %get3A_780 : vector<16xf32> to vector<16xf32>
    %add3A_782 = arith.addf %add3A_778, %get3A_781 : vector<16xf32>
    %get3A_783 = arith.constant 320 : index
    %get3A_784 = tpu.vector_load %arg7[%get3A_783] {strides = array<i32>} : memref<512xf32, #tpu.memory_space<vmem>>, vector<16xf32>,
    %get3A_785 = vector.shape_cast %get3A_784 : vector<16xf32> to vector<16xf32>
    %add3A_786 = arith.addf %add3A_782, %get3A_785 : vector<16xf32>
    %get3A_787 = arith.constant 336 : index
    %get3A_788 = tpu.vector_load %arg7[%get3A_787] {strides = array<i32>} : memref<512xf32, #tpu.memory_space<vmem>>, vector<16xf32>,
    %get3A_789 = vector.shape_cast %get3A_788 : vector<16xf32> to vector<16xf32>
    %add3A_790 = arith.addf %add3A_786, %get3A_789 : vector<16xf32>
    %get3A_791 = arith.constant 352 : index
    %get3A_792 = tpu.vector_load %arg7[%get3A_791] {strides = array<i32>} : memref<512xf32, #tpu.memory_space<vmem>>, vector<16xf32>,
    %get3A_793 = vector.shape_cast %get3A_792 : vector<16xf32> to vector<16xf32>
    %add3A_794 = arith.addf %add3A_790, %get3A_793 : vector<16xf32>
    %get3A_795 = arith.constant 368 : index
    %get3A_796 = tpu.vector_load %arg7[%get3A_795] {strides = array<i32>} : memref<512xf32, #tpu.memory_space<vmem>>, vector<16xf32>,
    %get3A_797 = vector.shape_cast %get3A_796 : vector<16xf32> to vector<16xf32>
    %add3A_798 = arith.addf %add3A_794, %get3A_797 : vector<16xf32>
    %get3A_799 = arith.constant 384 : index
    %get3A_800 = tpu.vector_load %arg7[%get3A_799] {strides = array<i32>} : memref<512xf32, #tpu.memory_space<vmem>>, vector<16xf32>,
    %get3A_801 = vector.shape_cast %get3A_800 : vector<16xf32> to vector<16xf32>
    %add3A_802 = arith.addf %add3A_798, %get3A_801 : vector<16xf32>
    %get3A_803 = arith.constant 400 : index
    %get3A_804 = tpu.vector_load %arg7[%get3A_803] {strides = array<i32>} : memref<512xf32, #tpu.memory_space<vmem>>, vector<16xf32>,
    %get3A_805 = vector.shape_cast %get3A_804 : vector<16xf32> to vector<16xf32>
    %add3A_806 = arith.addf %add3A_802, %get3A_805 : vector<16xf32>
    %get3A_807 = arith.constant 416 : index
    %get3A_808 = tpu.vector_load %arg7[%get3A_807] {strides = array<i32>} : memref<512xf32, #tpu.memory_space<vmem>>, vector<16xf32>,
    %get3A_809 = vector.shape_cast %get3A_808 : vector<16xf32> to vector<16xf32>
    %add3A_810 = arith.addf %add3A_806, %get3A_809 : vector<16xf32>
    %get3A_811 = arith.constant 432 : index
    %get3A_812 = tpu.vector_load %arg7[%get3A_811] {strides = array<i32>} : memref<512xf32, #tpu.memory_space<vmem>>, vector<16xf32>,
    %get3A_813 = vector.shape_cast %get3A_812 : vector<16xf32> to vector<16xf32>
    %add3A_814 = arith.addf %add3A_810, %get3A_813 : vector<16xf32>
    %get3A_815 = arith.constant 448 : index
    %get3A_816 = tpu.vector_load %arg7[%get3A_815] {strides = array<i32>} : memref<512xf32, #tpu.memory_space<vmem>>, vector<16xf32>,
    %get3A_817 = vector.shape_cast %get3A_816 : vector<16xf32> to vector<16xf32>
    %add3A_818 = arith.addf %add3A_814, %get3A_817 : vector<16xf32>
    %get3A_819 = arith.constant 464 : index
    %get3A_820 = tpu.vector_load %arg7[%get3A_819] {strides = array<i32>} : memref<512xf32, #tpu.memory_space<vmem>>, vector<16xf32>,
    %get3A_821 = vector.shape_cast %get3A_820 : vector<16xf32> to vector<16xf32>
    %add3A_822 = arith.addf %add3A_818, %get3A_821 : vector<16xf32>
    %get3A_823 = arith.constant 480 : index
    %get3A_824 = tpu.vector_load %arg7[%get3A_823] {strides = array<i32>} : memref<512xf32, #tpu.memory_space<vmem>>, vector<16xf32>,
    %get3A_825 = vector.shape_cast %get3A_824 : vector<16xf32> to vector<16xf32>
    %add3A_826 = arith.addf %add3A_822, %get3A_825 : vector<16xf32>
    %get3A_827 = arith.constant 496 : index
    %get3A_828 = tpu.vector_load %arg7[%get3A_827] {strides = array<i32>} : memref<512xf32, #tpu.memory_space<vmem>>, vector<16xf32>,
    %get3A_829 = vector.shape_cast %get3A_828 : vector<16xf32> to vector<16xf32>
    %add3A_830 = arith.addf %add3A_826, %get3A_829 : vector<16xf32>
    %swap3A_831 = arith.constant 0 : index
    %swap3A_832 = tpu.vector_load %arg8[%swap3A_831] {strides = array<i32>} : memref<16xf32, #tpu.memory_space<vmem>>, vector<16xf32>,
    %swap3A_833 = vector.shape_cast %swap3A_832 : vector<16xf32> to vector<16xf32>
    %swap3A_834 = vector.shape_cast %add3A_830 : vector<16xf32> to vector<16xf32>
    tpu.vector_store %arg8[%swap3A_831], %swap3A_834 {strides = array<i32>} : memref<16xf32, #tpu.memory_space<vmem>>, vector<16xf32>,
    "tpu.region"() ({
      %run_scoped3A = tpu.sem_alloc : memref<!tpu.dma_semaphore, #tpu.memory_space<semaphore_mem>>
      %dma_start3A_835 = arith.constant 0 : i32
      %dma_start3A_836 = tpu.memref_slice %arg4[%add3A, %dma_start3A_835] : memref<32x16xf32, #tpu.memory_space<hbm>> -> memref<1x16xf32, #tpu.memory_space<hbm>>
      %dma_start3A_837 = tpu.memref_squeeze %dma_start3A_836 : memref<1x16xf32, #tpu.memory_space<hbm>> -> memref<16xf32, #tpu.memory_space<hbm>>
      %dma_start3A_838 = arith.constant 0 : i32
      %dma_start3A_839 = tpu.memref_slice %arg4[%add3A, %dma_start3A_838] : memref<32x16xf32, #tpu.memory_space<hbm>> -> memref<1x16xf32, #tpu.memory_space<hbm>>
      %dma_start3A_840 = tpu.memref_squeeze %dma_start3A_839 : memref<1x16xf32, #tpu.memory_space<hbm>> -> memref<16xf32, #tpu.memory_space<hbm>>
      tpu.enqueue_dma source(%arg8 : memref<16xf32, #tpu.memory_space<vmem>>) target(%dma_start3A_840 : memref<16xf32, #tpu.memory_space<hbm>>) target_semaphore(%run_scoped3A : memref<!tpu.dma_semaphore, #tpu.memory_space<semaphore_mem>>)
      %dma_wait3A_841 = arith.constant 0 : i32
      %dma_wait3A_842 = tpu.memref_slice %arg4[%add3A, %dma_wait3A_841] : memref<32x16xf32, #tpu.memory_space<hbm>> -> memref<1x16xf32, #tpu.memory_space<hbm>>
      %dma_wait3A_843 = tpu.memref_squeeze %dma_wait3A_842 : memref<1x16xf32, #tpu.memory_space<hbm>> -> memref<16xf32, #tpu.memory_space<hbm>>
      %dma_wait3A_844 = arith.constant 0 : i32
      %dma_wait3A_845 = tpu.memref_slice %arg4[%add3A, %dma_wait3A_844] : memref<32x16xf32, #tpu.memory_space<hbm>> -> memref<1x16xf32, #tpu.memory_space<hbm>>
      %dma_wait3A_846 = tpu.memref_squeeze %dma_wait3A_845 : memref<1x16xf32, #tpu.memory_space<hbm>> -> memref<16xf32, #tpu.memory_space<hbm>>
      tpu.wait_dma2 semaphore(%run_scoped3A : memref<!tpu.dma_semaphore, #tpu.memory_space<semaphore_mem>>) src(%arg8 : memref<16xf32, #tpu.memory_space<vmem>>) dst(%dma_wait3A_846 : memref<16xf32, #tpu.memory_space<hbm>>)
      tpu.yield
    }) : () -> ()
    return
  }
}

module attributes {stable_mosaic.version = 14 : i64} {
  func.func @_elr_body(%arg0: i32, %arg1: memref<512x1000xf32, #tpu.memory_space<vmem>>, %arg2: memref<1x8x128xf32, #tpu.memory_space<vmem>>) attributes {dimension_semantics = [#tpu.dimension_semantics<parallel>], iteration_bounds = array<i64: 32>, scalar_prefetch = 0 : i64, scratch_operands = 0 : i64, tpu.core_type = #tpu.core_type<tc>, window_params = [{transform_indices = @transform_0, window_bounds = array<i64: 512, 1000>}, {transform_indices = @transform_1, window_bounds = array<i64: 1, 8, 128>}]} {
    %get3A = arith.constant 0 : index
    %get3A_0 = arith.constant 0 : index
    %get3A_1 = vector.load %arg1[%get3A, %get3A_0] : memref<512x1000xf32, #tpu.memory_space<vmem>>, vector<512x1000xf32>
    %reduce_max3A = arith.constant dense<0xFF800000> : vector<512xf32>
    %reduce_max3A_2 = vector.multi_reduction <maximumf>, %get3A_1, %reduce_max3A [1] : vector<512x1000xf32> to vector<512xf32>
    %broadcast_in_dim3A = vector.shape_cast %reduce_max3A_2 : vector<512xf32> to vector<512x1xf32>
    %sub3A = vector.broadcast %broadcast_in_dim3A : vector<512x1xf32> to vector<512x1000xf32>
    %sub3A_3 = arith.subf %get3A_1, %sub3A : vector<512x1000xf32>
    %exp3A = math.exp %sub3A_3 : vector<512x1000xf32>
    %reduce_sum3A = arith.constant dense<0.000000e+00> : vector<512xf32>
    %reduce_sum3A_4 = vector.multi_reduction <add>, %exp3A, %reduce_sum3A [1] : vector<512x1000xf32> to vector<512xf32>
    %mul3A = arith.mulf %exp3A, %exp3A : vector<512x1000xf32>
    %reduce_sum3A_5 = arith.constant dense<0.000000e+00> : vector<512xf32>
    %reduce_sum3A_6 = vector.multi_reduction <add>, %mul3A, %reduce_sum3A_5 [1] : vector<512x1000xf32> to vector<512xf32>
    %mul3A_7 = arith.mulf %reduce_sum3A_4, %reduce_sum3A_4 : vector<512xf32>
    %div3A = arith.divf %reduce_sum3A_6, %mul3A_7 : vector<512xf32>
    %sub3A_8 = arith.constant 1.000000e+00 : f32
    %sub3A_9 = vector.broadcast %sub3A_8 : f32 to vector<512xf32>
    %sub3A_10 = arith.subf %sub3A_9, %div3A : vector<512xf32>
    %add3A = arith.constant 9.99999974E-5 : f32
    %add3A_11 = vector.broadcast %add3A : f32 to vector<512xf32>
    %add3A_12 = arith.addf %sub3A_10, %add3A_11 : vector<512xf32>
    %log3A = math.log %add3A_12 : vector<512xf32>
    %squeeze3A = vector.shape_cast %broadcast_in_dim3A : vector<512x1xf32> to vector<512xf32>
    %log3A_13 = math.log %reduce_sum3A_4 : vector<512xf32>
    %add3A_14 = arith.addf %squeeze3A, %log3A_13 : vector<512xf32>
    %mul3A_15 = arith.constant 3.000000e+00 : f32
    %mul3A_16 = vector.broadcast %mul3A_15 : f32 to vector<512xf32>
    %mul3A_17 = arith.mulf %mul3A_16, %log3A : vector<512xf32>
    %add3A_18 = arith.addf %add3A_14, %mul3A_17 : vector<512xf32>
    %reduce_sum3A_19 = vector.shape_cast %add3A_18 : vector<512xf32> to vector<1x512xf32>
    %reduce_sum3A_20 = arith.constant dense<0.000000e+00> : vector<1xf32>
    %reduce_sum3A_21 = vector.multi_reduction <add>, %reduce_sum3A_19, %reduce_sum3A_20 [1] : vector<1x512xf32> to vector<1xf32>
    %reduce_sum3A_22 = vector.shape_cast %reduce_sum3A_21 : vector<1xf32> to vector<1x1xf32>
    %reduce_sum3A_23 = vector.extract %reduce_sum3A_22[0, 0] : f32 from vector<1x1xf32>
    %broadcast_in_dim3A_24 = vector.broadcast %reduce_sum3A_23 : f32 to vector<1x8x128xf32>
    %swap3A = arith.constant 0 : index
    %swap3A_25 = arith.constant 0 : index
    %swap3A_26 = arith.constant 0 : index
    %swap3A_27 = vector.load %arg2[%swap3A, %swap3A_25, %swap3A_26] : memref<1x8x128xf32, #tpu.memory_space<vmem>>, vector<1x8x128xf32>
    tpu.vector_store %arg2[%swap3A, %swap3A_25, %swap3A_26], %broadcast_in_dim3A_24 {strides = array<i32>} : memref<1x8x128xf32, #tpu.memory_space<vmem>>, vector<1x8x128xf32>,
    return
  }
  func.func @transform_0(%arg0: i32) -> (i32, i32) {
    %c0_i32 = arith.constant 0 : i32
    %c0_i32_0 = arith.constant 0 : i32
    return %arg0, %c0_i32 : i32, i32
  }
  func.func @transform_1(%arg0: i32) -> (i32, i32, i32) {
    %c0_i32 = arith.constant 0 : i32
    %c0_i32_0 = arith.constant 0 : i32
    %c0_i32_1 = arith.constant 0 : i32
    return %arg0, %c0_i32, %c0_i32_0 : i32, i32, i32
  }
}

</mosaic_0001>

<sc_bundles>
// kernel: _elr_loss.4.cloned.1.call-start
scs
__scs_entry_jumppad:
0x0: {  	(pc) =	sbr.rel $0x88, $3  }
0x1: {  	(tag) =	ssettag $0x0;
	lr =	simm.s32 $0x1  }
0x2: {  	[smem:$0x3F9F] =	sst lr;
	_ =	strace $0xD0000000  }
0x3: {  	_ = 	snop  }
0x4: {  	_ = 	snop  }
0x5: {  	_ = 	snop  }
0x6: {  	_ = 	snop  }
0x7: {  	_ = 	snop  }
__scs_overlays_trampoline_lowered:
0x8: {  	[smem:$0x3FAE] =	sst s0  }
0x9: {  	[smem:$0x3FAF] =	sst s1  }
0xa: {  	[smem:$0x3FB0] =	sst s2  }
0xb: {  	[smem:$0x3FB1] =	sst s3  }
0xc: {  	[smem:$0x3FB2] =	sst s4  }
0xd: {  	[smem:$0x3FB3] =	sst s5  }
0xe: {  	[smem:$0x3FB4] =	sst s6  }
0xf: {  	[smem:$0x3FB5] =	sst s7  }
0x10: {  	[smem:$0x3FB6] =	sst s8  }
0x11: {  	[smem:$0x3FB7] =	sst s9;
	s0 =	simm.s32 @!p0 $0x0  }
0x12: {  	s1 =	sld [smem:$0x3F9D];
	s0 =	simm.s32 @p0 $0x1  }
0x13: {  	[smem:$0x3FB8] =	sst s0;
	s0 =	simm.s32 @!p1 $0x0  }
0x14: {  	s2 =	sld [smem:$0x3F9C];
	s0 =	simm.s32 @p1 $0x1  }
0x15: {  	[smem:$0x3FB9] =	sst s0;
	s0 =	simm.s32 @!p2 $0x0  }
0x16: {  	s3 =	sld [smem:$0x3FDB];
	s0 =	simm.s32 @p2 $0x1  }
0x17: {  	s4 =	simm.s32 $0x1BF5;
	[smem:$0x3FBB] =	sst s0  }
0x18: {  	s0 =	sld [smem:$0x3F9E];
	_ =	swait.ge [sflag:s4], $0x0  }
0x19: {  	s7 =	sld [smem:$0x3F9F]  }
0x1a: {  	s8 =	sadd.s32 $0xFFFFE003, lr  }
0x1b: {  	s9 =	sadd.s32 $0xFFFFFEF7, lr;
	s5 =	simm.s32 $0xFFFFFFFF;
	p2 =	slt.u32 s8, $0xFFFFF086  }
0x1c: {  	p1 =	slt.u32 s9, $0xF7A;
	s5 =	simm.s32 @!p2 $0x0  }
0x1d: {  	s5 =	simm.s32 @p1 $0x1;
	p0 =	seq.s32 s7, s2  }
0x1e: {  	s7 =	smul.u32 @!p0 $0xF7A, s2;
	p2 =	seq.s32 @!p0 s5, $0x0  }
0x1f: {  	s9 =	smul.u32 $0xF7A, s1;
	s8 =	simm.s32 @!p0 $0x1BF5;
	p2 =	por !p2, p0  }
0x20: {  	[sflag:s8] =	ssyncset.s32 @!p0 $0xFFFFF086;
	s6 =	sadd.s32 @!p0 s3, s7;
	s7 =	simm.s32 @!p0 $0x108  }
0x21: {  	s3 =	sadd.s32 s3, s9;
	s6 =	sadd.s32 @!p0 $0x88, s6;
	s7 =	simm.s32 @p2 $0x1082  }
0x22: {  	[simem:s7], [sflag:s8] =	dma.local @!p0 [hbm:s6], $0xF7A  }
0x23: {  	s9 =	sor.u32 $0xD0000000, s2;
	s6 =	simm.s32 $0x108;
	_ =	swait.ge @!p0 [sflag:s8], $0x0  }
0x24: {  	s3 =	sadd.s32 $0x88, s3;
	s6 =	simm.s32 @!p1 $0x1082;
	[sflag:s4] =	ssyncset.s32 $0xFFFFF086  }
0x25: {  	[simem:s6], [sflag:s4] =	dma.local [hbm:s3], $0xF7A  }
0x26: {  	[smem:$0x3F9F] =	sst s1;
	(tag) =	ssettag s2;
	_ =	strace s9  }
0x27: {  	s1 =	sld [smem:$0x3FAF]  }
0x28: {  	s2 =	sld [smem:$0x3FB0]  }
0x29: {  	s4 =	sld [smem:$0x3FB2]  }
0x2a: {  	p0 =	seq.s32 s5, $0x0;
	s5 =	sld [smem:$0x3FB3]  }
0x2b: {  	s6 =	sld [smem:$0x3FB4]  }
0x2c: {  	s7 =	sld [smem:$0x3FB5]  }
0x2d: {  	s3 =	simm.s32 $0x108;
	s8 =	sld [smem:$0x3FB6]  }
0x2e: {  	s3 =	simm.s32 @!p0 $0x1082;
	s9 =	sld [smem:$0x3FB7]  }
0x2f: {  	lr =	sadd.s32 s0, s3;
	s0 =	sld [smem:$0x3FAE]  }
0x30: {  	s3 =	sld [smem:$0x3FB1]  }
0x31: {  	[smem:$0x3FBA] =	sst s10  }
0x32: {  	s10 =	sld [smem:$0x3FB8];
	_ =	sdelay $0x3  }
0x33: {  	p0 =	seq.s32 s10, $0x1;
	s10 =	sld [smem:$0x3FBA];
	_ =	sdelay $0x3  }
0x34: {  	[smem:$0x3FBA] =	sst s10  }
0x35: {  	s10 =	sld [smem:$0x3FB9];
	_ =	sdelay $0x3  }
0x36: {  	p1 =	seq.s32 s10, $0x1;
	s10 =	sld [smem:$0x3FBA];
	_ =	sdelay $0x3  }
0x37: {  	[smem:$0x3FBA] =	sst s10  }
0x38: {  	s10 =	sld [smem:$0x3FBB]  }
0x39: {  	_ = 	snop;
	(pc) =	sbr.ind lr, $3  }
0x3a: {  	_ = 	snop  }
0x3b: {  	_ = 	snop  }
0x3c: {  	p2 =	seq.s32 s10, $0x1;
	s10 =	sld [smem:$0x3FBA]  }
0x3d: {  	_ =	shalt  }
0x3e: {  	_ =	shalt  }
0x3f: {  	_ =	shalt  }
0x40: {  	_ =	shalt  }
0x41: {  	_ =	shalt  }
0x42: {  	_ =	shalt  }
0x43: {  	_ =	shalt  }
0x44: {  	_ =	shalt  }
0x45: {  	_ =	shalt  }
0x46: {  	_ =	shalt  }
0x47: {  	_ =	shalt  }
0x48: {  	_ =	shalt  }
0x49: {  	_ =	shalt  }
0x4a: {  	_ =	shalt  }
0x4b: {  	_ =	shalt  }
0x4c: {  	_ =	shalt  }
0x4d: {  	_ =	shalt  }
0x4e: {  	_ =	shalt  }
0x4f: {  	_ =	shalt  }
0x50: {  	_ =	shalt  }
0x51: {  	_ =	shalt  }
0x52: {  	_ =	shalt  }
0x53: {  	_ =	shalt  }
0x54: {  	_ =	shalt  }
0x55: {  	_ =	shalt  }
0x56: {  	_ =	shalt  }
0x57: {  	_ =	shalt  }
0x58: {  	_ =	shalt  }
0x59: {  	_ =	shalt  }
0x5a: {  	_ =	shalt  }
0x5b: {  	_ =	shalt  }
0x5c: {  	_ =	shalt  }
0x5d: {  	_ =	shalt  }
0x5e: {  	_ =	shalt  }
0x5f: {  	_ =	shalt  }
0x60: {  	_ =	shalt  }
0x61: {  	_ =	shalt  }
0x62: {  	_ =	shalt  }
0x63: {  	_ =	shalt  }
0x64: {  	_ =	shalt  }
0x65: {  	_ =	shalt  }
0x66: {  	_ =	shalt  }
0x67: {  	_ =	shalt  }
0x68: {  	_ =	shalt  }
0x69: {  	_ =	shalt  }
0x6a: {  	_ =	shalt  }
0x6b: {  	_ =	shalt  }
0x6c: {  	_ =	shalt  }
0x6d: {  	_ =	shalt  }
0x6e: {  	_ =	shalt  }
0x6f: {  	_ =	shalt  }
0x70: {  	_ =	shalt  }
0x71: {  	_ =	shalt  }
0x72: {  	_ =	shalt  }
0x73: {  	_ =	shalt  }
0x74: {  	_ =	shalt  }
0x75: {  	_ =	shalt  }
0x76: {  	_ =	shalt  }
0x77: {  	_ =	shalt  }
0x78: {  	_ =	shalt  }
0x79: {  	_ =	shalt  }
0x7a: {  	_ =	shalt  }
0x7b: {  	_ =	shalt  }
0x7c: {  	_ =	shalt  }
0x7d: {  	_ =	shalt  }
0x7e: {  	_ =	shalt  }
0x7f: {  	_ =	shalt  }
0x80: {  	_ =	shalt  }
0x81: {  	_ =	shalt  }
0x82: {  	_ =	shalt  }
0x83: {  	_ =	shalt  }
0x84: {  	_ =	shalt  }
0x85: {  	_ =	shalt  }
0x86: {  	_ =	shalt  }
0x87: {  	_ =	shalt  }
.Lfunc_end0:
.L_simem_size_0:
called_computation_lowered:
.L_overlay_start_0:
0x88: {  	s2 =	sld [smem:$0x3FD9]  }
0x89: {  	s3 =	sld [smem:$0x3FFE];
	_ =	sdelay $0x1  }
0x8a: {  	s1 =	srdreg.scid  }
0x8b: {  	s0 =	sand.u32 $0x1, s1  }
0x8c: {  	s16 =	sshll.u32 s0, $0xA;
	s2 =	sadd.s32 s3, s2  }
0x8d: {  	s2 =	sadd.s32 s2, s16  }
0x8e: {  	[smem:$0x3FC6] =	sst s2  }
0x8f: {  	_ = 	snop  }
0x90: {  	(tm) =	ssettm $0x1  }
0x91: {  	s17 =	sld [smem:$0x3FFB];
	_ =	sdelay $0x3  }
0x92: {  	_ =	strace s17  }
0x93: {  	s2 =	sld [smem:$0x3FFC];
	_ =	sdelay $0x3  }
0x94: {  	_ =	strace s2  }
0x95: {  	s2 =	sld [smem:$0x3FFD];
	_ =	sdelay $0x3  }
0x96: {  	_ =	strace s2  }
0x97: {  	_ =	strace $0x8FFFFFFF  }
0x98: {  	s18 =	sld [smem:$0x3FDB];
	_ =	sdelay $0x1  }
0x99: {  	s19 =	simm.s32 $_scs_section_size  }
0x9a: {  	s4 =	simm.s32 $_size__tile_overlayer_lowered;
	s5 =	simm.s32 $_tile_overlayer_lowered  }
0x9b: {  	s22 =	simm.s32 $0x1BFF;
	s21 =	sshll.u32 s5, $0x1;
	s2 =	sadd.s32 s19, s18  }
0x9c: {  	s6 =	simm.s32 $0x0;
	s20 =	sshll.u32 s4, $0x1;
	s4 =	sadd.s32 s21, s2  }
0x9d: {  	[timem:s6], [sflag:s22] =	dma.local [hbm:s4], s20  }
0x9e: {  	_ =	swait.ge [sflag:s22], s20  }
0x9f: {  	s3 =	ssub.s32 $0x0, s20;
	[sflag:s22] =	ssyncset.done $0x0  }
0xa0: {  	[sflag:s22] =	ssyncadd.s32 s3;
	_ =	sdelay $0x1  }
0xa1: {  	s23 =	simm.s32 $0x1B8B  }
0xa2: {  	_ =	swait.ge [sflag:s23], $0x1  }
0xa3: {  	[sflag:s23] =	ssyncset.done $0x0  }
0xa4: {  	s25 =	simm.s32 $0x1B8E;
	s24 =	sld [smem:$0x3FFE];
	[sflag:s23] =	ssyncadd.s32 $0xFFFFFFFF  }
0xa5: {  	s26 =	simm.s32 $execute0_lowered;
	[smem:$0x3FD2] =	sst s25  }
0xa6: {  	s4 =	sshll.u32 s26, $0x1;
	_ =	strace $0x80000046;
	[dreg:$0x1] =	wrdreg $0xFFFFFFFF  }
0xa7: {  	s28 =	simm.s32 $_size_execute0_lowered;
	s2 =	sadd.s32 s2, s4;
	[dreg:$0x0] =	wrdreg $0x0  }
0xa8: {  	s4 =	sshll.u32 s28, $0x1;
	[dreg:$0x2] =	wrdreg s2  }
0xa9: {  	[dreg:$0x3] =	wrdreg s4  }
0xaa: {  	[dreg:$0x4] =	wrdreg $0xC0  }
0xab: {  	_ =	task [dreg:s6], $0x5FFFF  }
0xac: {  	[dreg:$0x1] =	wrdreg $0xFFFFFFFF  }
0xad: {  	[dreg:$0x0] =	wrdreg $0x60  }
0xae: {  	[dreg:$0x2] =	wrdreg s24  }
0xaf: {  	[dreg:$0x3] =	wrdreg $0x9  }
0xb0: {  	_ =	task.clear_ibuf [dreg:s6], $0x4FFFF;
	_ =	strace $0x90000046  }
0xb1: {  	s29 =	simm.s32 $0x9;
	_ =	strace $0x80000048  }
0xb2: {  	_ =	swait.ge [sflag:s29], $0x1  }
0xb3: {  	[sflag:s29] =	ssyncadd.s32 $0xFFFFFFFF  }
0xb4: {  	_ =	strace $0x90000048  }
0xb5: {  	_ =	sfence  }
0xb6: {  	s30 =	sld [smem:$0x0];
	_ =	sdelay $0x2  }
0xb7: {  	s31 =	sshll.u32 s1, $0xD;
	s1 =	sshrl.u32 s1, $0x2  }
0xb8: {  	s3 =	sand.u32 $0x4000, s31;
	s1 =	sadd.s32 s1, s30  }
0xb9: {  	s0 =	sor.u32 s3, s0;
	s1 =	sshll.u32 s1, $0x11  }
0xba: {  	s0 =	sor.u32 s1, s0  }
0xbb: {  	s0 =	sadd.s32 $0x8F2B, s0  }
0xbc: {  	[sflag:s0] =	ssyncadd.remote.s32 $0x1  }
0xbd: {  	_ =	sfence.sel $0xFFFF  }
0xbe: {  	[dreg:$0x0] =	wrdreg $0xFFFFFFFF;
	(pc) =	sbr.abs _section_cstart, $3  }
0xbf: {  	[dreg:$0x1] =	wrdreg $0xFFFFFFFF  }
0xc0: {  	_ =	task.clear_ibuf [dreg:s6], $0x2FFFF;
	_ =	strace $0x9FFFFFFF  }
0xc1: {  	(tm) =	ssettm $0x7FFFFFFF  }
tec
execute0_lowered:
.L_overlay_start_1:
0x0: {  	(tag) =	ssettag $0x1  }
0x1: {  	s0 =	srdreg.scid;
	s1 =	stileid.u32;
	vm0 =	vcmask $0xB08;
	vm1 =	vcmask $0x1310;
	vm2 =	vcmask $0x1B18  }
0x2: {  	vm3 =	vcmask $0x300;
	vm4 =	vcmask $0x2320;
	vm5 =	vcmask $0x2B28;
	s0 =	sand.u32 $0x1, s0;
	s1 =	sshll.u32 s1, $0x1  }
0x3: {  	vm6 =	vcmask $0x3330;
	vm7 =	vcmask $0x3B38;
	vm8 =	vmmov $0xff;
	s2 =	sor.u32 s0, s1  }
0x4: {  	vm9 =	vcmask $0x704;
	vm10 =	vcmask $0xF0C;
	vm11 =	vcmask $0x1714;
	s1 =	sshll.u32 s2, $0x9  }
0x5: {  	vm12 =	vcmask $0x1F1C;
	vm13 =	vcmask $0x2724;
	v0 =	vmov s1  }
0x6: {  	vm14 =	vcmask $0x2F2C;
	vm15 =	vcmask $0x3734;
	s3 =	sor.u32 $0x10, s1;
	s4 =	sor.u32 $0x20, s1;
	s16 =	sor.u32 $0x30, s1;
	v0 =	vmul.u32 $0x3E8, v0  }
0x7: {  	s17 =	sor.u32 $0x40, s1;
	s18 =	sor.u32 $0x50, s1;
	s19 =	sor.u32 $0x60, s1;
	v3 =	vmov s3;
	v4 =	vmov s4;
	v5 =	vmov s16  }
0x8: {  	s20 =	sor.u32 $0x70, s1;
	s21 =	sor.u32 $0x80, s1;
	s22 =	sor.u32 $0x90, s1;
	v45 =	vmov s17;
	v6 =	vmov s18;
	v49 =	vmov s19  }
0x9: {  	s23 =	sor.u32 $0xA0, s1;
	s24 =	sor.u32 $0xB0, s1;
	s25 =	sor.u32 $0xC0, s1;
	v50 =	vmov s20;
	v51 =	vmov s21;
	v7 =	vmov s22  }
0xa: {  	s26 =	sor.u32 $0xD0, s1;
	s28 =	sor.u32 $0xE0, s1;
	s29 =	sor.u32 $0xF0, s1;
	v57 =	vmov s23;
	v61 =	vmov s24;
	v62 =	vmov s25  }
0xb: {  	s30 =	sor.u32 $0x100, s1;
	s31 =	sor.u32 $0x110, s1;
	s5 =	sor.u32 $0x130, s1;
	v63 =	vmov s26;
	v9 =	vmov s28;
	v10 =	vmov s29  }
0xc: {  	s6 =	sor.u32 $0x140, s1;
	s7 =	sor.u32 $0x150, s1;
	s8 =	sor.u32 $0x160, s1;
	v32 =	vmov s30;
	v34 =	vmov s31;
	v36 =	vmov s5  }
0xd: {  	v37 =	vmov s6;
	v38 =	vmov s7;
	v43 =	vmov s8  }
0xe: {  	v3 =	vmul.u32 $0x3E8, v3;
	v4 =	vmul.u32 $0x3E8, v4;
	v44 =	vmul.u32 $0x3E8, v5  }
0xf: {  	v5 =	vmul.u32 $0x3E8, v45;
	v47 =	vmul.u32 $0x3E8, v6;
	v52 =	vmul.u32 $0x3E8, v51  }
0x10: {  	v53 =	vmul.u32 $0x3E8, v7;
	v2 =	vbroadcast v0, $0x0;
	v0 =	vlaneseq.u32  }
0x11: {  	v59 =	vmul.u32 $0x3E8, v57;
	v6 =	vmul.u32 $0x3E8, v9;
	v1 =	vmul.u32 $0x3E8, v0  }
0x12: {  	s4 =	sor.u32 $0x120, s1;
	v7 =	vmul.u32 $0x3E8, v10;
	v33 =	vmul.u32 $0x3E8, v32;
	v3 =	vbroadcast v3, $0x0  }
0x13: {  	s9 =	sor.u32 $0x170, s1;
	s10 =	sor.u32 $0x180, s1;
	s11 =	sor.u32 $0x190, s1;
	v35 =	vmov s4;
	v4 =	vbroadcast v4, $0x0;
	v2 =	vadd.s32 v1, v2  }
0x14: {  	s12 =	sor.u32 $0x1A0, s1;
	s14 =	sor.u32 $0x1B0, s1;
	s15 =	sor.u32 $0x1C0, s1;
	v40 =	vmul.u32 $0x3E8, v38;
	v56 =	vbroadcast v53, $0x0;
	v3 =	vadd.s32 v1, v3;
	[tilespmem:$0x1FED0] =	vst v2  }
0x15: {  	s17 =	sor.u32 $0x1D0, s1;
	s18 =	sor.u32 $0x1E0, s1;
	s1 =	sor.u32 $0x1F0, s1;
	v45 =	vmov s10;
	v12 =	vbroadcast v6, $0x0;
	v46 =	vadd.s32 v1, v4;
	[tilespmem:$0x1FEE0] =	vst v3  }
0x16: {  	v57 =	vmov s1;
	v60 =	vadd.s32 v1, v56;
	v2 =	vbroadcast v44, $0x0;
	[tilespmem:$0x1FEF0] =	vst v46  }
0x17: {  	v48 =	vbroadcast v5, $0x0;
	v4 =	vmul.u32 $0x3E8, v49;
	v15 =	vadd.s32 v1, v12;
	[tilespmem:$0x1FF60] =	vst v60  }
0x18: {  	v5 =	vmul.u32 $0x3E8, v50;
	v3 =	vbroadcast v47, $0x0;
	[tilespmem:$0x1FFB0] =	vst v15;
	v2 =	vadd.s32 v1, v2  }
0x19: {  	v14 =	vbroadcast v7, $0x0;
	v54 =	vbroadcast v4, $0x0;
	[tilespmem:$0x1FF00] =	vst v2;
	v2 =	vadd.s32 v1, v48  }
0x1a: {  	v4 =	vmul.u32 $0x3E8, v62;
	v3 =	vadd.s32 v1, v3;
	[tilespmem:$0x1FF10] =	vst v2;
	v2 =	vbroadcast v52, $0x0  }
0x1b: {  	v55 =	vbroadcast v5, $0x0;
	v5 =	vmul.u32 $0x3E8, v63;
	[tilespmem:$0x1FF20] =	vst v3;
	v3 =	vadd.s32 v1, v54  }
0x1c: {  	v4 =	vbroadcast v4, $0x0;
	[tilespmem:$0x1FF30] =	vst v3;
	v3 =	vbroadcast v59, $0x0;
	v2 =	vadd.s32 v1, v2  }
0x1d: {  	v58 =	vadd.s32 v1, v55;
	v11 =	vbroadcast v5, $0x0;
	[tilespmem:$0x1FF50] =	vst v2;
	v2 =	vmul.u32 $0x3E8, v61  }
0x1e: {  	v6 =	vmul.u32 $0x3E8, v37;
	[tilespmem:$0x1FF40] =	vst v58;
	v13 =	vadd.s32 v1, v4;
	v3 =	vadd.s32 v1, v3  }
0x1f: {  	v4 =	vmul.u32 $0x3E8, v35;
	[tilespmem:$0x1FF70] =	vst v3;
	v3 =	vadd.s32 v1, v11;
	v2 =	vbroadcast v2, $0x0  }
0x20: {  	v42 =	vbroadcast v40, $0x0;
	v7 =	vmul.u32 $0x3E8, v57;
	[tilespmem:$0x1FFA0] =	vst v3;
	v3 =	vmul.u32 $0x3E8, v34  }
0x21: {  	v39 =	vbroadcast v6, $0x0;
	[tilespmem:$0x1FF90] =	vst v13;
	v4 =	vbroadcast v4, $0x0;
	v2 =	vadd.s32 v1, v2  }
0x22: {  	v21 =	vadd.s32 v1, v42;
	v3 =	vbroadcast v3, $0x0;
	[tilespmem:$0x1FF80] =	vst v2;
	v2 =	vadd.s32 v1, v14  }
0x23: {  	v49 =	vmov s12;
	v41 =	vadd.s32 v1, v4;
	[tilespmem:$0x1FFC0] =	vst v2;
	v2 =	vbroadcast v33, $0x0  }
0x24: {  	s13 =	rddreg [dreg:$0x0];
	v56 =	vmov s18;
	v44 =	vmov s9;
	[tilespmem:$0x1FFF0] =	vst v41;
	v3 =	vadd.s32 v1, v3  }
0x25: {  	s5 =	simm.s32 $0x0;
	s16 =	sshll.u32 s2, $0x4;
	s2 =	sshll.u32 s2, $0x6;
	v46 =	vmov s11;
	v5 =	vmul.u32 $0x3E8, v36;
	[tilespmem:$0x1FFE0] =	vst v3;
	v2 =	vadd.s32 v1, v2  }
0x26: {  	[smem:$0x7FF] =	sst s5;
	s5 =	sadd.s32 s16, s13;
	s2 =	sadd.s32 s13, s2;
	v51 =	vmul.u32 $0x3E8, v49;
	v6 =	vmul.u32 $0x3E8, v56;
	v20 =	vadd.s32 v1, v39;
	[tilespmem:$0x1FFD0] =	vst v2  }
0x27: {  	s19 =	sadd.s32 $0xA00, s5;
	v55 =	vmov s17;
	v62 =	vimm.s32 $0xECA86420;
	v5 =	vbroadcast v5, $0x0;
	_ =	strace $0x80000047;
	[dreg:$0x2] =	wrdreg s2  }
0x28: {  	s20 =	simm.s32 $0x200;
	v53 =	vbroadcast v51, $0x0;
	v60 =	vbroadcast v6, $0x0;
	v63 =	vunpack.c.l.s4.s8 v62;
	[dreg:$0xb] =	wrdreg s19  }
0x29: {  	s21 =	simm.s32 $0x400;
	v19 =	vadd.s32 v1, v5;
	v5 =	vmul.u32 $0x3E8, v45;
	v4 =	vmul.u32 $0x3E8, v44;
	[dreg:$0x4] =	wrdreg s20  }
0x2a: {  	s23 =	sadd.s32 $0x800, s13;
	v48 =	vmul.u32 $0x3E8, v46;
	v54 =	vmov s15;
	v52 =	vmov s14;
	[dreg:$0x3] =	wrdreg s21  }
0x2b: {  	s22 =	simm.s32 $0x280;
	v26 =	vadd.s32 v1, v53;
	v5 =	vbroadcast v5, $0x0;
	v4 =	vbroadcast v4, $0x0;
	[dreg:$0xd] =	wrdreg s23  }
0x2c: {  	s24 =	simm.s32 $0x480;
	v30 =	vadd.s32 v1, v60;
	v50 =	vbroadcast v48, $0x0;
	v3 =	vmul.u32 $0x3E8, v43;
	[dreg:$0x6] =	wrdreg s22  }
0x2d: {  	s25 =	simm.s32 $0x300;
	v24 =	vadd.s32 v1, v5;
	v5 =	vmul.u32 $0x3E8, v55;
	v23 =	vadd.s32 v1, v4;
	[dreg:$0x5] =	wrdreg s24  }
0x2e: {  	s28 =	simm.s32 $0x500;
	v4 =	vmul.u32 $0x3E8, v52;
	v47 =	vbroadcast v3, $0x0;
	v3 =	vmul.u32 $0x3E8, v54;
	[dreg:$0x8] =	wrdreg s25  }
0x2f: {  	s0 =	ssub.s32 $0x2, s0;
	s29 =	simm.s32 $0x380;
	v32 =	vunpack.c.0.s8.s32 v63;
	v61 =	vbroadcast v7, $0x0;
	v59 =	vbroadcast v5, $0x0;
	[dreg:$0x7] =	wrdreg s28  }
0x30: {  	s26 =	sshrl.u32 s0, $0x1;
	s30 =	simm.s32 $0x580;
	v25 =	vadd.s32 v1, v50;
	v4 =	vbroadcast v4, $0x0;
	v58 =	vbroadcast v3, $0x0;
	[dreg:$0xa] =	wrdreg s29  }
0x31: {  	s31 =	simm.s32 $0x600;
	s0 =	ssub.s32 s0, s26;
	v31 =	vadd.s32 v1, v61;
	v29 =	vadd.s32 v1, v59;
	v33 =	vmul.u32 $0x2, v0;
	[dreg:$0x9] =	wrdreg s30  }
0x32: {  	v22 =	vadd.s32 v1, v47;
	v27 =	vadd.s32 v1, v4;
	s2 =	smax.u32 s0, $0x1;
	[dreg:$0xc] =	wrdreg s31;
	v28 =	vadd.s32 v1, v58  }
.LBB2_1:
0x33: {  	[dreg:$0xe] =	wrdreg s2  }
0x34: {  	s0 =	rddreg [dreg:$0x2];
	s1 =	simm.s32 $0x0;
	s24 =	simm.s32 $0x2  }
0x35: {  	[tilespmem:s1], [sflag:$0x2] =	stream.linear.gather [hbm4b:s0+s1], $0x200, $0x38;
	[tilespmem:$0x680] =	vst v63  }
0x36: {  	_ =	swait.ge [sflag:s24], $0x200  }
0x37: {  	[sflag:s24] =	ssyncset.done $0x0  }
0x38: {  	v1 =	vld [tilespmem:$0x1FED0];
	[sflag:s24] =	ssyncadd.s32 $0xFFFFFE00  }
0x39: {  	v0 =	vld [tilespmem:$0x0];
	_ =	sdelay $0x4  }
0x3a: {  	v35 =	vadd.s32 v0, v1  }
0x3b: {  	(v2sf) =	vpush v35, $0xD;
	_ =	sdelay $0x1  }
0x3c: {  	(v2sf) =	vpush v35, $0xC;
	_ =	sdelay $0x1  }
0x3d: {  	(v2sf) =	vpush v35, $0xE;
	_ =	sdelay $0x1  }
0x3e: {  	(v2sf) =	vpush v35, $0xF;
	_ =	sdelay $0x1  }
0x3f: {  	(v2sf) =	vpush v35, $0x9  }
0x40: {  	(v2sf) =	vpush v35, $0x8  }
0x41: {  	(v2sf) =	vpush v35, $0xA;
	_ =	sdelay $0x1  }
0x42: {  	(v2sf) =	vpush v35, $0xB;
	_ =	sdelay $0x2  }
0x43: {  	s25 =	spop (v2sf);
	(v2sf) =	vpush v35, $0x0  }
0x44: {  	s26 =	smulhi.u32 $0x10624DD3, s25;
	s0 =	sshra.s32 s25, $0x1F  }
0x45: {  	s28 =	spop (v2sf);
	(v2sf) =	vpush v35, $0x1;
	s3 =	smul.u32 $0x10624DD3, s0  }
0x46: {  	s18 =	smulhi.u32 $0x10624DD3, s28;
	s0 =	sshra.s32 s28, $0x1F;
	(v2sf) =	vpush v35, $0x2  }
0x47: {  	s29 =	spop (v2sf);
	s8 =	smul.u32 $0x10624DD3, s0  }
0x48: {  	s19 =	smulhi.u32 $0x10624DD3, s29;
	s0 =	sshra.s32 s29, $0x1F;
	(v2sf) =	vpush v35, $0x3  }
0x49: {  	s30 =	spop (v2sf);
	s12 =	smul.u32 $0x10624DD3, s0  }
0x4a: {  	s20 =	smulhi.u32 $0x10624DD3, s30;
	s0 =	sshra.s32 s30, $0x1F;
	(v2sf) =	vpush v35, $0x4  }
0x4b: {  	v47 =	vld [tilespmem:$0x1FEE0];
	s31 =	spop (v2sf);
	s6 =	smul.u32 $0x10624DD3, s0  }
0x4c: {  	v46 =	vld [tilespmem:$0x10];
	s21 =	smulhi.u32 $0x10624DD3, s31;
	s0 =	sshra.s32 s31, $0x1F;
	s1 =	spop (v2sf);
	(v2sf) =	vpush v35, $0x5  }
0x4d: {  	s9 =	smul.u32 $0x10624DD3, s0;
	s2 =	spop (v2sf);
	(v2sf) =	vpush v35, $0x6  }
0x4e: {  	s22 =	smulhi.u32 $0x10624DD3, s1;
	s0 =	sshra.s32 s1, $0x1F  }
0x4f: {  	s7 =	smul.u32 $0x10624DD3, s0;
	s4 =	spop (v2sf);
	(v2sf) =	vpush v35, $0x7  }
0x50: {  	s23 =	smulhi.u32 $0x10624DD3, s2;
	s0 =	sshra.s32 s2, $0x1F  }
0x51: {  	v36 =	vadd.s32 v46, v47;
	s25 =	smul.u32 $0x10624DD3, s0  }
0x52: {  	s24 =	smulhi.u32 $0x10624DD3, s4;
	s0 =	sshra.s32 s4, $0x1F;
	s5 =	spop (v2sf);
	(v2sf) =	vpush v36, $0xD  }
0x53: {  	[smem:$0x516] =	sst s26;
	s26 =	smul.u32 $0x10624DD3, s0  }
0x54: {  	s28 =	smulhi.u32 $0x10624DD3, s5;
	s10 =	spop (v2sf)  }
0x55: {  	(v2sf) =	vpush v36, $0xC;
	s29 =	smulhi.u32 $0x10624DD3, s10;
	s11 =	spop (v2sf)  }
0x56: {  	s30 =	smulhi.u32 $0x10624DD3, s11;
	s2 =	sshra.s32 s11, $0x1F  }
0x57: {  	s4 =	spop (v2sf);
	s11 =	smul.u32 $0x10624DD3, s2  }
0x58: {  	(v2sf) =	vpush v36, $0xE;
	s31 =	smulhi.u32 $0x10624DD3, s4;
	s4 =	sshra.s32 s4, $0x1F  }
0x59: {  	s13 =	spop (v2sf);
	s16 =	smul.u32 $0x10624DD3, s4  }
0x5a: {  	s14 =	smulhi.u32 $0x10624DD3, s13;
	s4 =	sshra.s32 s13, $0x1F  }
0x5b: {  	(v2sf) =	vpush v36, $0xF;
	s15 =	spop (v2sf);
	s13 =	smul.u32 $0x10624DD3, s4  }
0x5c: {  	s0 =	sshra.s32 s5, $0x1F;
	s17 =	smulhi.u32 $0x10624DD3, s15;
	s5 =	spop (v2sf)  }
0x5d: {  	s4 =	sshra.s32 s15, $0x1F;
	s15 =	smulhi.u32 $0x10624DD3, s5;
	s5 =	sshra.s32 s5, $0x1F  }
0x5e: {  	s1 =	sshra.s32 s10, $0x1F;
	(v2sf) =	vpush v36, $0x9;
	s10 =	spop (v2sf);
	s2 =	smul.u32 $0x10624DD3, s5  }
0x5f: {  	s5 =	smulhi.u32 $0x10624DD3, s10;
	s10 =	sshra.s32 s10, $0x1F  }
0x60: {  	[smem:$0x518] =	sst s17;
	s10 =	smul.u32 $0x10624DD3, s10  }
0x61: {  	s8 =	sadd.s32 s8, s18;
	(v2sf) =	vpush v36, $0x8;
	[smem:$0x519] =	sst s5;
	s17 =	spop (v2sf)  }
0x62: {  	[smem:$0x51A] =	sst s10;
	s5 =	smulhi.u32 $0x10624DD3, s17;
	s10 =	sshra.s32 s17, $0x1F  }
0x63: {  	[smem:$0x543] =	sst s8;
	s10 =	smul.u32 $0x10624DD3, s10  }
0x64: {  	s18 =	sadd.s32 s12, s19;
	(v2sf) =	vpush v36, $0xA;
	s17 =	spop (v2sf);
	[smem:$0x51B] =	sst s5  }
0x65: {  	s5 =	smulhi.u32 $0x10624DD3, s17;
	[smem:$0x51C] =	sst s10;
	s10 =	sshra.s32 s17, $0x1F  }
0x66: {  	[smem:$0x544] =	sst s18;
	s10 =	smul.u32 $0x10624DD3, s10  }
0x67: {  	s6 =	sadd.s32 s6, s20;
	(v2sf) =	vpush v36, $0xB;
	s17 =	spop (v2sf);
	[smem:$0x51D] =	sst s5  }
0x68: {  	s5 =	smulhi.u32 $0x10624DD3, s17;
	[smem:$0x51E] =	sst s10;
	s10 =	sshra.s32 s17, $0x1F  }
0x69: {  	[smem:$0x545] =	sst s6;
	s10 =	smul.u32 $0x10624DD3, s10  }
0x6a: {  	s12 =	sadd.s32 s9, s21;
	(v2sf) =	vpush v36, $0x0;
	[smem:$0x51F] =	sst s5;
	s17 =	spop (v2sf)  }
0x6b: {  	s5 =	smulhi.u32 $0x10624DD3, s17;
	[smem:$0x520] =	sst s10;
	s10 =	sshra.s32 s17, $0x1F  }
0x6c: {  	[smem:$0x546] =	sst s12;
	(v2sf) =	vpush v36, $0x1;
	s10 =	smul.u32 $0x10624DD3, s10  }
0x6d: {  	s18 =	sadd.s32 s7, s22;
	[smem:$0x521] =	sst s5;
	s17 =	spop (v2sf)  }
0x6e: {  	s5 =	smulhi.u32 $0x10624DD3, s17;
	[smem:$0x522] =	sst s10;
	s10 =	sshra.s32 s17, $0x1F  }
0x6f: {  	[smem:$0x547] =	sst s18;
	s10 =	smul.u32 $0x10624DD3, s10  }
0x70: {  	s20 =	sadd.s32 s25, s23;
	(v2sf) =	vpush v36, $0x2;
	[smem:$0x523] =	sst s5;
	s17 =	spop (v2sf)  }
0x71: {  	s5 =	smulhi.u32 $0x10624DD3, s17;
	[smem:$0x524] =	sst s10;
	s10 =	sshra.s32 s17, $0x1F  }
0x72: {  	[smem:$0x548] =	sst s20;
	(v2sf) =	vpush v36, $0x3;
	s10 =	smul.u32 $0x10624DD3, s10  }
0x73: {  	s22 =	sadd.s32 s26, s24;
	[smem:$0x525] =	sst s5;
	s17 =	spop (v2sf)  }
0x74: {  	s5 =	smulhi.u32 $0x10624DD3, s17;
	[smem:$0x526] =	sst s10;
	s10 =	sshra.s32 s17, $0x1F  }
0x75: {  	[smem:$0x549] =	sst s22;
	s10 =	smul.u32 $0x10624DD3, s10  }
0x76: {  	(v2sf) =	vpush v36, $0x4;
	[smem:$0x527] =	sst s5;
	s17 =	spop (v2sf)  }
0x77: {  	s5 =	smulhi.u32 $0x10624DD3, s17;
	[smem:$0x528] =	sst s10;
	s10 =	sshra.s32 s17, $0x1F  }
0x78: {  	[smem:$0x517] =	sst s14;
	s10 =	smul.u32 $0x10624DD3, s10  }
0x79: {  	[smem:$0x529] =	sst s5;
	s17 =	spop (v2sf)  }
0x7a: {  	(v2sf) =	vpush v36, $0x5;
	s5 =	smulhi.u32 $0x10624DD3, s17;
	[smem:$0x52A] =	sst s10;
	s10 =	sshra.s32 s17, $0x1F  }
0x7b: {  	s17 =	spop (v2sf);
	s10 =	smul.u32 $0x10624DD3, s10  }
0x7c: {  	[smem:$0x52B] =	sst s5;
	s5 =	smulhi.u32 $0x10624DD3, s17  }
0x7d: {  	[smem:$0x52C] =	sst s10  }
0x7e: {  	v49 =	vld [tilespmem:$0x1FEF0];
	s14 =	smul.u32 $0x10624DD3, s4;
	[smem:$0x52D] =	sst s5;
	s10 =	sshra.s32 s17, $0x1F  }
0x7f: {  	v48 =	vld [tilespmem:$0x20];
	s5 =	smul.u32 $0x10624DD3, s10;
	s10 =	spop (v2sf)  }
0x80: {  	s7 =	sld [smem:$0x518];
	(v2sf) =	vpush v36, $0x6;
	s17 =	smulhi.u32 $0x10624DD3, s10;
	s10 =	sshra.s32 s10, $0x1F  }
0x81: {  	s9 =	sadd.s32 s2, s15;
	s4 =	smul.u32 $0x10624DD3, s10;
	s10 =	spop (v2sf)  }
0x82: {  	[smem:$0x52E] =	sst s17;
	s17 =	smulhi.u32 $0x10624DD3, s10;
	s10 =	sshra.s32 s10, $0x1F  }
0x83: {  	[smem:$0x54B] =	sst s9;
	(v2sf) =	vpush v36, $0x7;
	s10 =	smul.u32 $0x10624DD3, s10  }
0x84: {  	v37 =	vadd.s32 v48, v49;
	s15 =	sld [smem:$0x51D]  }
0x85: {  	(v2sf) =	vpush v37, $0xD;
	[smem:$0x530] =	sst s10;
	s10 =	spop (v2sf)  }
0x86: {  	[smem:$0x52F] =	sst s17;
	s17 =	smulhi.u32 $0x10624DD3, s10;
	s10 =	sshra.s32 s10, $0x1F  }
0x87: {  	s20 =	sld [smem:$0x51F];
	(v2sf) =	vpush v37, $0xC;
	s10 =	smul.u32 $0x10624DD3, s10  }
0x88: {  	s22 =	sld [smem:$0x520]  }
0x89: {  	(v2sf) =	vpush v37, $0xE;
	[smem:$0x532] =	sst s10;
	s10 =	spop (v2sf)  }
0x8a: {  	[smem:$0x531] =	sst s17;
	s17 =	smulhi.u32 $0x10624DD3, s10  }
0x8b: {  	s9 =	sld [smem:$0x524]  }
0x8c: {  	s0 =	smul.u32 $0x10624DD3, s0;
	s10 =	sshra.s32 s10, $0x1F;
	[smem:$0x533] =	sst s17  }
0x8d: {  	(v2sf) =	vpush v37, $0xF;
	s10 =	smul.u32 $0x10624DD3, s10;
	s17 =	sld [smem:$0x516]  }
0x8e: {  	s1 =	smul.u32 $0x10624DD3, s1;
	s2 =	sld [smem:$0x52A]  }
0x8f: {  	(v2sf) =	vpush v37, $0x9;
	[smem:$0x534] =	sst s10;
	s10 =	spop (v2sf)  }
0x90: {  	s3 =	sadd.s32 s3, s17;
	s17 =	smulhi.u32 $0x10624DD3, s10;
	s10 =	sshra.s32 s10, $0x1F  }
0x91: {  	[smem:$0x542] =	sst s3;
	s3 =	smul.u32 $0x10624DD3, s10  }
0x92: {  	[smem:$0x535] =	sst s17;
	s17 =	spop (v2sf)  }
0x93: {  	[smem:$0x536] =	sst s3;
	s19 =	smulhi.u32 $0x10624DD3, s17;
	s3 =	sshra.s32 s17, $0x1F  }
0x94: {  	s10 =	spop (v2sf);
	s3 =	smul.u32 $0x10624DD3, s3  }
0x95: {  	s17 =	smulhi.u32 $0x10624DD3, s10;
	[smem:$0x537] =	sst s19  }
0x96: {  	s19 =	spop (v2sf);
	[smem:$0x538] =	sst s3  }
0x97: {  	[smem:$0x539] =	sst s17;
	s3 =	sshra.s32 s10, $0x1F;
	s21 =	smulhi.u32 $0x10624DD3, s19  }
0x98: {  	s23 =	spop (v2sf);
	s17 =	sadd.s32 s0, s28;
	s10 =	sld [smem:$0x519]  }
0x99: {  	(v2sf) =	vpush v37, $0x8;
	s0 =	sadd.s32 s14, s7;
	s14 =	sld [smem:$0x51C];
	s3 =	smul.u32 $0x10624DD3, s3  }
0x9a: {  	s24 =	smulhi.u32 $0x10624DD3, s23;
	[smem:$0x54A] =	sst s0  }
0x9b: {  	s25 =	sshra.s32 s23, $0x1F;
	s23 =	sadd.s32 s11, s30;
	s11 =	sld [smem:$0x51A]  }
0x9c: {  	(v2sf) =	vpush v37, $0xA;
	s28 =	spop (v2sf);
	[smem:$0x53B] =	sst s21  }
0x9d: {  	s26 =	smul.u32 $0x10624DD3, s25;
	s25 =	sadd.s32 s16, s31;
	s16 =	sld [smem:$0x51E]  }
0x9e: {  	(v2sf) =	vpush v37, $0xB;
	s31 =	spop (v2sf);
	[smem:$0x53A] =	sst s3  }
0x9f: {  	s3 =	sshra.s32 s19, $0x1F;
	s19 =	sadd.s32 s1, s29;
	s29 =	smulhi.u32 $0x10624DD3, s28  }
0xa0: {  	(v2sf) =	vpush v37, $0x0;
	[smem:$0x53D] =	sst s24;
	s1 =	sshra.s32 s28, $0x1F;
	s6 =	smulhi.u32 $0x10624DD3, s31  }
0xa1: {  	[smem:$0x53E] =	sst s26;
	s30 =	smul.u32 $0x10624DD3, s1  }
0xa2: {  	s1 =	sshra.s32 s31, $0x1F;
	s31 =	sadd.s32 s11, s10;
	s10 =	sld [smem:$0x525]  }
0xa3: {  	s11 =	sld [smem:$0x526]  }
0xa4: {  	s3 =	smul.u32 $0x10624DD3, s3;
	[smem:$0x53F] =	sst s29  }
0xa5: {  	[smem:$0x541] =	sst s6  }
0xa6: {  	[smem:$0x53C] =	sst s3  }
0xa7: {  	s3 =	sld [smem:$0x517]  }
0xa8: {  	s8 =	spop (v2sf);
	s6 =	sld [smem:$0x522]  }
0xa9: {  	s29 =	smul.u32 $0x10624DD3, s1;
	[smem:$0x540] =	sst s30  }
0xaa: {  	(v2sf) =	vpush v37, $0x1;
	s30 =	smulhi.u32 $0x10624DD3, s8;
	s28 =	sadd.s32 s13, s3;
	s13 =	sld [smem:$0x51B]  }
0xab: {  	s1 =	sshra.s32 s8, $0x1F;
	s8 =	sld [smem:$0x523];
	s12 =	spop (v2sf)  }
0xac: {  	(v2sf) =	vpush v37, $0x2;
	s26 =	smul.u32 $0x10624DD3, s1;
	s1 =	sshra.s32 s12, $0x1F;
	s3 =	sld [smem:$0x521]  }
0xad: {  	(v2sf) =	vpush v37, $0x3;
	s18 =	spop (v2sf);
	s0 =	sadd.s32 s14, s13;
	s13 =	sld [smem:$0x527]  }
0xae: {  	s21 =	smul.u32 $0x10624DD3, s1;
	s1 =	sshra.s32 s18, $0x1F;
	[smem:$0x54C] =	sst s0  }
0xaf: {  	s7 =	spop (v2sf);
	s0 =	sadd.s32 s16, s15;
	s16 =	sld [smem:$0x528]  }
0xb0: {  	[smem:$0x54D] =	sst s0;
	s0 =	sadd.s32 s22, s20;
	s22 =	smulhi.u32 $0x10624DD3, s18  }
0xb1: {  	s20 =	smul.u32 $0x10624DD3, s1;
	s1 =	sld [smem:$0x529]  }
0xb2: {  	s15 =	sshra.s32 s7, $0x1F;
	s18 =	smulhi.u32 $0x10624DD3, s7;
	s7 =	sld [smem:$0x52C]  }
0xb3: {  	[smem:$0x54E] =	sst s0  }
0xb4: {  	(v2sf) =	vpush v37, $0x4;
	s0 =	sadd.s32 s6, s3;
	s6 =	sld [smem:$0x52B]  }
0xb5: {  	v51 =	vld [tilespmem:$0x1FF00];
	[smem:$0x54F] =	sst s0  }
0xb6: {  	v50 =	vld [tilespmem:$0x30];
	s0 =	sadd.s32 s9, s8;
	s8 =	sld [smem:$0x52D]  }
0xb7: {  	s24 =	smulhi.u32 $0x10624DD3, s12;
	[smem:$0x550] =	sst s0  }
0xb8: {  	s14 =	smul.u32 $0x10624DD3, s15;
	s0 =	sadd.s32 s11, s10;
	s10 =	sld [smem:$0x52E]  }
0xb9: {  	(v2sf) =	vpush v37, $0x5;
	s12 =	spop (v2sf);
	[smem:$0x553] =	sst s0;
	s0 =	sadd.s32 s16, s13  }
0xba: {  	(v2sf) =	vpush v37, $0x6;
	s15 =	sshra.s32 s12, $0x1F;
	[smem:$0x554] =	sst s0;
	s0 =	sadd.s32 s2, s1  }
0xbb: {  	v38 =	vadd.s32 v50, v51;
	(v2sf) =	vpush v37, $0x7;
	s3 =	spop (v2sf);
	s1 =	sadd.s32 s7, s6;
	[smem:$0x557] =	sst s0  }
0xbc: {  	(v2sf) =	vpush v38, $0xD;
	s9 =	spop (v2sf);
	[smem:$0x551] =	sst s1;
	s1 =	sadd.s32 s5, s8  }
0xbd: {  	(v2sf) =	vpush v38, $0xC;
	s16 =	smulhi.u32 $0x10624DD3, s12;
	[smem:$0x555] =	sst s1;
	s1 =	sadd.s32 s4, s10  }
0xbe: {  	(v2sf) =	vpush v38, $0xE;
	s13 =	smul.u32 $0x10624DD3, s15;
	[smem:$0x556] =	sst s1  }
0xbf: {  	s12 =	smulhi.u32 $0x10624DD3, s3;
	s0 =	sshra.s32 s3, $0x1F;
	s1 =	sld [smem:$0x52F]  }
0xc0: {  	s11 =	smul.u32 $0x10624DD3, s0;
	s15 =	sld [smem:$0x530]  }
0xc1: {  	s10 =	smulhi.u32 $0x10624DD3, s9;
	s0 =	sshra.s32 s9, $0x1F;
	s4 =	sld [smem:$0x531]  }
0xc2: {  	s9 =	smul.u32 $0x10624DD3, s0;
	s5 =	sld [smem:$0x532]  }
0xc3: {  	s3 =	spop (v2sf);
	s6 =	sld [smem:$0x533]  }
0xc4: {  	s7 =	sld [smem:$0x534];
	s8 =	smulhi.u32 $0x10624DD3, s3  }
0xc5: {  	s0 =	sshra.s32 s3, $0x1F;
	s3 =	sld [smem:$0x535];
	s1 =	sadd.s32 s15, s1  }
0xc6: {  	[smem:$0x558] =	sst s1  }
0xc7: {  	s1 =	sadd.s32 s5, s4;
	s4 =	sld [smem:$0x536]  }
0xc8: {  	s15 =	spop (v2sf);
	s5 =	sld [smem:$0x537]  }
0xc9: {  	[smem:$0x559] =	sst s1;
	s1 =	sadd.s32 s7, s6;
	s7 =	smul.u32 $0x10624DD3, s0  }
0xca: {  	s6 =	smulhi.u32 $0x10624DD3, s15;
	s0 =	sshra.s32 s15, $0x1F;
	s15 =	sld [smem:$0x538]  }
0xcb: {  	[smem:$0x55A] =	sst s1  }
0xcc: {  	s1 =	sadd.s32 s4, s3;
	s4 =	sld [smem:$0x539]  }
0xcd: {  	[smem:$0x55B] =	sst s1  }
0xce: {  	s1 =	sadd.s32 s15, s5;
	s15 =	sld [smem:$0x53A]  }
0xcf: {  	s3 =	spop (v2sf)  }
0xd0: {  	s5 =	smul.u32 $0x10624DD3, s0;
	s0 =	sshra.s32 s3, $0x1F;
	[smem:$0x552] =	sst s1  }
0xd1: {  	s1 =	sadd.s32 s15, s4;
	s4 =	smulhi.u32 $0x10624DD3, s3;
	s3 =	sld [smem:$0x53B]  }
0xd2: {  	s15 =	sld [smem:$0x53C]  }
0xd3: {  	s2 =	sld [smem:$0x53D]  }
0xd4: {  	[smem:$0x55C] =	sst s1  }
0xd5: {  	s1 =	sadd.s32 s15, s3;
	s15 =	sld [smem:$0x53E];
	_ =	sdelay $0x1  }
0xd6: {  	(v2sf) =	vpush v38, $0xF;
	[smem:$0x55D] =	sst s1  }
0xd7: {  	s1 =	sadd.s32 s15, s2;
	s15 =	sld [smem:$0x540]  }
0xd8: {  	(v2sf) =	vpush v38, $0x9;
	[smem:$0x55E] =	sst s1  }
0xd9: {  	s1 =	sld [smem:$0x53F]  }
0xda: {  	(v2sf) =	vpush v38, $0x8  }
0xdb: {  	s30 =	sadd.s32 s26, s30;
	s3 =	smul.u32 $0x10624DD3, s0  }
0xdc: {  	s0 =	spop (v2sf);
	s1 =	sadd.s32 s15, s1;
	s15 =	sld [smem:$0x541]  }
0xdd: {  	s2 =	smulhi.u32 $0x10624DD3, s0;
	s0 =	sshra.s32 s0, $0x1F;
	[smem:$0x55F] =	sst s1  }
0xde: {  	s21 =	sadd.s32 s21, s24;
	s1 =	smul.u32 $0x10624DD3, s0;
	s0 =	spop (v2sf)  }
0xdf: {  	s20 =	sadd.s32 s20, s22;
	s29 =	sadd.s32 s29, s15;
	s15 =	spop (v2sf)  }
0xe0: {  	s14 =	sadd.s32 s14, s18;
	[smem:$0x560] =	sst s29;
	s29 =	smulhi.u32 $0x10624DD3, s0  }
0xe1: {  	[smem:$0x561] =	sst s21;
	s0 =	sshra.s32 s0, $0x1F;
	s21 =	smulhi.u32 $0x10624DD3, s15  }
0xe2: {  	[smem:$0x562] =	sst s20;
	s15 =	sshra.s32 s15, $0x1F;
	s0 =	smul.u32 $0x10624DD3, s0  }
0xe3: {  	s16 =	sadd.s32 s13, s16;
	s26 =	spop (v2sf);
	s20 =	smul.u32 $0x10624DD3, s15  }
0xe4: {  	s11 =	sadd.s32 s11, s12;
	s18 =	smulhi.u32 $0x10624DD3, s26;
	s22 =	sshra.s32 s26, $0x1F  }
0xe5: {  	s13 =	sadd.s32 s9, s10;
	s15 =	spop (v2sf);
	s22 =	smul.u32 $0x10624DD3, s22  }
0xe6: {  	s10 =	sadd.s32 s7, s8;
	s24 =	smulhi.u32 $0x10624DD3, s15;
	s26 =	sshra.s32 s15, $0x1F  }
0xe7: {  	s9 =	sadd.s32 s5, s6;
	s12 =	spop (v2sf);
	s26 =	smul.u32 $0x10624DD3, s26  }
0xe8: {  	s8 =	sadd.s32 s3, s4;
	s7 =	smulhi.u32 $0x10624DD3, s12;
	s15 =	sshra.s32 s12, $0x1F  }
0xe9: {  	s12 =	spop (v2sf);
	s0 =	sadd.s32 s0, s29;
	s29 =	sadd.s32 s20, s21  }
0xea: {  	s20 =	sshra.s32 s31, $0x1F;
	s21 =	sld [smem:$0x544];
	s5 =	smul.u32 $0x10624DD3, s15  }
0xeb: {  	s3 =	smulhi.u32 $0x10624DD3, s12;
	[smem:$0x563] =	sst s0;
	s4 =	sadd.s32 s22, s18  }
0xec: {  	s15 =	sshra.s32 s12, $0x1F;
	s12 =	sadd.s32 s1, s2;
	[smem:$0x564] =	sst s4  }
0xed: {  	v52 =	vmov s20;
	s22 =	sshra.s32 s17, $0x6;
	s2 =	smul.u32 $0x10624DD3, s15;
	s15 =	sld [smem:$0x543]  }
0xee: {  	s20 =	sshra.s32 s19, $0x1F;
	s26 =	sadd.s32 s26, s24;
	v0 =	vsel vm3, s22, v52;
	s22 =	sld [smem:$0x547]  }
0xef: {  	s24 =	sshrl.u32 s17, $0x1F;
	s6 =	sadd.s32 s5, s7;
	s7 =	sld [smem:$0x542]  }
0xf0: {  	s4 =	sshrl.u32 s21, $0x1F;
	s5 =	sshra.s32 s21, $0x6;
	s21 =	sld [smem:$0x546]  }
0xf1: {  	[smem:$0x565] =	sst s6;
	s0 =	sadd.s32 s2, s3;
	s18 =	sshrl.u32 s15, $0x1F  }
0xf2: {  	s3 =	sshra.s32 s15, $0x6;
	s15 =	sshra.s32 s17, $0x1F;
	s17 =	sld [smem:$0x545]  }
0xf3: {  	v2 =	vmov s24;
	[smem:$0x566] =	sst s0;
	s24 =	sshrl.u32 s22, $0x1F;
	s1 =	sshrl.u32 s7, $0x1F  }
0xf4: {  	v2 =	vnsel vm3, $0x0, v2;
	s0 =	sshra.s32 s7, $0x6;
	v53 =	vmov s18;
	v0 =	vsel vm9, s15, v0;
	s18 =	sshra.s32 s19, $0x6;
	s15 =	sshra.s32 s23, $0x6  }
0xf5: {  	v57 =	vmov s24;
	s24 =	sshrl.u32 s25, $0x1F;
	v1 =	vsel vm0, s1, v53;
	v0 =	vsel vm0, s18, v0;
	s1 =	sshrl.u32 s19, $0x1F;
	s2 =	sshrl.u32 s17, $0x1F  }
0xf6: {  	s7 =	sshra.s32 s17, $0x6;
	v3 =	vsel vm10, s20, v0;
	v55 =	vsel vm0, s1, v2;
	s1 =	sshra.s32 s22, $0x6;
	s22 =	sld [smem:$0x548]  }
0xf7: {  	s17 =	sshrl.u32 s21, $0x1F;
	v1 =	vsel vm1, s4, v1;
	s4 =	sshra.s32 s21, $0x6;
	s21 =	sshra.s32 s23, $0x1F;
	v56 =	vsel vm1, s15, v3  }
0xf8: {  	s20 =	sshrl.u32 s23, $0x1F;
	v54 =	vsel vm2, s2, v1;
	s15 =	sshra.s32 s25, $0x6;
	v2 =	vsel vm11, s21, v56;
	s21 =	sld [smem:$0x549]  }
0xf9: {  	s19 =	sshra.s32 s25, $0x1F;
	v1 =	vsel vm1, s20, v55;
	v3 =	vsel vm0, s17, v57;
	s23 =	sshrl.u32 s22, $0x1F;
	v2 =	vsel vm2, s15, v2;
	s15 =	sld [smem:$0x54B]  }
0xfa: {  	s20 =	sshrl.u32 s28, $0x1F;
	s25 =	sshra.s32 s28, $0x6;
	v1 =	vsel vm2, s24, v1;
	v3 =	vsel vm1, s23, v3;
	s23 =	sld [smem:$0x54A]  }
0xfb: {  	v60 =	vmov s3;
	s28 =	sshra.s32 s28, $0x1F;
	s6 =	sshra.s32 s22, $0x6;
	v1 =	vsel vm4, s20, v1;
	s20 =	sld [smem:$0x54D];
	v4 =	vsel vm12, s19, v2  }
0xfc: {  	v5 =	vmov s1;
	s22 =	sshrl.u32 s21, $0x1F;
	v59 =	vsel vm4, s25, v4;
	s2 =	sshra.s32 s21, $0x6;
	v4 =	vsel vm0, s0, v60;
	s21 =	sshrl.u32 s15, $0x1F  }
0xfd: {  	v58 =	vsel vm2, s22, v3;
	v3 =	vsel vm13, s28, v59;
	v4 =	vsel vm1, s5, v4;
	s5 =	sld [smem:$0x54C];
	s24 =	sshrl.u32 s23, $0x1F;
	s22 =	sshra.s32 s23, $0x6  }
0xfe: {  	v5 =	vsel vm0, s4, v5;
	s4 =	sshra.s32 s20, $0x6;
	s23 =	sshra.s32 s23, $0x1F;
	v1 =	vsel vm5, s24, v1;
	v3 =	vsel vm5, s22, v3;
	s22 =	sld [smem:$0x54E]  }
0xff: {  	s24 =	sshrl.u32 s31, $0x1F;
	v1 =	vsel vm6, s21, v1;
	s21 =	sshrl.u32 s20, $0x1F;
	s20 =	sld [smem:$0x553]  }
0x100: {  	s25 =	sshra.s32 s15, $0x6;
	v3 =	vsel vm14, s23, v3;
	v1 =	vsel vm7, s24, v1;
	s24 =	sld [smem:$0x54F]  }
0x101: {  	s28 =	sshra.s32 s15, $0x1F;
	s31 =	sshra.s32 s31, $0x6;
	v3 =	vsel vm6, s25, v3;
	v7 =	vmov s21;
	s21 =	sld [smem:$0x552]  }
0x102: {  	s15 =	sshrl.u32 s5, $0x1F;
	s23 =	sshrl.u32 s22, $0x1F;
	v3 =	vsel vm15, s28, v3;
	s28 =	sld [smem:$0x550]  }
0x103: {  	v5 =	vsel vm1, s6, v5;
	s19 =	sshra.s32 s22, $0x6;
	v61 =	vsel vm0, s15, v7;
	v3 =	vsel vm7, s31, v3;
	s31 =	sld [smem:$0x551];
	s22 =	sshrl.u32 s20, $0x1F  }
0x104: {  	v6 =	vsel vm2, s2, v5;
	s17 =	sshra.s32 s5, $0x6;
	v5 =	vsel vm1, s23, v61;
	s25 =	sshrl.u32 s24, $0x1F;
	v9 =	vmov s22;
	s22 =	sld [smem:$0x556]  }
0x105: {  	s1 =	sshra.s32 s24, $0x6;
	s18 =	sshra.s32 s21, $0x1F;
	v5 =	vsel vm2, s25, v5;
	s25 =	sld [smem:$0x554]  }
0x106: {  	s6 =	sshrl.u32 s28, $0x1F;
	s0 =	sshra.s32 s28, $0x6;
	s28 =	sld [smem:$0x555]  }
0x107: {  	v8 =	vmov s18;
	s5 =	sshrl.u32 s31, $0x1F;
	s23 =	sshra.s32 s31, $0x6;
	s24 =	sshra.s32 s31, $0x1F  }
0x108: {  	v4 =	vsel vm2, s7, v4;
	v62 =	vmov s5;
	v8 =	vsel vm3, s23, v8;
	s7 =	sshrl.u32 s25, $0x1F;
	s2 =	sshra.s32 s25, $0x6;
	s25 =	sld [smem:$0x557]  }
0x109: {  	s5 =	sshra.s32 s20, $0x6;
	v7 =	vnsel vm3, $0x0, v62;
	s31 =	sshrl.u32 s28, $0x1F;
	v8 =	vsel vm9, s24, v8;
	s23 =	sshra.s32 s28, $0x6  }
0x10a: {  	s18 =	sshrl.u32 s22, $0x1F;
	s20 =	sld [smem:$0x558];
	s24 =	sshra.s32 s28, $0x1F;
	v7 =	vsel vm0, s31, v7;
	v8 =	vsel vm0, s23, v8  }
0x10b: {  	v7 =	vsel vm1, s18, v7;
	v8 =	vsel vm10, s24, v8;
	s18 =	sld [smem:$0x559];
	s24 =	sshra.s32 s22, $0x6;
	s28 =	sshrl.u32 s25, $0x1F  }
0x10c: {  	s3 =	sshra.s32 s25, $0x6;
	s25 =	sshra.s32 s22, $0x1F;
	s22 =	sld [smem:$0x55A]  }
0x10d: {  	v34 =	vmov s4;
	v9 =	vsel vm0, s6, v9;
	s31 =	sshrl.u32 s20, $0x1F;
	v8 =	vsel vm1, s24, v8  }
0x10e: {  	v9 =	vsel vm1, s7, v9;
	v10 =	vsel vm2, s31, v7;
	s31 =	sshra.s32 s20, $0x6;
	v8 =	vsel vm11, s25, v8;
	s23 =	sshrl.u32 s18, $0x1F  }
0x10f: {  	v63 =	vsel vm2, s28, v9;
	v8 =	vsel vm2, s31, v8;
	v15 =	vsel vm4, s23, v10;
	s28 =	sshrl.u32 s22, $0x1F;
	s23 =	sshra.s32 s20, $0x1F  }
0x110: {  	s24 =	sshra.s32 s18, $0x6;
	v10 =	vsel vm0, s17, v34;
	v9 =	vsel vm5, s28, v15;
	s28 =	sld [smem:$0x55B];
	v11 =	vsel vm12, s23, v8  }
0x111: {  	s6 =	sshra.s32 s30, $0x6;
	v10 =	vsel vm1, s19, v10;
	v41 =	vsel vm4, s24, v11;
	s24 =	sld [smem:$0x55C]  }
0x112: {  	v42 =	vmov s5;
	s25 =	sshra.s32 s18, $0x1F;
	s15 =	sshra.s32 s22, $0x6;
	v40 =	vsel vm2, s1, v10;
	s1 =	sld [smem:$0x55F]  }
0x113: {  	s17 =	sshra.s32 s22, $0x1F;
	s20 =	sshra.s32 s21, $0x6;
	v11 =	vsel vm0, s0, v42;
	v10 =	vsel vm13, s25, v41;
	s25 =	sld [smem:$0x55D]  }
0x114: {  	(v2sf) =	vpush v38, $0xA;
	s23 =	sshrl.u32 s21, $0x1F;
	v11 =	vsel vm1, s2, v11;
	s2 =	sld [smem:$0x560];
	s31 =	sshrl.u32 s28, $0x1F  }
0x115: {  	s19 =	sshra.s32 s28, $0x6;
	s22 =	sshra.s32 s28, $0x1F;
	v11 =	vsel vm2, s3, v11;
	s3 =	sld [smem:$0x561]  }
0x116: {  	v9 =	vsel vm6, s31, v9;
	s21 =	sshrl.u32 s24, $0x1F;
	s4 =	sshra.s32 s24, $0x6;
	s31 =	sld [smem:$0x55E]  }
0x117: {  	(v2sf) =	vpush v38, $0xB;
	v10 =	vsel vm5, s15, v10;
	s15 =	sshrl.u32 s1, $0x1F;
	s0 =	sshra.s32 s1, $0x6;
	s24 =	sshrl.u32 s30, $0x1F  }
0x118: {  	(v2sf) =	vpush v38, $0x0;
	s30 =	sshra.s32 s14, $0x6;
	s28 =	sshrl.u32 s25, $0x1F;
	s5 =	sshra.s32 s25, $0x6  }
0x119: {  	v10 =	vsel vm14, s17, v10;
	s17 =	sshrl.u32 s2, $0x1F;
	s1 =	sshra.s32 s2, $0x6;
	s25 =	sld [smem:$0x562]  }
0x11a: {  	(v2sf) =	vpush v38, $0x1;
	v10 =	vsel vm6, s19, v10;
	v15 =	vmov s24;
	s24 =	sshrl.u32 s9, $0x1F;
	s18 =	sshrl.u32 s3, $0x1F;
	s3 =	sshra.s32 s3, $0x6  }
0x11b: {  	(v2sf) =	vpush v38, $0x2;
	v10 =	vsel vm15, s22, v10;
	v12 =	vmov s28;
	s28 =	sshrl.u32 s14, $0x1F;
	s14 =	sshra.s32 s14, $0x1F;
	s22 =	sshra.s32 s16, $0x6  }
0x11c: {  	(v2sf) =	vpush v38, $0x3;
	v39 =	vsel vm7, s23, v9;
	v34 =	vmov s5;
	s5 =	sshrl.u32 s26, $0x1F;
	s23 =	sshrl.u32 s31, $0x1F;
	s7 =	sshra.s32 s31, $0x6  }
0x11d: {  	(v2sf) =	vpush v38, $0x4;
	s31 =	sshrl.u32 s16, $0x1F;
	v13 =	vmov s28;
	s16 =	sshra.s32 s16, $0x1F;
	s28 =	sshrl.u32 s11, $0x1F  }
0x11e: {  	v10 =	vsel vm7, s20, v10;
	v12 =	vsel vm0, s21, v12;
	s19 =	sshrl.u32 s25, $0x1F;
	s2 =	sshra.s32 s25, $0x6;
	s25 =	sshra.s32 s12, $0x1F;
	v13 =	vnsel vm3, $0x0, v13  }
0x11f: {  	s21 =	sshra.s32 s13, $0x6;
	s20 =	sshra.s32 s9, $0x6;
	v12 =	vsel vm1, s23, v12;
	s23 =	sshra.s32 s10, $0x1F;
	v14 =	vmov s25;
	v13 =	vsel vm0, s31, v13  }
0x120: {  	(v2sf) =	vpush v38, $0x5;
	s25 =	sshra.s32 s11, $0x6;
	s11 =	sshra.s32 s11, $0x1F;
	v14 =	vsel vm3, s30, v14;
	s30 =	sshrl.u32 s13, $0x1F;
	v13 =	vsel vm1, s28, v13  }
0x121: {  	v12 =	vsel vm2, s15, v12;
	s31 =	sshrl.u32 s10, $0x1F;
	s15 =	sshra.s32 s10, $0x6;
	s10 =	sshrl.u32 s29, $0x1F;
	v14 =	vsel vm9, s14, v14;
	v13 =	vsel vm2, s30, v13  }
0x122: {  	(v2sf) =	vpush v38, $0x6;
	s13 =	sshra.s32 s13, $0x1F;
	s28 =	sshrl.u32 s8, $0x1F;
	s14 =	sshra.s32 s8, $0x6;
	v14 =	vsel vm0, s22, v14;
	v13 =	vsel vm4, s31, v13  }
0x123: {  	(v2sf) =	vpush v38, $0x7;
	s30 =	spop (v2sf);
	v14 =	vsel vm10, s16, v14;
	v13 =	vsel vm5, s24, v13;
	s24 =	smov.u32 s26;
	s26 =	sld [smem:$0x565]  }
0x124: {  	s22 =	sshra.s32 s9, $0x1F;
	s31 =	sshrl.u32 s12, $0x1F;
	v14 =	vsel vm1, s25, v14;
	s25 =	sld [smem:$0x563]  }
0x125: {  	v15 =	vsel vm0, s17, v15;
	s12 =	sshra.s32 s12, $0x6;
	v13 =	vsel vm6, s28, v13;
	s28 =	smov.u32 s29;
	s29 =	sld [smem:$0x564];
	v14 =	vsel vm11, s11, v14  }
0x126: {  	v15 =	vsel vm1, s18, v15;
	s18 =	sshra.s32 s30, $0x1F;
	s11 =	smulhi.u32 $0x10624DD3, s30;
	v43 =	vsel vm7, s31, v13;
	s31 =	spop (v2sf);
	v14 =	vsel vm2, s21, v14  }
0x127: {  	v15 =	vsel vm2, s19, v15;
	s16 =	sshra.s32 s8, $0x1F;
	s19 =	spop (v2sf);
	v14 =	vsel vm12, s13, v14;
	s13 =	smul.u32 $0x10624DD3, s18  }
0x128: {  	v4 =	vcombine.low v6, v4;
	v46 =	vmov s6;
	v44 =	vsel vm0, s4, v34;
	s4 =	sshrl.u32 s26, $0x1F;
	s8 =	sshrl.u32 s25, $0x1F;
	s6 =	smulhi.u32 $0x10624DD3, s19  }
0x129: {  	v48 =	vsel vm0, s1, v46;
	s18 =	sshra.s32 s31, $0x1F;
	s21 =	spop (v2sf);
	v14 =	vsel vm4, s15, v14;
	s15 =	smulhi.u32 $0x10624DD3, s31  }
0x12a: {  	v59 =	vld [tilespmem:$0x40];
	v47 =	vperm.xlane v4, v32;
	v5 =	vcombine.low v63, v5;
	v4 =	vsel vm1, s3, v48;
	s17 =	sshra.s32 s19, $0x1F;
	s18 =	smul.u32 $0x10624DD3, s18;
	s30 =	spop (v2sf)  }
0x12b: {  	v63 =	vld [tilespmem:$0x1FF10];
	v57 =	vmov s10;
	v13 =	vsel vm1, s7, v44;
	s9 =	sshrl.u32 s29, $0x1F;
	s31 =	smul.u32 $0x10624DD3, s17;
	v14 =	vsel vm13, s23, v14;
	s23 =	sld [smem:$0x566]  }
0x12c: {  	v4 =	vsel vm2, s2, v4;
	v45 =	vsel vm2, s0, v13;
	v6 =	vsel vm0, s8, v57;
	s0 =	sadd.s32 s13, s11;
	s13 =	spop (v2sf);
	s2 =	smulhi.u32 $0x10624DD3, s30  }
0x12d: {  	v6 =	vsel vm1, s9, v6;
	s9 =	sshra.s32 s29, $0x6;
	v14 =	vsel vm5, s20, v14;
	s17 =	spop (v2sf);
	s1 =	sadd.s32 s18, s15  }
0x12e: {  	s6 =	sadd.s32 s31, s6;
	v14 =	vsel vm14, s22, v14;
	s22 =	sshra.s32 s30, $0x1F;
	s18 =	sshrl.u32 s1, $0x1F  }
0x12f: {  	s10 =	sshrl.u32 s6, $0x1F;
	v49 =	vsel vm6, s14, v14;
	s14 =	smulhi.u32 $0x10624DD3, s21;
	s21 =	sshra.s32 s21, $0x1F  }
0x130: {  	v0 =	vcombine.low v58, v54;
	v34 =	vadd.s32 v59, v63;
	s7 =	sshrl.u32 s23, $0x1F;
	v50 =	vsel vm15, s16, v49;
	s19 =	smul.u32 $0x10624DD3, s21;
	s21 =	spop (v2sf)  }
0x131: {  	(v2sf) =	vpush v34, $0xD;
	s16 =	sshrl.u32 s0, $0x1F;
	v58 =	vmov s7;
	v7 =	vsel vm7, s12, v50;
	s3 =	spop (v2sf);
	s12 =	smul.u32 $0x10624DD3, s22  }
0x132: {  	s0 =	sshra.s32 s0, $0x6;
	v8 =	vsel vm0, s4, v58;
	s4 =	smulhi.u32 $0x10624DD3, s17;
	s30 =	spop (v2sf)  }
0x133: {  	(v2sf) =	vpush v34, $0xC;
	s14 =	sadd.s32 s19, s14;
	s31 =	smulhi.u32 $0x10624DD3, s30;
	s15 =	sshra.s32 s30, $0x1F  }
0x134: {  	s12 =	sadd.s32 s12, s2;
	s30 =	sshra.s32 s17, $0x1F;
	s15 =	smul.u32 $0x10624DD3, s15  }
0x135: {  	(v2sf) =	vpush v34, $0xE;
	s19 =	sshrl.u32 s14, $0x1F;
	s7 =	sshrl.u32 s12, $0x1F;
	s17 =	smul.u32 $0x10624DD3, s30  }
0x136: {  	s30 =	sshra.s32 s14, $0x1F;
	s2 =	sadd.s32 s15, s31;
	s15 =	smulhi.u32 $0x10624DD3, s13  }
0x137: {  	(v2sf) =	vpush v34, $0xF;
	s13 =	sshra.s32 s13, $0x1F;
	s31 =	sshra.s32 s6, $0x6;
	s6 =	sshra.s32 s6, $0x1F  }
0x138: {  	v9 =	vcombine.low v11, v40;
	s4 =	sadd.s32 s17, s4;
	s20 =	smul.u32 $0x10624DD3, s13;
	s22 =	sshra.s32 s2, $0x1F  }
0x139: {  	v8 =	vsel vm1, s16, v8;
	(v2sf) =	vpush v34, $0x9;
	s16 =	sshrl.u32 s4, $0x1F;
	v60 =	vmov s22;
	s22 =	sshra.s32 s14, $0x6;
	s14 =	sshra.s32 s12, $0x6  }
0x13a: {  	v55 =	vperm.xlane v10, v33;
	v6 =	vsel vm2, s5, v6;
	(v2sf) =	vpush v34, $0x8;
	s5 =	sadd.s32 s20, s15;
	s20 =	smulhi.u32 $0x10624DD3, s21;
	s21 =	sshra.s32 s21, $0x1F  }
0x13b: {  	v61 =	vmov s10;
	v8 =	vsel vm2, s18, v8;
	v10 =	vsel vm3, s31, v60;
	s31 =	smulhi.u32 $0x10624DD3, s3;
	s3 =	sshra.s32 s3, $0x1F;
	s15 =	sshra.s32 s12, $0x1F  }
0x13c: {  	v54 =	vcombine.low v15, v12;
	v62 =	vnsel vm3, $0x0, v61;
	v6 =	vcombine.low v8, v6;
	s12 =	sshra.s32 s1, $0x6;
	s11 =	sshrl.u32 s5, $0x1F;
	s10 =	smul.u32 $0x10624DD3, s21  }
0x13d: {  	v8 =	vsel vm0, s19, v62;
	(v2sf) =	vpush v34, $0xA;
	v10 =	vsel vm9, s6, v10;
	s3 =	smul.u32 $0x10624DD3, s3;
	s18 =	sshra.s32 s5, $0x6;
	s5 =	sshra.s32 s5, $0x1F  }
0x13e: {  	v8 =	vsel vm1, s7, v8;
	(v2sf) =	vpush v34, $0xB;
	v10 =	vsel vm0, s22, v10;
	s22 =	sshra.s32 s28, $0x6;
	s28 =	sshra.s32 s23, $0x6;
	s17 =	sadd.s32 s10, s20  }
0x13f: {  	(v2sf) =	vpush v34, $0x0;
	v10 =	vsel vm10, s30, v10;
	s3 =	sadd.s32 s3, s31;
	s31 =	sshra.s32 s26, $0x6;
	v14 =	vmov s28;
	s19 =	sshrl.u32 s17, $0x1F  }
0x140: {  	v12 =	vsel vm1, s14, v10;
	s7 =	sshra.s32 s17, $0x6;
	v11 =	vsel vm0, s31, v14;
	s10 =	sshra.s32 s17, $0x1F;
	s17 =	spop (v2sf);
	(v2sf) =	vpush v34, $0x1  }
0x141: {  	v53 =	vperm.xlane v9, v32;
	s30 =	sshra.s32 s25, $0x6;
	v9 =	vsel vm11, s15, v12;
	v11 =	vsel vm1, s0, v11;
	s25 =	smulhi.u32 $0x10624DD3, s17;
	s0 =	sshra.s32 s17, $0x1F  }
0x142: {  	s21 =	sshra.s32 s4, $0x6;
	v8 =	vsel vm2, s11, v8;
	v9 =	vsel vm2, s18, v9;
	s1 =	smul.u32 $0x10624DD3, s0;
	s18 =	spop (v2sf)  }
0x143: {  	s4 =	sshra.s32 s4, $0x1F;
	v8 =	vsel vm4, s16, v8;
	v13 =	vmov s22;
	s22 =	smulhi.u32 $0x10624DD3, s18;
	s26 =	sshra.s32 s18, $0x1F  }
0x144: {  	v0 =	vperm.xlane v0, v32;
	s20 =	sshrl.u32 s3, $0x1F;
	v8 =	vsel vm5, s19, v8;
	(v2sf) =	vpush v34, $0x2;
	s19 =	spop (v2sf);
	s18 =	smul.u32 $0x10624DD3, s26  }
0x145: {  	v1 =	vperm.xlane v1, v33;
	s14 =	sshrl.u32 s2, $0x1F;
	v8 =	vsel vm6, s20, v8;
	v9 =	vsel vm12, s5, v9;
	s23 =	smulhi.u32 $0x10624DD3, s19;
	s28 =	sshra.s32 s19, $0x1F  }
0x146: {  	s11 =	sshra.s32 s24, $0x6;
	v8 =	vsel vm7, s14, v8;
	v9 =	vsel vm4, s21, v9;
	(v2sf) =	vpush v34, $0x3;
	s20 =	spop (v2sf);
	s14 =	smul.u32 $0x10624DD3, s28  }
0x147: {  	[smem:$0x567] =	sst s25;
	v9 =	vsel vm13, s4, v9;
	(v2sf) =	vpush v34, $0x4;
	s24 =	smulhi.u32 $0x10624DD3, s20;
	s29 =	sshra.s32 s20, $0x1F  }
0x148: {  	v0 =	vsel vm8, v1, v0;
	v3 =	vperm.xlane v3, v33;
	v44 =	vld [tilespmem:$0x50];
	v9 =	vsel vm5, s7, v9;
	s21 =	spop (v2sf);
	s28 =	smul.u32 $0x10624DD3, s29  }
0x149: {  	v4 =	vcombine.low v4, v45;
	v45 =	vld [tilespmem:$0x1FF20];
	s13 =	sshra.s32 s3, $0x6;
	(v2sf) =	vpush v34, $0x5;
	v9 =	vsel vm14, s10, v9;
	s25 =	smulhi.u32 $0x10624DD3, s21;
	s31 =	spop (v2sf)  }
0x14a: {  	v1 =	vsel vm8, v3, v47;
	v10 =	vsel vm0, s30, v13;
	s15 =	sshra.s32 s3, $0x1F;
	s30 =	sshra.s32 s21, $0x1F;
	v9 =	vsel vm6, s13, v9;
	s26 =	smulhi.u32 $0x10624DD3, s31  }
0x14b: {  	v0 =	vadd.s32 v0, v1;
	(v2sf) =	vpush v34, $0x6;
	s0 =	sshra.s32 s31, $0x1F;
	v9 =	vsel vm15, s15, v9;
	s15 =	smul.u32 $0x10624DD3, s30  }
0x14c: {  	v0 =	vmul.u32 $0x3E8, v0;
	s16 =	sshra.s32 s2, $0x6;
	s2 =	spop (v2sf);
	s17 =	smul.u32 $0x10624DD3, s0  }
0x14d: {  	v10 =	vsel vm1, s9, v10;
	(v2sf) =	vpush v34, $0x7;
	s29 =	smulhi.u32 $0x10624DD3, s2;
	s0 =	sshra.s32 s2, $0x1F;
	s3 =	spop (v2sf)  }
0x14e: {  	v0 =	vsub.s32 v35, v0;
	v35 =	vadd.s32 v44, v45;
	v10 =	vsel vm2, s11, v10;
	s11 =	smul.u32 $0x10624DD3, s0;
	s4 =	spop (v2sf)  }
0x14f: {  	(v2sf) =	vpush v35, $0xD;
	s30 =	smulhi.u32 $0x10624DD3, s3;
	s5 =	spop (v2sf)  }
0x150: {  	s0 =	sshra.s32 s3, $0x1F;
	s6 =	smulhi.u32 $0x10624DD3, s5  }
0x151: {  	s21 =	smul.u32 $0x10624DD3, s0  }
0x152: {  	(v2sf) =	vpush v35, $0xC;
	s31 =	smulhi.u32 $0x10624DD3, s4;
	s2 =	sshra.s32 s5, $0x1F;
	[smem:$0x568] =	sst s6  }
0x153: {  	s18 =	sadd.s32 s18, s22;
	s6 =	smul.u32 $0x10624DD3, s2;
	s7 =	spop (v2sf)  }
0x154: {  	[smem:$0x596] =	sst s18;
	(v2sf) =	vpush v35, $0xE;
	s8 =	smulhi.u32 $0x10624DD3, s7;
	s2 =	sshra.s32 s7, $0x1F  }
0x155: {  	s9 =	spop (v2sf);
	s7 =	smul.u32 $0x10624DD3, s2  }
0x156: {  	v11 =	vsel vm2, s12, v11;
	(v2sf) =	vpush v35, $0xF;
	s10 =	smulhi.u32 $0x10624DD3, s9;
	s2 =	sshra.s32 s9, $0x1F;
	s12 =	spop (v2sf)  }
0x157: {  	[smem:$0x569] =	sst s8;
	s9 =	smul.u32 $0x10624DD3, s2  }
0x158: {  	v9 =	vsel vm7, s16, v9;
	(v2sf) =	vpush v35, $0x9;
	s13 =	smulhi.u32 $0x10624DD3, s12;
	s2 =	sshra.s32 s12, $0x1F;
	s16 =	spop (v2sf)  }
0x159: {  	[smem:$0x56A] =	sst s10;
	s20 =	smul.u32 $0x10624DD3, s2  }
0x15a: {  	s0 =	sshra.s32 s4, $0x1F;
	(v2sf) =	vpush v35, $0x8;
	s19 =	smulhi.u32 $0x10624DD3, s16;
	s4 =	spop (v2sf)  }
0x15b: {  	[smem:$0x56B] =	sst s13;
	s10 =	smulhi.u32 $0x10624DD3, s4;
	s3 =	sshra.s32 s4, $0x1F  }
0x15c: {  	(v2sf) =	vpush v35, $0xA;
	s5 =	spop (v2sf);
	s13 =	smul.u32 $0x10624DD3, s3  }
0x15d: {  	[smem:$0x56C] =	sst s19;
	s8 =	smulhi.u32 $0x10624DD3, s5;
	s4 =	sshra.s32 s5, $0x1F  }
0x15e: {  	s19 =	spop (v2sf);
	s12 =	smul.u32 $0x10624DD3, s4  }
0x15f: {  	(v2sf) =	vpush v35, $0xB;
	s3 =	smulhi.u32 $0x10624DD3, s19;
	s4 =	sshra.s32 s19, $0x1F;
	[smem:$0x56D] =	sst s8  }
0x160: {  	s4 =	smul.u32 $0x10624DD3, s4;
	[smem:$0x56E] =	sst s12  }
0x161: {  	(v2sf) =	vpush v35, $0x0;
	s5 =	spop (v2sf);
	[smem:$0x56F] =	sst s3  }
0x162: {  	s8 =	smulhi.u32 $0x10624DD3, s5;
	[smem:$0x570] =	sst s4;
	s4 =	sshra.s32 s5, $0x1F  }
0x163: {  	(v2sf) =	vpush v35, $0x1;
	s12 =	smul.u32 $0x10624DD3, s4;
	s19 =	spop (v2sf)  }
0x164: {  	[smem:$0x571] =	sst s8;
	s3 =	smulhi.u32 $0x10624DD3, s19;
	s4 =	sshra.s32 s19, $0x1F  }
0x165: {  	s5 =	spop (v2sf);
	s4 =	smul.u32 $0x10624DD3, s4  }
0x166: {  	[smem:$0x572] =	sst s12;
	s8 =	smulhi.u32 $0x10624DD3, s5  }
0x167: {  	s19 =	spop (v2sf);
	[smem:$0x573] =	sst s3  }
0x168: {  	(v2sf) =	vpush v35, $0x2;
	s3 =	smulhi.u32 $0x10624DD3, s19;
	[smem:$0x574] =	sst s4  }
0x169: {  	(v2sf) =	vpush v35, $0x3;
	[smem:$0x575] =	sst s8;
	s4 =	sshra.s32 s5, $0x1F;
	s5 =	spop (v2sf)  }
0x16a: {  	s12 =	smul.u32 $0x10624DD3, s4;
	[smem:$0x577] =	sst s3  }
0x16b: {  	s4 =	sshra.s32 s19, $0x1F;
	s8 =	smulhi.u32 $0x10624DD3, s5;
	s19 =	spop (v2sf)  }
0x16c: {  	s4 =	smul.u32 $0x10624DD3, s4;
	[smem:$0x576] =	sst s12  }
0x16d: {  	(v2sf) =	vpush v35, $0x4;
	s3 =	smulhi.u32 $0x10624DD3, s19;
	[smem:$0x579] =	sst s8  }
0x16e: {  	s8 =	spop (v2sf);
	[smem:$0x578] =	sst s4;
	s4 =	sshra.s32 s5, $0x1F  }
0x16f: {  	(v2sf) =	vpush v35, $0x5;
	[smem:$0x57B] =	sst s3;
	s12 =	smul.u32 $0x10624DD3, s4;
	s4 =	sshra.s32 s19, $0x1F  }
0x170: {  	s3 =	spop (v2sf);
	s5 =	smul.u32 $0x10624DD3, s4  }
0x171: {  	s4 =	sshra.s32 s8, $0x1F;
	[smem:$0x57A] =	sst s12;
	s12 =	smulhi.u32 $0x10624DD3, s8  }
0x172: {  	s19 =	smul.u32 $0x10624DD3, s4;
	s8 =	spop (v2sf)  }
0x173: {  	s4 =	sshra.s32 s3, $0x1F;
	[smem:$0x57C] =	sst s5;
	s5 =	smulhi.u32 $0x10624DD3, s3  }
0x174: {  	[smem:$0x57D] =	sst s12;
	s12 =	smul.u32 $0x10624DD3, s4  }
0x175: {  	(v2sf) =	vpush v35, $0x6;
	[smem:$0x57E] =	sst s19;
	s19 =	smulhi.u32 $0x10624DD3, s8;
	s4 =	sshra.s32 s8, $0x1F  }
0x176: {  	[smem:$0x57F] =	sst s5;
	s8 =	smul.u32 $0x10624DD3, s4  }
0x177: {  	v47 =	vld [tilespmem:$0x1FF30];
	v51 =	vperm.xlane v5, v32;
	v52 =	vperm.xlane v39, v33;
	[smem:$0x580] =	sst s19;
	s3 =	spop (v2sf)  }
0x178: {  	v46 =	vld [tilespmem:$0x60];
	s5 =	smulhi.u32 $0x10624DD3, s3;
	s19 =	spop (v2sf)  }
0x179: {  	v3 =	vsel vm8, v52, v51;
	v1 =	vsel vm8, v55, v53;
	s2 =	sshra.s32 s16, $0x1F;
	s4 =	sshra.s32 s3, $0x1F;
	s3 =	smulhi.u32 $0x10624DD3, s19  }
0x17a: {  	v1 =	vadd.s32 v3, v1;
	s16 =	smul.u32 $0x10624DD3, s2;
	(v2sf) =	vpush v35, $0x7;
	[smem:$0x581] =	sst s5  }
0x17b: {  	v1 =	vmul.u32 $0x3E8, v1;
	s5 =	smul.u32 $0x10624DD3, s4;
	s4 =	sshra.s32 s19, $0x1F;
	[smem:$0x582] =	sst s3  }
0x17c: {  	s22 =	sadd.s32 s14, s23;
	s3 =	smul.u32 $0x10624DD3, s4;
	s4 =	spop (v2sf)  }
0x17d: {  	v40 =	vsub.s32 v36, v1;
	v36 =	vadd.s32 v46, v47;
	[smem:$0x597] =	sst s22;
	s19 =	smulhi.u32 $0x10624DD3, s4;
	s4 =	sshra.s32 s4, $0x1F  }
0x17e: {  	(v2sf) =	vpush v36, $0xD;
	s2 =	smul.u32 $0x10624DD3, s4;
	s4 =	spop (v2sf)  }
0x17f: {  	s24 =	sadd.s32 s28, s24;
	[smem:$0x583] =	sst s19;
	s19 =	smulhi.u32 $0x10624DD3, s4  }
0x180: {  	[smem:$0x598] =	sst s24;
	(v2sf) =	vpush v36, $0xC  }
0x181: {  	s4 =	sshra.s32 s4, $0x1F;
	[smem:$0x584] =	sst s19  }
0x182: {  	s14 =	sadd.s32 s15, s25;
	s4 =	smul.u32 $0x10624DD3, s4;
	s19 =	sld [smem:$0x567]  }
0x183: {  	[smem:$0x599] =	sst s14;
	(v2sf) =	vpush v36, $0xE  }
0x184: {  	s17 =	sadd.s32 s17, s26;
	[smem:$0x585] =	sst s4;
	s4 =	spop (v2sf)  }
0x185: {  	[smem:$0x59A] =	sst s17;
	s1 =	sadd.s32 s1, s19;
	s19 =	smulhi.u32 $0x10624DD3, s4  }
0x186: {  	s17 =	sld [smem:$0x56D]  }
0x187: {  	[smem:$0x586] =	sst s19;
	s19 =	sshra.s32 s4, $0x1F  }
0x188: {  	[smem:$0x595] =	sst s1;
	s1 =	smul.u32 $0x10624DD3, s19  }
0x189: {  	s4 =	sld [smem:$0x56A];
	s19 =	spop (v2sf)  }
0x18a: {  	s23 =	smulhi.u32 $0x10624DD3, s19;
	[smem:$0x587] =	sst s1  }
0x18b: {  	s1 =	sshra.s32 s19, $0x1F;
	s19 =	sadd.s32 s11, s29;
	s11 =	sld [smem:$0x56C]  }
0x18c: {  	(v2sf) =	vpush v36, $0xF;
	[smem:$0x588] =	sst s23  }
0x18d: {  	s28 =	spop (v2sf);
	[smem:$0x59B] =	sst s19  }
0x18e: {  	s15 =	smulhi.u32 $0x10624DD3, s28;
	s23 =	sadd.s32 s21, s30;
	s30 =	sld [smem:$0x569]  }
0x18f: {  	(v2sf) =	vpush v36, $0x9;
	s18 =	spop (v2sf);
	s19 =	sld [smem:$0x56E]  }
0x190: {  	s1 =	smul.u32 $0x10624DD3, s1;
	[smem:$0x58A] =	sst s15  }
0x191: {  	s22 =	smulhi.u32 $0x10624DD3, s18;
	[smem:$0x59C] =	sst s23  }
0x192: {  	(v2sf) =	vpush v36, $0x8;
	s24 =	spop (v2sf);
	s15 =	sadd.s32 s13, s10;
	s10 =	sld [smem:$0x573]  }
0x193: {  	s25 =	smulhi.u32 $0x10624DD3, s24;
	s13 =	sld [smem:$0x575]  }
0x194: {  	s26 =	sshra.s32 s24, $0x1F;
	s24 =	sadd.s32 s9, s4;
	s4 =	sld [smem:$0x57F]  }
0x195: {  	[smem:$0x589] =	sst s1  }
0x196: {  	[smem:$0x58C] =	sst s22  }
0x197: {  	s1 =	sshra.s32 s28, $0x1F;
	s28 =	sld [smem:$0x568]  }
0x198: {  	[smem:$0x59D] =	sst s15  }
0x199: {  	s1 =	smul.u32 $0x10624DD3, s1;
	[smem:$0x58E] =	sst s25  }
0x19a: {  	s0 =	smul.u32 $0x10624DD3, s0;
	s22 =	sadd.s32 s7, s30;
	s7 =	sld [smem:$0x56B]  }
0x19b: {  	s29 =	spop (v2sf);
	[smem:$0x58B] =	sst s1  }
0x19c: {  	(v2sf) =	vpush v36, $0xA;
	s1 =	sshra.s32 s18, $0x1F;
	s18 =	sadd.s32 s0, s31;
	s0 =	smul.u32 $0x10624DD3, s26  }
0x19d: {  	s30 =	sld [smem:$0x56F];
	s21 =	sadd.s32 s6, s28;
	s31 =	smulhi.u32 $0x10624DD3, s29  }
0x19e: {  	(v2sf) =	vpush v36, $0xB;
	s6 =	spop (v2sf);
	s26 =	sadd.s32 s20, s7;
	s7 =	sld [smem:$0x572]  }
0x19f: {  	(v2sf) =	vpush v36, $0x0;
	s1 =	smul.u32 $0x10624DD3, s1;
	[smem:$0x58F] =	sst s0  }
0x1a0: {  	s9 =	smulhi.u32 $0x10624DD3, s6;
	[smem:$0x590] =	sst s31  }
0x1a1: {  	s14 =	spop (v2sf);
	s31 =	sld [smem:$0x570]  }
0x1a2: {  	s0 =	sshra.s32 s29, $0x1F;
	s29 =	sadd.s32 s16, s11;
	s11 =	sld [smem:$0x574]  }
0x1a3: {  	s16 =	smulhi.u32 $0x10624DD3, s14;
	[smem:$0x58D] =	sst s1  }
0x1a4: {  	(v2sf) =	vpush v36, $0x1;
	s0 =	smul.u32 $0x10624DD3, s0;
	[smem:$0x592] =	sst s9  }
0x1a5: {  	[smem:$0x594] =	sst s16  }
0x1a6: {  	[smem:$0x591] =	sst s0  }
0x1a7: {  	s0 =	sshra.s32 s6, $0x1F;
	s6 =	sld [smem:$0x571]  }
0x1a8: {  	s1 =	sadd.s32 s31, s30;
	s30 =	sld [smem:$0x577]  }
0x1a9: {  	s31 =	sld [smem:$0x578];
	s0 =	smul.u32 $0x10624DD3, s0  }
0x1aa: {  	[smem:$0x59E] =	sst s1  }
0x1ab: {  	s20 =	spop (v2sf);
	[smem:$0x593] =	sst s0  }
0x1ac: {  	s23 =	smulhi.u32 $0x10624DD3, s20;
	s0 =	sshra.s32 s14, $0x1F;
	s14 =	sld [smem:$0x576]  }
0x1ad: {  	(v2sf) =	vpush v36, $0x2;
	s9 =	spop (v2sf);
	s1 =	sadd.s32 s7, s6;
	s6 =	sld [smem:$0x579]  }
0x1ae: {  	s15 =	spop (v2sf);
	s7 =	sld [smem:$0x57A]  }
0x1af: {  	s25 =	smul.u32 $0x10624DD3, s0;
	s0 =	sshra.s32 s20, $0x1F;
	[smem:$0x59F] =	sst s1  }
0x1b0: {  	s1 =	sadd.s32 s11, s10;
	s20 =	smulhi.u32 $0x10624DD3, s9;
	s10 =	sld [smem:$0x57B]  }
0x1b1: {  	s28 =	sadd.s32 s19, s17;
	s16 =	smulhi.u32 $0x10624DD3, s15;
	s11 =	sld [smem:$0x57C]  }
0x1b2: {  	s19 =	smul.u32 $0x10624DD3, s0;
	[smem:$0x5A0] =	sst s1;
	s0 =	sshra.s32 s9, $0x1F  }
0x1b3: {  	(v2sf) =	vpush v36, $0x3;
	s9 =	spop (v2sf);
	s1 =	sadd.s32 s14, s13;
	s13 =	sld [smem:$0x57D]  }
0x1b4: {  	(v2sf) =	vpush v36, $0x4;
	s17 =	smul.u32 $0x10624DD3, s0;
	s0 =	sshra.s32 s15, $0x1F;
	[smem:$0x5A1] =	sst s1  }
0x1b5: {  	s14 =	smulhi.u32 $0x10624DD3, s9;
	s1 =	sadd.s32 s31, s30;
	s30 =	sld [smem:$0x57E]  }
0x1b6: {  	s15 =	smul.u32 $0x10624DD3, s0;
	s0 =	sshra.s32 s9, $0x1F;
	s9 =	sld [smem:$0x582]  }
0x1b7: {  	[smem:$0x5A2] =	sst s1  }
0x1b8: {  	s19 =	sadd.s32 s19, s23;
	s1 =	sadd.s32 s7, s6;
	s6 =	sld [smem:$0x580]  }
0x1b9: {  	[smem:$0x5B4] =	sst s19  }
0x1ba: {  	s17 =	sadd.s32 s17, s20;
	[smem:$0x5A3] =	sst s1  }
0x1bb: {  	s1 =	sadd.s32 s11, s10;
	[smem:$0x5B5] =	sst s17  }
0x1bc: {  	s31 =	spop (v2sf);
	[smem:$0x5A4] =	sst s1;
	s1 =	sadd.s32 s30, s13  }
0x1bd: {  	s13 =	smul.u32 $0x10624DD3, s0;
	s0 =	sshra.s32 s31, $0x1F;
	[smem:$0x5A5] =	sst s1  }
0x1be: {  	(v2sf) =	vpush v36, $0x5;
	s1 =	sadd.s32 s12, s4;
	s12 =	smulhi.u32 $0x10624DD3, s31;
	s31 =	sld [smem:$0x583]  }
0x1bf: {  	(v2sf) =	vpush v36, $0x6;
	[smem:$0x5A6] =	sst s1  }
0x1c0: {  	s1 =	sadd.s32 s8, s6;
	s8 =	sld [smem:$0x581]  }
0x1c1: {  	s6 =	sld [smem:$0x587]  }
0x1c2: {  	s7 =	spop (v2sf);
	[smem:$0x5A7] =	sst s1  }
0x1c3: {  	s30 =	spop (v2sf);
	s1 =	sadd.s32 s5, s8;
	s5 =	sld [smem:$0x586]  }
0x1c4: {  	s11 =	smul.u32 $0x10624DD3, s0;
	s0 =	sshra.s32 s7, $0x1F;
	[smem:$0x5A9] =	sst s1  }
0x1c5: {  	s8 =	smulhi.u32 $0x10624DD3, s30;
	s1 =	sadd.s32 s3, s9;
	s3 =	sld [smem:$0x585]  }
0x1c6: {  	s9 =	smul.u32 $0x10624DD3, s0;
	s0 =	sshra.s32 s30, $0x1F;
	s30 =	sld [smem:$0x588]  }
0x1c7: {  	[smem:$0x5AA] =	sst s1  }
0x1c8: {  	s10 =	smulhi.u32 $0x10624DD3, s7;
	s1 =	sadd.s32 s2, s31;
	s2 =	sld [smem:$0x584]  }
0x1c9: {  	v56 =	vperm.xlane v54, v32;
	v2 =	vperm.xlane v43, v33;
	s7 =	smul.u32 $0x10624DD3, s0;
	s31 =	sld [smem:$0x589]  }
0x1ca: {  	v48 =	vld [tilespmem:$0x70];
	v4 =	vperm.xlane v4, v32;
	v7 =	vperm.xlane v7, v33;
	[smem:$0x5AB] =	sst s1  }
0x1cb: {  	v49 =	vld [tilespmem:$0x1FF40];
	s7 =	sadd.s32 s7, s8;
	s1 =	sadd.s32 s3, s2;
	s2 =	sld [smem:$0x58C]  }
0x1cc: {  	v2 =	vsel vm8, v2, v56;
	v4 =	vsel vm8, v7, v4;
	[smem:$0x5B6] =	sst s7  }
0x1cd: {  	v2 =	vadd.s32 v2, v4;
	s4 =	spop (v2sf);
	[smem:$0x5AC] =	sst s1;
	s1 =	sadd.s32 s6, s5  }
0x1ce: {  	v2 =	vmul.u32 $0x3E8, v2;
	(v2sf) =	vpush v36, $0x7;
	s0 =	sshra.s32 s4, $0x1F;
	s3 =	spop (v2sf);
	[smem:$0x5AD] =	sst s1  }
0x1cf: {  	s6 =	smulhi.u32 $0x10624DD3, s4;
	s1 =	sadd.s32 s31, s30;
	s30 =	sld [smem:$0x58A]  }
0x1d0: {  	v42 =	vsub.s32 v37, v2;
	v37 =	vadd.s32 v48, v49;
	s5 =	smul.u32 $0x10624DD3, s0;
	s31 =	sld [smem:$0x58B]  }
0x1d1: {  	(v2sf) =	vpush v37, $0xD;
	s4 =	smulhi.u32 $0x10624DD3, s3;
	s0 =	sshra.s32 s3, $0x1F;
	s3 =	sld [smem:$0x58D]  }
0x1d2: {  	[smem:$0x5A8] =	sst s1  }
0x1d3: {  	(v2sf) =	vpush v37, $0xC;
	s1 =	sadd.s32 s31, s30;
	s30 =	sld [smem:$0x58E]  }
0x1d4: {  	s31 =	sld [smem:$0x58F]  }
0x1d5: {  	(v2sf) =	vpush v37, $0xE;
	[smem:$0x5AE] =	sst s1;
	s1 =	sadd.s32 s3, s2  }
0x1d6: {  	[smem:$0x5AF] =	sst s1  }
0x1d7: {  	(v2sf) =	vpush v37, $0xF;
	s1 =	sadd.s32 s31, s30;
	s30 =	sld [smem:$0x591]  }
0x1d8: {  	[smem:$0x5B0] =	sst s1  }
0x1d9: {  	(v2sf) =	vpush v37, $0x9;
	s5 =	sadd.s32 s5, s6;
	s1 =	sld [smem:$0x590]  }
0x1da: {  	[smem:$0x5B8] =	sst s5  }
0x1db: {  	(v2sf) =	vpush v37, $0x8;
	s31 =	sld [smem:$0x592]  }
0x1dc: {  	s16 =	sadd.s32 s15, s16;
	s1 =	sadd.s32 s30, s1;
	s30 =	sld [smem:$0x593]  }
0x1dd: {  	s13 =	sadd.s32 s13, s14;
	s3 =	smul.u32 $0x10624DD3, s0;
	s0 =	spop (v2sf)  }
0x1de: {  	s12 =	sadd.s32 s11, s12;
	s2 =	smulhi.u32 $0x10624DD3, s0;
	[smem:$0x5B1] =	sst s1  }
0x1df: {  	s0 =	sshra.s32 s0, $0x1F;
	s31 =	sadd.s32 s30, s31;
	s30 =	sld [smem:$0x594]  }
0x1e0: {  	s9 =	sadd.s32 s9, s10;
	s1 =	smul.u32 $0x10624DD3, s0;
	s0 =	spop (v2sf)  }
0x1e1: {  	[smem:$0x5B2] =	sst s31;
	s31 =	smulhi.u32 $0x10624DD3, s0;
	s0 =	sshra.s32 s0, $0x1F  }
0x1e2: {  	s0 =	smul.u32 $0x10624DD3, s0;
	s25 =	sadd.s32 s25, s30;
	s30 =	spop (v2sf)  }
0x1e3: {  	[smem:$0x5B3] =	sst s25;
	s19 =	smulhi.u32 $0x10624DD3, s30;
	s25 =	sshra.s32 s30, $0x1F  }
0x1e4: {  	s3 =	sadd.s32 s3, s4;
	s30 =	spop (v2sf);
	s17 =	smul.u32 $0x10624DD3, s25  }
0x1e5: {  	[smem:$0x5B9] =	sst s3;
	s15 =	smulhi.u32 $0x10624DD3, s30;
	s20 =	sshra.s32 s30, $0x1F  }
0x1e6: {  	s1 =	sadd.s32 s1, s2;
	s23 =	spop (v2sf);
	s14 =	smul.u32 $0x10624DD3, s20  }
0x1e7: {  	[smem:$0x5B7] =	sst s1;
	s11 =	smulhi.u32 $0x10624DD3, s23;
	s20 =	sshra.s32 s23, $0x1F  }
0x1e8: {  	s0 =	sadd.s32 s0, s31;
	s25 =	spop (v2sf);
	s10 =	smul.u32 $0x10624DD3, s20  }
0x1e9: {  	[smem:$0x5BA] =	sst s0;
	s7 =	smulhi.u32 $0x10624DD3, s25;
	s30 =	sshra.s32 s25, $0x1F  }
0x1ea: {  	s23 =	spop (v2sf);
	s31 =	sadd.s32 s17, s19;
	s17 =	sld [smem:$0x596]  }
0x1eb: {  	s20 =	smul.u32 $0x10624DD3, s30;
	s8 =	sadd.s32 s14, s15;
	s15 =	sld [smem:$0x595]  }
0x1ec: {  	s25 =	smulhi.u32 $0x10624DD3, s23;
	s30 =	sshra.s32 s23, $0x1F;
	s23 =	sld [smem:$0x598]  }
0x1ed: {  	[smem:$0x5BB] =	sst s8  }
0x1ee: {  	s6 =	smul.u32 $0x10624DD3, s30;
	s11 =	sadd.s32 s10, s11;
	s30 =	sld [smem:$0x59A]  }
0x1ef: {  	[smem:$0x5BC] =	sst s11;
	s14 =	sadd.s32 s20, s7  }
0x1f0: {  	s19 =	sshrl.u32 s17, $0x1F;
	s4 =	sshra.s32 s17, $0x6;
	s20 =	sld [smem:$0x597]  }
0x1f1: {  	s17 =	sshra.s32 s18, $0x6;
	[smem:$0x5BD] =	sst s14;
	s0 =	sadd.s32 s6, s25  }
0x1f2: {  	s3 =	sshra.s32 s15, $0x6;
	s25 =	sld [smem:$0x599];
	s14 =	sshra.s32 s28, $0x1F  }
0x1f3: {  	v50 =	vmov s19;
	s19 =	sshrl.u32 s18, $0x1F;
	[smem:$0x5BE] =	sst s0;
	s0 =	sshrl.u32 s15, $0x1F  }
0x1f4: {  	s11 =	sshrl.u32 s30, $0x1F;
	s15 =	sld [smem:$0x59B];
	v52 =	vmov s19;
	s19 =	sshra.s32 s21, $0x1F  }
0x1f5: {  	v6 =	vperm.xlane v6, v32;
	v10 =	vcombine.low v11, v10;
	v51 =	vmov s14;
	s7 =	sshrl.u32 s20, $0x1F;
	s2 =	sshra.s32 s20, $0x6;
	s20 =	sshra.s32 s30, $0x6  }
0x1f6: {  	v8 =	vperm.xlane v8, v33;
	v1 =	vsel vm3, s17, v51;
	s30 =	sld [smem:$0x59C];
	s17 =	sshrl.u32 s21, $0x1F;
	v53 =	vmov s11;
	s11 =	sshrl.u32 s24, $0x1F  }
0x1f7: {  	v15 =	vperm.xlane v10, v32;
	v9 =	vperm.xlane v9, v33;
	v2 =	vnsel vm3, $0x0, v52;
	s10 =	sshrl.u32 s25, $0x1F;
	s5 =	sshra.s32 s25, $0x6;
	s25 =	sshra.s32 s18, $0x1F  }
0x1f8: {  	v39 =	vsel vm8, v8, v6;
	s18 =	sshra.s32 s21, $0x6;
	s21 =	sshrl.u32 s22, $0x1F;
	v2 =	vsel vm0, s17, v2;
	s1 =	sshrl.u32 s15, $0x1F  }
0x1f9: {  	v3 =	vsel vm8, v9, v15;
	s6 =	sshra.s32 s15, $0x6;
	v1 =	vsel vm9, s25, v1;
	s25 =	sshra.s32 s22, $0x6;
	v2 =	vsel vm1, s21, v2;
	s21 =	sshra.s32 s29, $0x6  }
0x1fa: {  	[tilespmem:$0x200] =	vst v0;
	v3 =	vadd.s32 v39, v3;
	v0 =	vsel vm0, s0, v50;
	s15 =	sshrl.u32 s30, $0x1F;
	s0 =	sshra.s32 s30, $0x6;
	s30 =	sshra.s32 s22, $0x1F  }
0x1fb: {  	v41 =	vmul.u32 $0x3E8, v3;
	v1 =	vsel vm0, s18, v1;
	s18 =	sshra.s32 s24, $0x6;
	s22 =	sshra.s32 s24, $0x1F;
	s24 =	sshrl.u32 s26, $0x1F  }
0x1fc: {  	v0 =	vsel vm1, s7, v0;
	v2 =	vsel vm2, s11, v2;
	s11 =	sshra.s32 s29, $0x1F;
	v1 =	vsel vm10, s19, v1;
	s19 =	sshrl.u32 s29, $0x1F;
	s29 =	sld [smem:$0x59D]  }
0x1fd: {  	s8 =	sshrl.u32 s23, $0x1F;
	v3 =	vsel vm0, s10, v53;
	v2 =	vsel vm4, s24, v2;
	s24 =	sld [smem:$0x59E];
	v1 =	vsel vm1, s25, v1  }
0x1fe: {  	v0 =	vsel vm2, s8, v0;
	s8 =	sshra.s32 s26, $0x1F;
	v3 =	vsel vm1, s1, v3;
	s25 =	sshra.s32 s26, $0x6;
	s26 =	sld [smem:$0x59F];
	v54 =	vsel vm11, s30, v1  }
0x1ff: {  	v2 =	vsel vm5, s19, v2;
	v1 =	vsel vm2, s15, v3;
	v55 =	vsel vm2, s18, v54;
	s30 =	sshrl.u32 s29, $0x1F;
	s15 =	sshra.s32 s29, $0x6;
	s19 =	sshra.s32 s29, $0x1F  }
0x200: {  	s18 =	sshra.s32 s28, $0x6;
	s29 =	sld [smem:$0x5A0];
	v3 =	vsel vm12, s22, v55;
	s22 =	sshrl.u32 s28, $0x1F  }
0x201: {  	s28 =	sshrl.u32 s26, $0x1F;
	s7 =	sshra.s32 s26, $0x6;
	s26 =	sld [smem:$0x5A5]  }
0x202: {  	v56 =	vmov s4;
	s1 =	sshra.s32 s24, $0x6;
	v3 =	vsel vm4, s25, v3;
	s25 =	sshrl.u32 s24, $0x1F;
	s24 =	sld [smem:$0x5A3]  }
0x203: {  	v4 =	vsel vm0, s3, v56;
	v59 =	vmov s28;
	s28 =	sld [smem:$0x5A6]  }
0x204: {  	s23 =	sshra.s32 s23, $0x6;
	v4 =	vsel vm1, s2, v4;
	v47 =	vmov s7;
	s7 =	sld [smem:$0x5AE]  }
0x205: {  	v57 =	vsel vm13, s8, v3;
	v3 =	vsel vm2, s23, v4;
	s23 =	sld [smem:$0x5A2]  }
0x206: {  	v58 =	vmov s20;
	v2 =	vsel vm6, s30, v2;
	s30 =	sshrl.u32 s29, $0x1F;
	v60 =	vsel vm0, s25, v59;
	s25 =	sld [smem:$0x5A4]  }
0x207: {  	s3 =	sshra.s32 s29, $0x6;
	v4 =	vsel vm0, s5, v58;
	v5 =	vsel vm5, s21, v57;
	s21 =	sld [smem:$0x5A1];
	s17 =	sshrl.u32 s26, $0x1F  }
0x208: {  	v4 =	vsel vm1, s6, v4;
	s6 =	sshra.s32 s26, $0x6;
	s26 =	sld [smem:$0x5A9];
	v5 =	vsel vm14, s11, v5;
	s11 =	sshrl.u32 s24, $0x1F  }
0x209: {  	s5 =	sshra.s32 s24, $0x6;
	s29 =	sshrl.u32 s28, $0x1F;
	s24 =	sld [smem:$0x5A8]  }
0x20a: {  	v7 =	vsel vm1, s30, v60;
	v61 =	vsel vm2, s0, v4;
	s30 =	sshra.s32 s28, $0x6;
	s0 =	sshra.s32 s28, $0x1F;
	s20 =	sshrl.u32 s23, $0x1F  }
0x20b: {  	v43 =	vsub.s32 v38, v41;
	v2 =	vsel vm7, s22, v2;
	s2 =	sshra.s32 s23, $0x6;
	v5 =	vsel vm6, s15, v5;
	s15 =	sshrl.u32 s25, $0x1F;
	s22 =	sshrl.u32 s21, $0x1F  }
0x20c: {  	[tilespmem:$0x220] =	vst v42;
	(v2sf) =	vpush v37, $0xA;
	v41 =	vmov s29;
	v51 =	vmov s5;
	s4 =	sshra.s32 s21, $0x6;
	s21 =	sld [smem:$0x5A7];
	s23 =	sshra.s32 s24, $0x1F  }
0x20d: {  	[tilespmem:$0x230] =	vst v43;
	s14 =	sshra.s32 s25, $0x6;
	v42 =	vmov s11;
	s29 =	sld [smem:$0x5AA];
	s28 =	sshrl.u32 s26, $0x1F;
	v11 =	vsel vm0, s2, v51;
	v43 =	vmov s23  }
0x20e: {  	v62 =	vsel vm15, s19, v5;
	s8 =	sshra.s32 s26, $0x6;
	s10 =	sshra.s32 s26, $0x1F;
	v11 =	vsel vm1, s14, v11;
	s14 =	sshra.s32 s16, $0x6;
	v9 =	vsel vm3, s30, v43  }
0x20f: {  	v63 =	vsel vm2, s22, v7;
	v7 =	vnsel vm3, $0x0, v41;
	s22 =	sshrl.u32 s21, $0x1F;
	s25 =	sshra.s32 s21, $0x6;
	v9 =	vsel vm9, s0, v9;
	s0 =	sld [smem:$0x5AB]  }
0x210: {  	v8 =	vsel vm0, s20, v42;
	s19 =	sshra.s32 s29, $0x6;
	s20 =	sshra.s32 s29, $0x1F;
	v7 =	vsel vm0, s22, v7;
	v9 =	vsel vm0, s25, v9;
	s25 =	sld [smem:$0x5AC]  }
0x211: {  	v11 =	vsel vm2, s6, v11;
	s6 =	sshra.s32 s13, $0x6;
	s30 =	sshrl.u32 s29, $0x1F;
	v7 =	vsel vm1, s28, v7;
	s28 =	sld [smem:$0x5AD]  }
0x212: {  	v5 =	vsel vm7, s18, v62;
	s18 =	sshra.s32 s21, $0x1F;
	v7 =	vsel vm2, s30, v7;
	s30 =	sshrl.u32 s24, $0x1F;
	s23 =	sshrl.u32 s0, $0x1F  }
0x213: {  	v9 =	vsel vm10, s18, v9;
	s11 =	sshra.s32 s0, $0x6;
	s26 =	sshrl.u32 s25, $0x1F;
	s18 =	sshra.s32 s25, $0x6  }
0x214: {  	v8 =	vsel vm1, s15, v8;
	v44 =	vsel vm4, s23, v7;
	s23 =	sshra.s32 s25, $0x1F;
	s29 =	sshrl.u32 s28, $0x1F;
	s25 =	sld [smem:$0x5AF]  }
0x215: {  	(v2sf) =	vpush v37, $0xB;
	v45 =	vsel vm2, s17, v8;
	v9 =	vsel vm1, s8, v9;
	s8 =	sshra.s32 s28, $0x6;
	s17 =	sshra.s32 s28, $0x1F;
	s28 =	sld [smem:$0x5B1]  }
0x216: {  	s21 =	sshra.s32 s0, $0x1F;
	s0 =	sshra.s32 s7, $0x6;
	v46 =	vsel vm5, s26, v44;
	s26 =	sld [smem:$0x5B0]  }
0x217: {  	v9 =	vsel vm11, s10, v9;
	s10 =	sshra.s32 s24, $0x6;
	s24 =	sshrl.u32 s7, $0x1F;
	v8 =	vsel vm6, s29, v46;
	s29 =	sld [smem:$0x5B2]  }
0x218: {  	(v2sf) =	vpush v37, $0x0;
	v9 =	vsel vm2, s19, v9;
	s19 =	sshrl.u32 s25, $0x1F;
	s7 =	sshra.s32 s25, $0x6;
	v8 =	vsel vm7, s30, v8;
	s30 =	sld [smem:$0x5B3]  }
0x219: {  	v10 =	vsel vm0, s1, v47;
	v48 =	vsel vm12, s20, v9;
	s20 =	sshrl.u32 s28, $0x1F;
	s1 =	sshra.s32 s28, $0x6;
	s28 =	sld [smem:$0x5B5]  }
0x21a: {  	(v2sf) =	vpush v37, $0x1;
	v10 =	vsel vm1, s3, v10;
	s25 =	sshrl.u32 s26, $0x1F;
	s3 =	sshra.s32 s26, $0x6;
	s26 =	sld [smem:$0x5B4]  }
0x21b: {  	v49 =	vsel vm2, s4, v10;
	v50 =	vsel vm4, s11, v48;
	v52 =	vmov s19;
	s19 =	sshrl.u32 s9, $0x1F;
	s11 =	sshrl.u32 s29, $0x1F;
	s4 =	sshra.s32 s29, $0x6  }
0x21c: {  	(v2sf) =	vpush v37, $0x2;
	v10 =	vsel vm13, s21, v50;
	s29 =	sshrl.u32 s16, $0x1F;
	s16 =	sshra.s32 s16, $0x1F;
	v12 =	vsel vm0, s24, v52;
	s24 =	sshra.s32 s9, $0x6  }
0x21d: {  	v10 =	vsel vm5, s18, v10;
	s22 =	sshrl.u32 s30, $0x1F;
	s15 =	sshra.s32 s30, $0x6;
	s30 =	sld [smem:$0x5B6]  }
0x21e: {  	(v2sf) =	vpush v37, $0x3;
	s18 =	sshrl.u32 s28, $0x1F;
	s2 =	sshra.s32 s28, $0x6;
	v10 =	vsel vm14, s23, v10;
	v53 =	vmov s29;
	s29 =	sld [smem:$0x5B7]  }
0x21f: {  	(v2sf) =	vpush v37, $0x4;
	s23 =	sshrl.u32 s13, $0x1F;
	v12 =	vsel vm1, s25, v12;
	s28 =	spop (v2sf);
	s21 =	sshrl.u32 s26, $0x1F;
	v10 =	vsel vm6, s8, v10  }
0x220: {  	s5 =	sshra.s32 s26, $0x6;
	s26 =	sshra.s32 s9, $0x1F;
	v12 =	vsel vm2, s20, v12;
	s20 =	smulhi.u32 $0x10624DD3, s28;
	v10 =	vsel vm15, s17, v10  }
0x221: {  	(v2sf) =	vpush v37, $0x5;
	s9 =	sshrl.u32 s30, $0x1F;
	v10 =	vsel vm7, s10, v10;
	s10 =	sshra.s32 s29, $0x1F;
	s25 =	sshra.s32 s30, $0x6  }
0x222: {  	(v2sf) =	vpush v37, $0x6;
	v13 =	vnsel vm3, $0x0, v53;
	v54 =	vmov s10;
	s10 =	sshra.s32 s30, $0x1F;
	s30 =	sshra.s32 s28, $0x1F;
	s28 =	sld [smem:$0x5B8]  }
0x223: {  	(v2sf) =	vpush v37, $0x7;
	s8 =	sshra.s32 s13, $0x1F;
	s13 =	sshrl.u32 s12, $0x1F;
	s17 =	sshra.s32 s12, $0x6;
	v13 =	vsel vm0, s23, v13  }
0x224: {  	s12 =	sshra.s32 s12, $0x1F;
	v13 =	vsel vm1, s13, v13;
	v14 =	vsel vm3, s14, v54;
	s13 =	smul.u32 $0x10624DD3, s30;
	s30 =	spop (v2sf)  }
0x225: {  	v55 =	vmov s22;
	v13 =	vsel vm2, s19, v13;
	v14 =	vsel vm9, s16, v14;
	s19 =	smulhi.u32 $0x10624DD3, s30;
	s23 =	sshra.s32 s30, $0x1F;
	s14 =	sshrl.u32 s28, $0x1F  }
0x226: {  	v15 =	vsel vm0, s11, v55;
	v13 =	vsel vm4, s9, v13;
	s11 =	sshra.s32 s28, $0x6;
	s16 =	sshra.s32 s28, $0x1F;
	v14 =	vsel vm0, s6, v14;
	s28 =	sld [smem:$0x5B9]  }
0x227: {  	v56 =	vmov s7;
	s7 =	sshra.s32 s29, $0x6;
	s22 =	spop (v2sf);
	v13 =	vsel vm5, s14, v13;
	v14 =	vsel vm10, s8, v14;
	s14 =	smul.u32 $0x10624DD3, s23  }
0x228: {  	s6 =	sshra.s32 s22, $0x1F;
	s23 =	sshrl.u32 s29, $0x1F;
	v14 =	vsel vm1, s17, v14;
	s17 =	smulhi.u32 $0x10624DD3, s22  }
0x229: {  	v15 =	vsel vm1, s21, v15;
	s30 =	sshrl.u32 s28, $0x1F;
	s21 =	sshra.s32 s28, $0x6;
	v14 =	vsel vm11, s12, v14;
	s12 =	smul.u32 $0x10624DD3, s6  }
0x22a: {  	v0 =	vcombine.low v1, v0;
	s8 =	sshra.s32 s28, $0x1F;
	s28 =	spop (v2sf);
	v14 =	vsel vm2, s24, v14;
	s24 =	sld [smem:$0x5BA]  }
0x22b: {  	v3 =	vcombine.low v61, v3;
	v39 =	vmov s15;
	v13 =	vsel vm6, s30, v13;
	s15 =	smulhi.u32 $0x10624DD3, s28;
	s29 =	sshra.s32 s28, $0x1F;
	s30 =	spop (v2sf)  }
0x22c: {  	v0 =	vperm.xlane v0, v32;
	v38 =	vsel vm0, s0, v56;
	s0 =	sadd.s32 s13, s20;
	v13 =	vsel vm7, s23, v13;
	s23 =	sld [smem:$0x5BB];
	s20 =	smul.u32 $0x10624DD3, s29  }
0x22d: {  	v2 =	vperm.xlane v2, v33;
	v3 =	vperm.xlane v3, v32;
	s9 =	sshrl.u32 s31, $0x1F;
	v14 =	vsel vm12, s26, v14;
	s28 =	spop (v2sf);
	s22 =	smulhi.u32 $0x10624DD3, s30  }
0x22e: {  	v38 =	vsel vm1, s3, v38;
	v15 =	vsel vm2, s18, v15;
	s30 =	sshra.s32 s30, $0x1F;
	s26 =	sld [smem:$0x5BC];
	v14 =	vsel vm4, s25, v14;
	s18 =	spop (v2sf)  }
0x22f: {  	v5 =	vperm.xlane v5, v33;
	v59 =	vsel vm2, s1, v38;
	s1 =	sadd.s32 s14, s19;
	s25 =	sld [smem:$0x5BD];
	s19 =	smul.u32 $0x10624DD3, s30;
	v58 =	vsel vm13, s10, v14  }
0x230: {  	v61 =	vcombine.low v45, v63;
	s12 =	sadd.s32 s12, s17;
	s14 =	smulhi.u32 $0x10624DD3, s28;
	v6 =	vsel vm5, s11, v58;
	s11 =	spop (v2sf)  }
0x231: {  	v0 =	vsel vm8, v2, v0;
	v63 =	vcombine.low v11, v49;
	v60 =	vsel vm8, v5, v3;
	s28 =	sshra.s32 s28, $0x1F;
	s6 =	sshrl.u32 s24, $0x1F;
	s10 =	spop (v2sf)  }
0x232: {  	v0 =	vadd.s32 v0, v60;
	v3 =	vperm.xlane v61, v32;
	v39 =	vsel vm0, s4, v39;
	s13 =	sadd.s32 s20, s15;
	s17 =	smul.u32 $0x10624DD3, s28;
	s29 =	spop (v2sf)  }
0x233: {  	v2 =	vperm.xlane v63, v32;
	v57 =	vsel vm1, s5, v39;
	s20 =	sshrl.u32 s0, $0x1F;
	v6 =	vsel vm14, s16, v6;
	s30 =	smulhi.u32 $0x10624DD3, s29;
	s16 =	sshra.s32 s29, $0x1F  }
0x234: {  	v9 =	vperm.xlane v8, v33;
	v1 =	vsel vm2, s2, v57;
	v11 =	vperm.xlane v10, v33;
	s3 =	sshrl.u32 s23, $0x1F;
	s5 =	sshrl.u32 s26, $0x1F;
	s16 =	smul.u32 $0x10624DD3, s16  }
0x235: {  	v15 =	vcombine.low v15, v12;
	v1 =	vcombine.low v1, v59;
	v38 =	vmov s9;
	s19 =	sadd.s32 s19, s22;
	s9 =	sshrl.u32 s13, $0x1F;
	s28 =	sshra.s32 s13, $0x6  }
0x236: {  	v0 =	vmul.u32 $0x3E8, v0;
	v3 =	vsel vm8, v9, v3;
	v2 =	vsel vm8, v11, v2;
	s4 =	sshrl.u32 s25, $0x1F;
	s14 =	sadd.s32 s17, s14;
	s2 =	sadd.s32 s16, s30  }
0x237: {  	v5 =	vperm.xlane v15, v32;
	v1 =	vperm.xlane v1, v32;
	s15 =	smulhi.u32 $0x10624DD3, s11;
	v62 =	vsel vm6, s21, v6;
	s21 =	sld [smem:$0x5BE];
	s16 =	sshra.s32 s2, $0x1F  }
0x238: {  	[tilespmem:$0x210] =	vst v40;
	v40 =	vperm.xlane v13, v33;
	v6 =	vsel vm0, s6, v38;
	s6 =	smulhi.u32 $0x10624DD3, s18;
	s30 =	sshra.s32 s18, $0x1F;
	s18 =	sshra.s32 s12, $0x6;
	v39 =	vmov s16  }
0x239: {  	s11 =	sshra.s32 s11, $0x1F;
	v4 =	vsel vm15, s8, v62;
	s29 =	sshrl.u32 s12, $0x1F;
	v6 =	vsel vm1, s3, v6;
	s12 =	sshra.s32 s12, $0x1F;
	v7 =	vsel vm3, s18, v39  }
0x23a: {  	s22 =	sshrl.u32 s19, $0x1F;
	s11 =	smul.u32 $0x10624DD3, s11;
	v4 =	vsel vm7, s7, v4;
	s7 =	sshrl.u32 s1, $0x1F;
	v41 =	vmov s29;
	v7 =	vsel vm9, s12, v7  }
0x23b: {  	v6 =	vsel vm2, s5, v6;
	s8 =	sshrl.u32 s21, $0x1F;
	v9 =	vnsel vm3, $0x0, v41;
	s17 =	smul.u32 $0x10624DD3, s30;
	s30 =	sshra.s32 s13, $0x1F;
	v7 =	vsel vm0, s28, v7  }
0x23c: {  	s29 =	sshrl.u32 s14, $0x1F;
	s5 =	smulhi.u32 $0x10624DD3, s10;
	v9 =	vsel vm0, s9, v9;
	v42 =	vmov s8;
	s13 =	sshra.s32 s19, $0x6;
	v7 =	vsel vm10, s30, v7  }
0x23d: {  	s10 =	sshra.s32 s10, $0x1F;
	s9 =	sshra.s32 s14, $0x1F;
	v9 =	vsel vm1, s22, v9;
	s19 =	sshra.s32 s19, $0x1F;
	v10 =	vsel vm0, s4, v42;
	v7 =	vsel vm1, s13, v7  }
0x23e: {  	v9 =	vsel vm2, s29, v9;
	s29 =	sshra.s32 s14, $0x6;
	v10 =	vsel vm1, s20, v10;
	s14 =	sshra.s32 s24, $0x6;
	s6 =	sadd.s32 s17, s6;
	v7 =	vsel vm11, s19, v7  }
0x23f: {  	v4 =	vperm.xlane v4, v33;
	s18 =	smul.u32 $0x10624DD3, s10;
	v10 =	vsel vm2, s7, v10;
	s17 =	sshra.s32 s23, $0x6;
	s12 =	sshra.s32 s31, $0x6;
	v7 =	vsel vm2, s29, v7  }
0x240: {  	s22 =	sshrl.u32 s6, $0x1F;
	v6 =	vcombine.low v10, v6;
	s28 =	sadd.s32 s11, s15;
	s11 =	sshra.s32 s6, $0x6;
	v43 =	vmov s12;
	v7 =	vsel vm12, s9, v7  }
0x241: {  	v9 =	vsel vm4, s22, v9;
	s6 =	sshra.s32 s6, $0x1F;
	s30 =	sshrl.u32 s28, $0x1F;
	v10 =	vsel vm0, s14, v43;
	s13 =	sshra.s32 s21, $0x6;
	v7 =	vsel vm4, s11, v7  }
0x242: {  	s5 =	sadd.s32 s18, s5;
	s15 =	sshra.s32 s25, $0x6;
	s16 =	sshra.s32 s28, $0x6;
	v9 =	vsel vm5, s30, v9;
	v44 =	vmov s13;
	v7 =	vsel vm13, s6, v7  }
0x243: {  	s0 =	sshra.s32 s0, $0x6;
	s10 =	sshrl.u32 s5, $0x1F;
	s18 =	sshra.s32 s28, $0x1F;
	v10 =	vsel vm1, s17, v10;
	v11 =	vsel vm0, s15, v44;
	v7 =	vsel vm5, s16, v7  }
0x244: {  	s20 =	sshra.s32 s1, $0x6;
	s21 =	sshra.s32 s5, $0x6;
	v9 =	vsel vm6, s10, v9;
	s19 =	sshra.s32 s26, $0x6;
	v11 =	vsel vm1, s0, v11;
	v7 =	vsel vm14, s18, v7  }
0x245: {  	s22 =	sshrl.u32 s2, $0x1F;
	s23 =	sshra.s32 s5, $0x1F;
	v10 =	vsel vm2, s19, v10;
	v11 =	vsel vm2, s20, v11;
	v7 =	vsel vm6, s21, v7  }
0x246: {  	s24 =	sshra.s32 s2, $0x6;
	v9 =	vsel vm7, s22, v9;
	v10 =	vcombine.low v11, v10;
	v7 =	vsel vm15, s23, v7  }
0x247: {  	v6 =	vperm.xlane v6, v32;
	v9 =	vperm.xlane v9, v33;
	v7 =	vsel vm7, s24, v7  }
0x248: {  	v2 =	vadd.s32 v3, v2;
	v45 =	vperm.xlane v10, v32;
	v7 =	vperm.xlane v7, v33  }
0x249: {  	v2 =	vmul.u32 $0x3E8, v2;
	v5 =	vsel vm8, v40, v5;
	v1 =	vsel vm8, v4, v1  }
0x24a: {  	v1 =	vadd.s32 v5, v1;
	v46 =	vsel vm8, v9, v6;
	v3 =	vsel vm8, v7, v45  }
0x24b: {  	v0 =	vsub.s32 v34, v0;
	v1 =	vmul.u32 $0x3E8, v1;
	v3 =	vadd.s32 v46, v3  }
0x24c: {  	[tilespmem:$0x240] =	vst v0;
	v47 =	vsub.s32 v35, v2;
	v48 =	vmul.u32 $0x3E8, v3  }
0x24d: {  	[tilespmem:$0x250] =	vst v47;
	s25 =	rddreg [dreg:$0x3];
	v49 =	vsub.s32 v36, v1  }
0x24e: {  	[tilespmem:$0x260] =	vst v49;
	s28 =	rddreg [dreg:$0xd];
	v50 =	vsub.s32 v37, v48  }
0x24f: {  	s26 =	rddreg [dreg:$0x4];
	s29 =	simm.s32 $0x80;
	[tilespmem:$0x270] =	vst v50  }
0x250: {  	v52 =	vld [tilespmem:$0x1FF50];
	[tilespmem:s25], [sflag:$0x1] =	stream.indirect.gather [hbm4b:s28+s29], $0x1, s26, s29, $0xb8  }
0x251: {  	v51 =	vld [tilespmem:$0x80];
	_ =	sdelay $0x4  }
0x252: {  	v37 =	vadd.s32 v51, v52  }
0x253: {  	(v2sf) =	vpush v37, $0xD;
	_ =	sdelay $0x1  }
0x254: {  	(v2sf) =	vpush v37, $0xC;
	_ =	sdelay $0x1  }
0x255: {  	(v2sf) =	vpush v37, $0xE;
	_ =	sdelay $0x1  }
0x256: {  	(v2sf) =	vpush v37, $0xF;
	_ =	sdelay $0x1  }
0x257: {  	(v2sf) =	vpush v37, $0x9;
	_ =	sdelay $0x1  }
0x258: {  	(v2sf) =	vpush v37, $0x8;
	_ =	sdelay $0x1  }
0x259: {  	(v2sf) =	vpush v37, $0xA;
	_ =	sdelay $0x1  }
0x25a: {  	(v2sf) =	vpush v37, $0xB  }
0x25b: {  	s30 =	spop (v2sf)  }
0x25c: {  	(v2sf) =	vpush v37, $0x0;
	s31 =	smulhi.u32 $0x10624DD3, s30;
	s0 =	sshra.s32 s30, $0x1F  }
0x25d: {  	s2 =	spop (v2sf);
	s15 =	smul.u32 $0x10624DD3, s0  }
0x25e: {  	(v2sf) =	vpush v37, $0x1;
	s14 =	smulhi.u32 $0x10624DD3, s2;
	s0 =	sshra.s32 s2, $0x1F  }
0x25f: {  	s3 =	spop (v2sf);
	s17 =	smul.u32 $0x10624DD3, s0  }
0x260: {  	(v2sf) =	vpush v37, $0x2;
	s16 =	smulhi.u32 $0x10624DD3, s3;
	s0 =	sshra.s32 s3, $0x1F  }
0x261: {  	s4 =	spop (v2sf);
	s19 =	smul.u32 $0x10624DD3, s0  }
0x262: {  	(v2sf) =	vpush v37, $0x3;
	s18 =	smulhi.u32 $0x10624DD3, s4;
	s0 =	sshra.s32 s4, $0x1F  }
0x263: {  	s5 =	spop (v2sf);
	(v2sf) =	vpush v37, $0x4;
	s21 =	smul.u32 $0x10624DD3, s0  }
0x264: {  	v54 =	vld [tilespmem:$0x1FF60];
	s20 =	smulhi.u32 $0x10624DD3, s5;
	s0 =	sshra.s32 s5, $0x1F  }
0x265: {  	v53 =	vld [tilespmem:$0x90];
	s6 =	spop (v2sf);
	(v2sf) =	vpush v37, $0x5;
	s23 =	smul.u32 $0x10624DD3, s0  }
0x266: {  	s22 =	smulhi.u32 $0x10624DD3, s6;
	s0 =	sshra.s32 s6, $0x1F  }
0x267: {  	s7 =	spop (v2sf);
	(v2sf) =	vpush v37, $0x6;
	s25 =	smul.u32 $0x10624DD3, s0  }
0x268: {  	s24 =	smulhi.u32 $0x10624DD3, s7;
	s0 =	sshra.s32 s7, $0x1F  }
0x269: {  	s8 =	spop (v2sf);
	(v2sf) =	vpush v37, $0x7;
	s28 =	smul.u32 $0x10624DD3, s0  }
0x26a: {  	v34 =	vadd.s32 v53, v54;
	s26 =	smulhi.u32 $0x10624DD3, s8;
	s0 =	sshra.s32 s8, $0x1F  }
0x26b: {  	s29 =	smul.u32 $0x10624DD3, s0;
	s9 =	spop (v2sf);
	(v2sf) =	vpush v34, $0xD  }
0x26c: {  	s30 =	smulhi.u32 $0x10624DD3, s9;
	s0 =	sshra.s32 s9, $0x1F  }
0x26d: {  	s10 =	spop (v2sf);
	s6 =	smul.u32 $0x10624DD3, s0  }
0x26e: {  	[smem:$0x5BF] =	sst s31;
	(v2sf) =	vpush v34, $0xC;
	s31 =	smulhi.u32 $0x10624DD3, s10;
	s0 =	sshra.s32 s10, $0x1F  }
0x26f: {  	s11 =	spop (v2sf);
	s1 =	smul.u32 $0x10624DD3, s0  }
0x270: {  	s12 =	smulhi.u32 $0x10624DD3, s11;
	s0 =	sshra.s32 s11, $0x1F  }
0x271: {  	(v2sf) =	vpush v34, $0xE;
	s13 =	spop (v2sf);
	s8 =	smul.u32 $0x10624DD3, s0  }
0x272: {  	s3 =	smulhi.u32 $0x10624DD3, s13;
	s0 =	sshra.s32 s13, $0x1F;
	s4 =	spop (v2sf)  }
0x273: {  	[smem:$0x5C0] =	sst s12;
	s5 =	smul.u32 $0x10624DD3, s0  }
0x274: {  	(v2sf) =	vpush v34, $0xF;
	s7 =	smulhi.u32 $0x10624DD3, s4;
	s0 =	sshra.s32 s4, $0x1F;
	s9 =	spop (v2sf)  }
0x275: {  	[smem:$0x5C1] =	sst s3;
	s3 =	smul.u32 $0x10624DD3, s0  }
0x276: {  	s10 =	smulhi.u32 $0x10624DD3, s9;
	s0 =	sshra.s32 s9, $0x1F;
	s11 =	spop (v2sf)  }
0x277: {  	(v2sf) =	vpush v34, $0x9;
	[smem:$0x5C2] =	sst s7;
	s7 =	smul.u32 $0x10624DD3, s0  }
0x278: {  	s12 =	smulhi.u32 $0x10624DD3, s11;
	s0 =	sshra.s32 s11, $0x1F;
	s13 =	spop (v2sf)  }
0x279: {  	[smem:$0x5C3] =	sst s10;
	s4 =	smul.u32 $0x10624DD3, s0  }
0x27a: {  	s9 =	smulhi.u32 $0x10624DD3, s13;
	s0 =	sshra.s32 s13, $0x1F;
	s10 =	spop (v2sf)  }
0x27b: {  	s2 =	smul.u32 $0x10624DD3, s0;
	s0 =	sshra.s32 s10, $0x1F  }
0x27c: {  	(v2sf) =	vpush v34, $0x8;
	[smem:$0x5C4] =	sst s12;
	s0 =	smul.u32 $0x10624DD3, s0  }
0x27d: {  	s11 =	smulhi.u32 $0x10624DD3, s10;
	s12 =	spop (v2sf)  }
0x27e: {  	(v2sf) =	vpush v34, $0xA;
	s13 =	smulhi.u32 $0x10624DD3, s12;
	[smem:$0x5C7] =	sst s0;
	s0 =	sshra.s32 s12, $0x1F  }
0x27f: {  	s0 =	smul.u32 $0x10624DD3, s0  }
0x280: {  	(v2sf) =	vpush v34, $0xB;
	s10 =	spop (v2sf);
	[smem:$0x5C6] =	sst s11  }
0x281: {  	s11 =	smulhi.u32 $0x10624DD3, s10;
	[smem:$0x5C9] =	sst s0;
	s0 =	sshra.s32 s10, $0x1F  }
0x282: {  	[smem:$0x5C5] =	sst s9;
	s0 =	smul.u32 $0x10624DD3, s0  }
0x283: {  	(v2sf) =	vpush v34, $0x0;
	[smem:$0x5C8] =	sst s13;
	s12 =	spop (v2sf)  }
0x284: {  	[smem:$0x5CB] =	sst s0;
	s0 =	sshra.s32 s12, $0x1F  }
0x285: {  	[smem:$0x5CA] =	sst s11;
	s0 =	smul.u32 $0x10624DD3, s0  }
0x286: {  	(v2sf) =	vpush v34, $0x1;
	s13 =	smulhi.u32 $0x10624DD3, s12;
	s10 =	spop (v2sf)  }
0x287: {  	s11 =	smulhi.u32 $0x10624DD3, s10;
	[smem:$0x5CD] =	sst s0;
	s0 =	sshra.s32 s10, $0x1F  }
0x288: {  	(v2sf) =	vpush v34, $0x2;
	[smem:$0x5CC] =	sst s13;
	s0 =	smul.u32 $0x10624DD3, s0  }
0x289: {  	(v2sf) =	vpush v34, $0x3;
	[smem:$0x5CE] =	sst s11  }
0x28a: {  	(v2sf) =	vpush v34, $0x4;
	[smem:$0x5CF] =	sst s0  }
0x28b: {  	s0 =	spop (v2sf)  }
0x28c: {  	s12 =	smulhi.u32 $0x10624DD3, s0;
	s0 =	sshra.s32 s0, $0x1F  }
0x28d: {  	s13 =	spop (v2sf);
	s0 =	smul.u32 $0x10624DD3, s0  }
0x28e: {  	s10 =	smulhi.u32 $0x10624DD3, s13  }
0x28f: {  	s11 =	spop (v2sf);
	[smem:$0x5D0] =	sst s12  }
0x290: {  	s12 =	smulhi.u32 $0x10624DD3, s11;
	[smem:$0x5D1] =	sst s0;
	s0 =	sshra.s32 s13, $0x1F  }
0x291: {  	(v2sf) =	vpush v34, $0x5;
	s0 =	smul.u32 $0x10624DD3, s0  }
0x292: {  	[smem:$0x5D2] =	sst s10;
	s13 =	spop (v2sf)  }
0x293: {  	s10 =	smulhi.u32 $0x10624DD3, s13;
	[smem:$0x5D3] =	sst s0;
	s0 =	sshra.s32 s11, $0x1F  }
0x294: {  	[smem:$0x5D4] =	sst s12;
	s0 =	smul.u32 $0x10624DD3, s0  }
0x295: {  	(v2sf) =	vpush v34, $0x6;
	[smem:$0x5D6] =	sst s10;
	s11 =	spop (v2sf)  }
0x296: {  	v55 =	vld [tilespmem:$0xA0];
	s12 =	smulhi.u32 $0x10624DD3, s11;
	[smem:$0x5D5] =	sst s0;
	s0 =	sshra.s32 s13, $0x1F  }
0x297: {  	v56 =	vld [tilespmem:$0x1FF70];
	s13 =	spop (v2sf);
	s10 =	smul.u32 $0x10624DD3, s0  }
0x298: {  	[smem:$0x5D7] =	sst s12;
	s0 =	sshra.s32 s11, $0x1F;
	s12 =	smulhi.u32 $0x10624DD3, s13  }
0x299: {  	(v2sf) =	vpush v34, $0x7;
	s11 =	smul.u32 $0x10624DD3, s0;
	s0 =	sshra.s32 s13, $0x1F  }
0x29a: {  	s9 =	smul.u32 $0x10624DD3, s0;
	s0 =	spop (v2sf)  }
0x29b: {  	s13 =	smulhi.u32 $0x10624DD3, s0  }
0x29c: {  	v35 =	vadd.s32 v55, v56;
	[smem:$0x5D8] =	sst s12;
	s12 =	spop (v2sf)  }
0x29d: {  	(v2sf) =	vpush v35, $0xD;
	[smem:$0x5D9] =	sst s13;
	s13 =	smulhi.u32 $0x10624DD3, s12;
	s12 =	sshra.s32 s12, $0x1F  }
0x29e: {  	s12 =	smul.u32 $0x10624DD3, s12;
	_ =	sdelay $0x1  }
0x29f: {  	[smem:$0x5DB] =	sst s12;
	s12 =	spop (v2sf)  }
0x2a0: {  	(v2sf) =	vpush v35, $0xC;
	[smem:$0x5DA] =	sst s13;
	s13 =	smulhi.u32 $0x10624DD3, s12;
	s12 =	sshra.s32 s12, $0x1F  }
0x2a1: {  	s12 =	smul.u32 $0x10624DD3, s12;
	_ =	sdelay $0x1  }
0x2a2: {  	[smem:$0x5DD] =	sst s12;
	s12 =	spop (v2sf)  }
0x2a3: {  	(v2sf) =	vpush v35, $0xE;
	[smem:$0x5DC] =	sst s13;
	s13 =	smulhi.u32 $0x10624DD3, s12;
	s12 =	sshra.s32 s12, $0x1F  }
0x2a4: {  	s12 =	smul.u32 $0x10624DD3, s12;
	_ =	sdelay $0x1  }
0x2a5: {  	[smem:$0x5DF] =	sst s12;
	s12 =	spop (v2sf)  }
0x2a6: {  	(v2sf) =	vpush v35, $0xF;
	[smem:$0x5DE] =	sst s13;
	s13 =	smulhi.u32 $0x10624DD3, s12;
	s12 =	sshra.s32 s12, $0x1F  }
0x2a7: {  	s12 =	smul.u32 $0x10624DD3, s12;
	_ =	sdelay $0x1  }
0x2a8: {  	[smem:$0x5E1] =	sst s12;
	s12 =	spop (v2sf)  }
0x2a9: {  	(v2sf) =	vpush v35, $0x9;
	[smem:$0x5E0] =	sst s13;
	s13 =	smulhi.u32 $0x10624DD3, s12;
	s12 =	sshra.s32 s12, $0x1F  }
0x2aa: {  	s12 =	smul.u32 $0x10624DD3, s12;
	_ =	sdelay $0x1  }
0x2ab: {  	[smem:$0x5E3] =	sst s12;
	s12 =	spop (v2sf)  }
0x2ac: {  	(v2sf) =	vpush v35, $0x8;
	[smem:$0x5E2] =	sst s13;
	s13 =	smulhi.u32 $0x10624DD3, s12;
	s12 =	sshra.s32 s12, $0x1F  }
0x2ad: {  	s12 =	smul.u32 $0x10624DD3, s12;
	_ =	sdelay $0x1  }
0x2ae: {  	[smem:$0x5E5] =	sst s12;
	s12 =	spop (v2sf)  }
0x2af: {  	(v2sf) =	vpush v35, $0xA;
	[smem:$0x5E4] =	sst s13;
	s13 =	smulhi.u32 $0x10624DD3, s12;
	s12 =	sshra.s32 s12, $0x1F  }
0x2b0: {  	s12 =	smul.u32 $0x10624DD3, s12;
	_ =	sdelay $0x1  }
0x2b1: {  	[smem:$0x5E7] =	sst s12;
	s12 =	spop (v2sf)  }
0x2b2: {  	(v2sf) =	vpush v35, $0xB;
	[smem:$0x5E6] =	sst s13;
	s13 =	smulhi.u32 $0x10624DD3, s12;
	s12 =	sshra.s32 s12, $0x1F  }
0x2b3: {  	s12 =	smul.u32 $0x10624DD3, s12;
	_ =	sdelay $0x1  }
0x2b4: {  	[smem:$0x5E9] =	sst s12;
	s12 =	spop (v2sf)  }
0x2b5: {  	(v2sf) =	vpush v35, $0x0;
	[smem:$0x5E8] =	sst s13;
	s13 =	smulhi.u32 $0x10624DD3, s12;
	s12 =	sshra.s32 s12, $0x1F  }
0x2b6: {  	s12 =	smul.u32 $0x10624DD3, s12;
	_ =	sdelay $0x1  }
0x2b7: {  	[smem:$0x5EB] =	sst s12;
	s12 =	spop (v2sf)  }
0x2b8: {  	(v2sf) =	vpush v35, $0x1;
	[smem:$0x5EA] =	sst s13;
	s13 =	smulhi.u32 $0x10624DD3, s12;
	s12 =	sshra.s32 s12, $0x1F  }
0x2b9: {  	s12 =	smul.u32 $0x10624DD3, s12;
	_ =	sdelay $0x1  }
0x2ba: {  	[smem:$0x5ED] =	sst s12;
	s12 =	spop (v2sf)  }
0x2bb: {  	(v2sf) =	vpush v35, $0x2;
	[smem:$0x5EC] =	sst s13;
	s13 =	smulhi.u32 $0x10624DD3, s12;
	s12 =	sshra.s32 s12, $0x1F  }
0x2bc: {  	s12 =	smul.u32 $0x10624DD3, s12;
	_ =	sdelay $0x1  }
0x2bd: {  	[smem:$0x5EF] =	sst s12;
	s12 =	spop (v2sf)  }
0x2be: {  	(v2sf) =	vpush v35, $0x3;
	[smem:$0x5EE] =	sst s13;
	s13 =	smulhi.u32 $0x10624DD3, s12;
	s12 =	sshra.s32 s12, $0x1F  }
0x2bf: {  	s12 =	smul.u32 $0x10624DD3, s12;
	_ =	sdelay $0x1  }
0x2c0: {  	[smem:$0x5F1] =	sst s12;
	s12 =	spop (v2sf)  }
0x2c1: {  	(v2sf) =	vpush v35, $0x4;
	[smem:$0x5F0] =	sst s13;
	s13 =	smulhi.u32 $0x10624DD3, s12;
	s12 =	sshra.s32 s12, $0x1F  }
0x2c2: {  	s12 =	smul.u32 $0x10624DD3, s12;
	_ =	sdelay $0x1  }
0x2c3: {  	[smem:$0x5F3] =	sst s12;
	s12 =	spop (v2sf)  }
0x2c4: {  	(v2sf) =	vpush v35, $0x5;
	[smem:$0x5F2] =	sst s13;
	s13 =	smulhi.u32 $0x10624DD3, s12;
	s12 =	sshra.s32 s12, $0x1F  }
0x2c5: {  	s12 =	smul.u32 $0x10624DD3, s12;
	_ =	sdelay $0x1  }
0x2c6: {  	[smem:$0x5F5] =	sst s12;
	s12 =	spop (v2sf)  }
0x2c7: {  	(v2sf) =	vpush v35, $0x6;
	[smem:$0x5F4] =	sst s13;
	s13 =	smulhi.u32 $0x10624DD3, s12;
	s12 =	sshra.s32 s12, $0x1F  }
0x2c8: {  	v57 =	vld [tilespmem:$0xB0];
	s12 =	smul.u32 $0x10624DD3, s12  }
0x2c9: {  	v58 =	vld [tilespmem:$0x1FF80]  }
0x2ca: {  	[smem:$0x5F7] =	sst s12;
	s12 =	spop (v2sf)  }
0x2cb: {  	(v2sf) =	vpush v35, $0x7;
	[smem:$0x5F6] =	sst s13;
	s13 =	smulhi.u32 $0x10624DD3, s12;
	s12 =	sshra.s32 s12, $0x1F  }
0x2cc: {  	s12 =	smul.u32 $0x10624DD3, s12;
	_ =	sdelay $0x1  }
0x2cd: {  	v38 =	vadd.s32 v57, v58;
	[smem:$0x5F9] =	sst s12;
	s12 =	spop (v2sf)  }
0x2ce: {  	(v2sf) =	vpush v38, $0xD;
	[smem:$0x5F8] =	sst s13;
	s13 =	smulhi.u32 $0x10624DD3, s12;
	s12 =	sshra.s32 s12, $0x1F  }
0x2cf: {  	s12 =	smul.u32 $0x10624DD3, s12;
	_ =	sdelay $0x1  }
0x2d0: {  	[smem:$0x5FB] =	sst s12;
	s12 =	spop (v2sf)  }
0x2d1: {  	(v2sf) =	vpush v38, $0xC;
	[smem:$0x5FA] =	sst s13;
	s13 =	smulhi.u32 $0x10624DD3, s12;
	s12 =	sshra.s32 s12, $0x1F  }
0x2d2: {  	s12 =	smul.u32 $0x10624DD3, s12;
	_ =	sdelay $0x1  }
0x2d3: {  	s14 =	sadd.s32 s17, s14;
	[smem:$0x5FD] =	sst s12;
	s12 =	spop (v2sf)  }
0x2d4: {  	(v2sf) =	vpush v38, $0xE;
	[smem:$0x5FC] =	sst s13;
	s13 =	smulhi.u32 $0x10624DD3, s12;
	s12 =	sshra.s32 s12, $0x1F  }
0x2d5: {  	s17 =	sadd.s32 s19, s16;
	[smem:$0x63A] =	sst s14;
	s12 =	smul.u32 $0x10624DD3, s12  }
0x2d6: {  	[smem:$0x63B] =	sst s17  }
0x2d7: {  	s18 =	sadd.s32 s21, s18;
	[smem:$0x5FF] =	sst s12;
	s12 =	spop (v2sf)  }
0x2d8: {  	(v2sf) =	vpush v38, $0xF;
	[smem:$0x5FE] =	sst s13;
	s13 =	smulhi.u32 $0x10624DD3, s12;
	s12 =	sshra.s32 s12, $0x1F  }
0x2d9: {  	s21 =	sadd.s32 s23, s20;
	[smem:$0x63D] =	sst s18;
	s12 =	smul.u32 $0x10624DD3, s12  }
0x2da: {  	[smem:$0x640] =	sst s21  }
0x2db: {  	s22 =	sadd.s32 s25, s22;
	[smem:$0x601] =	sst s12;
	s12 =	spop (v2sf)  }
0x2dc: {  	(v2sf) =	vpush v38, $0x9;
	[smem:$0x600] =	sst s13;
	s13 =	smulhi.u32 $0x10624DD3, s12;
	s12 =	sshra.s32 s12, $0x1F  }
0x2dd: {  	s25 =	sadd.s32 s28, s24;
	[smem:$0x63F] =	sst s22;
	s12 =	smul.u32 $0x10624DD3, s12  }
0x2de: {  	[smem:$0x642] =	sst s25  }
0x2df: {  	s28 =	sadd.s32 s29, s26;
	[smem:$0x603] =	sst s12;
	s12 =	spop (v2sf)  }
0x2e0: {  	(v2sf) =	vpush v38, $0x8;
	[smem:$0x602] =	sst s13;
	s13 =	smulhi.u32 $0x10624DD3, s12;
	s12 =	sshra.s32 s12, $0x1F  }
0x2e1: {  	s6 =	sadd.s32 s6, s30;
	[smem:$0x644] =	sst s28;
	s12 =	smul.u32 $0x10624DD3, s12  }
0x2e2: {  	[smem:$0x639] =	sst s6  }
0x2e3: {  	s1 =	sadd.s32 s1, s31;
	[smem:$0x605] =	sst s12;
	s12 =	spop (v2sf)  }
0x2e4: {  	(v2sf) =	vpush v38, $0xA;
	[smem:$0x604] =	sst s13;
	s13 =	smulhi.u32 $0x10624DD3, s12;
	s12 =	sshra.s32 s12, $0x1F  }
0x2e5: {  	[smem:$0x63C] =	sst s1;
	s12 =	smul.u32 $0x10624DD3, s12  }
0x2e6: {  	s24 =	sld [smem:$0x5C1]  }
0x2e7: {  	[smem:$0x607] =	sst s12;
	s12 =	spop (v2sf)  }
0x2e8: {  	(v2sf) =	vpush v38, $0xB;
	[smem:$0x606] =	sst s13;
	s13 =	smulhi.u32 $0x10624DD3, s12;
	s12 =	sshra.s32 s12, $0x1F  }
0x2e9: {  	s26 =	sld [smem:$0x5C2];
	s12 =	smul.u32 $0x10624DD3, s12  }
0x2ea: {  	s28 =	sld [smem:$0x5C3]  }
0x2eb: {  	[smem:$0x609] =	sst s12;
	s12 =	spop (v2sf)  }
0x2ec: {  	(v2sf) =	vpush v38, $0x0;
	[smem:$0x608] =	sst s13;
	s13 =	smulhi.u32 $0x10624DD3, s12;
	s12 =	sshra.s32 s12, $0x1F  }
0x2ed: {  	s30 =	sld [smem:$0x5C4];
	s12 =	smul.u32 $0x10624DD3, s12  }
0x2ee: {  	s31 =	sld [smem:$0x5C5]  }
0x2ef: {  	[smem:$0x60B] =	sst s12;
	s12 =	spop (v2sf)  }
0x2f0: {  	[smem:$0x60A] =	sst s13;
	s13 =	smulhi.u32 $0x10624DD3, s12;
	s12 =	sshra.s32 s12, $0x1F  }
0x2f1: {  	s5 =	sadd.s32 s5, s24;
	s24 =	sld [smem:$0x5C7];
	s12 =	smul.u32 $0x10624DD3, s12  }
0x2f2: {  	s3 =	sadd.s32 s3, s26;
	s26 =	sld [smem:$0x5C8];
	(v2sf) =	vpush v38, $0x1  }
0x2f3: {  	[smem:$0x60D] =	sst s12;
	s12 =	spop (v2sf)  }
0x2f4: {  	(v2sf) =	vpush v38, $0x2;
	[smem:$0x60C] =	sst s13;
	s13 =	smulhi.u32 $0x10624DD3, s12;
	s12 =	sshra.s32 s12, $0x1F  }
0x2f5: {  	s2 =	sadd.s32 s2, s31;
	s31 =	sld [smem:$0x5CB];
	s12 =	smul.u32 $0x10624DD3, s12  }
0x2f6: {  	[smem:$0x641] =	sst s5;
	(v2sf) =	vpush v38, $0x3  }
0x2f7: {  	[smem:$0x60F] =	sst s12;
	s12 =	spop (v2sf)  }
0x2f8: {  	(v2sf) =	vpush v38, $0x4;
	[smem:$0x60E] =	sst s13;
	s13 =	smulhi.u32 $0x10624DD3, s12;
	s12 =	sshra.s32 s12, $0x1F  }
0x2f9: {  	[smem:$0x643] =	sst s3;
	s12 =	smul.u32 $0x10624DD3, s12  }
0x2fa: {  	[smem:$0x637] =	sst s2;
	(v2sf) =	vpush v38, $0x5  }
0x2fb: {  	v59 =	vld [tilespmem:$0xC0];
	[smem:$0x611] =	sst s12;
	s12 =	spop (v2sf)  }
0x2fc: {  	v60 =	vld [tilespmem:$0x1FF90];
	(v2sf) =	vpush v38, $0x6;
	[smem:$0x610] =	sst s13;
	s13 =	smulhi.u32 $0x10624DD3, s12  }
0x2fd: {  	s3 =	sadd.s32 s7, s28;
	s28 =	sld [smem:$0x5C9];
	(v2sf) =	vpush v38, $0x7  }
0x2fe: {  	s12 =	sshra.s32 s12, $0x1F;
	[smem:$0x612] =	sst s13  }
0x2ff: {  	s12 =	smul.u32 $0x10624DD3, s12;
	s13 =	sld [smem:$0x5BF]  }
0x300: {  	[smem:$0x645] =	sst s3  }
0x301: {  	v36 =	vadd.s32 v59, v60;
	[smem:$0x613] =	sst s12;
	s12 =	spop (v2sf)  }
0x302: {  	(v2sf) =	vpush v36, $0xD;
	s13 =	sadd.s32 s15, s13;
	s15 =	smulhi.u32 $0x10624DD3, s12;
	s12 =	sshra.s32 s12, $0x1F  }
0x303: {  	s3 =	sadd.s32 s4, s30;
	s14 =	smul.u32 $0x10624DD3, s12;
	s12 =	spop (v2sf)  }
0x304: {  	s30 =	sld [smem:$0x5CA];
	s16 =	smulhi.u32 $0x10624DD3, s12;
	s12 =	sshra.s32 s12, $0x1F  }
0x305: {  	s19 =	spop (v2sf);
	s18 =	smul.u32 $0x10624DD3, s12  }
0x306: {  	[smem:$0x646] =	sst s3;
	s17 =	smulhi.u32 $0x10624DD3, s19;
	s12 =	sshra.s32 s19, $0x1F  }
0x307: {  	s23 =	spop (v2sf);
	s19 =	smul.u32 $0x10624DD3, s12  }
0x308: {  	(v2sf) =	vpush v36, $0xC;
	[smem:$0x638] =	sst s13;
	s14 =	sadd.s32 s14, s15;
	s20 =	smulhi.u32 $0x10624DD3, s23  }
0x309: {  	s12 =	sshra.s32 s23, $0x1F;
	s29 =	spop (v2sf);
	s23 =	sld [smem:$0x5C0]  }
0x30a: {  	[smem:$0x66D] =	sst s14;
	s21 =	smul.u32 $0x10624DD3, s12  }
0x30b: {  	s13 =	smulhi.u32 $0x10624DD3, s29;
	s22 =	spop (v2sf);
	s16 =	sadd.s32 s18, s16  }
0x30c: {  	s25 =	spop (v2sf);
	[smem:$0x66F] =	sst s16  }
0x30d: {  	(v2sf) =	vpush v36, $0xE;
	s18 =	sadd.s32 s19, s17;
	s6 =	sadd.s32 s8, s23;
	s23 =	sld [smem:$0x5C6]  }
0x30e: {  	s12 =	sshra.s32 s29, $0x1F;
	s8 =	smulhi.u32 $0x10624DD3, s22;
	[smem:$0x671] =	sst s18  }
0x30f: {  	s1 =	sshra.s32 s22, $0x1F;
	s5 =	smulhi.u32 $0x10624DD3, s25;
	[smem:$0x63E] =	sst s6  }
0x310: {  	s6 =	smul.u32 $0x10624DD3, s1;
	s2 =	sadd.s32 s24, s23;
	s23 =	sld [smem:$0x5CD]  }
0x311: {  	s1 =	sshra.s32 s25, $0x1F;
	s29 =	spop (v2sf);
	[smem:$0x647] =	sst s2  }
0x312: {  	s6 =	sadd.s32 s6, s8;
	s2 =	sadd.s32 s28, s26;
	s26 =	sld [smem:$0x5CF]  }
0x313: {  	s7 =	smul.u32 $0x10624DD3, s1;
	s1 =	sshra.s32 s29, $0x1F;
	[smem:$0x675] =	sst s6  }
0x314: {  	(v2sf) =	vpush v36, $0xF;
	s1 =	smul.u32 $0x10624DD3, s1;
	[smem:$0x649] =	sst s2  }
0x315: {  	s7 =	sadd.s32 s7, s5;
	s2 =	sadd.s32 s31, s30;
	s30 =	sld [smem:$0x5D1]  }
0x316: {  	[smem:$0x669] =	sst s7  }
0x317: {  	[smem:$0x614] =	sst s1;
	s22 =	spop (v2sf)  }
0x318: {  	[smem:$0x64B] =	sst s2;
	s25 =	smulhi.u32 $0x10624DD3, s22  }
0x319: {  	(v2sf) =	vpush v36, $0x9;
	s1 =	sshra.s32 s22, $0x1F;
	s22 =	sld [smem:$0x5CC]  }
0x31a: {  	s1 =	smul.u32 $0x10624DD3, s1;
	[smem:$0x615] =	sst s25  }
0x31b: {  	s4 =	smulhi.u32 $0x10624DD3, s29;
	s25 =	sld [smem:$0x5CE]  }
0x31c: {  	s29 =	spop (v2sf);
	[smem:$0x616] =	sst s1  }
0x31d: {  	s3 =	smulhi.u32 $0x10624DD3, s29;
	s1 =	sshra.s32 s29, $0x1F;
	s29 =	sld [smem:$0x5D0]  }
0x31e: {  	s2 =	sadd.s32 s23, s22;
	s22 =	sld [smem:$0x5D3]  }
0x31f: {  	[smem:$0x64C] =	sst s2  }
0x320: {  	s14 =	sld [smem:$0x616]  }
0x321: {  	[smem:$0x617] =	sst s3  }
0x322: {  	s1 =	smul.u32 $0x10624DD3, s1;
	s3 =	sld [smem:$0x5D2]  }
0x323: {  	s24 =	spop (v2sf);
	s2 =	sadd.s32 s26, s25;
	s25 =	sld [smem:$0x5D5]  }
0x324: {  	s28 =	smulhi.u32 $0x10624DD3, s24;
	[smem:$0x618] =	sst s1  }
0x325: {  	[smem:$0x64F] =	sst s2  }
0x326: {  	[smem:$0x619] =	sst s28  }
0x327: {  	s1 =	sshra.s32 s24, $0x1F;
	s24 =	sld [smem:$0x5D4]  }
0x328: {  	(v2sf) =	vpush v36, $0x8;
	s31 =	spop (v2sf);
	s28 =	sld [smem:$0x5D6]  }
0x329: {  	s23 =	smulhi.u32 $0x10624DD3, s31;
	s2 =	sadd.s32 s30, s29;
	s29 =	sld [smem:$0x5D7]  }
0x32a: {  	(v2sf) =	vpush v36, $0xA;
	[smem:$0x650] =	sst s2  }
0x32b: {  	s1 =	smul.u32 $0x10624DD3, s1;
	[smem:$0x61B] =	sst s23  }
0x32c: {  	s6 =	sld [smem:$0x61B]  }
0x32d: {  	s2 =	sadd.s32 s22, s3;
	[smem:$0x61A] =	sst s1  }
0x32e: {  	[smem:$0x653] =	sst s2  }
0x32f: {  	s1 =	sshra.s32 s31, $0x1F;
	s31 =	sld [smem:$0x5D8]  }
0x330: {  	(v2sf) =	vpush v36, $0xB;
	s2 =	sadd.s32 s25, s24;
	s24 =	sld [smem:$0x5DA]  }
0x331: {  	s25 =	sld [smem:$0x5DB]  }
0x332: {  	[smem:$0x655] =	sst s2  }
0x333: {  	s2 =	sadd.s32 s10, s28;
	s28 =	sld [smem:$0x5DD]  }
0x334: {  	s1 =	smul.u32 $0x10624DD3, s1;
	[smem:$0x64A] =	sst s2  }
0x335: {  	s0 =	sshra.s32 s0, $0x1F;
	s2 =	sadd.s32 s11, s29;
	s11 =	sld [smem:$0x5D9]  }
0x336: {  	s0 =	smul.u32 $0x10624DD3, s0;
	(v2sf) =	vpush v36, $0x0;
	[smem:$0x61C] =	sst s1  }
0x337: {  	s26 =	spop (v2sf);
	[smem:$0x64D] =	sst s2  }
0x338: {  	s3 =	smulhi.u32 $0x10624DD3, s26;
	s1 =	sshra.s32 s26, $0x1F;
	s26 =	sld [smem:$0x5DC]  }
0x339: {  	s30 =	spop (v2sf);
	s2 =	sadd.s32 s9, s31;
	s31 =	sld [smem:$0x5DF]  }
0x33a: {  	s9 =	smulhi.u32 $0x10624DD3, s30;
	[smem:$0x64E] =	sst s2  }
0x33b: {  	s10 =	smul.u32 $0x10624DD3, s1;
	s1 =	sshra.s32 s30, $0x1F;
	s30 =	sld [smem:$0x5DE]  }
0x33c: {  	s7 =	sld [smem:$0x61C];
	s0 =	sadd.s32 s0, s11  }
0x33d: {  	s22 =	smul.u32 $0x10624DD3, s1;
	s1 =	sadd.s32 s25, s24;
	s24 =	sld [smem:$0x5E1]  }
0x33e: {  	(v2sf) =	vpush v36, $0x1;
	[smem:$0x651] =	sst s0  }
0x33f: {  	s23 =	spop (v2sf);
	[smem:$0x652] =	sst s1  }
0x340: {  	s11 =	smulhi.u32 $0x10624DD3, s23;
	s0 =	sshra.s32 s23, $0x1F;
	s23 =	sld [smem:$0x5E0]  }
0x341: {  	s1 =	sadd.s32 s28, s26;
	s26 =	sld [smem:$0x5E2]  }
0x342: {  	s28 =	sld [smem:$0x5E3]  }
0x343: {  	[smem:$0x61D] =	sst s22  }
0x344: {  	[smem:$0x654] =	sst s1  }
0x345: {  	s29 =	spop (v2sf);
	s1 =	sadd.s32 s31, s30;
	s30 =	sld [smem:$0x5E4]  }
0x346: {  	s0 =	smul.u32 $0x10624DD3, s0;
	s31 =	sld [smem:$0x5E5]  }
0x347: {  	s22 =	smulhi.u32 $0x10624DD3, s29;
	[smem:$0x656] =	sst s1  }
0x348: {  	(v2sf) =	vpush v36, $0x2;
	[smem:$0x61E] =	sst s0  }
0x349: {  	[smem:$0x61F] =	sst s22  }
0x34a: {  	s1 =	sadd.s32 s24, s23;
	s23 =	sld [smem:$0x5E6]  }
0x34b: {  	s24 =	sld [smem:$0x5E7]  }
0x34c: {  	[smem:$0x648] =	sst s1  }
0x34d: {  	s25 =	spop (v2sf);
	s1 =	sadd.s32 s28, s26;
	s26 =	sld [smem:$0x5E8]  }
0x34e: {  	s0 =	sshra.s32 s29, $0x1F;
	s29 =	smulhi.u32 $0x10624DD3, s25;
	s28 =	sld [smem:$0x5E9]  }
0x34f: {  	[smem:$0x657] =	sst s1  }
0x350: {  	[smem:$0x621] =	sst s29  }
0x351: {  	s0 =	smul.u32 $0x10624DD3, s0;
	s1 =	sadd.s32 s31, s30;
	s30 =	sld [smem:$0x5EA]  }
0x352: {  	s31 =	sld [smem:$0x5EB]  }
0x353: {  	(v2sf) =	vpush v36, $0x3;
	[smem:$0x620] =	sst s0  }
0x354: {  	[smem:$0x658] =	sst s1  }
0x355: {  	s1 =	sadd.s32 s24, s23;
	s23 =	sld [smem:$0x5EC]  }
0x356: {  	s24 =	sld [smem:$0x5ED]  }
0x357: {  	s22 =	spop (v2sf);
	s0 =	sshra.s32 s25, $0x1F;
	[smem:$0x65A] =	sst s1  }
0x358: {  	s25 =	smulhi.u32 $0x10624DD3, s22;
	s1 =	sadd.s32 s28, s26;
	s26 =	sld [smem:$0x5EE]  }
0x359: {  	s28 =	sld [smem:$0x5EF]  }
0x35a: {  	[smem:$0x623] =	sst s25  }
0x35b: {  	[smem:$0x65C] =	sst s1  }
0x35c: {  	s0 =	smul.u32 $0x10624DD3, s0;
	s1 =	sadd.s32 s31, s30;
	s30 =	sld [smem:$0x5F0]  }
0x35d: {  	s31 =	sld [smem:$0x5F1]  }
0x35e: {  	(v2sf) =	vpush v36, $0x4;
	[smem:$0x622] =	sst s0  }
0x35f: {  	[smem:$0x65D] =	sst s1  }
0x360: {  	s1 =	sadd.s32 s24, s23;
	s23 =	sld [smem:$0x5F2]  }
0x361: {  	s24 =	sld [smem:$0x5F3]  }
0x362: {  	s29 =	spop (v2sf);
	s0 =	sshra.s32 s22, $0x1F;
	[smem:$0x65F] =	sst s1  }
0x363: {  	s22 =	smulhi.u32 $0x10624DD3, s29;
	s1 =	sadd.s32 s28, s26;
	s26 =	sld [smem:$0x5F4]  }
0x364: {  	s28 =	sld [smem:$0x5F5]  }
0x365: {  	[smem:$0x625] =	sst s22  }
0x366: {  	[smem:$0x662] =	sst s1  }
0x367: {  	s0 =	smul.u32 $0x10624DD3, s0;
	s1 =	sadd.s32 s31, s30;
	s30 =	sld [smem:$0x5F6]  }
0x368: {  	s31 =	sld [smem:$0x5F7]  }
0x369: {  	(v2sf) =	vpush v36, $0x5;
	[smem:$0x624] =	sst s0  }
0x36a: {  	[smem:$0x664] =	sst s1  }
0x36b: {  	s1 =	sadd.s32 s24, s23;
	s23 =	sld [smem:$0x5F8]  }
0x36c: {  	s24 =	sld [smem:$0x5F9]  }
0x36d: {  	s25 =	spop (v2sf);
	s0 =	sshra.s32 s29, $0x1F;
	[smem:$0x65B] =	sst s1  }
0x36e: {  	s29 =	smulhi.u32 $0x10624DD3, s25;
	s1 =	sadd.s32 s28, s26;
	s26 =	sld [smem:$0x5FA]  }
0x36f: {  	v61 =	vld [tilespmem:$0xD0];
	s28 =	sld [smem:$0x5FB]  }
0x370: {  	v62 =	vld [tilespmem:$0x1FFA0];
	[smem:$0x627] =	sst s29  }
0x371: {  	[smem:$0x65E] =	sst s1  }
0x372: {  	(v2sf) =	vpush v36, $0x6;
	s0 =	smul.u32 $0x10624DD3, s0;
	s1 =	sadd.s32 s31, s30;
	s30 =	sld [smem:$0x5FC]  }
0x373: {  	s31 =	sld [smem:$0x5FD]  }
0x374: {  	(v2sf) =	vpush v36, $0x7;
	[smem:$0x626] =	sst s0  }
0x375: {  	v39 =	vadd.s32 v61, v62;
	[smem:$0x660] =	sst s1  }
0x376: {  	(v2sf) =	vpush v39, $0xD;
	s1 =	sadd.s32 s24, s23;
	s23 =	sld [smem:$0x5FE]  }
0x377: {  	s24 =	sld [smem:$0x5FF]  }
0x378: {  	s22 =	spop (v2sf);
	s0 =	sshra.s32 s25, $0x1F;
	[smem:$0x661] =	sst s1  }
0x379: {  	(v2sf) =	vpush v39, $0xC;
	s25 =	smulhi.u32 $0x10624DD3, s22;
	s1 =	sadd.s32 s28, s26;
	s26 =	sld [smem:$0x600]  }
0x37a: {  	s28 =	sld [smem:$0x601]  }
0x37b: {  	[smem:$0x629] =	sst s25  }
0x37c: {  	[smem:$0x663] =	sst s1  }
0x37d: {  	s0 =	smul.u32 $0x10624DD3, s0;
	s1 =	sadd.s32 s31, s30;
	s30 =	sld [smem:$0x602]  }
0x37e: {  	(v2sf) =	vpush v39, $0xE;
	s31 =	sld [smem:$0x603]  }
0x37f: {  	[smem:$0x628] =	sst s0  }
0x380: {  	[smem:$0x665] =	sst s1  }
0x381: {  	s29 =	spop (v2sf);
	s1 =	sadd.s32 s24, s23;
	s23 =	sld [smem:$0x605]  }
0x382: {  	s0 =	sshra.s32 s22, $0x1F;
	s22 =	smulhi.u32 $0x10624DD3, s29;
	[smem:$0x666] =	sst s1  }
0x383: {  	s25 =	spop (v2sf);
	s1 =	sadd.s32 s28, s26;
	s26 =	sld [smem:$0x607]  }
0x384: {  	s0 =	smul.u32 $0x10624DD3, s0;
	[smem:$0x62B] =	sst s22  }
0x385: {  	s22 =	spop (v2sf);
	[smem:$0x659] =	sst s1  }
0x386: {  	[smem:$0x62A] =	sst s0;
	s0 =	sshra.s32 s29, $0x1F;
	s29 =	smulhi.u32 $0x10624DD3, s25  }
0x387: {  	s1 =	sadd.s32 s31, s30;
	s30 =	sld [smem:$0x609];
	s0 =	smul.u32 $0x10624DD3, s0  }
0x388: {  	[smem:$0x62D] =	sst s29;
	s29 =	spop (v2sf)  }
0x389: {  	[smem:$0x62C] =	sst s0;
	s0 =	sshra.s32 s25, $0x1F;
	s25 =	smulhi.u32 $0x10624DD3, s22  }
0x38a: {  	[smem:$0x667] =	sst s1;
	s2 =	smulhi.u32 $0x10624DD3, s29  }
0x38b: {  	(v2sf) =	vpush v39, $0xF;
	[smem:$0x62F] =	sst s25  }
0x38c: {  	s0 =	smul.u32 $0x10624DD3, s0;
	[smem:$0x631] =	sst s2  }
0x38d: {  	s24 =	spop (v2sf);
	s25 =	sld [smem:$0x606]  }
0x38e: {  	s28 =	smulhi.u32 $0x10624DD3, s24;
	[smem:$0x62E] =	sst s0;
	s0 =	sshra.s32 s22, $0x1F  }
0x38f: {  	s22 =	sld [smem:$0x604];
	s0 =	smul.u32 $0x10624DD3, s0  }
0x390: {  	(v2sf) =	vpush v39, $0x9;
	[smem:$0x633] =	sst s28  }
0x391: {  	[smem:$0x630] =	sst s0  }
0x392: {  	s0 =	sshra.s32 s29, $0x1F;
	s29 =	sld [smem:$0x608]  }
0x393: {  	s1 =	sadd.s32 s23, s22;
	s22 =	sld [smem:$0x60A]  }
0x394: {  	(v2sf) =	vpush v39, $0x8;
	s23 =	sld [smem:$0x60B]  }
0x395: {  	(v2sf) =	vpush v39, $0xA;
	[smem:$0x668] =	sst s1  }
0x396: {  	s1 =	sadd.s32 s26, s25;
	s25 =	sld [smem:$0x60C]  }
0x397: {  	(v2sf) =	vpush v39, $0xB;
	s0 =	smul.u32 $0x10624DD3, s0;
	s26 =	sld [smem:$0x60D]  }
0x398: {  	[smem:$0x66A] =	sst s1  }
0x399: {  	(v2sf) =	vpush v39, $0x0;
	[smem:$0x632] =	sst s0  }
0x39a: {  	s31 =	spop (v2sf);
	s1 =	sadd.s32 s30, s29;
	s30 =	sld [smem:$0x60E]  }
0x39b: {  	s0 =	sshra.s32 s24, $0x1F;
	s24 =	smulhi.u32 $0x10624DD3, s31;
	[smem:$0x66C] =	sst s1  }
0x39c: {  	(v2sf) =	vpush v39, $0x1;
	s29 =	smul.u32 $0x10624DD3, s0;
	s0 =	sshra.s32 s31, $0x1F;
	s31 =	sld [smem:$0x60F]  }
0x39d: {  	s1 =	sadd.s32 s23, s22;
	s23 =	sld [smem:$0x610]  }
0x39e: {  	[smem:$0x66E] =	sst s1  }
0x39f: {  	s28 =	spop (v2sf);
	[smem:$0x634] =	sst s24  }
0x3a0: {  	(v2sf) =	vpush v39, $0x2;
	s22 =	smulhi.u32 $0x10624DD3, s28;
	s1 =	sadd.s32 s26, s25;
	s24 =	sld [smem:$0x611]  }
0x3a1: {  	s0 =	smul.u32 $0x10624DD3, s0;
	[smem:$0x670] =	sst s1  }
0x3a2: {  	s12 =	smul.u32 $0x10624DD3, s12;
	[smem:$0x636] =	sst s22  }
0x3a3: {  	s25 =	spop (v2sf);
	[smem:$0x635] =	sst s0  }
0x3a4: {  	s15 =	spop (v2sf);
	s1 =	sadd.s32 s31, s30;
	s30 =	sld [smem:$0x612]  }
0x3a5: {  	(v2sf) =	vpush v39, $0x3;
	s0 =	sshra.s32 s28, $0x1F;
	s31 =	sld [smem:$0x613];
	s28 =	smulhi.u32 $0x10624DD3, s25  }
0x3a6: {  	s19 =	spop (v2sf);
	s26 =	smul.u32 $0x10624DD3, s0  }
0x3a7: {  	[smem:$0x673] =	sst s1;
	s0 =	sshra.s32 s25, $0x1F;
	s25 =	smulhi.u32 $0x10624DD3, s15  }
0x3a8: {  	s1 =	sadd.s32 s24, s23;
	s23 =	smulhi.u32 $0x10624DD3, s19;
	s2 =	spop (v2sf)  }
0x3a9: {  	[smem:$0x676] =	sst s1;
	s24 =	smul.u32 $0x10624DD3, s0  }
0x3aa: {  	s1 =	sadd.s32 s31, s30;
	s31 =	sadd.s32 s12, s13;
	s12 =	sld [smem:$0x614]  }
0x3ab: {  	s0 =	sshra.s32 s15, $0x1F;
	s8 =	spop (v2sf);
	s13 =	sld [smem:$0x615]  }
0x3ac: {  	s22 =	smul.u32 $0x10624DD3, s0;
	s30 =	sadd.s32 s21, s20;
	[smem:$0x66B] =	sst s1  }
0x3ad: {  	s20 =	smulhi.u32 $0x10624DD3, s2;
	[smem:$0x672] =	sst s30  }
0x3ae: {  	s0 =	sshra.s32 s19, $0x1F;
	s19 =	smulhi.u32 $0x10624DD3, s8;
	[smem:$0x674] =	sst s31  }
0x3af: {  	s15 =	spop (v2sf);
	s30 =	sld [smem:$0x617]  }
0x3b0: {  	s21 =	smul.u32 $0x10624DD3, s0;
	s0 =	sshra.s32 s2, $0x1F;
	s31 =	sld [smem:$0x618]  }
0x3b1: {  	(v2sf) =	vpush v39, $0x4;
	s2 =	sld [smem:$0x619];
	s18 =	smul.u32 $0x10624DD3, s0  }
0x3b2: {  	s0 =	sshra.s32 s8, $0x1F;
	s8 =	sadd.s32 s10, s3;
	s3 =	sld [smem:$0x61F]  }
0x3b3: {  	s17 =	smulhi.u32 $0x10624DD3, s15;
	s1 =	sadd.s32 s12, s4;
	s4 =	sld [smem:$0x61A]  }
0x3b4: {  	s5 =	spop (v2sf);
	[smem:$0x67E] =	sst s8  }
0x3b5: {  	(v2sf) =	vpush v39, $0x5;
	s16 =	smul.u32 $0x10624DD3, s0;
	s0 =	sshra.s32 s15, $0x1F;
	[smem:$0x677] =	sst s1  }
0x3b6: {  	s15 =	smulhi.u32 $0x10624DD3, s5;
	s1 =	sadd.s32 s14, s13;
	s13 =	sld [smem:$0x61D]  }
0x3b7: {  	s14 =	smul.u32 $0x10624DD3, s0;
	s0 =	sshra.s32 s5, $0x1F;
	s5 =	sld [smem:$0x621]  }
0x3b8: {  	v63 =	vld [tilespmem:$0xE0];
	[smem:$0x678] =	sst s1  }
0x3b9: {  	v4 =	vld [tilespmem:$0x1FFB0];
	s1 =	sadd.s32 s31, s30;
	s30 =	sld [smem:$0x61E]  }
0x3ba: {  	(v2sf) =	vpush v39, $0x6;
	[smem:$0x679] =	sst s1  }
0x3bb: {  	s1 =	sadd.s32 s4, s2;
	s4 =	sld [smem:$0x620]  }
0x3bc: {  	s2 =	sld [smem:$0x625]  }
0x3bd: {  	(v2sf) =	vpush v39, $0x7;
	[smem:$0x67A] =	sst s1  }
0x3be: {  	v40 =	vadd.s32 v63, v4;
	s1 =	sadd.s32 s7, s6;
	s6 =	sld [smem:$0x622]  }
0x3bf: {  	(v2sf) =	vpush v40, $0xD;
	[smem:$0x67C] =	sst s1;
	s1 =	sadd.s32 s13, s9  }
0x3c0: {  	s10 =	spop (v2sf);
	[smem:$0x680] =	sst s1  }
0x3c1: {  	s12 =	smul.u32 $0x10624DD3, s0;
	s1 =	sadd.s32 s30, s11;
	s30 =	sld [smem:$0x623]  }
0x3c2: {  	s0 =	sshra.s32 s10, $0x1F;
	s13 =	smulhi.u32 $0x10624DD3, s10;
	[smem:$0x683] =	sst s1  }
0x3c3: {  	s10 =	smul.u32 $0x10624DD3, s0;
	s1 =	sadd.s32 s4, s3;
	s3 =	sld [smem:$0x626]  }
0x3c4: {  	s31 =	spop (v2sf);
	[smem:$0x67D] =	sst s1  }
0x3c5: {  	s11 =	smulhi.u32 $0x10624DD3, s31;
	s0 =	sshra.s32 s31, $0x1F;
	s31 =	sld [smem:$0x624]  }
0x3c6: {  	s1 =	sadd.s32 s6, s5;
	s5 =	sld [smem:$0x627]  }
0x3c7: {  	s6 =	sld [smem:$0x628]  }
0x3c8: {  	[smem:$0x67F] =	sst s1  }
0x3c9: {  	s7 =	spop (v2sf);
	s1 =	sadd.s32 s31, s30;
	s30 =	sld [smem:$0x629]  }
0x3ca: {  	s8 =	smul.u32 $0x10624DD3, s0;
	s31 =	sld [smem:$0x62A]  }
0x3cb: {  	s9 =	smulhi.u32 $0x10624DD3, s7;
	s0 =	sshra.s32 s7, $0x1F;
	[smem:$0x681] =	sst s1  }
0x3cc: {  	s4 =	spop (v2sf);
	s1 =	sadd.s32 s3, s2;
	s2 =	sld [smem:$0x62D]  }
0x3cd: {  	s7 =	smul.u32 $0x10624DD3, s0;
	[smem:$0x682] =	sst s1;
	s1 =	sadd.s32 s6, s5  }
0x3ce: {  	s0 =	sshra.s32 s4, $0x1F;
	s3 =	spop (v2sf);
	[smem:$0x684] =	sst s1  }
0x3cf: {  	s6 =	smulhi.u32 $0x10624DD3, s4;
	s1 =	sadd.s32 s31, s30;
	s30 =	sld [smem:$0x62B]  }
0x3d0: {  	s5 =	smul.u32 $0x10624DD3, s0;
	s31 =	sld [smem:$0x62C]  }
0x3d1: {  	(v2sf) =	vpush v40, $0xC;
	s4 =	smulhi.u32 $0x10624DD3, s3;
	s0 =	sshra.s32 s3, $0x1F;
	s3 =	sld [smem:$0x62E]  }
0x3d2: {  	[smem:$0x685] =	sst s1  }
0x3d3: {  	s1 =	sadd.s32 s31, s30;
	s30 =	sld [smem:$0x62F]  }
0x3d4: {  	(v2sf) =	vpush v40, $0xE;
	s31 =	sld [smem:$0x630]  }
0x3d5: {  	[smem:$0x686] =	sst s1;
	s1 =	sadd.s32 s3, s2  }
0x3d6: {  	(v2sf) =	vpush v40, $0xF;
	[smem:$0x67B] =	sst s1  }
0x3d7: {  	(v2sf) =	vpush v40, $0x9;
	s1 =	sadd.s32 s31, s30;
	s30 =	sld [smem:$0x632]  }
0x3d8: {  	[smem:$0x687] =	sst s1  }
0x3d9: {  	s24 =	sadd.s32 s24, s28;
	s1 =	sld [smem:$0x631]  }
0x3da: {  	[smem:$0x68C] =	sst s24;
	s22 =	sadd.s32 s22, s25  }
0x3db: {  	[smem:$0x68D] =	sst s22;
	(v2sf) =	vpush v40, $0x8  }
0x3dc: {  	s21 =	sadd.s32 s21, s23;
	s1 =	sadd.s32 s30, s1;
	s30 =	sld [smem:$0x633]  }
0x3dd: {  	[smem:$0x68E] =	sst s21;
	s18 =	sadd.s32 s18, s20;
	(v2sf) =	vpush v40, $0xA  }
0x3de: {  	[smem:$0x68F] =	sst s18  }
0x3df: {  	(v2sf) =	vpush v40, $0xB;
	s3 =	smul.u32 $0x10624DD3, s0;
	s31 =	sadd.s32 s29, s30;
	s29 =	sld [smem:$0x634]  }
0x3e0: {  	s16 =	sadd.s32 s16, s19;
	s0 =	spop (v2sf);
	s30 =	sld [smem:$0x635]  }
0x3e1: {  	[smem:$0x690] =	sst s16;
	(v2sf) =	vpush v40, $0x0;
	s2 =	smulhi.u32 $0x10624DD3, s0;
	s0 =	sshra.s32 s0, $0x1F  }
0x3e2: {  	[smem:$0x688] =	sst s1;
	s1 =	smul.u32 $0x10624DD3, s0  }
0x3e3: {  	s0 =	spop (v2sf);
	s29 =	sadd.s32 s30, s29;
	s30 =	sld [smem:$0x636]  }
0x3e4: {  	(v2sf) =	vpush v40, $0x1;
	[smem:$0x689] =	sst s31;
	s31 =	smulhi.u32 $0x10624DD3, s0  }
0x3e5: {  	(v2sf) =	vpush v40, $0x2;
	s0 =	sshra.s32 s0, $0x1F;
	[smem:$0x68A] =	sst s29;
	s29 =	spop (v2sf)  }
0x3e6: {  	s0 =	smul.u32 $0x10624DD3, s0;
	(v2sf) =	vpush v40, $0x3;
	s26 =	sadd.s32 s26, s30;
	s30 =	spop (v2sf)  }
0x3e7: {  	s14 =	sadd.s32 s14, s17;
	[smem:$0x68B] =	sst s26;
	s26 =	smulhi.u32 $0x10624DD3, s29  }
0x3e8: {  	[smem:$0x691] =	sst s14;
	s29 =	sshra.s32 s29, $0x1F;
	s22 =	smulhi.u32 $0x10624DD3, s30  }
0x3e9: {  	s19 =	sadd.s32 s12, s15;
	s28 =	sshra.s32 s30, $0x1F;
	s24 =	smul.u32 $0x10624DD3, s29  }
0x3ea: {  	s8 =	sadd.s32 s8, s11;
	s21 =	smul.u32 $0x10624DD3, s28;
	s29 =	spop (v2sf)  }
0x3eb: {  	[smem:$0x692] =	sst s8;
	s18 =	smulhi.u32 $0x10624DD3, s29;
	s30 =	sshra.s32 s29, $0x1F  }
0x3ec: {  	s7 =	sadd.s32 s7, s9;
	s23 =	spop (v2sf);
	s16 =	smul.u32 $0x10624DD3, s30  }
0x3ed: {  	[smem:$0x693] =	sst s7;
	s14 =	smulhi.u32 $0x10624DD3, s23;
	s25 =	sshra.s32 s23, $0x1F  }
0x3ee: {  	s17 =	sadd.s32 s10, s13;
	s28 =	spop (v2sf);
	s12 =	smul.u32 $0x10624DD3, s25  }
0x3ef: {  	s23 =	sadd.s32 s3, s4;
	s11 =	sadd.s32 s24, s26;
	s10 =	smulhi.u32 $0x10624DD3, s28  }
0x3f0: {  	s29 =	sshra.s32 s28, $0x1F;
	s30 =	spop (v2sf);
	[dreg:$0x1f] =	wrdreg s11  }
0x3f1: {  	s24 =	sadd.s32 s21, s22;
	s11 =	sld [smem:$0x63A];
	s8 =	smul.u32 $0x10624DD3, s29  }
0x3f2: {  	s7 =	smulhi.u32 $0x10624DD3, s30;
	s13 =	sshra.s32 s30, $0x1F;
	s30 =	sadd.s32 s5, s6  }
0x3f3: {  	s15 =	spop (v2sf);
	s29 =	sadd.s32 s1, s2;
	s5 =	smul.u32 $0x10624DD3, s13  }
0x3f4: {  	s20 =	smulhi.u32 $0x10624DD3, s15;
	s25 =	sshra.s32 s15, $0x1F;
	s6 =	spop (v2sf)  }
0x3f5: {  	s22 =	sadd.s32 s12, s14;
	s9 =	smulhi.u32 $0x10624DD3, s6;
	s13 =	spop (v2sf)  }
0x3f6: {  	s14 =	sld [smem:$0x63B];
	s15 =	smulhi.u32 $0x10624DD3, s13;
	s4 =	sshra.s32 s13, $0x1F  }
0x3f7: {  	s2 =	sshra.s32 s6, $0x1F;
	s6 =	sld [smem:$0x638];
	s4 =	smul.u32 $0x10624DD3, s4  }
0x3f8: {  	s21 =	sadd.s32 s16, s18;
	s28 =	smul.u32 $0x10624DD3, s25;
	s13 =	sld [smem:$0x637]  }
0x3f9: {  	s26 =	sadd.s32 s8, s10;
	s8 =	sld [smem:$0x639];
	s4 =	sadd.s32 s4, s15  }
0x3fa: {  	s2 =	smul.u32 $0x10624DD3, s2;
	s25 =	sadd.s32 s5, s7;
	[dreg:$0x1e] =	wrdreg s4  }
0x3fb: {  	s28 =	sadd.s32 s28, s20;
	s5 =	sshra.s32 s13, $0x1F;
	s16 =	sld [smem:$0x63C]  }
0x3fc: {  	s20 =	sadd.s32 s2, s9;
	s9 =	sshra.s32 s8, $0x6;
	s10 =	sshrl.u32 s8, $0x1F;
	v5 =	vmov s5  }
0x3fd: {  	s12 =	sshrl.u32 s11, $0x1F;
	s3 =	sshra.s32 s8, $0x1F;
	v7 =	vmov s10;
	v0 =	vsel vm3, s9, v5;
	s10 =	sld [smem:$0x63D]  }
0x3fe: {  	v6 =	vmov s12;
	v2 =	vnsel vm3, $0x0, v7;
	v0 =	vsel vm9, s3, v0;
	s3 =	sshra.s32 s11, $0x6;
	s12 =	sld [smem:$0x63E];
	s8 =	sshrl.u32 s16, $0x1F  }
0x3ff: {  	s18 =	sshra.s32 s16, $0x6;
	s9 =	sshra.s32 s16, $0x1F;
	v8 =	vsel vm0, s8, v2;
	s8 =	sld [smem:$0x63F]  }
0x400: {  	v0 =	vsel vm0, s18, v0;
	s11 =	sshrl.u32 s10, $0x1F;
	s5 =	sshra.s32 s10, $0x6;
	s10 =	sld [smem:$0x640]  }
0x401: {  	s31 =	sadd.s32 s0, s31;
	s7 =	sshrl.u32 s6, $0x1F;
	v0 =	vsel vm10, s9, v0;
	s9 =	sld [smem:$0x641]  }
0x402: {  	s0 =	sshra.s32 s14, $0x6;
	v1 =	vsel vm0, s7, v6;
	s15 =	sshrl.u32 s14, $0x1F;
	s14 =	sshra.s32 s12, $0x6  }
0x403: {  	v1 =	vsel vm1, s15, v1;
	s15 =	sshrl.u32 s12, $0x1F;
	s16 =	sshra.s32 s12, $0x1F;
	v0 =	vsel vm1, s14, v0;
	s18 =	sshrl.u32 s8, $0x1F  }
0x404: {  	v41 =	vsel vm2, s11, v1;
	v0 =	vsel vm11, s16, v0;
	s7 =	sshrl.u32 s10, $0x1F;
	s16 =	sld [smem:$0x643];
	s11 =	sshrl.u32 s9, $0x1F  }
0x405: {  	v9 =	vmov s18;
	s12 =	sshra.s32 s9, $0x6;
	s14 =	sshra.s32 s9, $0x1F;
	s9 =	sld [smem:$0x644]  }
0x406: {  	v1 =	vsel vm1, s15, v8;
	v2 =	vsel vm0, s7, v9;
	s7 =	sld [smem:$0x642]  }
0x407: {  	s1 =	sshra.s32 s6, $0x6;
	v1 =	vsel vm2, s11, v1;
	s11 =	sld [smem:$0x645]  }
0x408: {  	s2 =	sshra.s32 s10, $0x6;
	s10 =	sld [smem:$0x646];
	v0 =	vsel vm2, s12, v0;
	s18 =	sshrl.u32 s16, $0x1F  }
0x409: {  	v0 =	vsel vm12, s14, v0;
	s14 =	sshra.s32 s16, $0x6;
	s4 =	sshrl.u32 s9, $0x1F;
	s15 =	sshrl.u32 s7, $0x1F  }
0x40a: {  	v1 =	vsel vm4, s18, v1;
	v0 =	vsel vm4, s14, v0;
	s18 =	sshra.s32 s8, $0x6;
	s6 =	sshrl.u32 s11, $0x1F;
	v2 =	vsel vm1, s15, v2;
	s15 =	sshra.s32 s16, $0x1F  }
0x40b: {  	s8 =	sshra.s32 s11, $0x6;
	s14 =	sshra.s32 s11, $0x1F;
	s11 =	sld [smem:$0x64A];
	v0 =	vsel vm13, s15, v0  }
0x40c: {  	v10 =	vmov s3;
	s12 =	sshra.s32 s7, $0x6;
	v42 =	vsel vm2, s4, v2;
	s4 =	sshra.s32 s9, $0x6;
	s9 =	sld [smem:$0x649];
	v0 =	vsel vm5, s8, v0  }
0x40d: {  	v11 =	vsel vm0, s1, v10;
	v1 =	vsel vm5, s6, v1;
	s16 =	sshrl.u32 s10, $0x1F;
	s15 =	sshra.s32 s10, $0x6;
	v0 =	vsel vm14, s14, v0;
	s14 =	sld [smem:$0x648]  }
0x40e: {  	v12 =	vmov s18;
	s7 =	sld [smem:$0x647];
	s6 =	sshrl.u32 s13, $0x1F;
	v1 =	vsel vm6, s16, v1;
	s16 =	sshra.s32 s10, $0x1F;
	v0 =	vsel vm6, s15, v0  }
0x40f: {  	s18 =	sshra.s32 s13, $0x6;
	v43 =	vsel vm7, s6, v1;
	v1 =	vsel vm1, s0, v11;
	s10 =	sshrl.u32 s9, $0x1F;
	v0 =	vsel vm15, s16, v0;
	s16 =	sld [smem:$0x64B]  }
0x410: {  	v13 =	vsel vm0, s2, v12;
	s13 =	sshrl.u32 s11, $0x1F;
	v45 =	vsel vm2, s5, v1;
	v44 =	vmov s10;
	s10 =	sld [smem:$0x64D];
	s8 =	sshra.s32 s14, $0x1F  }
0x411: {  	v1 =	vsel vm1, s12, v13;
	s12 =	sshra.s32 s11, $0x6;
	v46 =	vmov s13;
	v14 =	vmov s8;
	s8 =	sld [smem:$0x64C]  }
0x412: {  	s2 =	sshrl.u32 s7, $0x1F;
	v49 =	vsel vm2, s4, v1;
	s15 =	sshra.s32 s11, $0x1F;
	v2 =	vnsel vm3, $0x0, v46;
	v15 =	vsel vm3, s12, v14  }
0x413: {  	v47 =	vsel vm7, s18, v0;
	v1 =	vsel vm0, s2, v44;
	s18 =	sshrl.u32 s16, $0x1F;
	s12 =	sshrl.u32 s10, $0x1F;
	v0 =	vsel vm9, s15, v15;
	s15 =	sld [smem:$0x64E]  }
0x414: {  	s3 =	sshra.s32 s9, $0x6;
	v1 =	vsel vm1, s18, v1;
	v2 =	vsel vm0, s12, v2;
	s12 =	sld [smem:$0x651];
	s9 =	sshrl.u32 s8, $0x1F  }
0x415: {  	s11 =	sshra.s32 s10, $0x6;
	v46 =	vsel vm2, s9, v1;
	s9 =	sld [smem:$0x650]  }
0x416: {  	s1 =	sshra.s32 s16, $0x6;
	s13 =	sshra.s32 s10, $0x1F;
	v0 =	vsel vm0, s11, v0;
	s16 =	sshrl.u32 s15, $0x1F  }
0x417: {  	s4 =	sld [smem:$0x64F];
	v0 =	vsel vm10, s13, v0;
	s13 =	sshrl.u32 s12, $0x1F;
	v48 =	vsel vm1, s16, v2  }
0x418: {  	s11 =	sshrl.u32 s9, $0x1F;
	v1 =	vsel vm2, s13, v48;
	s13 =	sld [smem:$0x652]  }
0x419: {  	s0 =	sshra.s32 s7, $0x6;
	v50 =	vmov s11;
	s11 =	sld [smem:$0x654]  }
0x41a: {  	s10 =	sshrl.u32 s4, $0x1F;
	s2 =	sshra.s32 s8, $0x6;
	s8 =	sld [smem:$0x653]  }
0x41b: {  	s18 =	sshra.s32 s15, $0x6;
	s7 =	sshra.s32 s15, $0x1F;
	s15 =	sshrl.u32 s13, $0x1F  }
0x41c: {  	v0 =	vsel vm1, s18, v0;
	s16 =	sshra.s32 s12, $0x6;
	s18 =	sshra.s32 s12, $0x1F;
	v1 =	vsel vm4, s15, v1;
	s12 =	sshrl.u32 s11, $0x1F  }
0x41d: {  	v0 =	vsel vm11, s7, v0;
	v2 =	vsel vm0, s10, v50;
	s10 =	sshrl.u32 s8, $0x1F;
	v1 =	vsel vm5, s12, v1;
	s12 =	sld [smem:$0x656]  }
0x41e: {  	v0 =	vsel vm2, s16, v0;
	v2 =	vsel vm1, s10, v2;
	s10 =	sld [smem:$0x655]  }
0x41f: {  	s5 =	sshra.s32 s4, $0x6;
	v0 =	vsel vm12, s18, v0;
	s18 =	sshra.s32 s13, $0x6  }
0x420: {  	s4 =	sshra.s32 s9, $0x6;
	s9 =	sshra.s32 s13, $0x1F;
	v0 =	vsel vm4, s18, v0;
	s16 =	sshrl.u32 s12, $0x1F  }
0x421: {  	v52 =	vmov s4;
	s13 =	sshrl.u32 s14, $0x1F;
	s18 =	sshra.s32 s11, $0x6;
	v0 =	vsel vm13, s9, v0;
	s15 =	sshrl.u32 s10, $0x1F;
	v1 =	vsel vm6, s16, v1  }
0x422: {  	v50 =	vsel vm2, s15, v2;
	s15 =	sshra.s32 s8, $0x6;
	v2 =	vsel vm0, s5, v52;
	s9 =	sshra.s32 s12, $0x6;
	v48 =	vsel vm7, s13, v1;
	s13 =	sld [smem:$0x658]  }
0x423: {  	v53 =	vsel vm1, s15, v2;
	s16 =	sshra.s32 s10, $0x6;
	s10 =	sshra.s32 s12, $0x1F;
	s12 =	sld [smem:$0x657]  }
0x424: {  	s8 =	sshra.s32 s11, $0x1F;
	s11 =	sshra.s32 s14, $0x6;
	v53 =	vsel vm2, s16, v53;
	s16 =	sld [smem:$0x65A]  }
0x425: {  	v51 =	vmov s3;
	s14 =	sshrl.u32 s13, $0x1F;
	s3 =	sshra.s32 s13, $0x6;
	s13 =	sld [smem:$0x659]  }
0x426: {  	v0 =	vsel vm5, s18, v0;
	s18 =	sld [smem:$0x65B];
	s5 =	sshrl.u32 s12, $0x1F  }
0x427: {  	v0 =	vsel vm14, s8, v0;
	v1 =	vsel vm0, s0, v51;
	s0 =	sshra.s32 s12, $0x6;
	s12 =	sld [smem:$0x65C];
	s4 =	sshrl.u32 s16, $0x1F  }
0x428: {  	v0 =	vsel vm6, s9, v0;
	s6 =	sshra.s32 s16, $0x6;
	s16 =	sld [smem:$0x65E];
	s15 =	sshra.s32 s13, $0x1F  }
0x429: {  	v0 =	vsel vm15, s10, v0;
	v54 =	vmov s15;
	s15 =	sld [smem:$0x65D]  }
0x42a: {  	s9 =	sshra.s32 s18, $0x6;
	s10 =	sshrl.u32 s18, $0x1F;
	v1 =	vsel vm1, s1, v1;
	v44 =	vsel vm7, s11, v0;
	v55 =	vmov s14  }
0x42b: {  	s11 =	sshra.s32 s18, $0x1F;
	v51 =	vsel vm2, s2, v1;
	s14 =	sshrl.u32 s12, $0x1F;
	v0 =	vsel vm0, s5, v55;
	s18 =	sshra.s32 s16, $0x6;
	v1 =	vsel vm3, s9, v54  }
0x42c: {  	v0 =	vsel vm1, s4, v0;
	v1 =	vsel vm9, s11, v1;
	s2 =	sshrl.u32 s15, $0x1F;
	s4 =	sshra.s32 s15, $0x6;
	s15 =	sld [smem:$0x660]  }
0x42d: {  	s1 =	sshra.s32 s12, $0x6;
	s12 =	sld [smem:$0x65F];
	s11 =	sshra.s32 s16, $0x1F;
	v1 =	vsel vm0, s18, v1  }
0x42e: {  	v56 =	vmov s10;
	v1 =	vsel vm10, s11, v1;
	s11 =	sld [smem:$0x661]  }
0x42f: {  	v2 =	vnsel vm3, $0x0, v56;
	s10 =	sshrl.u32 s16, $0x1F;
	s18 =	sshra.s32 s15, $0x6  }
0x430: {  	v52 =	vsel vm2, s14, v0;
	v57 =	vsel vm0, s10, v2;
	s14 =	sshrl.u32 s12, $0x1F;
	s16 =	sshrl.u32 s15, $0x1F;
	s10 =	sshra.s32 s15, $0x1F;
	v1 =	vsel vm1, s18, v1  }
0x431: {  	s5 =	sshra.s32 s12, $0x6;
	v0 =	vsel vm1, s16, v57;
	s12 =	sshrl.u32 s11, $0x1F;
	v1 =	vsel vm11, s10, v1;
	s10 =	sld [smem:$0x662]  }
0x432: {  	v0 =	vsel vm2, s12, v0;
	s12 =	sld [smem:$0x663];
	_ =	sdelay $0x1  }
0x433: {  	s16 =	sshra.s32 s11, $0x6;
	s18 =	sshra.s32 s11, $0x1F;
	s11 =	sld [smem:$0x665]  }
0x434: {  	s9 =	sld [smem:$0x664];
	v58 =	vmov s14;
	v1 =	vsel vm2, s16, v1;
	s14 =	sshrl.u32 s10, $0x1F;
	s15 =	sshrl.u32 s12, $0x1F  }
0x435: {  	v2 =	vsel vm0, s2, v58;
	v1 =	vsel vm12, s18, v1;
	s2 =	sshra.s32 s10, $0x6;
	s10 =	sld [smem:$0x666];
	s18 =	sshra.s32 s12, $0x6  }
0x436: {  	s12 =	sshra.s32 s12, $0x1F;
	v0 =	vsel vm4, s15, v0;
	s15 =	sshrl.u32 s11, $0x1F;
	v1 =	vsel vm4, s18, v1  }
0x437: {  	v59 =	vmov s3;
	s3 =	sshra.s32 s9, $0x6;
	v0 =	vsel vm5, s15, v0;
	v1 =	vsel vm13, s12, v1;
	s15 =	sshra.s32 s11, $0x6;
	s12 =	sld [smem:$0x668]  }
0x438: {  	v2 =	vsel vm1, s14, v2;
	s14 =	sshrl.u32 s9, $0x1F;
	s16 =	sshrl.u32 s10, $0x1F;
	v1 =	vsel vm5, s15, v1;
	s15 =	sld [smem:$0x66A]  }
0x439: {  	v60 =	vsel vm0, s0, v59;
	v56 =	vsel vm2, s14, v2;
	s14 =	sshrl.u32 s13, $0x1F;
	v0 =	vsel vm6, s16, v0;
	s16 =	sshra.s32 s11, $0x1F;
	s11 =	sld [smem:$0x667]  }
0x43a: {  	v61 =	vmov s5;
	s18 =	sshra.s32 s10, $0x6;
	s10 =	sshra.s32 s10, $0x1F;
	v54 =	vsel vm7, s14, v0;
	v1 =	vsel vm14, s16, v1;
	s14 =	sld [smem:$0x669]  }
0x43b: {  	v62 =	vsel vm0, s4, v61;
	v0 =	vsel vm1, s6, v60;
	s6 =	sshra.s32 s13, $0x6;
	s4 =	sshrl.u32 s12, $0x1F;
	s16 =	sld [smem:$0x66B];
	v1 =	vsel vm6, s18, v1  }
0x43c: {  	v55 =	vsel vm2, s1, v0;
	v0 =	vsel vm1, s2, v62;
	s2 =	sshra.s32 s12, $0x6;
	s7 =	sshrl.u32 s15, $0x1F;
	v4 =	vsel vm15, s10, v1;
	s10 =	sld [smem:$0x66C]  }
0x43d: {  	s9 =	sshrl.u32 s11, $0x1F;
	s0 =	sshra.s32 s11, $0x6;
	s11 =	sld [smem:$0x66D]  }
0x43e: {  	s1 =	sshra.s32 s15, $0x6;
	s13 =	sshra.s32 s14, $0x1F;
	s5 =	sshrl.u32 s16, $0x1F  }
0x43f: {  	s18 =	sshra.s32 s16, $0x6;
	s8 =	sshra.s32 s16, $0x1F;
	s16 =	sld [smem:$0x66E];
	v63 =	vmov s13;
	v6 =	vmov s5  }
0x440: {  	v59 =	vsel vm2, s3, v0;
	v5 =	vsel vm3, s18, v63;
	s5 =	sshrl.u32 s10, $0x1F;
	v0 =	vnsel vm3, $0x0, v6;
	s13 =	sshrl.u32 s11, $0x1F;
	s18 =	sld [smem:$0x66F]  }
0x441: {  	v7 =	vmov s4;
	s12 =	sshra.s32 s11, $0x6;
	s15 =	sshra.s32 s11, $0x1F;
	v1 =	vsel vm9, s8, v5;
	v0 =	vsel vm0, s13, v0;
	s13 =	sld [smem:$0x670]  }
0x442: {  	v2 =	vsel vm0, s9, v7;
	s8 =	sshrl.u32 s16, $0x1F;
	s4 =	sshra.s32 s16, $0x6;
	s16 =	sld [smem:$0x671];
	v1 =	vsel vm0, s12, v1  }
0x443: {  	v2 =	vsel vm1, s7, v2;
	s3 =	sshra.s32 s10, $0x6;
	v1 =	vsel vm10, s15, v1;
	s11 =	sshra.s32 s18, $0x6;
	s12 =	sshra.s32 s18, $0x1F  }
0x444: {  	v60 =	vsel vm2, s5, v2;
	v1 =	vsel vm1, s11, v1;
	s15 =	sshrl.u32 s13, $0x1F;
	s5 =	sshra.s32 s13, $0x6;
	s13 =	sld [smem:$0x672]  }
0x445: {  	s9 =	sshrl.u32 s18, $0x1F;
	s10 =	sshra.s32 s16, $0x6;
	v1 =	vsel vm11, s12, v1;
	v8 =	vmov s15;
	s15 =	sld [smem:$0x673]  }
0x446: {  	s18 =	sshrl.u32 s16, $0x1F;
	s11 =	sshra.s32 s16, $0x1F;
	s12 =	sld [smem:$0x674];
	v1 =	vsel vm2, s10, v1  }
0x447: {  	v0 =	vsel vm1, s9, v0;
	s9 =	sshrl.u32 s13, $0x1F;
	v1 =	vsel vm12, s11, v1;
	s11 =	sld [smem:$0x675];
	s10 =	sshra.s32 s13, $0x6  }
0x448: {  	v57 =	vsel vm7, s6, v4;
	v0 =	vsel vm2, s18, v0;
	s16 =	sshrl.u32 s15, $0x1F;
	s6 =	sshra.s32 s15, $0x6;
	s15 =	sld [smem:$0x676]  }
0x449: {  	s13 =	sshra.s32 s13, $0x1F;
	v0 =	vsel vm4, s9, v0;
	s18 =	sshrl.u32 s12, $0x1F;
	v1 =	vsel vm4, s10, v1;
	s10 =	sshra.s32 s12, $0x6  }
0x44a: {  	v2 =	vsel vm0, s8, v8;
	v0 =	vsel vm5, s18, v0;
	s18 =	sshrl.u32 s14, $0x1F;
	v9 =	vsel vm13, s13, v1;
	s13 =	sshra.s32 s12, $0x1F;
	s9 =	sshrl.u32 s11, $0x1F  }
0x44b: {  	v2 =	vsel vm1, s16, v2;
	v0 =	vsel vm6, s9, v0;
	s16 =	sshrl.u32 s15, $0x1F;
	s7 =	sshra.s32 s15, $0x6;
	s9 =	sld [smem:$0x677]  }
0x44c: {  	s15 =	sshra.s32 s11, $0x6;
	v62 =	vsel vm2, s16, v2;
	v61 =	vsel vm7, s18, v0;
	v0 =	vsel vm5, s10, v9;
	s16 =	sshra.s32 s11, $0x1F;
	s11 =	sld [smem:$0x678]  }
0x44d: {  	v0 =	vsel vm14, s13, v0;
	s13 =	sld [smem:$0x679]  }
0x44e: {  	v10 =	vmov s2;
	v11 =	vmov s5;
	s18 =	sshra.s32 s14, $0x6;
	s14 =	sld [smem:$0x67A];
	v12 =	vsel vm6, s15, v0  }
0x44f: {  	v1 =	vsel vm0, s0, v10;
	v2 =	vsel vm0, s4, v11;
	v13 =	vsel vm15, s16, v12;
	s16 =	sld [smem:$0x67C]  }
0x450: {  	v1 =	vsel vm1, s1, v1;
	v2 =	vsel vm1, s6, v2;
	s6 =	sshrl.u32 s13, $0x1F;
	s1 =	sshra.s32 s13, $0x6;
	s13 =	sld [smem:$0x67B]  }
0x451: {  	s12 =	sshrl.u32 s11, $0x1F;
	v63 =	vsel vm7, s18, v13;
	s18 =	sld [smem:$0x67D]  }
0x452: {  	s4 =	sshrl.u32 s9, $0x1F;
	v0 =	vsel vm2, s3, v1;
	s3 =	sshrl.u32 s14, $0x1F;
	v14 =	vmov s12  }
0x453: {  	v1 =	vsel vm2, s7, v2;
	s0 =	sshra.s32 s14, $0x6;
	v2 =	vsel vm0, s4, v14;
	s7 =	sshrl.u32 s16, $0x1F;
	s4 =	sshra.s32 s16, $0x6  }
0x454: {  	s16 =	sld [smem:$0x67E];
	s15 =	sshra.s32 s13, $0x1F;
	s12 =	sshrl.u32 s18, $0x1F  }
0x455: {  	s14 =	sshra.s32 s18, $0x6;
	v15 =	vmov s15;
	s15 =	sshra.s32 s18, $0x1F;
	s18 =	sld [smem:$0x67F]  }
0x456: {  	s2 =	sshra.s32 s9, $0x6  }
0x457: {  	v2 =	vsel vm1, s6, v2;
	v3 =	vsel vm3, s14, v15;
	s9 =	sshrl.u32 s16, $0x1F;
	s6 =	sshra.s32 s16, $0x6;
	s16 =	sld [smem:$0x681]  }
0x458: {  	v58 =	vmov s12;
	v3 =	vsel vm9, s15, v3;
	s15 =	sld [smem:$0x680];
	s12 =	sshra.s32 s18, $0x6  }
0x459: {  	v4 =	vnsel vm3, $0x0, v58;
	s10 =	sshrl.u32 s18, $0x1F;
	v3 =	vsel vm0, s12, v3;
	s12 =	sld [smem:$0x682]  }
0x45a: {  	s5 =	sshra.s32 s11, $0x6;
	s14 =	sshra.s32 s18, $0x1F;
	v4 =	vsel vm0, s10, v4;
	s18 =	sshrl.u32 s16, $0x1F  }
0x45b: {  	v8 =	vmov s9;
	s8 =	sshrl.u32 s15, $0x1F;
	v4 =	vsel vm1, s18, v4;
	s9 =	sshra.s32 s15, $0x6;
	s18 =	sld [smem:$0x683]  }
0x45c: {  	v3 =	vsel vm10, s14, v3;
	s15 =	sshra.s32 s16, $0x6;
	s14 =	sld [smem:$0x684];
	s11 =	sshrl.u32 s12, $0x1F  }
0x45d: {  	v5 =	vsel vm0, s7, v8;
	s16 =	sshra.s32 s16, $0x1F;
	v3 =	vsel vm1, s15, v3;
	v4 =	vsel vm2, s11, v4;
	s11 =	sld [smem:$0x685]  }
0x45e: {  	v5 =	vsel vm1, s8, v5;
	v3 =	vsel vm11, s16, v3;
	s7 =	sshrl.u32 s18, $0x1F;
	s8 =	sshra.s32 s18, $0x6;
	s18 =	sshra.s32 s12, $0x6  }
0x45f: {  	s15 =	sshrl.u32 s14, $0x1F;
	s12 =	sshra.s32 s12, $0x1F;
	v3 =	vsel vm2, s18, v3;
	s18 =	sld [smem:$0x686]  }
0x460: {  	v9 =	vsel vm4, s15, v4;
	s15 =	sshra.s32 s14, $0x6;
	v3 =	vsel vm12, s12, v3;
	s16 =	sshrl.u32 s11, $0x1F  }
0x461: {  	v12 =	vsel vm4, s15, v3;
	v10 =	vsel vm5, s16, v9;
	s16 =	sshra.s32 s14, $0x1F  }
0x462: {  	v11 =	vmov s5;
	s5 =	sshra.s32 s11, $0x6;
	s14 =	sshrl.u32 s18, $0x1F;
	v14 =	vsel vm13, s16, v12;
	s16 =	sld [smem:$0x687]  }
0x463: {  	v6 =	vsel vm0, s2, v11;
	v4 =	vsel vm2, s7, v5;
	s2 =	sshra.s32 s18, $0x6;
	s7 =	sshra.s32 s18, $0x1F;
	s18 =	sld [smem:$0x688]  }
0x464: {  	v13 =	vsel vm1, s1, v6;
	s15 =	sshrl.u32 s13, $0x1F;
	v6 =	vsel vm5, s5, v14;
	s5 =	sld [smem:$0x689]  }
0x465: {  	v2 =	vsel vm2, s3, v2;
	v5 =	vsel vm6, s14, v10;
	s12 =	sshrl.u32 s16, $0x1F;
	s3 =	sshra.s32 s16, $0x6;
	s16 =	sld [smem:$0x68B]  }
0x466: {  	v15 =	vmov s6;
	s10 =	sshra.s32 s13, $0x6;
	v3 =	vsel vm7, s15, v5;
	s15 =	sld [smem:$0x68A]  }
0x467: {  	v7 =	vsel vm0, s4, v15;
	s13 =	sshrl.u32 s18, $0x1F;
	s6 =	sshra.s32 s18, $0x6;
	s18 =	sld [smem:$0x68C]  }
0x468: {  	v7 =	vsel vm1, s9, v7;
	s9 =	sshrl.u32 s16, $0x1F;
	s1 =	sshra.s32 s16, $0x6;
	s16 =	sld [smem:$0x68F]  }
0x469: {  	(v2sf) =	vpush v40, $0x4;
	s11 =	sshra.s32 s11, $0x1F  }
0x46a: {  	(v2sf) =	vpush v40, $0x5;
	v6 =	vsel vm14, s11, v6;
	v58 =	vmov s13;
	s13 =	sld [smem:$0x68E];
	s14 =	sshrl.u32 s5, $0x1F;
	s11 =	sshrl.u32 s15, $0x1F  }
0x46b: {  	v5 =	vsel vm2, s0, v13;
	v6 =	vsel vm6, s2, v6;
	s0 =	sshra.s32 s15, $0x6;
	v12 =	vsel vm0, s12, v58;
	s15 =	sshrl.u32 s18, $0x1F;
	s12 =	sshrl.u32 s16, $0x1F  }
0x46c: {  	v8 =	vsel vm2, s8, v7;
	v6 =	vsel vm15, s7, v6;
	s7 =	sshra.s32 s18, $0x6;
	s18 =	sshra.s32 s30, $0x1F;
	v13 =	vmov s12;
	s12 =	sld [smem:$0x690]  }
0x46d: {  	s4 =	sld [smem:$0x68D];
	v7 =	vsel vm7, s10, v6;
	v6 =	vsel vm1, s14, v12;
	s10 =	sshrl.u32 s13, $0x1F;
	v14 =	vmov s18;
	s18 =	sshra.s32 s16, $0x6  }
0x46e: {  	s2 =	sshra.s32 s13, $0x6;
	v6 =	vsel vm2, s11, v6;
	s11 =	sld [smem:$0x691];
	s13 =	sshra.s32 s16, $0x1F;
	v10 =	vsel vm3, s18, v14  }
0x46f: {  	(v2sf) =	vpush v40, $0x6;
	v10 =	vsel vm9, s13, v10;
	s18 =	sshra.s32 s12, $0x6  }
0x470: {  	v15 =	vmov s15;
	v9 =	vnsel vm3, $0x0, v13;
	s16 =	sshrl.u32 s12, $0x1F;
	s14 =	sshra.s32 s12, $0x1F;
	v10 =	vsel vm0, s18, v10  }
0x471: {  	s8 =	sshrl.u32 s4, $0x1F;
	v11 =	vsel vm0, s9, v15;
	v9 =	vsel vm0, s16, v9;
	s16 =	sshra.s32 s11, $0x6;
	v10 =	vsel vm10, s14, v10  }
0x472: {  	(v2sf) =	vpush v40, $0x7;
	v11 =	vsel vm1, s8, v11;
	s8 =	sld [smem:$0x692];
	s15 =	sshra.s32 s11, $0x1F;
	s13 =	sshrl.u32 s11, $0x1F;
	v10 =	vsel vm1, s16, v10  }
0x473: {  	s18 =	sshrl.u32 s19, $0x1F;
	v9 =	vsel vm1, s13, v9;
	v10 =	vsel vm11, s15, v10;
	s15 =	sld [smem:$0x693]  }
0x474: {  	s12 =	sshra.s32 s19, $0x1F;
	s11 =	sshra.s32 s19, $0x6;
	s19 =	sshrl.u32 s17, $0x1F;
	v58 =	vsel vm2, s18, v9  }
0x475: {  	v9 =	vsel vm2, s10, v11;
	s10 =	sshrl.u32 s8, $0x1F;
	v15 =	vsel vm4, s19, v58;
	v58 =	vmov s6  }
0x476: {  	v11 =	vsel vm5, s10, v15;
	v12 =	vsel vm0, s3, v58;
	v58 =	vsel vm2, s11, v10;
	s18 =	sshrl.u32 s15, $0x1F  }
0x477: {  	s5 =	sshra.s32 s5, $0x6;
	s9 =	sshra.s32 s17, $0x6;
	v13 =	vld [tilespmem:$0xF0];
	s19 =	sshrl.u32 s30, $0x1F;
	v58 =	vsel vm12, s12, v58;
	v11 =	vsel vm6, s18, v11  }
0x478: {  	s4 =	sshra.s32 s4, $0x6;
	s14 =	sshra.s32 s17, $0x1F;
	s13 =	sshra.s32 s8, $0x6;
	v10 =	vsel vm7, s19, v11;
	v11 =	vsel vm1, s5, v12;
	v12 =	vsel vm4, s9, v58;
	v58 =	vld [tilespmem:$0x1FFC0]  }
0x479: {  	s16 =	sshra.s32 s8, $0x1F;
	s6 =	sshra.s32 s30, $0x6;
	s30 =	spop (v2sf)  }
0x47a: {  	s11 =	smulhi.u32 $0x10624DD3, s30;
	s10 =	sshra.s32 s30, $0x1F;
	s30 =	rddreg [dreg:$0x1f]  }
0x47b: {  	s12 =	sshrl.u32 s30, $0x1F;
	s8 =	sshra.s32 s15, $0x6;
	s15 =	sshra.s32 s15, $0x1F  }
0x47c: {  	v42 =	vcombine.low v42, v41;
	v49 =	vcombine.low v49, v45;
	s18 =	sshrl.u32 s23, $0x1F;
	s5 =	sshrl.u32 s29, $0x1F;
	v12 =	vsel vm13, s14, v12;
	s14 =	spop (v2sf)  }
0x47d: {  	v14 =	vmov s7;
	s9 =	sshrl.u32 s31, $0x1F;
	s19 =	smov.u32 s21;
	v11 =	vsel vm2, s0, v11;
	s0 =	smulhi.u32 $0x10624DD3, s14;
	v58 =	vadd.s32 v13, v58  }
0x47e: {  	v45 =	vperm.xlane v43, v33;
	s31 =	sshra.s32 s31, $0x6;
	s17 =	sshra.s32 s14, $0x1F;
	v13 =	vsel vm0, s1, v14;
	s1 =	smul.u32 $0x10624DD3, s10;
	(v2sf) =	vpush v58, $0xD  }
0x47f: {  	v15 =	vperm.xlane v42, v32;
	v12 =	vsel vm5, s13, v12;
	s14 =	sshrl.u32 s21, $0x1F;
	s3 =	spop (v2sf);
	v13 =	vsel vm1, s4, v13;
	s4 =	smul.u32 $0x10624DD3, s17  }
0x480: {  	v14 =	vsel vm14, s16, v12;
	s16 =	sshra.s32 s3, $0x1F;
	(v2sf) =	vpush v58, $0xC;
	s7 =	sadd.s32 s1, s11;
	s11 =	smulhi.u32 $0x10624DD3, s3  }
0x481: {  	v15 =	vsel vm8, v45, v15;
	v45 =	vmov s14;
	s10 =	sshrl.u32 s24, $0x1F;
	s17 =	spop (v2sf);
	v12 =	vsel vm2, s2, v13;
	s2 =	smul.u32 $0x10624DD3, s16  }
0x482: {  	s13 =	sshrl.u32 s22, $0x1F;
	v42 =	vsel vm0, s10, v45;
	s10 =	sshra.s32 s25, $0x6;
	s21 =	smulhi.u32 $0x10624DD3, s17;
	(v2sf) =	vpush v58, $0xE  }
0x483: {  	v13 =	vsel vm6, s8, v14;
	v14 =	vperm.xlane v49, v32;
	v49 =	vmov s5;
	s5 =	sshrl.u32 s25, $0x1F;
	s16 =	sshrl.u32 s28, $0x1F;
	s3 =	rddreg [dreg:$0x1e]  }
0x484: {  	v47 =	vperm.xlane v47, v33;
	s25 =	sshra.s32 s25, $0x1F;
	s0 =	sadd.s32 s4, s0;
	s4 =	sshra.s32 s17, $0x1F;
	(v2sf) =	vpush v58, $0xF  }
0x485: {  	v50 =	vcombine.low v50, v46;
	v13 =	vsel vm15, s15, v13;
	s15 =	sshrl.u32 s26, $0x1F;
	s17 =	sshrl.u32 s20, $0x1F;
	v46 =	vmov s5;
	s5 =	sshra.s32 s30, $0x6  }
0x486: {  	v44 =	vperm.xlane v44, v33;
	v52 =	vcombine.low v56, v52;
	s30 =	sshra.s32 s22, $0x6;
	s14 =	sshra.s32 s3, $0x1F;
	s4 =	smul.u32 $0x10624DD3, s4;
	(v2sf) =	vpush v58, $0x9  }
0x487: {  	v0 =	vcombine.low v1, v0;
	v41 =	vsel vm7, s6, v13;
	v13 =	vsel vm0, s18, v49;
	s8 =	sadd.s32 s2, s11;
	s18 =	sshrl.u32 s3, $0x1F;
	s2 =	sshrl.u32 s7, $0x1F  }
0x488: {  	v14 =	vsel vm8, v47, v14;
	s6 =	sshra.s32 s23, $0x6;
	v47 =	vnsel vm3, $0x0, v46;
	s11 =	sshra.s32 s19, $0x6;
	s19 =	sshra.s32 s7, $0x6;
	(v2sf) =	vpush v58, $0x8  }
0x489: {  	v13 =	vsel vm1, s9, v13;
	v14 =	vadd.s32 v15, v14;
	s9 =	sshra.s32 s24, $0x6;
	v15 =	vsel vm0, s16, v47;
	s16 =	sshra.s32 s26, $0x6;
	s26 =	sshra.s32 s28, $0x6  }
0x48a: {  	v42 =	vsel vm1, s13, v42;
	s28 =	sshra.s32 s28, $0x1F;
	s13 =	sshra.s32 s8, $0x6;
	s1 =	sadd.s32 s4, s21;
	v14 =	vmul.u32 $0x3E8, v14;
	(v2sf) =	vpush v58, $0xA  }
0x48b: {  	v49 =	vperm.xlane v48, v33;
	s21 =	sshrl.u32 s0, $0x1F;
	v13 =	vsel vm2, s12, v13;
	s4 =	sshrl.u32 s8, $0x1F;
	s12 =	sshra.s32 s29, $0x6;
	v15 =	vsel vm1, s17, v15  }
0x48c: {  	[smem:$0x694] =	sst s16;
	s29 =	sshra.s32 s20, $0x6;
	s16 =	sshra.s32 s20, $0x1F;
	v15 =	vsel vm2, s18, v15;
	v37 =	vsub.s32 v37, v14;
	(v2sf) =	vpush v58, $0xB  }
0x48d: {  	s20 =	sshra.s32 s3, $0x6;
	s24 =	sshra.s32 s1, $0x1F;
	v14 =	vperm.xlane v50, v32;
	v50 =	vcombine.low v53, v51;
	v15 =	vsel vm4, s2, v15;
	s17 =	spop (v2sf)  }
0x48e: {  	s23 =	sshrl.u32 s1, $0x1F;
	v51 =	vmov s24;
	v15 =	vsel vm5, s21, v15;
	(v2sf) =	vpush v58, $0x0;
	s22 =	smulhi.u32 $0x10624DD3, s17;
	s2 =	sshra.s32 s17, $0x1F  }
0x48f: {  	s18 =	sshra.s32 s7, $0x1F;
	v45 =	vsel vm3, s10, v51;
	v15 =	vsel vm6, s4, v15;
	(v2sf) =	vpush v58, $0x1;
	s4 =	spop (v2sf);
	s3 =	smul.u32 $0x10624DD3, s2  }
0x490: {  	s7 =	sshra.s32 s1, $0x6;
	v43 =	vsel vm8, v49, v14;
	v14 =	vsel vm2, s15, v42;
	(v2sf) =	vpush v58, $0x2;
	s24 =	smulhi.u32 $0x10624DD3, s4;
	s10 =	sshra.s32 s4, $0x1F  }
0x491: {  	s15 =	sshra.s32 s0, $0x1F;
	v45 =	vsel vm9, s25, v45;
	v15 =	vsel vm7, s23, v15;
	(v2sf) =	vpush v58, $0x3;
	s25 =	spop (v2sf);
	s23 =	smul.u32 $0x10624DD3, s10  }
0x492: {  	v2 =	vcombine.low v4, v2;
	v45 =	vsel vm0, s26, v45;
	s17 =	sshra.s32 s0, $0x6;
	(v2sf) =	vpush v58, $0x4;
	s26 =	smulhi.u32 $0x10624DD3, s25;
	s0 =	sshra.s32 s25, $0x1F  }
0x493: {  	v0 =	vperm.xlane v0, v32;
	v5 =	vcombine.low v8, v5;
	s10 =	sshra.s32 s8, $0x1F;
	s8 =	spop (v2sf);
	(v2sf) =	vpush v58, $0x5;
	s2 =	smul.u32 $0x10624DD3, s0  }
0x494: {  	v2 =	vperm.xlane v2, v32;
	v3 =	vperm.xlane v3, v33;
	s0 =	sadd.s32 s3, s22;
	s22 =	smulhi.u32 $0x10624DD3, s8;
	s1 =	sshra.s32 s8, $0x1F;
	(v2sf) =	vpush v58, $0x6  }
0x495: {  	v5 =	vperm.xlane v5, v32;
	v53 =	vperm.xlane v54, v33;
	s4 =	spop (v2sf);
	s8 =	sshrl.u32 s0, $0x1F;
	s3 =	smul.u32 $0x10624DD3, s1;
	(v2sf) =	vpush v58, $0x7  }
0x496: {  	v54 =	vcombine.low v59, v55;
	v55 =	vmov s12;
	v45 =	vsel vm10, s28, v45;
	s1 =	sadd.s32 s23, s24;
	s23 =	smulhi.u32 $0x10624DD3, s4;
	s12 =	sshra.s32 s4, $0x1F  }
0x497: {  	v42 =	vperm.xlane v50, v32;
	v50 =	vsel vm0, s6, v55;
	v45 =	vsel vm1, s29, v45;
	s6 =	spop (v2sf);
	s0 =	sshra.s32 s0, $0x6;
	s24 =	smul.u32 $0x10624DD3, s12  }
0x498: {  	v2 =	vsel vm8, v3, v2;
	v7 =	vperm.xlane v7, v33;
	v45 =	vsel vm11, s16, v45;
	s16 =	sshrl.u32 s1, $0x1F;
	s2 =	sadd.s32 s2, s26;
	s25 =	smulhi.u32 $0x10624DD3, s6  }
0x499: {  	v46 =	vperm.xlane v52, v32;
	v59 =	vperm.xlane v57, v33;
	v57 =	vmov s11;
	s28 =	sshra.s32 s6, $0x1F;
	s29 =	spop (v2sf);
	s1 =	sshra.s32 s1, $0x6  }
0x49a: {  	v51 =	vcombine.low v62, v60;
	v42 =	vsel vm8, v44, v42;
	v45 =	vsel vm2, s20, v45;
	s12 =	sshrl.u32 s2, $0x1F;
	s20 =	smul.u32 $0x10624DD3, s28;
	s3 =	sadd.s32 s3, s22  }
0x49b: {  	v56 =	vperm.xlane v54, v32;
	v42 =	vadd.s32 v43, v42;
	v43 =	vsel vm1, s31, v50;
	s21 =	smulhi.u32 $0x10624DD3, s29;
	s31 =	sshra.s32 s29, $0x1F;
	s4 =	spop (v2sf)  }
0x49c: {  	v62 =	vsel vm8, v7, v5;
	v43 =	vsel vm2, s5, v43;
	v54 =	vsel vm12, s14, v45;
	s14 =	sshrl.u32 s3, $0x1F;
	s22 =	smul.u32 $0x10624DD3, s31;
	s5 =	sadd.s32 s24, s23  }
0x49d: {  	v46 =	vsel vm8, v53, v46;
	v55 =	vperm.xlane v61, v33;
	v44 =	vsel vm8, v59, v56;
	s23 =	smulhi.u32 $0x10624DD3, s4;
	s6 =	sshra.s32 s4, $0x1F;
	s26 =	spop (v2sf)  }
0x49e: {  	v2 =	vadd.s32 v2, v62;
	v52 =	vadd.s32 v46, v44;
	v44 =	vsel vm4, s19, v54;
	s11 =	sshrl.u32 s5, $0x1F;
	s19 =	smul.u32 $0x10624DD3, s6;
	s28 =	spop (v2sf)  }
0x49f: {  	v53 =	vperm.xlane v51, v32;
	v56 =	vperm.xlane v63, v33;
	v44 =	vsel vm13, s18, v44;
	s18 =	smulhi.u32 $0x10624DD3, s26;
	s24 =	sshra.s32 s26, $0x1F;
	s29 =	spop (v2sf)  }
0x4a0: {  	v59 =	vsel vm0, s9, v57;
	v63 =	vcombine.low v9, v6;
	v60 =	vsel vm5, s17, v44;
	s9 =	sadd.s32 s20, s25;
	s25 =	sld [smem:$0x694];
	s26 =	spop (v2sf)  }
0x4a1: {  	v1 =	vsel vm8, v55, v53;
	v42 =	vmul.u32 $0x3E8, v42;
	v8 =	vsel vm14, s15, v60;
	s20 =	smul.u32 $0x10624DD3, s24;
	s6 =	sadd.s32 s22, s21;
	s22 =	spop (v2sf)  }
0x4a2: {  	v4 =	vsel vm1, s30, v59;
	v0 =	vsel vm8, v56, v0;
	v9 =	vsel vm6, s13, v8;
	s17 =	smulhi.u32 $0x10624DD3, s28;
	s30 =	sshra.s32 s28, $0x1F;
	s24 =	spop (v2sf)  }
0x4a3: {  	v1 =	vadd.s32 v1, v0;
	v34 =	vsub.s32 v34, v42;
	v6 =	vsel vm15, s10, v9;
	s10 =	sshrl.u32 s9, $0x1F;
	s31 =	smul.u32 $0x10624DD3, s30;
	s15 =	spop (v2sf)  }
0x4a4: {  	v42 =	vmul.u32 $0x3E8, v52;
	v1 =	vmul.u32 $0x3E8, v1;
	v4 =	vsel vm2, s25, v4;
	s13 =	sadd.s32 s20, s18;
	s25 =	smulhi.u32 $0x10624DD3, s29;
	s30 =	spop (v2sf)  }
0x4a5: {  	v41 =	vperm.xlane v41, v33;
	v2 =	vmul.u32 $0x3E8, v2;
	v5 =	vperm.xlane v63, v32;
	s17 =	sadd.s32 s31, s17;
	s31 =	smulhi.u32 $0x10624DD3, s30;
	s20 =	sshra.s32 s30, $0x1F  }
0x4a6: {  	v61 =	vsub.s32 v35, v42;
	v1 =	vsub.s32 v38, v1;
	v35 =	vcombine.low v12, v11;
	s9 =	sshra.s32 s9, $0x6;
	s28 =	sshra.s32 s29, $0x1F;
	s20 =	smul.u32 $0x10624DD3, s20  }
0x4a7: {  	v38 =	vperm.xlane v10, v33;
	v42 =	vcombine.low v14, v13;
	v44 =	vmov s16;
	s4 =	sadd.s32 s19, s23;
	s16 =	sshrl.u32 s17, $0x1F;
	s29 =	smul.u32 $0x10624DD3, s28  }
0x4a8: {  	v46 =	vperm.xlane v15, v33;
	v3 =	vperm.xlane v35, v32;
	v6 =	vsel vm7, s7, v6;
	s18 =	smulhi.u32 $0x10624DD3, s26;
	s28 =	sshra.s32 s26, $0x1F;
	s7 =	sadd.s32 s20, s31  }
0x4a9: {  	v54 =	vsub.s32 v36, v2;
	v5 =	vsel vm8, v38, v5;
	v7 =	vperm.xlane v42, v32;
	s26 =	sshrl.u32 s4, $0x1F;
	s23 =	smul.u32 $0x10624DD3, s28;
	s21 =	sshra.s32 s7, $0x1F  }
0x4aa: {  	v3 =	vsel vm8, v41, v3;
	v8 =	vsel vm0, s8, v44;
	s8 =	smulhi.u32 $0x10624DD3, s22;
	s22 =	sshra.s32 s22, $0x1F;
	s30 =	sshra.s32 s13, $0x6;
	v45 =	vmov s21  }
0x4ab: {  	v49 =	vmov s1;
	v8 =	vsel vm1, s12, v8;
	s19 =	sadd.s32 s29, s25;
	s29 =	sshrl.u32 s13, $0x1F;
	s13 =	sshra.s32 s13, $0x1F;
	v9 =	vsel vm3, s30, v45  }
0x4ac: {  	v6 =	vperm.xlane v6, v33;
	v8 =	vsel vm2, s14, v8;
	s20 =	smulhi.u32 $0x10624DD3, s24;
	s31 =	sshra.s32 s24, $0x1F;
	s24 =	sshra.s32 s17, $0x6;
	v9 =	vsel vm9, s13, v9  }
0x4ad: {  	v48 =	vmov s10;
	s25 =	sshrl.u32 s6, $0x1F;
	s22 =	smul.u32 $0x10624DD3, s22;
	v47 =	vmov s29;
	s29 =	sshra.s32 s17, $0x1F;
	v9 =	vsel vm0, s24, v9  }
0x4ae: {  	v12 =	vsel vm0, s11, v48;
	s18 =	sadd.s32 s23, s18;
	v11 =	vnsel vm3, $0x0, v47;
	s23 =	smul.u32 $0x10624DD3, s31;
	s31 =	sshra.s32 s19, $0x6;
	v9 =	vsel vm10, s29, v9  }
0x4af: {  	v4 =	vcombine.low v4, v43;
	s28 =	sshrl.u32 s18, $0x1F;
	v11 =	vsel vm0, s16, v11;
	s17 =	sshra.s32 s19, $0x1F;
	s21 =	sshrl.u32 s19, $0x1F;
	v9 =	vsel vm1, s31, v9  }
0x4b0: {  	v12 =	vsel vm1, s25, v12;
	s8 =	sadd.s32 s22, s8;
	s30 =	smulhi.u32 $0x10624DD3, s15;
	v11 =	vsel vm1, s21, v11;
	s21 =	sshra.s32 s18, $0x6;
	v9 =	vsel vm11, s17, v9  }
0x4b1: {  	v50 =	vmov s9;
	v12 =	vsel vm2, s26, v12;
	s15 =	sshra.s32 s15, $0x1F;
	s20 =	sadd.s32 s23, s20;
	s23 =	sshra.s32 s18, $0x1F;
	v9 =	vsel vm2, s21, v9  }
0x4b2: {  	v4 =	vperm.xlane v4, v32;
	s26 =	sshra.s32 s5, $0x6;
	s25 =	sshra.s32 s8, $0x6;
	v8 =	vcombine.low v12, v8;
	s16 =	smul.u32 $0x10624DD3, s15;
	v9 =	vsel vm12, s23, v9  }
0x4b3: {  	v12 =	vsel vm0, s0, v49;
	s19 =	sshrl.u32 s8, $0x1F;
	s8 =	sshra.s32 s8, $0x1F;
	v11 =	vsel vm2, s28, v11;
	s22 =	sshrl.u32 s20, $0x1F;
	v9 =	vsel vm4, s25, v9  }
0x4b4: {  	v13 =	vsel vm0, s26, v50;
	s28 =	sshra.s32 s20, $0x6;
	v11 =	vsel vm4, s19, v11;
	s10 =	sadd.s32 s16, s30;
	s29 =	sshra.s32 s2, $0x6;
	v9 =	vsel vm13, s8, v9  }
0x4b5: {  	v11 =	vsel vm5, s22, v11;
	s30 =	sshra.s32 s6, $0x6;
	s24 =	sshrl.u32 s10, $0x1F;
	s31 =	sshra.s32 s20, $0x1F;
	v12 =	vsel vm1, s29, v12;
	v9 =	vsel vm5, s28, v9  }
0x4b6: {  	s3 =	sshra.s32 s3, $0x6;
	s4 =	sshra.s32 s4, $0x6;
	v13 =	vsel vm1, s30, v13;
	s5 =	sshra.s32 s10, $0x6;
	v11 =	vsel vm6, s24, v11;
	v9 =	vsel vm14, s31, v9  }
0x4b7: {  	s6 =	sshrl.u32 s7, $0x1F;
	v12 =	vsel vm2, s3, v12;
	v13 =	vsel vm2, s4, v13;
	s8 =	sshra.s32 s10, $0x1F;
	v9 =	vsel vm6, s5, v9  }
0x4b8: {  	s9 =	sshra.s32 s7, $0x6;
	v11 =	vsel vm7, s6, v11;
	v12 =	vcombine.low v13, v12;
	v9 =	vsel vm15, s8, v9  }
0x4b9: {  	v8 =	vperm.xlane v8, v32;
	v11 =	vperm.xlane v11, v33;
	v9 =	vsel vm7, s9, v9  }
0x4ba: {  	[tilespmem:$0x280] =	vst v37;
	v3 =	vadd.s32 v5, v3;
	v51 =	vperm.xlane v12, v32;
	v9 =	vperm.xlane v9, v33  }
0x4bb: {  	[tilespmem:$0x290] =	vst v34;
	v7 =	vsel vm8, v46, v7;
	v3 =	vmul.u32 $0x3E8, v3;
	v4 =	vsel vm8, v6, v4  }
0x4bc: {  	[tilespmem:$0x2C0] =	vst v54;
	v52 =	vadd.s32 v7, v4;
	v53 =	vsel vm8, v11, v8;
	v5 =	vsel vm8, v9, v51  }
0x4bd: {  	[tilespmem:$0x2A0] =	vst v61;
	v0 =	vmul.u32 $0x3E8, v52;
	v55 =	vadd.s32 v53, v5  }
0x4be: {  	[tilespmem:$0x2B0] =	vst v1;
	v56 =	vsub.s32 v39, v3;
	v2 =	vmul.u32 $0x3E8, v55  }
0x4bf: {  	[tilespmem:$0x2D0] =	vst v56;
	s11 =	rddreg [dreg:$0x6];
	v0 =	vsub.s32 v40, v0  }
0x4c0: {  	[tilespmem:$0x2E0] =	vst v0;
	s13 =	rddreg [dreg:$0xd];
	v57 =	vsub.s32 v58, v2  }
0x4c1: {  	s12 =	simm.s32 $0x80;
	s10 =	rddreg [dreg:$0x5];
	[tilespmem:$0x2F0] =	vst v57  }
0x4c2: {  	v59 =	vld [tilespmem:$0x1FFD0];
	[tilespmem:s10], [sflag:$0x1] =	stream.indirect.gather [hbm4b:s13+s12], $0x1, s11, s12, $0xb8  }
0x4c3: {  	v58 =	vld [tilespmem:$0x100];
	_ =	sdelay $0x4  }
0x4c4: {  	v60 =	vadd.s32 v58, v59  }
0x4c5: {  	(v2sf) =	vpush v60, $0xD;
	_ =	sdelay $0x1  }
0x4c6: {  	(v2sf) =	vpush v60, $0xC;
	_ =	sdelay $0x1  }
0x4c7: {  	(v2sf) =	vpush v60, $0xE;
	_ =	sdelay $0x1  }
0x4c8: {  	(v2sf) =	vpush v60, $0xF;
	_ =	sdelay $0x1  }
0x4c9: {  	(v2sf) =	vpush v60, $0x9;
	_ =	sdelay $0x1  }
0x4ca: {  	(v2sf) =	vpush v60, $0x8;
	_ =	sdelay $0x1  }
0x4cb: {  	(v2sf) =	vpush v60, $0xA;
	_ =	sdelay $0x1  }
0x4cc: {  	(v2sf) =	vpush v60, $0xB  }
0x4cd: {  	s14 =	spop (v2sf)  }
0x4ce: {  	(v2sf) =	vpush v60, $0x0;
	s12 =	smulhi.u32 $0x10624DD3, s14;
	s1 =	sshra.s32 s14, $0x1F  }
0x4cf: {  	s15 =	spop (v2sf);
	s23 =	smul.u32 $0x10624DD3, s1  }
0x4d0: {  	(v2sf) =	vpush v60, $0x1;
	s21 =	smulhi.u32 $0x10624DD3, s15;
	s3 =	sshra.s32 s15, $0x1F  }
0x4d1: {  	s16 =	spop (v2sf);
	s4 =	smul.u32 $0x10624DD3, s3  }
0x4d2: {  	(v2sf) =	vpush v60, $0x2;
	s10 =	smulhi.u32 $0x10624DD3, s16;
	s5 =	sshra.s32 s16, $0x1F  }
0x4d3: {  	s17 =	spop (v2sf);
	s6 =	smul.u32 $0x10624DD3, s5  }
0x4d4: {  	(v2sf) =	vpush v60, $0x3;
	s18 =	smulhi.u32 $0x10624DD3, s17;
	s7 =	sshra.s32 s17, $0x1F  }
0x4d5: {  	s19 =	spop (v2sf);
	s8 =	smul.u32 $0x10624DD3, s7  }
0x4d6: {  	(v2sf) =	vpush v60, $0x4;
	s7 =	smulhi.u32 $0x10624DD3, s19;
	s9 =	sshra.s32 s19, $0x1F  }
0x4d7: {  	v62 =	vld [tilespmem:$0x1FFE0];
	s20 =	spop (v2sf);
	s5 =	smul.u32 $0x10624DD3, s9  }
0x4d8: {  	v61 =	vld [tilespmem:$0x110];
	(v2sf) =	vpush v60, $0x5;
	s22 =	smulhi.u32 $0x10624DD3, s20;
	s9 =	sshra.s32 s20, $0x1F  }
0x4d9: {  	s24 =	spop (v2sf);
	(v2sf) =	vpush v60, $0x6;
	s14 =	smul.u32 $0x10624DD3, s9  }
0x4da: {  	s11 =	smulhi.u32 $0x10624DD3, s24;
	s9 =	sshra.s32 s24, $0x1F  }
0x4db: {  	s25 =	spop (v2sf);
	s16 =	smul.u32 $0x10624DD3, s9  }
0x4dc: {  	(v2sf) =	vpush v60, $0x7;
	s3 =	smulhi.u32 $0x10624DD3, s25;
	s9 =	sshra.s32 s25, $0x1F  }
0x4dd: {  	v63 =	vadd.s32 v61, v62;
	s26 =	spop (v2sf);
	s2 =	smul.u32 $0x10624DD3, s9  }
0x4de: {  	(v2sf) =	vpush v63, $0xD;
	s0 =	smulhi.u32 $0x10624DD3, s26;
	s9 =	sshra.s32 s26, $0x1F  }
0x4df: {  	s28 =	spop (v2sf);
	(v2sf) =	vpush v63, $0xC;
	s20 =	smul.u32 $0x10624DD3, s9  }
0x4e0: {  	[smem:$0x696] =	sst s22;
	s1 =	smulhi.u32 $0x10624DD3, s28;
	s9 =	sshra.s32 s28, $0x1F  }
0x4e1: {  	s29 =	spop (v2sf);
	s22 =	smul.u32 $0x10624DD3, s9  }
0x4e2: {  	[smem:$0x695] =	sst s18;
	s18 =	smulhi.u32 $0x10624DD3, s29;
	s9 =	sshra.s32 s29, $0x1F  }
0x4e3: {  	(v2sf) =	vpush v63, $0xE;
	s30 =	spop (v2sf);
	s13 =	smul.u32 $0x10624DD3, s9  }
0x4e4: {  	(v2sf) =	vpush v63, $0xF;
	s17 =	smulhi.u32 $0x10624DD3, s30;
	s9 =	sshra.s32 s30, $0x1F  }
0x4e5: {  	s26 =	smul.u32 $0x10624DD3, s9;
	s31 =	spop (v2sf)  }
0x4e6: {  	s28 =	smulhi.u32 $0x10624DD3, s31;
	s9 =	sshra.s32 s31, $0x1F  }
0x4e7: {  	s15 =	spop (v2sf);
	s29 =	smul.u32 $0x10624DD3, s9  }
0x4e8: {  	s30 =	smulhi.u32 $0x10624DD3, s15;
	s9 =	sshra.s32 s15, $0x1F;
	s19 =	spop (v2sf)  }
0x4e9: {  	(v2sf) =	vpush v63, $0x9;
	s15 =	sadd.s32 s6, s10;
	s6 =	sadd.s32 s5, s7;
	s31 =	smul.u32 $0x10624DD3, s9  }
0x4ea: {  	s5 =	sld [smem:$0x696];
	s25 =	smulhi.u32 $0x10624DD3, s19;
	s24 =	sshra.s32 s19, $0x1F  }
0x4eb: {  	(v2sf) =	vpush v63, $0x8;
	s19 =	sadd.s32 s23, s12;
	s9 =	spop (v2sf);
	s23 =	smul.u32 $0x10624DD3, s24  }
0x4ec: {  	s12 =	sadd.s32 s4, s21;
	s24 =	smulhi.u32 $0x10624DD3, s9;
	s21 =	sshra.s32 s9, $0x1F  }
0x4ed: {  	(v2sf) =	vpush v63, $0xA;
	s9 =	spop (v2sf);
	s10 =	smul.u32 $0x10624DD3, s21  }
0x4ee: {  	s21 =	sld [smem:$0x695];
	s7 =	spop (v2sf)  }
0x4ef: {  	s14 =	sadd.s32 s14, s5;
	s5 =	smulhi.u32 $0x10624DD3, s7;
	s7 =	sshra.s32 s7, $0x1F  }
0x4f0: {  	s16 =	sadd.s32 s16, s11;
	(v2sf) =	vpush v63, $0xB;
	s7 =	smul.u32 $0x10624DD3, s7  }
0x4f1: {  	s4 =	sshra.s32 s9, $0x1F;
	s8 =	sadd.s32 s8, s21;
	s21 =	smulhi.u32 $0x10624DD3, s9  }
0x4f2: {  	s0 =	sadd.s32 s20, s0;
	s11 =	spop (v2sf);
	s9 =	smul.u32 $0x10624DD3, s4  }
0x4f3: {  	s20 =	spop (v2sf);
	s4 =	sadd.s32 s2, s3;
	s3 =	smulhi.u32 $0x10624DD3, s11  }
0x4f4: {  	s22 =	sadd.s32 s22, s1;
	s11 =	sshra.s32 s11, $0x1F;
	s1 =	smulhi.u32 $0x10624DD3, s20  }
0x4f5: {  	s10 =	sadd.s32 s10, s24;
	s2 =	smul.u32 $0x10624DD3, s11  }
0x4f6: {  	s11 =	sshra.s32 s20, $0x1F;
	s20 =	sadd.s32 s13, s18;
	s18 =	sadd.s32 s26, s17  }
0x4f7: {  	s17 =	sadd.s32 s29, s28;
	s5 =	sadd.s32 s7, s5;
	s7 =	sshrl.u32 s6, $0x1F  }
0x4f8: {  	s6 =	sshra.s32 s6, $0x6;
	s11 =	smul.u32 $0x10624DD3, s11;
	s13 =	spop (v2sf)  }
0x4f9: {  	[smem:$0x697] =	sst s5;
	s26 =	smulhi.u32 $0x10624DD3, s13;
	s13 =	sshra.s32 s13, $0x1F  }
0x4fa: {  	s1 =	sadd.s32 s11, s1;
	s29 =	spop (v2sf);
	s28 =	smul.u32 $0x10624DD3, s13  }
0x4fb: {  	s13 =	sadd.s32 s31, s30;
	s31 =	smulhi.u32 $0x10624DD3, s29;
	s30 =	sshra.s32 s29, $0x1F  }
0x4fc: {  	s29 =	sadd.s32 s23, s25;
	s25 =	smul.u32 $0x10624DD3, s30;
	s30 =	spop (v2sf)  }
0x4fd: {  	[smem:$0x698] =	sst s1;
	s24 =	smulhi.u32 $0x10624DD3, s30;
	s23 =	sshra.s32 s30, $0x1F  }
0x4fe: {  	s30 =	sadd.s32 s9, s21;
	s11 =	sadd.s32 s28, s26;
	s28 =	sshrl.u32 s15, $0x1F  }
0x4ff: {  	s9 =	smul.u32 $0x10624DD3, s23;
	s23 =	spop (v2sf);
	s26 =	sadd.s32 s25, s31  }
0x500: {  	(v2sf) =	vpush v63, $0x0;
	s31 =	sshrl.u32 s8, $0x1F;
	s5 =	smulhi.u32 $0x10624DD3, s23;
	s21 =	sshra.s32 s23, $0x1F  }
0x501: {  	(v2sf) =	vpush v63, $0x1;
	s23 =	sadd.s32 s2, s3;
	s2 =	sshrl.u32 s0, $0x1F;
	s3 =	sshra.s32 s0, $0x1F  }
0x502: {  	(v2sf) =	vpush v63, $0x2;
	s21 =	smul.u32 $0x10624DD3, s21;
	s25 =	sadd.s32 s9, s24;
	s24 =	sshra.s32 s19, $0x6  }
0x503: {  	s9 =	sshra.s32 s8, $0x6;
	s8 =	sshrl.u32 s14, $0x1F;
	v14 =	vmov s2;
	s2 =	sshra.s32 s20, $0x6  }
0x504: {  	(v2sf) =	vpush v63, $0x3;
	[smem:$0x699] =	sst s25;
	s25 =	sshrl.u32 s19, $0x1F;
	s19 =	sshra.s32 s12, $0x6  }
0x505: {  	(v2sf) =	vpush v63, $0x4;
	v15 =	vmov s8;
	s8 =	sshra.s32 s13, $0x6;
	s1 =	sadd.s32 s21, s5;
	s5 =	sshrl.u32 s12, $0x1F  }
0x506: {  	(v2sf) =	vpush v63, $0x5;
	s12 =	sshra.s32 s15, $0x6;
	s21 =	sshra.s32 s14, $0x6;
	s14 =	sshrl.u32 s16, $0x1F  }
0x507: {  	(v2sf) =	vpush v63, $0x6;
	s15 =	sshra.s32 s16, $0x6;
	s16 =	sshrl.u32 s4, $0x1F;
	s4 =	sshra.s32 s4, $0x6  }
0x508: {  	(v2sf) =	vpush v63, $0x7;
	v3 =	vsel vm0, s7, v15;
	s7 =	sshra.s32 s29, $0x1F;
	v37 =	vmov s19;
	[smem:$0x69A] =	sst s1;
	s1 =	sshra.s32 s0, $0x6  }
0x509: {  	v2 =	vnsel vm3, $0x0, v14;
	s0 =	sshra.s32 s10, $0x1F;
	v12 =	vmov s5;
	s5 =	sshra.s32 s22, $0x6;
	v5 =	vsel vm0, s24, v37;
	s24 =	smov.u32 s26  }
0x50a: {  	v3 =	vsel vm1, s14, v3;
	v13 =	vmov s0;
	s0 =	sshrl.u32 s22, $0x1F;
	s22 =	sshra.s32 s22, $0x1F;
	v0 =	vsel vm0, s25, v12;
	s25 =	sshra.s32 s18, $0x6  }
0x50b: {  	v3 =	vsel vm2, s16, v3;
	s16 =	sshrl.u32 s30, $0x1F;
	v5 =	vsel vm1, s12, v5;
	s12 =	sshrl.u32 s26, $0x1F;
	v1 =	vsel vm3, s1, v13;
	s1 =	sshrl.u32 s20, $0x1F  }
0x50c: {  	s20 =	sshra.s32 s20, $0x1F;
	v0 =	vsel vm1, s28, v0;
	v2 =	vsel vm0, s0, v2;
	s0 =	sshrl.u32 s17, $0x1F;
	s28 =	sshrl.u32 s13, $0x1F;
	v1 =	vsel vm9, s3, v1  }
0x50d: {  	s13 =	sshra.s32 s13, $0x1F;
	s3 =	sshrl.u32 s18, $0x1F;
	s18 =	sshra.s32 s18, $0x1F;
	v2 =	vsel vm1, s1, v2;
	v1 =	vsel vm0, s5, v1  }
0x50e: {  	v0 =	vsel vm2, s31, v0;
	s31 =	sshrl.u32 s29, $0x1F;
	s5 =	sshra.s32 s17, $0x6;
	s17 =	sshra.s32 s17, $0x1F;
	v2 =	vsel vm2, s3, v2;
	v1 =	vsel vm10, s22, v1  }
0x50f: {  	s3 =	sshra.s32 s29, $0x6;
	s29 =	sld [smem:$0x697];
	v2 =	vsel vm4, s0, v2;
	s22 =	spop (v2sf);
	v1 =	vsel vm1, s2, v1  }
0x510: {  	v2 =	vsel vm5, s28, v2;
	s1 =	smulhi.u32 $0x10624DD3, s22;
	s14 =	sshra.s32 s22, $0x1F;
	s28 =	spop (v2sf);
	v1 =	vsel vm11, s20, v1  }
0x511: {  	v39 =	vld [tilespmem:$0x1FFF0];
	v38 =	vmov s21;
	s22 =	sld [smem:$0x698];
	v2 =	vsel vm6, s31, v2;
	s20 =	sshrl.u32 s11, $0x1F;
	s31 =	spop (v2sf);
	v1 =	vsel vm2, s25, v1  }
0x512: {  	v34 =	vld [tilespmem:$0x120];
	v6 =	vsel vm0, s6, v38;
	s25 =	smov.u32 s23;
	s26 =	sshra.s32 s31, $0x1F;
	v1 =	vsel vm12, s18, v1;
	s18 =	sshrl.u32 s23, $0x1F  }
0x513: {  	v6 =	vsel vm1, s15, v6;
	s23 =	smov.u32 s11;
	s11 =	smul.u32 $0x10624DD3, s14;
	s14 =	spop (v2sf)  }
0x514: {  	v40 =	vsel vm2, s4, v6;
	s0 =	sshrl.u32 s10, $0x1F;
	s4 =	smul.u32 $0x10624DD3, s26;
	s26 =	sld [smem:$0x69A];
	v1 =	vsel vm4, s5, v1  }
0x515: {  	s10 =	sshra.s32 s10, $0x6;
	s15 =	spop (v2sf);
	s21 =	smulhi.u32 $0x10624DD3, s14;
	v1 =	vsel vm13, s17, v1  }
0x516: {  	v5 =	vsel vm2, s9, v5;
	s17 =	sshra.s32 s28, $0x1F;
	s9 =	spop (v2sf);
	v1 =	vsel vm5, s8, v1;
	s8 =	smulhi.u32 $0x10624DD3, s28  }
0x517: {  	v34 =	vadd.s32 v34, v39;
	s1 =	sadd.s32 s11, s1;
	s11 =	sld [smem:$0x699];
	s19 =	smul.u32 $0x10624DD3, s17;
	v1 =	vsel vm14, s13, v1  }
0x518: {  	v42 =	vmov s12;
	v0 =	vcombine.low v3, v0;
	s2 =	sshrl.u32 s29, $0x1F;
	s13 =	spop (v2sf);
	v1 =	vsel vm6, s3, v1;
	s3 =	smulhi.u32 $0x10624DD3, s31  }
0x519: {  	v3 =	vcombine.low v40, v5;
	(v2sf) =	vpush v34, $0xD;
	v5 =	vsel vm0, s20, v42;
	s5 =	sshrl.u32 s22, $0x1F;
	s28 =	spop (v2sf);
	s20 =	smulhi.u32 $0x10624DD3, s13  }
0x51a: {  	(v2sf) =	vpush v34, $0xC;
	v2 =	vsel vm7, s0, v2;
	s14 =	sshra.s32 s14, $0x1F;
	s17 =	sshrl.u32 s26, $0x1F;
	s0 =	smulhi.u32 $0x10624DD3, s28  }
0x51b: {  	v41 =	vmov s2;
	s6 =	sshrl.u32 s1, $0x1F;
	s31 =	sshra.s32 s28, $0x1F;
	s28 =	smul.u32 $0x10624DD3, s14  }
0x51c: {  	v4 =	vsel vm0, s16, v41;
	(v2sf) =	vpush v34, $0xE;
	s2 =	sadd.s32 s19, s8;
	v1 =	vsel vm15, s7, v1;
	s7 =	sshrl.u32 s11, $0x1F;
	s19 =	smul.u32 $0x10624DD3, s31  }
0x51d: {  	v4 =	vsel vm1, s18, v4;
	(v2sf) =	vpush v34, $0xF;
	s16 =	sshra.s32 s1, $0x6;
	v5 =	vsel vm1, s7, v5;
	s31 =	smulhi.u32 $0x10624DD3, s15;
	s7 =	sshra.s32 s15, $0x1F  }
0x51e: {  	v4 =	vsel vm2, s5, v4;
	(v2sf) =	vpush v34, $0x9;
	s1 =	sshra.s32 s1, $0x1F;
	s3 =	sadd.s32 s4, s3;
	s5 =	smul.u32 $0x10624DD3, s7  }
0x51f: {  	v45 =	vmov s6;
	v1 =	vsel vm7, s10, v1;
	s10 =	sshrl.u32 s2, $0x1F;
	v5 =	vsel vm2, s17, v5;
	s14 =	sshrl.u32 s3, $0x1F;
	s17 =	smulhi.u32 $0x10624DD3, s9  }
0x520: {  	v6 =	vnsel vm3, $0x0, v45;
	s9 =	sshra.s32 s9, $0x1F;
	s4 =	sadd.s32 s28, s21;
	s21 =	sshra.s32 s13, $0x1F  }
0x521: {  	s28 =	sshra.s32 s2, $0x1F;
	v6 =	vsel vm0, s10, v6;
	s10 =	sshra.s32 s3, $0x6;
	s8 =	sadd.s32 s19, s0  }
0x522: {  	(v2sf) =	vpush v34, $0x8;
	s18 =	smul.u32 $0x10624DD3, s9;
	s19 =	sshra.s32 s2, $0x6;
	s12 =	sshrl.u32 s4, $0x1F  }
0x523: {  	(v2sf) =	vpush v34, $0xA;
	v6 =	vsel vm1, s14, v6;
	s14 =	sshra.s32 s3, $0x1F;
	s15 =	sshra.s32 s8, $0x1F;
	s0 =	sadd.s32 s5, s31  }
0x524: {  	s9 =	sshra.s32 s30, $0x6;
	s31 =	smul.u32 $0x10624DD3, s21;
	v43 =	vmov s15;
	s13 =	sshrl.u32 s0, $0x1F  }
0x525: {  	(v2sf) =	vpush v34, $0xB;
	s15 =	sadd.s32 s18, s17;
	s21 =	sshra.s32 s0, $0x6;
	s0 =	sshra.s32 s0, $0x1F;
	v44 =	vsel vm3, s16, v43  }
0x526: {  	(v2sf) =	vpush v34, $0x0;
	v4 =	vcombine.low v5, v4;
	s2 =	sadd.s32 s31, s20;
	s16 =	sshra.s32 s4, $0x6;
	s17 =	sshrl.u32 s15, $0x1F;
	v5 =	vsel vm9, s1, v44  }
0x527: {  	(v2sf) =	vpush v34, $0x1;
	v6 =	vsel vm2, s12, v6;
	s20 =	sshra.s32 s29, $0x6;
	s29 =	sshra.s32 s24, $0x6;
	s12 =	sshra.s32 s15, $0x6;
	v5 =	vsel vm0, s19, v5  }
0x528: {  	(v2sf) =	vpush v34, $0x2;
	v6 =	vsel vm4, s13, v6;
	s13 =	sshra.s32 s25, $0x6;
	s18 =	sshrl.u32 s2, $0x1F;
	v5 =	vsel vm10, s28, v5;
	s28 =	spop (v2sf)  }
0x529: {  	v46 =	vmov s20;
	v47 =	vmov s29;
	s19 =	sshra.s32 s4, $0x1F;
	v5 =	vsel vm1, s10, v5;
	s31 =	spop (v2sf);
	s10 =	sshra.s32 s23, $0x6  }
0x52a: {  	v7 =	vsel vm0, s9, v46;
	s24 =	smulhi.u32 $0x10624DD3, s28;
	s25 =	sshra.s32 s28, $0x1F;
	v5 =	vsel vm11, s14, v5;
	v8 =	vsel vm0, s10, v47;
	s14 =	sshra.s32 s11, $0x6  }
0x52b: {  	v7 =	vsel vm1, s13, v7;
	s1 =	sshra.s32 s31, $0x1F;
	v5 =	vsel vm2, s16, v5;
	s16 =	sshra.s32 s22, $0x6;
	v8 =	vsel vm1, s14, v8;
	s14 =	smul.u32 $0x10624DD3, s25  }
0x52c: {  	v6 =	vsel vm5, s17, v6;
	s17 =	sshra.s32 s26, $0x6;
	v5 =	vsel vm12, s19, v5;
	s19 =	spop (v2sf);
	v7 =	vsel vm2, s16, v7;
	s16 =	smul.u32 $0x10624DD3, s1  }
0x52d: {  	s20 =	sshrl.u32 s8, $0x1F;
	v8 =	vsel vm2, s17, v8;
	v5 =	vsel vm4, s21, v5;
	s23 =	spop (v2sf);
	s17 =	smulhi.u32 $0x10624DD3, s19  }
0x52e: {  	v6 =	vsel vm6, s18, v6;
	s6 =	sshra.s32 s19, $0x1F;
	v5 =	vsel vm13, s0, v5;
	s26 =	spop (v2sf);
	s19 =	smulhi.u32 $0x10624DD3, s23  }
0x52f: {  	(v2sf) =	vpush v34, $0x3;
	s15 =	sshra.s32 s15, $0x1F;
	v6 =	vsel vm7, s20, v6;
	v5 =	vsel vm5, s12, v5;
	s20 =	smulhi.u32 $0x10624DD3, s26  }
0x530: {  	[smem:$0x69B] =	sst s24;
	s3 =	sshra.s32 s26, $0x1F;
	v5 =	vsel vm14, s15, v5;
	s15 =	smulhi.u32 $0x10624DD3, s31  }
0x531: {  	s18 =	sshra.s32 s2, $0x6;
	(v2sf) =	vpush v34, $0x4;
	s28 =	spop (v2sf);
	s24 =	smul.u32 $0x10624DD3, s3  }
0x532: {  	s29 =	spop (v2sf);
	v5 =	vsel vm6, s18, v5;
	s18 =	smul.u32 $0x10624DD3, s6  }
0x533: {  	v51 =	vld [tilespmem:$0x130];
	(v2sf) =	vpush v34, $0x5;
	s21 =	sshra.s32 s2, $0x1F;
	s2 =	sshra.s32 s23, $0x1F;
	s23 =	smulhi.u32 $0x10624DD3, s29  }
0x534: {  	s30 =	spop (v2sf);
	s31 =	sshra.s32 s29, $0x1F;
	v5 =	vsel vm15, s21, v5;
	s21 =	smul.u32 $0x10624DD3, s2  }
0x535: {  	s7 =	spop (v2sf);
	(v2sf) =	vpush v34, $0x6;
	s29 =	smul.u32 $0x10624DD3, s31  }
0x536: {  	s22 =	sshra.s32 s8, $0x6;
	s25 =	smulhi.u32 $0x10624DD3, s30  }
0x537: {  	s0 =	sshra.s32 s28, $0x1F;
	v5 =	vsel vm7, s22, v5;
	s9 =	spop (v2sf);
	s22 =	smulhi.u32 $0x10624DD3, s28;
	(v2sf) =	vpush v34, $0x7  }
0x538: {  	v36 =	vadd.s32 v51, v19;
	s3 =	sshra.s32 s30, $0x1F;
	s28 =	smul.u32 $0x10624DD3, s0  }
0x539: {  	s0 =	smul.u32 $0x10624DD3, s3;
	s12 =	spop (v2sf);
	(v2sf) =	vpush v36, $0xD  }
0x53a: {  	s26 =	smulhi.u32 $0x10624DD3, s7;
	s4 =	sshra.s32 s7, $0x1F  }
0x53b: {  	s10 =	smul.u32 $0x10624DD3, s4;
	(v2sf) =	vpush v36, $0xC  }
0x53c: {  	s30 =	smulhi.u32 $0x10624DD3, s9;
	s6 =	sshra.s32 s9, $0x1F  }
0x53d: {  	s3 =	smul.u32 $0x10624DD3, s6;
	(v2sf) =	vpush v36, $0xE  }
0x53e: {  	s13 =	spop (v2sf);
	s31 =	smulhi.u32 $0x10624DD3, s12  }
0x53f: {  	s9 =	sshra.s32 s12, $0x1F;
	s12 =	smulhi.u32 $0x10624DD3, s13;
	s13 =	sshra.s32 s13, $0x1F  }
0x540: {  	s8 =	spop (v2sf);
	(v2sf) =	vpush v36, $0xF;
	s7 =	smul.u32 $0x10624DD3, s13  }
0x541: {  	[smem:$0x69C] =	sst s0;
	s1 =	smulhi.u32 $0x10624DD3, s8;
	s2 =	sshra.s32 s8, $0x1F  }
0x542: {  	s11 =	spop (v2sf);
	(v2sf) =	vpush v36, $0x9;
	s8 =	smul.u32 $0x10624DD3, s2  }
0x543: {  	[smem:$0x69D] =	sst s12;
	s4 =	smulhi.u32 $0x10624DD3, s11;
	s5 =	sshra.s32 s11, $0x1F  }
0x544: {  	s2 =	smul.u32 $0x10624DD3, s5;
	s6 =	spop (v2sf)  }
0x545: {  	[smem:$0x69F] =	sst s4;
	s11 =	smulhi.u32 $0x10624DD3, s6;
	s0 =	sshra.s32 s6, $0x1F  }
0x546: {  	s12 =	spop (v2sf);
	s4 =	smul.u32 $0x10624DD3, s0  }
0x547: {  	(v2sf) =	vpush v36, $0x8;
	s13 =	smulhi.u32 $0x10624DD3, s12;
	s0 =	sshra.s32 s12, $0x1F  }
0x548: {  	(v2sf) =	vpush v36, $0xA;
	s5 =	spop (v2sf);
	s6 =	smul.u32 $0x10624DD3, s0  }
0x549: {  	[smem:$0x6A0] =	sst s11;
	s11 =	smulhi.u32 $0x10624DD3, s5;
	s0 =	sshra.s32 s5, $0x1F  }
0x54a: {  	s12 =	spop (v2sf);
	s0 =	smul.u32 $0x10624DD3, s0  }
0x54b: {  	[smem:$0x6A1] =	sst s13;
	s13 =	smulhi.u32 $0x10624DD3, s12  }
0x54c: {  	s5 =	spop (v2sf);
	[smem:$0x6A3] =	sst s0;
	s0 =	sshra.s32 s12, $0x1F  }
0x54d: {  	(v2sf) =	vpush v36, $0xB;
	[smem:$0x6A2] =	sst s11;
	s0 =	smul.u32 $0x10624DD3, s0  }
0x54e: {  	(v2sf) =	vpush v36, $0x0;
	s11 =	smulhi.u32 $0x10624DD3, s5;
	[smem:$0x6A4] =	sst s13  }
0x54f: {  	s12 =	spop (v2sf);
	[smem:$0x6A5] =	sst s0;
	s0 =	sshra.s32 s5, $0x1F  }
0x550: {  	[smem:$0x6A6] =	sst s11;
	s0 =	smul.u32 $0x10624DD3, s0  }
0x551: {  	(v2sf) =	vpush v36, $0x1;
	s13 =	smulhi.u32 $0x10624DD3, s12;
	s5 =	spop (v2sf)  }
0x552: {  	s11 =	smulhi.u32 $0x10624DD3, s5;
	[smem:$0x6A7] =	sst s0;
	s0 =	sshra.s32 s12, $0x1F  }
0x553: {  	(v2sf) =	vpush v36, $0x2;
	[smem:$0x6A8] =	sst s13;
	s0 =	smul.u32 $0x10624DD3, s0  }
0x554: {  	[smem:$0x6AA] =	sst s11  }
0x555: {  	[smem:$0x6A9] =	sst s0;
	s0 =	sshra.s32 s5, $0x1F  }
0x556: {  	(v2sf) =	vpush v36, $0x3;
	s12 =	spop (v2sf);
	s0 =	smul.u32 $0x10624DD3, s0  }
0x557: {  	s13 =	smulhi.u32 $0x10624DD3, s12;
	s5 =	spop (v2sf)  }
0x558: {  	s11 =	smulhi.u32 $0x10624DD3, s5;
	[smem:$0x6AB] =	sst s0;
	s0 =	sshra.s32 s12, $0x1F  }
0x559: {  	(v2sf) =	vpush v36, $0x4;
	[smem:$0x6AC] =	sst s13;
	s0 =	smul.u32 $0x10624DD3, s0  }
0x55a: {  	[smem:$0x6AE] =	sst s11  }
0x55b: {  	(v2sf) =	vpush v36, $0x5;
	[smem:$0x6AD] =	sst s0;
	s0 =	sshra.s32 s5, $0x1F  }
0x55c: {  	s12 =	spop (v2sf);
	s0 =	smul.u32 $0x10624DD3, s0  }
0x55d: {  	s13 =	smulhi.u32 $0x10624DD3, s12;
	s5 =	spop (v2sf)  }
0x55e: {  	s11 =	smulhi.u32 $0x10624DD3, s5;
	[smem:$0x6AF] =	sst s0;
	s0 =	sshra.s32 s12, $0x1F  }
0x55f: {  	(v2sf) =	vpush v36, $0x6;
	[smem:$0x6B0] =	sst s13;
	s0 =	smul.u32 $0x10624DD3, s0  }
0x560: {  	[smem:$0x6B2] =	sst s11;
	s12 =	spop (v2sf)  }
0x561: {  	v52 =	vld [tilespmem:$0x140];
	s13 =	smulhi.u32 $0x10624DD3, s12;
	[smem:$0x6B1] =	sst s0;
	s0 =	sshra.s32 s5, $0x1F  }
0x562: {  	s5 =	spop (v2sf);
	s11 =	smul.u32 $0x10624DD3, s0  }
0x563: {  	(v2sf) =	vpush v36, $0x7;
	s0 =	sshra.s32 s12, $0x1F;
	s12 =	smulhi.u32 $0x10624DD3, s5  }
0x564: {  	[smem:$0x6B3] =	sst s13;
	s0 =	smul.u32 $0x10624DD3, s0  }
0x565: {  	s13 =	spop (v2sf);
	[smem:$0x6B5] =	sst s12  }
0x566: {  	v35 =	vadd.s32 v52, v20;
	s12 =	smulhi.u32 $0x10624DD3, s13;
	[smem:$0x6B4] =	sst s0;
	s0 =	sshra.s32 s5, $0x1F  }
0x567: {  	[smem:$0x69E] =	sst s1;
	(v2sf) =	vpush v35, $0xD;
	s5 =	smul.u32 $0x10624DD3, s0;
	s0 =	sshra.s32 s13, $0x1F  }
0x568: {  	s1 =	smul.u32 $0x10624DD3, s0;
	s0 =	spop (v2sf)  }
0x569: {  	s13 =	smulhi.u32 $0x10624DD3, s0  }
0x56a: {  	[smem:$0x6B6] =	sst s12;
	s12 =	spop (v2sf)  }
0x56b: {  	(v2sf) =	vpush v35, $0xC;
	[smem:$0x6B7] =	sst s13;
	s13 =	smulhi.u32 $0x10624DD3, s12;
	s12 =	sshra.s32 s12, $0x1F  }
0x56c: {  	s12 =	smul.u32 $0x10624DD3, s12;
	_ =	sdelay $0x1  }
0x56d: {  	[smem:$0x6B9] =	sst s12;
	s12 =	spop (v2sf)  }
0x56e: {  	(v2sf) =	vpush v35, $0xE;
	[smem:$0x6B8] =	sst s13;
	s13 =	smulhi.u32 $0x10624DD3, s12;
	s12 =	sshra.s32 s12, $0x1F  }
0x56f: {  	s12 =	smul.u32 $0x10624DD3, s12;
	_ =	sdelay $0x1  }
0x570: {  	[smem:$0x6BB] =	sst s12;
	s12 =	spop (v2sf)  }
0x571: {  	(v2sf) =	vpush v35, $0xF;
	[smem:$0x6BA] =	sst s13;
	s13 =	smulhi.u32 $0x10624DD3, s12;
	s12 =	sshra.s32 s12, $0x1F  }
0x572: {  	s12 =	smul.u32 $0x10624DD3, s12;
	_ =	sdelay $0x1  }
0x573: {  	[smem:$0x6BD] =	sst s12;
	s12 =	spop (v2sf)  }
0x574: {  	(v2sf) =	vpush v35, $0x9;
	[smem:$0x6BC] =	sst s13;
	s13 =	smulhi.u32 $0x10624DD3, s12;
	s12 =	sshra.s32 s12, $0x1F  }
0x575: {  	s12 =	smul.u32 $0x10624DD3, s12;
	_ =	sdelay $0x1  }
0x576: {  	[smem:$0x6BF] =	sst s12;
	s12 =	spop (v2sf)  }
0x577: {  	(v2sf) =	vpush v35, $0x8;
	[smem:$0x6BE] =	sst s13;
	s13 =	smulhi.u32 $0x10624DD3, s12;
	s12 =	sshra.s32 s12, $0x1F  }
0x578: {  	s12 =	smul.u32 $0x10624DD3, s12;
	_ =	sdelay $0x1  }
0x579: {  	[smem:$0x6C1] =	sst s12;
	s12 =	spop (v2sf)  }
0x57a: {  	(v2sf) =	vpush v35, $0xA;
	[smem:$0x6C0] =	sst s13;
	s13 =	smulhi.u32 $0x10624DD3, s12;
	s12 =	sshra.s32 s12, $0x1F  }
0x57b: {  	s12 =	smul.u32 $0x10624DD3, s12;
	_ =	sdelay $0x1  }
0x57c: {  	[smem:$0x6C3] =	sst s12;
	s12 =	spop (v2sf)  }
0x57d: {  	(v2sf) =	vpush v35, $0xB;
	[smem:$0x6C2] =	sst s13;
	s13 =	smulhi.u32 $0x10624DD3, s12;
	s12 =	sshra.s32 s12, $0x1F  }
0x57e: {  	s12 =	smul.u32 $0x10624DD3, s12;
	_ =	sdelay $0x1  }
0x57f: {  	[smem:$0x6C5] =	sst s12;
	s12 =	spop (v2sf)  }
0x580: {  	(v2sf) =	vpush v35, $0x0;
	[smem:$0x6C4] =	sst s13;
	s13 =	smulhi.u32 $0x10624DD3, s12;
	s12 =	sshra.s32 s12, $0x1F  }
0x581: {  	s12 =	smul.u32 $0x10624DD3, s12;
	_ =	sdelay $0x1  }
0x582: {  	[smem:$0x6C7] =	sst s12;
	s12 =	spop (v2sf)  }
0x583: {  	(v2sf) =	vpush v35, $0x1;
	[smem:$0x6C6] =	sst s13;
	s13 =	smulhi.u32 $0x10624DD3, s12;
	s12 =	sshra.s32 s12, $0x1F  }
0x584: {  	s12 =	smul.u32 $0x10624DD3, s12;
	_ =	sdelay $0x1  }
0x585: {  	[smem:$0x6C9] =	sst s12;
	s12 =	spop (v2sf)  }
0x586: {  	(v2sf) =	vpush v35, $0x2;
	[smem:$0x6C8] =	sst s13;
	s13 =	smulhi.u32 $0x10624DD3, s12;
	s12 =	sshra.s32 s12, $0x1F  }
0x587: {  	s12 =	smul.u32 $0x10624DD3, s12;
	_ =	sdelay $0x1  }
0x588: {  	[smem:$0x6CB] =	sst s12;
	s12 =	spop (v2sf)  }
0x589: {  	(v2sf) =	vpush v35, $0x3;
	[smem:$0x6CA] =	sst s13;
	s13 =	smulhi.u32 $0x10624DD3, s12;
	s12 =	sshra.s32 s12, $0x1F  }
0x58a: {  	s12 =	smul.u32 $0x10624DD3, s12;
	_ =	sdelay $0x1  }
0x58b: {  	[smem:$0x6CD] =	sst s12;
	s12 =	spop (v2sf)  }
0x58c: {  	[smem:$0x6CC] =	sst s13;
	s13 =	smulhi.u32 $0x10624DD3, s12;
	s12 =	sshra.s32 s12, $0x1F  }
0x58d: {  	s15 =	sadd.s32 s16, s15;
	s12 =	smul.u32 $0x10624DD3, s12  }
0x58e: {  	[smem:$0x6EE] =	sst s15;
	s9 =	smul.u32 $0x10624DD3, s9  }
0x58f: {  	s10 =	sadd.s32 s10, s26;
	(v2sf) =	vpush v35, $0x4;
	[smem:$0x6CF] =	sst s12;
	s12 =	spop (v2sf)  }
0x590: {  	[smem:$0x6CE] =	sst s13;
	s13 =	smulhi.u32 $0x10624DD3, s12;
	s12 =	sshra.s32 s12, $0x1F  }
0x591: {  	[smem:$0x6F2] =	sst s10;
	s3 =	sadd.s32 s3, s30;
	s12 =	smul.u32 $0x10624DD3, s12  }
0x592: {  	[smem:$0x6F5] =	sst s3  }
0x593: {  	s9 =	sadd.s32 s9, s31;
	[smem:$0x6D1] =	sst s12;
	s12 =	spop (v2sf)  }
0x594: {  	[smem:$0x6D0] =	sst s13;
	s13 =	smulhi.u32 $0x10624DD3, s12;
	s12 =	sshra.s32 s12, $0x1F  }
0x595: {  	[smem:$0x6F7] =	sst s9;
	s12 =	smul.u32 $0x10624DD3, s12  }
0x596: {  	s26 =	sld [smem:$0x6A4]  }
0x597: {  	[smem:$0x6D3] =	sst s12;
	s12 =	spop (v2sf)  }
0x598: {  	[smem:$0x6D2] =	sst s13;
	s13 =	smulhi.u32 $0x10624DD3, s12  }
0x599: {  	s30 =	sld [smem:$0x6A6];
	(v2sf) =	vpush v35, $0x5  }
0x59a: {  	[smem:$0x6D4] =	sst s13  }
0x59b: {  	s12 =	sshra.s32 s12, $0x1F;
	s13 =	sld [smem:$0x69B]  }
0x59c: {  	s10 =	sld [smem:$0x6A8];
	s12 =	smul.u32 $0x10624DD3, s12  }
0x59d: {  	s31 =	sld [smem:$0x6A7]  }
0x59e: {  	v53 =	vld [tilespmem:$0x150];
	[smem:$0x6D5] =	sst s12;
	s13 =	sadd.s32 s14, s13;
	s14 =	spop (v2sf)  }
0x59f: {  	(v2sf) =	vpush v35, $0x6;
	[smem:$0x6ED] =	sst s13;
	s16 =	smulhi.u32 $0x10624DD3, s14;
	s12 =	sshra.s32 s14, $0x1F  }
0x5a0: {  	s14 =	sadd.s32 s18, s17;
	s18 =	sadd.s32 s24, s20;
	s24 =	sld [smem:$0x69C]  }
0x5a1: {  	(v2sf) =	vpush v35, $0x7;
	[smem:$0x6EF] =	sst s14  }
0x5a2: {  	s20 =	sadd.s32 s28, s22;
	[smem:$0x6F3] =	sst s18  }
0x5a3: {  	v37 =	vadd.s32 v53, v21;
	s22 =	sadd.s32 s29, s23;
	[smem:$0x6F4] =	sst s20  }
0x5a4: {  	(v2sf) =	vpush v37, $0xD;
	[smem:$0x6F6] =	sst s22  }
0x5a5: {  	s18 =	sld [smem:$0x69F]  }
0x5a6: {  	s20 =	sld [smem:$0x6A0]  }
0x5a7: {  	(v2sf) =	vpush v37, $0xC;
	s12 =	smul.u32 $0x10624DD3, s12;
	s22 =	sld [smem:$0x6A1]  }
0x5a8: {  	s15 =	spop (v2sf);
	[smem:$0x6D6] =	sst s16  }
0x5a9: {  	(v2sf) =	vpush v37, $0xE;
	s17 =	smulhi.u32 $0x10624DD3, s15;
	s16 =	sadd.s32 s21, s19;
	[smem:$0x6D7] =	sst s12  }
0x5aa: {  	[smem:$0x6F1] =	sst s16  }
0x5ab: {  	[smem:$0x6D8] =	sst s17  }
0x5ac: {  	s12 =	sshra.s32 s15, $0x1F;
	s15 =	sld [smem:$0x69D]  }
0x5ad: {  	s16 =	sld [smem:$0x69E]  }
0x5ae: {  	s19 =	spop (v2sf);
	s13 =	sadd.s32 s24, s25;
	s24 =	sld [smem:$0x6A3]  }
0x5af: {  	s21 =	smulhi.u32 $0x10624DD3, s19;
	[smem:$0x6F9] =	sst s13  }
0x5b0: {  	s23 =	spop (v2sf);
	s2 =	sadd.s32 s2, s18;
	s18 =	sld [smem:$0x6AD]  }
0x5b1: {  	s12 =	smul.u32 $0x10624DD3, s12;
	[smem:$0x6DA] =	sst s21  }
0x5b2: {  	s25 =	smulhi.u32 $0x10624DD3, s23;
	[smem:$0x6FB] =	sst s2  }
0x5b3: {  	s29 =	spop (v2sf);
	[smem:$0x6D9] =	sst s12  }
0x5b4: {  	(v2sf) =	vpush v37, $0xF;
	s13 =	sshra.s32 s29, $0x1F;
	[smem:$0x6DC] =	sst s25  }
0x5b5: {  	s3 =	smul.u32 $0x10624DD3, s13;
	s7 =	sadd.s32 s7, s15;
	s15 =	sld [smem:$0x6AB]  }
0x5b6: {  	s14 =	spop (v2sf);
	[smem:$0x6F8] =	sst s7  }
0x5b7: {  	s9 =	smulhi.u32 $0x10624DD3, s14;
	s7 =	sadd.s32 s8, s16;
	[smem:$0x6DF] =	sst s3  }
0x5b8: {  	s12 =	sshra.s32 s19, $0x1F;
	s17 =	spop (v2sf);
	[smem:$0x6FA] =	sst s7  }
0x5b9: {  	s12 =	smul.u32 $0x10624DD3, s12;
	s3 =	sshra.s32 s14, $0x1F;
	s14 =	sld [smem:$0x6AA]  }
0x5ba: {  	s19 =	sshra.s32 s17, $0x1F;
	s7 =	smulhi.u32 $0x10624DD3, s17;
	s17 =	sld [smem:$0x6AC]  }
0x5bb: {  	s2 =	smul.u32 $0x10624DD3, s19;
	[smem:$0x6DB] =	sst s12  }
0x5bc: {  	s12 =	sshra.s32 s23, $0x1F;
	s3 =	smul.u32 $0x10624DD3, s3;
	s23 =	sld [smem:$0x6A2]  }
0x5bd: {  	(v2sf) =	vpush v37, $0x9;
	[smem:$0x6E1] =	sst s2  }
0x5be: {  	[smem:$0x6E0] =	sst s3  }
0x5bf: {  	s28 =	smul.u32 $0x10624DD3, s12;
	s3 =	sadd.s32 s4, s20;
	s20 =	sld [smem:$0x6AE]  }
0x5c0: {  	s12 =	smulhi.u32 $0x10624DD3, s29;
	s4 =	sld [smem:$0x6B5]  }
0x5c1: {  	[smem:$0x6DD] =	sst s28  }
0x5c2: {  	[smem:$0x6DE] =	sst s12  }
0x5c3: {  	(v2sf) =	vpush v37, $0x8;
	s21 =	spop (v2sf);
	[smem:$0x6FC] =	sst s3  }
0x5c4: {  	s2 =	sshra.s32 s21, $0x1F;
	s28 =	sld [smem:$0x6A5]  }
0x5c5: {  	s2 =	smul.u32 $0x10624DD3, s2;
	s12 =	sld [smem:$0x6A9]  }
0x5c6: {  	s3 =	sadd.s32 s6, s22;
	s6 =	smulhi.u32 $0x10624DD3, s21;
	s21 =	sld [smem:$0x6AF]  }
0x5c7: {  	[smem:$0x6F0] =	sst s3  }
0x5c8: {  	(v2sf) =	vpush v37, $0xA;
	[smem:$0x6E2] =	sst s2  }
0x5c9: {  	s3 =	sadd.s32 s24, s23;
	s23 =	sld [smem:$0x6B0]  }
0x5ca: {  	s24 =	sld [smem:$0x6B1]  }
0x5cb: {  	(v2sf) =	vpush v37, $0xB;
	[smem:$0x6FD] =	sst s3  }
0x5cc: {  	s25 =	spop (v2sf);
	s3 =	sadd.s32 s28, s26;
	s26 =	sld [smem:$0x6B2]  }
0x5cd: {  	s29 =	smulhi.u32 $0x10624DD3, s25;
	[smem:$0x6FE] =	sst s3  }
0x5ce: {  	(v2sf) =	vpush v37, $0x0;
	s3 =	sadd.s32 s31, s30;
	s30 =	sld [smem:$0x6B4]  }
0x5cf: {  	[smem:$0x6E3] =	sst s29  }
0x5d0: {  	s2 =	sshra.s32 s25, $0x1F;
	[smem:$0x6FF] =	sst s3  }
0x5d1: {  	s2 =	smul.u32 $0x10624DD3, s2;
	s29 =	sld [smem:$0x6B3]  }
0x5d2: {  	s8 =	spop (v2sf);
	s3 =	sadd.s32 s12, s10;
	s12 =	sld [smem:$0x6B7]  }
0x5d3: {  	s13 =	smulhi.u32 $0x10624DD3, s8;
	[smem:$0x6E4] =	sst s2  }
0x5d4: {  	[smem:$0x700] =	sst s3  }
0x5d5: {  	s0 =	sshra.s32 s0, $0x1F;
	[smem:$0x6E5] =	sst s13  }
0x5d6: {  	s0 =	smul.u32 $0x10624DD3, s0;
	(v2sf) =	vpush v37, $0x1;
	s2 =	sshra.s32 s8, $0x1F;
	s8 =	sld [smem:$0x6B6]  }
0x5d7: {  	s16 =	spop (v2sf);
	s3 =	sadd.s32 s15, s14;
	s14 =	sld [smem:$0x6B8]  }
0x5d8: {  	s19 =	smulhi.u32 $0x10624DD3, s16;
	[smem:$0x702] =	sst s3;
	s3 =	sadd.s32 s18, s17  }
0x5d9: {  	(v2sf) =	vpush v37, $0x2;
	s2 =	smul.u32 $0x10624DD3, s2;
	[smem:$0x704] =	sst s3  }
0x5da: {  	s22 =	spop (v2sf);
	[smem:$0x6E7] =	sst s19  }
0x5db: {  	s25 =	smulhi.u32 $0x10624DD3, s22;
	s3 =	sadd.s32 s21, s20;
	[smem:$0x6E6] =	sst s2  }
0x5dc: {  	[smem:$0x705] =	sst s3  }
0x5dd: {  	v0 =	vperm.xlane v0, v32;
	s28 =	spop (v2sf);
	s0 =	sadd.s32 s0, s12;
	[smem:$0x6E9] =	sst s25  }
0x5de: {  	v3 =	vperm.xlane v3, v32;
	v2 =	vperm.xlane v2, v33;
	s31 =	smulhi.u32 $0x10624DD3, s28;
	s3 =	sadd.s32 s24, s23;
	[smem:$0x70A] =	sst s0  }
0x5df: {  	v1 =	vperm.xlane v1, v33;
	v7 =	vcombine.low v8, v7;
	[smem:$0x707] =	sst s3  }
0x5e0: {  	v0 =	vsel vm8, v2, v0;
	v4 =	vperm.xlane v4, v32;
	v6 =	vperm.xlane v6, v33;
	s2 =	sshra.s32 s16, $0x1F;
	s1 =	sadd.s32 s1, s8;
	[smem:$0x6EB] =	sst s31  }
0x5e1: {  	v54 =	vld [tilespmem:$0x160];
	v1 =	vsel vm8, v1, v3;
	v7 =	vperm.xlane v7, v32;
	v5 =	vperm.xlane v5, v33;
	s2 =	smul.u32 $0x10624DD3, s2;
	s3 =	sadd.s32 s11, s26;
	[smem:$0x709] =	sst s1  }
0x5e2: {  	v0 =	vadd.s32 v0, v1;
	(v2sf) =	vpush v37, $0x3;
	[smem:$0x703] =	sst s3  }
0x5e3: {  	v48 =	vsel vm8, v6, v4;
	v49 =	vsel vm8, v5, v7;
	(v2sf) =	vpush v37, $0x4;
	s3 =	sadd.s32 s30, s29;
	[smem:$0x6E8] =	sst s2  }
0x5e4: {  	v0 =	vmul.u32 $0x3E8, v0;
	v1 =	vadd.s32 v48, v49;
	(v2sf) =	vpush v37, $0x5;
	s2 =	sshra.s32 s22, $0x1F;
	[smem:$0x706] =	sst s3  }
0x5e5: {  	v1 =	vmul.u32 $0x3E8, v1;
	(v2sf) =	vpush v37, $0x6;
	s3 =	sadd.s32 s5, s4;
	s5 =	spop (v2sf);
	s2 =	smul.u32 $0x10624DD3, s2  }
0x5e6: {  	v38 =	vadd.s32 v54, v22;
	v0 =	vsub.s32 v60, v0;
	(v2sf) =	vpush v37, $0x7;
	[smem:$0x708] =	sst s3;
	s10 =	smulhi.u32 $0x10624DD3, s5  }
0x5e7: {  	[tilespmem:$0x300] =	vst v0;
	v50 =	vsub.s32 v63, v1;
	(v2sf) =	vpush v38, $0xD;
	[smem:$0x6EA] =	sst s2  }
0x5e8: {  	[tilespmem:$0x310] =	vst v50;
	(v2sf) =	vpush v38, $0xC;
	s13 =	spop (v2sf);
	[smem:$0x6EC] =	sst s10  }
0x5e9: {  	s15 =	sld [smem:$0x6B9]  }
0x5ea: {  	s16 =	sld [smem:$0x6BA]  }
0x5eb: {  	s17 =	sld [smem:$0x6BB]  }
0x5ec: {  	s19 =	sld [smem:$0x6BC]  }
0x5ed: {  	s20 =	sld [smem:$0x6BD]  }
0x5ee: {  	s21 =	sld [smem:$0x6BE]  }
0x5ef: {  	s22 =	sld [smem:$0x6BF]  }
0x5f0: {  	s3 =	sld [smem:$0x6C0]  }
0x5f1: {  	s4 =	sld [smem:$0x6C1]  }
0x5f2: {  	s11 =	sshra.s32 s5, $0x1F;
	s5 =	sld [smem:$0x6C2]  }
0x5f3: {  	s29 =	smul.u32 $0x10624DD3, s11;
	s8 =	sld [smem:$0x6C3]  }
0x5f4: {  	s30 =	smulhi.u32 $0x10624DD3, s13;
	s0 =	sshra.s32 s13, $0x1F;
	s11 =	sld [smem:$0x6C4]  }
0x5f5: {  	s26 =	smul.u32 $0x10624DD3, s0;
	s12 =	sld [smem:$0x6C5]  }
0x5f6: {  	s2 =	sshra.s32 s28, $0x1F;
	s18 =	spop (v2sf);
	s13 =	sld [smem:$0x6C6]  }
0x5f7: {  	s28 =	smulhi.u32 $0x10624DD3, s18;
	s0 =	sshra.s32 s18, $0x1F;
	s18 =	sld [smem:$0x6CA]  }
0x5f8: {  	s31 =	smul.u32 $0x10624DD3, s2;
	s2 =	sld [smem:$0x6D8]  }
0x5f9: {  	s1 =	sadd.s32 s15, s14;
	s14 =	sld [smem:$0x6C7]  }
0x5fa: {  	[smem:$0x70B] =	sst s1  }
0x5fb: {  	s23 =	spop (v2sf);
	s1 =	sadd.s32 s17, s16;
	s16 =	sld [smem:$0x6C8]  }
0x5fc: {  	s24 =	smul.u32 $0x10624DD3, s0;
	s17 =	sld [smem:$0x6C9]  }
0x5fd: {  	s25 =	smulhi.u32 $0x10624DD3, s23;
	s0 =	sshra.s32 s23, $0x1F;
	[smem:$0x70C] =	sst s1  }
0x5fe: {  	s10 =	spop (v2sf);
	s1 =	sadd.s32 s20, s19;
	s19 =	sld [smem:$0x6CB]  }
0x5ff: {  	s23 =	smulhi.u32 $0x10624DD3, s10;
	[smem:$0x701] =	sst s1;
	s1 =	sadd.s32 s22, s21  }
0x600: {  	s22 =	smul.u32 $0x10624DD3, s0;
	s0 =	sshra.s32 s10, $0x1F;
	s10 =	sld [smem:$0x6CF]  }
0x601: {  	s15 =	spop (v2sf);
	[smem:$0x70D] =	sst s1  }
0x602: {  	s21 =	smulhi.u32 $0x10624DD3, s15;
	s1 =	sadd.s32 s4, s3;
	s4 =	sld [smem:$0x6CC]  }
0x603: {  	s20 =	smul.u32 $0x10624DD3, s0;
	s0 =	sshra.s32 s15, $0x1F;
	s15 =	sld [smem:$0x6D3]  }
0x604: {  	[smem:$0x70E] =	sst s1  }
0x605: {  	s1 =	sadd.s32 s8, s5;
	s5 =	sld [smem:$0x6CD]  }
0x606: {  	s8 =	sld [smem:$0x6CE]  }
0x607: {  	[smem:$0x70F] =	sst s1  }
0x608: {  	(v2sf) =	vpush v38, $0xE;
	s1 =	sadd.s32 s12, s11;
	s12 =	sld [smem:$0x6D0]  }
0x609: {  	[smem:$0x710] =	sst s1  }
0x60a: {  	s1 =	sadd.s32 s14, s13;
	s13 =	sld [smem:$0x6D1]  }
0x60b: {  	s14 =	sld [smem:$0x6D2]  }
0x60c: {  	[smem:$0x712] =	sst s1;
	s1 =	sadd.s32 s17, s16  }
0x60d: {  	(v2sf) =	vpush v38, $0xF;
	s3 =	spop (v2sf);
	[smem:$0x714] =	sst s1;
	s1 =	sadd.s32 s19, s18  }
0x60e: {  	s11 =	spop (v2sf);
	[smem:$0x716] =	sst s1  }
0x60f: {  	s17 =	smulhi.u32 $0x10624DD3, s11;
	s1 =	sadd.s32 s5, s4;
	s4 =	sld [smem:$0x6D4]  }
0x610: {  	s18 =	smul.u32 $0x10624DD3, s0;
	s5 =	sld [smem:$0x6D5]  }
0x611: {  	s19 =	smulhi.u32 $0x10624DD3, s3;
	s0 =	sshra.s32 s3, $0x1F;
	[smem:$0x717] =	sst s1  }
0x612: {  	s3 =	spop (v2sf);
	s1 =	sadd.s32 s10, s8;
	s8 =	sld [smem:$0x6D6]  }
0x613: {  	s16 =	smul.u32 $0x10624DD3, s0;
	s10 =	sld [smem:$0x6D7]  }
0x614: {  	s0 =	sshra.s32 s11, $0x1F;
	[smem:$0x713] =	sst s1;
	s1 =	sadd.s32 s13, s12  }
0x615: {  	(v2sf) =	vpush v38, $0x9;
	[smem:$0x715] =	sst s1;
	s1 =	sadd.s32 s15, s14;
	s14 =	smul.u32 $0x10624DD3, s0  }
0x616: {  	s15 =	smulhi.u32 $0x10624DD3, s3;
	s0 =	sshra.s32 s3, $0x1F;
	s3 =	sld [smem:$0x6D9]  }
0x617: {  	s11 =	spop (v2sf);
	[smem:$0x718] =	sst s1  }
0x618: {  	s13 =	smulhi.u32 $0x10624DD3, s11;
	s1 =	sadd.s32 s5, s4;
	s4 =	sld [smem:$0x6DA]  }
0x619: {  	s12 =	smul.u32 $0x10624DD3, s0;
	s5 =	sld [smem:$0x6DB]  }
0x61a: {  	s0 =	sshra.s32 s11, $0x1F;
	[smem:$0x719] =	sst s1;
	s1 =	sadd.s32 s10, s8  }
0x61b: {  	s10 =	smul.u32 $0x10624DD3, s0;
	[smem:$0x71A] =	sst s1  }
0x61c: {  	s8 =	spop (v2sf);
	s1 =	sadd.s32 s3, s2;
	s3 =	sld [smem:$0x6DC]  }
0x61d: {  	(v2sf) =	vpush v38, $0x8;
	s11 =	smulhi.u32 $0x10624DD3, s8;
	s0 =	sshra.s32 s8, $0x1F;
	s8 =	sld [smem:$0x6DF]  }
0x61e: {  	[smem:$0x71B] =	sst s1  }
0x61f: {  	s1 =	sadd.s32 s5, s4;
	s4 =	sld [smem:$0x6DD]  }
0x620: {  	s5 =	sld [smem:$0x6DE]  }
0x621: {  	[smem:$0x71C] =	sst s1  }
0x622: {  	s1 =	sadd.s32 s4, s3;
	s4 =	sld [smem:$0x6E0]  }
0x623: {  	[smem:$0x711] =	sst s1  }
0x624: {  	s3 =	spop (v2sf);
	s1 =	sadd.s32 s8, s5;
	s5 =	sld [smem:$0x6E1]  }
0x625: {  	s8 =	smul.u32 $0x10624DD3, s0;
	s0 =	sshra.s32 s3, $0x1F;
	[smem:$0x71D] =	sst s1  }
0x626: {  	s1 =	sadd.s32 s4, s9;
	s9 =	smulhi.u32 $0x10624DD3, s3;
	s3 =	sld [smem:$0x6E2]  }
0x627: {  	s4 =	sld [smem:$0x6E3]  }
0x628: {  	[smem:$0x71E] =	sst s1  }
0x629: {  	s1 =	sadd.s32 s5, s7;
	s5 =	sld [smem:$0x6E4]  }
0x62a: {  	[smem:$0x71F] =	sst s1  }
0x62b: {  	(v2sf) =	vpush v38, $0xA;
	s1 =	sadd.s32 s3, s6;
	s3 =	sld [smem:$0x6E5]  }
0x62c: {  	s2 =	spop (v2sf);
	[smem:$0x720] =	sst s1  }
0x62d: {  	s7 =	smul.u32 $0x10624DD3, s0;
	s1 =	sadd.s32 s5, s4;
	s4 =	sld [smem:$0x6E6]  }
0x62e: {  	(v2sf) =	vpush v38, $0xB;
	s0 =	sshra.s32 s2, $0x1F;
	s6 =	smulhi.u32 $0x10624DD3, s2;
	s2 =	sld [smem:$0x6E7]  }
0x62f: {  	[smem:$0x721] =	sst s1  }
0x630: {  	(v2sf) =	vpush v38, $0x0;
	s1 =	sadd.s32 s4, s3;
	s3 =	sld [smem:$0x6E8]  }
0x631: {  	(v2sf) =	vpush v38, $0x1  }
0x632: {  	[smem:$0x722] =	sst s1  }
0x633: {  	s1 =	sadd.s32 s3, s2;
	s2 =	sld [smem:$0x6EA]  }
0x634: {  	(v2sf) =	vpush v38, $0x2;
	[smem:$0x723] =	sst s1  }
0x635: {  	s18 =	sadd.s32 s18, s21;
	s1 =	sld [smem:$0x6E9]  }
0x636: {  	[smem:$0x726] =	sst s18;
	(v2sf) =	vpush v38, $0x3;
	s14 =	sadd.s32 s14, s17  }
0x637: {  	[smem:$0x727] =	sst s14;
	s12 =	sadd.s32 s12, s15  }
0x638: {  	s26 =	sadd.s32 s26, s30;
	[smem:$0x728] =	sst s12;
	(v2sf) =	vpush v38, $0x4;
	s1 =	sadd.s32 s2, s1  }
0x639: {  	s24 =	sadd.s32 s24, s28;
	s5 =	smul.u32 $0x10624DD3, s0;
	[smem:$0x725] =	sst s1  }
0x63a: {  	s22 =	sadd.s32 s22, s25;
	(v2sf) =	vpush v38, $0x5;
	s0 =	spop (v2sf);
	s1 =	sld [smem:$0x6EB]  }
0x63b: {  	s10 =	sadd.s32 s10, s13;
	s4 =	smulhi.u32 $0x10624DD3, s0;
	s0 =	sshra.s32 s0, $0x1F  }
0x63c: {  	s20 =	sadd.s32 s20, s23;
	[smem:$0x729] =	sst s10;
	(v2sf) =	vpush v38, $0x6;
	s3 =	smul.u32 $0x10624DD3, s0  }
0x63d: {  	s0 =	spop (v2sf);
	s1 =	sadd.s32 s31, s1;
	s31 =	sld [smem:$0x6EC]  }
0x63e: {  	(v2sf) =	vpush v38, $0x7;
	s2 =	smulhi.u32 $0x10624DD3, s0;
	s0 =	sshra.s32 s0, $0x1F;
	[smem:$0x724] =	sst s1  }
0x63f: {  	s16 =	sadd.s32 s16, s19;
	s1 =	smul.u32 $0x10624DD3, s0;
	s0 =	spop (v2sf)  }
0x640: {  	v55 =	vld [tilespmem:$0x170];
	s30 =	spop (v2sf);
	s31 =	sadd.s32 s29, s31;
	s29 =	smulhi.u32 $0x10624DD3, s0  }
0x641: {  	s8 =	sadd.s32 s8, s11;
	s0 =	sshra.s32 s0, $0x1F;
	s28 =	smulhi.u32 $0x10624DD3, s30  }
0x642: {  	[smem:$0x72A] =	sst s8;
	s30 =	sshra.s32 s30, $0x1F;
	s0 =	smul.u32 $0x10624DD3, s0  }
0x643: {  	s7 =	sadd.s32 s7, s9;
	s25 =	smul.u32 $0x10624DD3, s30;
	s30 =	spop (v2sf)  }
0x644: {  	[smem:$0x72B] =	sst s7;
	s23 =	smulhi.u32 $0x10624DD3, s30;
	s30 =	sshra.s32 s30, $0x1F  }
0x645: {  	v39 =	vadd.s32 v55, v23;
	s5 =	sadd.s32 s5, s6;
	s18 =	smul.u32 $0x10624DD3, s30;
	s30 =	spop (v2sf)  }
0x646: {  	[smem:$0x72C] =	sst s5;
	(v2sf) =	vpush v39, $0xD;
	s19 =	smulhi.u32 $0x10624DD3, s30;
	s21 =	sshra.s32 s30, $0x1F  }
0x647: {  	s3 =	sadd.s32 s3, s4;
	s30 =	spop (v2sf);
	s14 =	smul.u32 $0x10624DD3, s21  }
0x648: {  	[smem:$0x72D] =	sst s3;
	s12 =	smulhi.u32 $0x10624DD3, s30;
	s17 =	sshra.s32 s30, $0x1F  }
0x649: {  	s21 =	spop (v2sf);
	s10 =	smul.u32 $0x10624DD3, s17  }
0x64a: {  	s1 =	sadd.s32 s1, s2;
	s8 =	smulhi.u32 $0x10624DD3, s21;
	s30 =	sshra.s32 s21, $0x1F  }
0x64b: {  	s28 =	sadd.s32 s25, s28;
	s11 =	spop (v2sf);
	s7 =	smul.u32 $0x10624DD3, s30  }
0x64c: {  	s5 =	smulhi.u32 $0x10624DD3, s11;
	s14 =	sadd.s32 s14, s19;
	s19 =	sld [smem:$0x6EE]  }
0x64d: {  	s13 =	sshra.s32 s11, $0x1F;
	s15 =	spop (v2sf);
	[smem:$0x730] =	sst s14  }
0x64e: {  	s3 =	smul.u32 $0x10624DD3, s13;
	s13 =	sadd.s32 s18, s23;
	s18 =	sld [smem:$0x6ED]  }
0x64f: {  	s17 =	smulhi.u32 $0x10624DD3, s15;
	s25 =	sadd.s32 s10, s12;
	s12 =	sld [smem:$0x6F2]  }
0x650: {  	s30 =	sshra.s32 s15, $0x1F;
	[smem:$0x72F] =	sst s13;
	s15 =	sadd.s32 s7, s8  }
0x651: {  	s21 =	sadd.s32 s0, s29;
	s4 =	smul.u32 $0x10624DD3, s30;
	[smem:$0x731] =	sst s15  }
0x652: {  	s30 =	sadd.s32 s3, s5;
	s23 =	sshrl.u32 s19, $0x1F;
	s15 =	sld [smem:$0x6F0]  }
0x653: {  	s5 =	sshra.s32 s19, $0x6;
	s19 =	sld [smem:$0x6F5];
	s29 =	sadd.s32 s4, s17  }
0x654: {  	s3 =	sshrl.u32 s18, $0x1F;
	s0 =	sshra.s32 s18, $0x6;
	s18 =	sld [smem:$0x6F4]  }
0x655: {  	s14 =	sshrl.u32 s12, $0x1F;
	s9 =	spop (v2sf);
	s10 =	sshra.s32 s15, $0x1F  }
0x656: {  	s11 =	smulhi.u32 $0x10624DD3, s9;
	s2 =	sshra.s32 s9, $0x1F;
	s9 =	sld [smem:$0x6EF]  }
0x657: {  	s13 =	sshra.s32 s12, $0x6;
	v57 =	vmov s23;
	v58 =	vmov s14;
	v56 =	vmov s10;
	s8 =	sshrl.u32 s18, $0x1F;
	s2 =	smul.u32 $0x10624DD3, s2  }
0x658: {  	v1 =	vsel vm0, s3, v57;
	v2 =	vnsel vm3, $0x0, v58;
	s3 =	sshra.s32 s18, $0x6;
	s18 =	sld [smem:$0x6F7];
	v0 =	vsel vm3, s13, v56;
	s13 =	sshrl.u32 s19, $0x1F  }
0x659: {  	v2 =	vsel vm0, s13, v2;
	s13 =	sld [smem:$0x6F8];
	s17 =	sadd.s32 s2, s11;
	s6 =	sshrl.u32 s9, $0x1F  }
0x65a: {  	s2 =	sshra.s32 s9, $0x6;
	s9 =	sshra.s32 s12, $0x1F;
	[smem:$0x732] =	sst s17  }
0x65b: {  	s23 =	sshra.s32 s19, $0x6;
	s17 =	sld [smem:$0x6F3];
	v0 =	vsel vm9, s9, v0  }
0x65c: {  	s14 =	sshra.s32 s19, $0x1F;
	s11 =	sld [smem:$0x6F1];
	s19 =	sshrl.u32 s18, $0x1F;
	v0 =	vsel vm0, s23, v0  }
0x65d: {  	s23 =	sshra.s32 s18, $0x6;
	v0 =	vsel vm10, s14, v0;
	s14 =	sshra.s32 s18, $0x1F;
	s18 =	sld [smem:$0x6F9]  }
0x65e: {  	s10 =	sshrl.u32 s17, $0x1F;
	s4 =	sshra.s32 s17, $0x6;
	s17 =	sld [smem:$0x6F6]  }
0x65f: {  	[smem:$0x72E] =	sst s1;
	s12 =	sshra.s32 s13, $0x1F;
	v0 =	vsel vm1, s23, v0  }
0x660: {  	s7 =	sshrl.u32 s11, $0x1F;
	s1 =	sshra.s32 s11, $0x6;
	v0 =	vsel vm11, s14, v0;
	s14 =	sld [smem:$0x6FA]  }
0x661: {  	v60 =	vmov s8;
	v1 =	vsel vm1, s6, v1;
	s23 =	sshra.s32 s13, $0x6;
	s8 =	sshrl.u32 s18, $0x1F;
	s6 =	sshrl.u32 s17, $0x1F  }
0x662: {  	v59 =	vsel vm1, s19, v2;
	v40 =	vsel vm2, s7, v1;
	v0 =	vsel vm2, s23, v0;
	s7 =	sshra.s32 s17, $0x6;
	s17 =	sshrl.u32 s13, $0x1F;
	s13 =	sld [smem:$0x6FB]  }
0x663: {  	s9 =	sshra.s32 s18, $0x6;
	v0 =	vsel vm12, s12, v0;
	v1 =	vsel vm2, s17, v59;
	s19 =	sshrl.u32 s14, $0x1F;
	s18 =	sshra.s32 s14, $0x6  }
0x664: {  	s11 =	sshra.s32 s15, $0x6;
	s12 =	sld [smem:$0x6FC];
	v1 =	vsel vm4, s19, v1;
	s19 =	sshra.s32 s14, $0x1F;
	v0 =	vsel vm4, s18, v0  }
0x665: {  	s18 =	sshrl.u32 s15, $0x1F;
	s15 =	sld [smem:$0x6FF];
	s14 =	sshra.s32 s13, $0x6;
	v0 =	vsel vm13, s19, v0  }
0x666: {  	s17 =	sshrl.u32 s13, $0x1F;
	v0 =	vsel vm5, s14, v0;
	s14 =	sld [smem:$0x6FE]  }
0x667: {  	v62 =	vmov s3;
	v2 =	vsel vm0, s10, v60;
	s23 =	sshrl.u32 s12, $0x1F;
	v1 =	vsel vm5, s17, v1;
	s17 =	sshra.s32 s13, $0x1F;
	s13 =	sld [smem:$0x6FD]  }
0x668: {  	v2 =	vsel vm1, s6, v2;
	s19 =	sshra.s32 s12, $0x6;
	v1 =	vsel vm6, s23, v1;
	s23 =	sshra.s32 s12, $0x1F;
	v0 =	vsel vm14, s17, v0;
	s17 =	sld [smem:$0x700]  }
0x669: {  	v61 =	vmov s5;
	v42 =	vsel vm2, s8, v2;
	v2 =	vsel vm0, s4, v62;
	s12 =	sshrl.u32 s14, $0x1F;
	s4 =	sshra.s32 s14, $0x6;
	s14 =	sld [smem:$0x701]  }
0x66a: {  	s8 =	sshrl.u32 s15, $0x1F;
	v41 =	vsel vm7, s18, v1;
	v1 =	vsel vm0, s0, v61;
	v0 =	vsel vm6, s19, v0;
	s19 =	sld [smem:$0x702];
	s6 =	sshrl.u32 s13, $0x1F  }
0x66b: {  	s0 =	sshra.s32 s13, $0x6;
	v1 =	vsel vm1, s2, v1;
	v0 =	vsel vm15, s23, v0;
	s23 =	sld [smem:$0x703];
	s5 =	sshrl.u32 s17, $0x1F  }
0x66c: {  	v1 =	vsel vm2, s1, v1;
	s1 =	sshra.s32 s17, $0x6;
	s17 =	sld [smem:$0x704];
	s18 =	sshra.s32 s14, $0x1F  }
0x66d: {  	v2 =	vsel vm1, s7, v2;
	s7 =	sshrl.u32 s19, $0x1F;
	s2 =	sshra.s32 s19, $0x6;
	v63 =	vmov s18;
	s18 =	sld [smem:$0x705]  }
0x66e: {  	v8 =	vmov s12;
	s19 =	sld [smem:$0x706];
	s13 =	sshra.s32 s23, $0x6;
	s10 =	sshra.s32 s23, $0x1F  }
0x66f: {  	v0 =	vsel vm7, s11, v0;
	v4 =	vsel vm0, s6, v8;
	s11 =	sshrl.u32 s17, $0x1F;
	s6 =	sshra.s32 s17, $0x6;
	s17 =	sld [smem:$0x707]  }
0x670: {  	v2 =	vsel vm2, s9, v2;
	v4 =	vsel vm1, s8, v4;
	v3 =	vsel vm3, s13, v63;
	s9 =	sshrl.u32 s18, $0x1F;
	s8 =	sshra.s32 s18, $0x6;
	s18 =	sld [smem:$0x708]  }
0x671: {  	s3 =	sshra.s32 s15, $0x6;
	s15 =	sshrl.u32 s23, $0x1F;
	s23 =	sshra.s32 s19, $0x6;
	v3 =	vsel vm9, s10, v3  }
0x672: {  	v9 =	vmov s15;
	v43 =	vsel vm2, s5, v4;
	s15 =	sshra.s32 s19, $0x1F;
	v3 =	vsel vm0, s23, v3;
	s5 =	sshrl.u32 s17, $0x1F  }
0x673: {  	s10 =	sshra.s32 s17, $0x6;
	s17 =	sld [smem:$0x709];
	v3 =	vsel vm10, s15, v3;
	s23 =	sshra.s32 s18, $0x6  }
0x674: {  	v5 =	vnsel vm3, $0x0, v9;
	s12 =	sshrl.u32 s19, $0x1F;
	s15 =	sshra.s32 s18, $0x1F;
	v3 =	vsel vm1, s23, v3  }
0x675: {  	v10 =	vsel vm0, s12, v5;
	s19 =	sshrl.u32 s18, $0x1F;
	v3 =	vsel vm11, s15, v3;
	s15 =	sld [smem:$0x70A]  }
0x676: {  	s18 =	sshrl.u32 s17, $0x1F;
	v4 =	vsel vm1, s19, v10  }
0x677: {  	v11 =	vmov s11;
	s19 =	sshra.s32 s17, $0x6;
	v4 =	vsel vm2, s18, v4;
	s18 =	sld [smem:$0x70B]  }
0x678: {  	v5 =	vsel vm0, s7, v11;
	s23 =	sshra.s32 s17, $0x1F;
	v3 =	vsel vm2, s19, v3;
	s17 =	sshrl.u32 s15, $0x1F  }
0x679: {  	v5 =	vsel vm1, s9, v5;
	v3 =	vsel vm12, s23, v3;
	s7 =	sshra.s32 s15, $0x6;
	s9 =	sshra.s32 s15, $0x1F;
	s15 =	sld [smem:$0x70C]  }
0x67a: {  	s19 =	sshrl.u32 s18, $0x1F;
	v12 =	vsel vm4, s17, v4;
	v15 =	vsel vm4, s7, v3  }
0x67b: {  	s23 =	sshra.s32 s18, $0x6;
	s11 =	sshra.s32 s18, $0x1F;
	v13 =	vsel vm5, s19, v12;
	v45 =	vsel vm13, s9, v15;
	s19 =	sld [smem:$0x70D]  }
0x67c: {  	s18 =	sshrl.u32 s14, $0x1F;
	s17 =	sshrl.u32 s15, $0x1F;
	v6 =	vsel vm5, s23, v45;
	s23 =	sld [smem:$0x70E]  }
0x67d: {  	v14 =	vmov s4;
	v4 =	vsel vm2, s5, v5;
	s4 =	sshra.s32 s15, $0x6;
	s7 =	sshra.s32 s15, $0x1F;
	s15 =	sld [smem:$0x711];
	v5 =	vsel vm6, s17, v13  }
0x67e: {  	v3 =	vsel vm7, s18, v5;
	s18 =	sld [smem:$0x712]  }
0x67f: {  	v44 =	vsel vm0, s0, v14;
	s12 =	sshrl.u32 s19, $0x1F;
	s0 =	sshra.s32 s19, $0x6;
	s19 =	sld [smem:$0x713]  }
0x680: {  	v46 =	vmov s6;
	v6 =	vsel vm14, s11, v6;
	s13 =	sshrl.u32 s23, $0x1F  }
0x681: {  	v7 =	vsel vm0, s2, v46;
	v6 =	vsel vm6, s4, v6;
	s6 =	sshra.s32 s23, $0x6;
	s17 =	sshra.s32 s15, $0x1F;
	s4 =	sshrl.u32 s18, $0x1F  }
0x682: {  	v7 =	vsel vm1, s8, v7;
	s23 =	sshra.s32 s19, $0x6;
	s2 =	sshra.s32 s18, $0x6;
	s18 =	sld [smem:$0x714]  }
0x683: {  	v7 =	vsel vm2, s10, v7;
	v47 =	vmov s17;
	s10 =	sshrl.u32 s19, $0x1F;
	s17 =	sshra.s32 s19, $0x1F;
	s19 =	sld [smem:$0x715]  }
0x684: {  	s5 =	sld [smem:$0x70F]  }
0x685: {  	s9 =	sshra.s32 s14, $0x6;
	s11 =	sld [smem:$0x710];
	v6 =	vsel vm15, s7, v6;
	s8 =	sshrl.u32 s18, $0x1F  }
0x686: {  	v6 =	vsel vm7, s9, v6;
	v8 =	vsel vm3, s23, v47;
	s9 =	sshra.s32 s18, $0x6;
	s23 =	sshra.s32 s19, $0x6;
	s18 =	sld [smem:$0x716]  }
0x687: {  	v48 =	vmov s13;
	v8 =	vsel vm9, s17, v8;
	s13 =	sshrl.u32 s19, $0x1F;
	s17 =	sshra.s32 s19, $0x1F;
	s19 =	sld [smem:$0x717]  }
0x688: {  	s14 =	sshrl.u32 s5, $0x1F;
	v5 =	vsel vm1, s3, v44;
	s3 =	sshra.s32 s5, $0x6;
	v8 =	vsel vm0, s23, v8;
	s23 =	sld [smem:$0x718]  }
0x689: {  	v5 =	vsel vm2, s1, v5;
	s1 =	sshrl.u32 s11, $0x1F;
	s5 =	sshra.s32 s11, $0x6;
	v49 =	vmov s10;
	v53 =	vmov s8;
	s8 =	sld [smem:$0x719]  }
0x68a: {  	v9 =	vsel vm0, s12, v48;
	v10 =	vnsel vm3, $0x0, v49;
	s11 =	sshrl.u32 s18, $0x1F;
	s12 =	sshra.s32 s18, $0x6;
	s10 =	sshrl.u32 s19, $0x1F  }
0x68b: {  	v9 =	vsel vm1, s14, v9;
	v51 =	vsel vm0, s13, v10;
	v50 =	vsel vm10, s17, v8;
	s7 =	sshra.s32 s19, $0x6;
	s18 =	sshra.s32 s23, $0x6;
	s19 =	sshrl.u32 s23, $0x1F  }
0x68c: {  	v8 =	vsel vm2, s1, v9;
	s14 =	sshrl.u32 s8, $0x1F;
	v52 =	vsel vm1, s18, v50;
	v9 =	vsel vm1, s19, v51;
	s18 =	sld [smem:$0x71A]  }
0x68d: {  	s23 =	sshra.s32 s23, $0x1F;
	v9 =	vsel vm2, s14, v9;
	s14 =	sld [smem:$0x71B]  }
0x68e: {  	s17 =	sshra.s32 s8, $0x6;
	v10 =	vsel vm11, s23, v52  }
0x68f: {  	v56 =	vmov s6;
	s6 =	sshra.s32 s15, $0x6;
	v11 =	vsel vm0, s4, v53;
	s13 =	sshra.s32 s8, $0x1F;
	v10 =	vsel vm2, s17, v10;
	s19 =	sshrl.u32 s18, $0x1F  }
0x690: {  	v11 =	vsel vm1, s11, v11;
	s23 =	sshra.s32 s18, $0x6;
	v54 =	vsel vm12, s13, v10;
	v9 =	vsel vm4, s19, v9;
	s17 =	sshrl.u32 s14, $0x1F;
	s19 =	sld [smem:$0x71C]  }
0x691: {  	s8 =	sshra.s32 s18, $0x1F;
	v10 =	vsel vm2, s10, v11;
	s10 =	sshrl.u32 s15, $0x1F;
	v55 =	vsel vm4, s23, v54;
	v9 =	vsel vm5, s17, v9;
	s17 =	sld [smem:$0x71D]  }
0x692: {  	s18 =	sshra.s32 s14, $0x6;
	s13 =	sshra.s32 s14, $0x1F;
	v11 =	vsel vm13, s8, v55;
	s8 =	sld [smem:$0x720]  }
0x693: {  	v12 =	vsel vm0, s0, v56;
	v57 =	vmov s9;
	v11 =	vsel vm5, s18, v11;
	s18 =	sld [smem:$0x71E];
	s23 =	sshrl.u32 s19, $0x1F;
	s4 =	sshra.s32 s19, $0x6  }
0x694: {  	v12 =	vsel vm1, s3, v12;
	v59 =	vsel vm0, s2, v57;
	s14 =	sshra.s32 s19, $0x1F;
	v58 =	vsel vm14, s13, v11;
	s15 =	sshrl.u32 s17, $0x1F;
	s1 =	sshra.s32 s17, $0x6  }
0x695: {  	v11 =	vsel vm2, s5, v12;
	v12 =	vsel vm1, s12, v59;
	v9 =	vsel vm6, s23, v9;
	s23 =	sld [smem:$0x71F];
	s13 =	sshrl.u32 s8, $0x1F;
	s8 =	sshra.s32 s8, $0x6  }
0x696: {  	v60 =	vsel vm6, s4, v58;
	s17 =	sld [smem:$0x721];
	v12 =	vsel vm2, s7, v12;
	s7 =	sshra.s32 s22, $0x1F;
	s19 =	sshrl.u32 s18, $0x1F  }
0x697: {  	s0 =	sshra.s32 s18, $0x6;
	v13 =	vsel vm15, s14, v60;
	s18 =	sld [smem:$0x722];
	s14 =	sshrl.u32 s31, $0x1F  }
0x698: {  	v9 =	vsel vm7, s10, v9;
	v61 =	vmov s19;
	s19 =	sld [smem:$0x723];
	s9 =	sshrl.u32 s23, $0x1F;
	s10 =	sshra.s32 s23, $0x6  }
0x699: {  	s4 =	sshrl.u32 s17, $0x1F;
	s3 =	sshra.s32 s17, $0x6;
	s23 =	sld [smem:$0x724]  }
0x69a: {  	v62 =	vsel vm0, s15, v61;
	s17 =	sshra.s32 s16, $0x1F;
	s11 =	sshrl.u32 s18, $0x1F;
	s2 =	sshra.s32 s18, $0x6  }
0x69b: {  	v45 =	vsel vm7, s6, v13;
	v13 =	vsel vm1, s9, v62;
	v48 =	vmov s17;
	s18 =	sld [smem:$0x725];
	s17 =	sshra.s32 s31, $0x1F;
	s12 =	sshrl.u32 s19, $0x1F  }
0x69c: {  	s5 =	sshra.s32 s19, $0x6;
	v44 =	vsel vm2, s13, v13;
	v50 =	vmov s11;
	s13 =	sshra.s32 s22, $0x6;
	s15 =	sshrl.u32 s23, $0x1F  }
0x69d: {  	(v2sf) =	vpush v39, $0xC;
	s19 =	sshra.s32 s23, $0x6;
	s23 =	sshra.s32 s23, $0x1F;
	v15 =	vsel vm0, s4, v50;
	s4 =	sld [smem:$0x729]  }
0x69e: {  	v63 =	vmov s15;
	s6 =	sshrl.u32 s18, $0x1F;
	s9 =	sshra.s32 s18, $0x6;
	v49 =	vsel vm3, s19, v48;
	s15 =	sshra.s32 s31, $0x6  }
0x69f: {  	s18 =	sshrl.u32 s26, $0x1F;
	s19 =	sshra.s32 s26, $0x6;
	s31 =	sshra.s32 s24, $0x1F;
	v14 =	vnsel vm3, $0x0, v63;
	v13 =	vsel vm9, s23, v49  }
0x6a0: {  	v15 =	vsel vm1, s12, v15;
	s12 =	sshra.s32 s20, $0x1F;
	s23 =	sshrl.u32 s24, $0x1F;
	v14 =	vsel vm0, s14, v14;
	v13 =	vsel vm0, s15, v13;
	s14 =	sshra.s32 s26, $0x1F  }
0x6a1: {  	(v2sf) =	vpush v39, $0xE;
	s26 =	sshra.s32 s24, $0x6;
	v14 =	vsel vm1, s18, v14;
	v13 =	vsel vm10, s17, v13;
	s18 =	sshrl.u32 s22, $0x1F;
	s22 =	sld [smem:$0x726]  }
0x6a2: {  	v53 =	vmov s0;
	s17 =	sshra.s32 s20, $0x6;
	v14 =	vsel vm2, s23, v14;
	v13 =	vsel vm1, s19, v13;
	s19 =	sshrl.u32 s20, $0x1F;
	s20 =	sld [smem:$0x72C]  }
0x6a3: {  	s24 =	sshrl.u32 s16, $0x1F;
	s16 =	sshra.s32 s16, $0x6;
	v14 =	vsel vm4, s18, v14;
	v51 =	vsel vm11, s14, v13;
	v13 =	vsel vm2, s6, v15;
	s6 =	sld [smem:$0x72A]  }
0x6a4: {  	v54 =	vsel vm0, s1, v53;
	s1 =	sshra.s32 s4, $0x6;
	v14 =	vsel vm5, s19, v14;
	s23 =	sshrl.u32 s22, $0x1F;
	v52 =	vsel vm2, s26, v51;
	s26 =	sld [smem:$0x727]  }
0x6a5: {  	(v2sf) =	vpush v39, $0xF;
	s15 =	sshra.s32 s22, $0x6;
	s18 =	sshra.s32 s22, $0x1F;
	v14 =	vsel vm6, s23, v14;
	v15 =	vsel vm12, s31, v52;
	s31 =	sld [smem:$0x728]  }
0x6a6: {  	v46 =	vsel vm7, s24, v14;
	v15 =	vsel vm4, s13, v15;
	s13 =	sshrl.u32 s4, $0x1F;
	s22 =	sshrl.u32 s6, $0x1F;
	s24 =	sld [smem:$0x72D]  }
0x6a7: {  	s4 =	sshra.s32 s6, $0x6;
	v14 =	vsel vm1, s10, v54;
	s19 =	sshrl.u32 s26, $0x1F;
	v15 =	vsel vm13, s7, v15;
	s7 =	sld [smem:$0x72B]  }
0x6a8: {  	v55 =	vmov s2;
	s0 =	sshra.s32 s26, $0x6;
	s26 =	sld [smem:$0x72E];
	v14 =	vsel vm2, s8, v14;
	s8 =	sshra.s32 s21, $0x6  }
0x6a9: {  	v47 =	vsel vm0, s3, v55;
	s14 =	sshrl.u32 s31, $0x1F;
	s11 =	sshra.s32 s31, $0x6;
	v15 =	vsel vm5, s17, v15;
	s17 =	sshrl.u32 s20, $0x1F  }
0x6aa: {  	(v2sf) =	vpush v39, $0x9;
	v47 =	vsel vm1, s5, v47;
	s31 =	sshrl.u32 s21, $0x1F;
	s21 =	sshra.s32 s21, $0x1F;
	v56 =	vsel vm14, s12, v15;
	s10 =	sshrl.u32 s24, $0x1F  }
0x6ab: {  	(v2sf) =	vpush v39, $0x8;
	s5 =	sshra.s32 s24, $0x6;
	v15 =	vsel vm2, s9, v47;
	s9 =	sshrl.u32 s28, $0x1F;
	s12 =	sld [smem:$0x72F];
	v57 =	vsel vm6, s15, v56  }
0x6ac: {  	v58 =	vmov s14;
	v59 =	vmov s31;
	s14 =	sshra.s32 s28, $0x6;
	s31 =	spop (v2sf);
	v47 =	vsel vm15, s18, v57;
	s18 =	sld [smem:$0x730]  }
0x6ad: {  	(v2sf) =	vpush v39, $0xA;
	s23 =	sshrl.u32 s7, $0x1F;
	s6 =	sshra.s32 s7, $0x6;
	s7 =	sshra.s32 s20, $0x6;
	v49 =	vnsel vm3, $0x0, v59  }
0x6ae: {  	(v2sf) =	vpush v39, $0xB;
	v61 =	vmov s17;
	s24 =	sshrl.u32 s26, $0x1F;
	s3 =	sshra.s32 s26, $0x6;
	v49 =	vsel vm0, s9, v49;
	s15 =	sshrl.u32 s12, $0x1F  }
0x6af: {  	(v2sf) =	vpush v39, $0x0;
	v48 =	vsel vm0, s19, v58;
	s20 =	sshra.s32 s28, $0x1F;
	s28 =	sshrl.u32 s25, $0x1F;
	v49 =	vsel vm1, s15, v49;
	s26 =	sshrl.u32 s18, $0x1F  }
0x6b0: {  	v60 =	vsel vm1, s13, v48;
	v50 =	vsel vm0, s23, v61;
	s13 =	sshra.s32 s30, $0x6;
	s19 =	sshra.s32 s12, $0x6;
	s9 =	sshra.s32 s12, $0x1F;
	v49 =	vsel vm2, s26, v49  }
0x6b1: {  	v48 =	vsel vm7, s16, v47;
	v47 =	vsel vm2, s22, v60;
	s16 =	sshra.s32 s25, $0x1F;
	s22 =	sshra.s32 s31, $0x1F;
	v49 =	vsel vm4, s28, v49;
	s28 =	sld [smem:$0x731]  }
0x6b2: {  	(v2sf) =	vpush v39, $0x1;
	v50 =	vsel vm1, s10, v50;
	s10 =	sshra.s32 s30, $0x1F;
	s2 =	sshra.s32 s18, $0x6;
	s12 =	sshra.s32 s18, $0x1F  }
0x6b3: {  	v1 =	vcombine.low v2, v1;
	s18 =	sshra.s32 s25, $0x6;
	s25 =	smulhi.u32 $0x10624DD3, s31;
	s31 =	spop (v2sf)  }
0x6b4: {  	v0 =	vperm.xlane v0, v33;
	v62 =	vmov s11;
	(v2sf) =	vpush v39, $0x2;
	s26 =	sshrl.u32 s30, $0x1F;
	s11 =	spop (v2sf);
	s23 =	sshrl.u32 s28, $0x1F  }
0x6b5: {  	v1 =	vperm.xlane v1, v32;
	(v2sf) =	vpush v39, $0x3;
	s17 =	sshra.s32 s28, $0x6;
	s15 =	sshra.s32 s28, $0x1F;
	v49 =	vsel vm5, s23, v49;
	s23 =	smul.u32 $0x10624DD3, s22  }
0x6b6: {  	v51 =	vsel vm0, s0, v62;
	v50 =	vsel vm2, s24, v50;
	(v2sf) =	vpush v39, $0x4;
	s28 =	sshra.s32 s31, $0x1F;
	s22 =	smulhi.u32 $0x10624DD3, s31;
	s31 =	sshra.s32 s29, $0x1F  }
0x6b7: {  	(v2sf) =	vpush v39, $0x5;
	s24 =	smul.u32 $0x10624DD3, s28;
	s28 =	sshra.s32 s11, $0x1F;
	v49 =	vsel vm6, s26, v49;
	s26 =	sshrl.u32 s29, $0x1F;
	v63 =	vmov s31  }
0x6b8: {  	(v2sf) =	vpush v39, $0x6;
	v49 =	vsel vm7, s26, v49;
	v52 =	vsel vm3, s8, v63;
	s8 =	sshra.s32 s29, $0x6;
	s26 =	smulhi.u32 $0x10624DD3, s11;
	s0 =	sadd.s32 s23, s25  }
0x6b9: {  	v59 =	vsel vm1, s1, v51;
	s29 =	spop (v2sf);
	(v2sf) =	vpush v39, $0x7;
	s1 =	sadd.s32 s24, s22;
	v55 =	vsel vm9, s21, v52;
	s21 =	smul.u32 $0x10624DD3, s28  }
0x6ba: {  	v40 =	vcombine.low v42, v40;
	s23 =	smulhi.u32 $0x10624DD3, s29;
	s11 =	sshra.s32 s29, $0x1F;
	s30 =	spop (v2sf)  }
0x6bb: {  	v0 =	vsel vm8, v0, v1;
	v8 =	vcombine.low v10, v8;
	s28 =	sld [smem:$0x732];
	v58 =	vsel vm0, s14, v55;
	s31 =	smul.u32 $0x10624DD3, s11;
	s25 =	sshra.s32 s30, $0x1F  }
0x6bc: {  	v3 =	vperm.xlane v3, v33;
	v57 =	vperm.xlane v41, v33;
	s14 =	sshrl.u32 s0, $0x1F;
	s29 =	spop (v2sf);
	v41 =	vsel vm10, s20, v58;
	s22 =	smul.u32 $0x10624DD3, s25  }
0x6bd: {  	v6 =	vperm.xlane v6, v33;
	v42 =	vperm.xlane v8, v32;
	s0 =	sshra.s32 s0, $0x6;
	s24 =	sshra.s32 s29, $0x1F;
	v41 =	vsel vm1, s19, v41;
	s19 =	smulhi.u32 $0x10624DD3, s30  }
0x6be: {  	v54 =	vperm.xlane v46, v33;
	v56 =	vperm.xlane v40, v32;
	v63 =	vsel vm2, s4, v59;
	s24 =	smul.u32 $0x10624DD3, s24;
	s30 =	spop (v2sf);
	s4 =	sadd.s32 s31, s23  }
0x6bf: {  	v62 =	vcombine.low v7, v5;
	v40 =	vmov s7;
	v61 =	vsel vm11, s9, v41;
	s20 =	smulhi.u32 $0x10624DD3, s30;
	s31 =	sshra.s32 s30, $0x1F;
	s25 =	spop (v2sf)  }
0x6c0: {  	v60 =	vcombine.low v4, v43;
	v2 =	vsel vm8, v57, v56;
	v4 =	vsel vm2, s2, v61;
	s2 =	sadd.s32 s21, s26;
	s21 =	smulhi.u32 $0x10624DD3, s29;
	s23 =	sshra.s32 s25, $0x1F  }
0x6c1: {  	v7 =	vsel vm0, s6, v40;
	v0 =	vadd.s32 v2, v0;
	s26 =	spop (v2sf);
	s6 =	sadd.s32 s22, s19;
	v4 =	vsel vm12, s12, v4;
	s19 =	smul.u32 $0x10624DD3, s23  }
0x6c2: {  	v1 =	vperm.xlane v60, v32;
	v2 =	vperm.xlane v62, v32;
	s11 =	sshrl.u32 s28, $0x1F;
	s30 =	sshra.s32 s26, $0x1F;
	v4 =	vsel vm4, s18, v4;
	s18 =	smul.u32 $0x10624DD3, s31  }
0x6c3: {  	v53 =	vcombine.low v15, v14;
	v51 =	vperm.xlane v45, v33;
	v7 =	vsel vm1, s5, v7;
	s29 =	spop (v2sf);
	s5 =	sadd.s32 s24, s21;
	s21 =	smul.u32 $0x10624DD3, s30  }
0x6c4: {  	v1 =	vsel vm8, v3, v1;
	v2 =	vsel vm8, v6, v2;
	s9 =	sshrl.u32 s1, $0x1F;
	v4 =	vsel vm13, s16, v4;
	s16 =	smulhi.u32 $0x10624DD3, s25;
	s25 =	spop (v2sf)  }
0x6c5: {  	v43 =	vperm.xlane v9, v33;
	v56 =	vcombine.low v50, v47;
	v1 =	vadd.s32 v1, v2;
	s7 =	sshrl.u32 s4, $0x1F;
	s24 =	smulhi.u32 $0x10624DD3, s29;
	s23 =	spop (v2sf)  }
0x6c6: {  	v0 =	vmul.u32 $0x3E8, v0;
	v1 =	vmul.u32 $0x3E8, v1;
	s31 =	sshra.s32 s29, $0x1F;
	v4 =	vsel vm5, s17, v4;
	s17 =	smulhi.u32 $0x10624DD3, s26;
	s22 =	spop (v2sf)  }
0x6c7: {  	v7 =	vsel vm2, s3, v7;
	v8 =	vperm.xlane v56, v32;
	s4 =	sshra.s32 s4, $0x6;
	s26 =	smul.u32 $0x10624DD3, s31;
	v4 =	vsel vm14, s15, v4;
	s15 =	spop (v2sf)  }
0x6c8: {  	v0 =	vsub.s32 v34, v0;
	v2 =	vsel vm8, v43, v42;
	v1 =	vsub.s32 v36, v1;
	s12 =	sshrl.u32 s2, $0x1F;
	s29 =	smulhi.u32 $0x10624DD3, s25;
	s30 =	spop (v2sf)  }
0x6c9: {  	v52 =	vcombine.low v13, v44;
	v5 =	vcombine.low v7, v63;
	v4 =	vsel vm6, s13, v4;
	s13 =	sadd.s32 s19, s16;
	s31 =	smulhi.u32 $0x10624DD3, s30;
	s19 =	sshra.s32 s30, $0x1F  }
0x6ca: {  	v59 =	vperm.xlane v49, v33;
	v57 =	vmov s14;
	v41 =	vcombine.low v12, v11;
	s3 =	sadd.s32 s18, s20;
	s25 =	sshra.s32 s25, $0x1F;
	s19 =	smul.u32 $0x10624DD3, s19  }
0x6cb: {  	v55 =	vperm.xlane v48, v33;
	v7 =	vsel vm0, s11, v57;
	s11 =	smulhi.u32 $0x10624DD3, s23;
	s17 =	sadd.s32 s21, s17;
	s18 =	sadd.s32 s26, s24;
	v4 =	vsel vm15, s10, v4  }
0x6cc: {  	v6 =	vperm.xlane v52, v32;
	v3 =	vperm.xlane v41, v32;
	s24 =	sshrl.u32 s5, $0x1F;
	s21 =	smul.u32 $0x10624DD3, s25;
	v4 =	vsel vm7, s8, v4;
	s8 =	sadd.s32 s19, s31  }
0x6cd: {  	v5 =	vperm.xlane v5, v32;
	v62 =	vmov s0;
	v8 =	vsel vm8, v59, v8;
	s10 =	sshrl.u32 s6, $0x1F;
	s26 =	sshrl.u32 s13, $0x1F;
	s20 =	sshra.s32 s8, $0x1F  }
0x6ce: {  	v7 =	vsel vm1, s9, v7;
	v3 =	vsel vm8, v51, v3;
	s16 =	sadd.s32 s21, s29;
	s29 =	sshra.s32 s23, $0x1F;
	s30 =	sshra.s32 s13, $0x6;
	v58 =	vmov s20  }
0x6cf: {  	v2 =	vadd.s32 v2, v3;
	v3 =	vperm.xlane v53, v32;
	s14 =	sshrl.u32 s17, $0x1F;
	s21 =	smul.u32 $0x10624DD3, s29;
	s13 =	sshra.s32 s13, $0x1F;
	v9 =	vsel vm3, s30, v58  }
0x6d0: {  	v6 =	vsel vm8, v54, v6;
	v7 =	vsel vm2, s12, v7;
	s6 =	sshra.s32 s6, $0x6;
	s29 =	smulhi.u32 $0x10624DD3, s15;
	s31 =	sshra.s32 s17, $0x6;
	v9 =	vsel vm9, s13, v9  }
0x6d1: {  	v3 =	vsel vm8, v55, v3;
	v60 =	vmov s26;
	s26 =	sshra.s32 s17, $0x1F;
	s19 =	smulhi.u32 $0x10624DD3, s22;
	s22 =	sshra.s32 s22, $0x1F;
	v9 =	vsel vm0, s31, v9  }
0x6d2: {  	v61 =	vmov s10;
	v63 =	vmov s6;
	s22 =	smul.u32 $0x10624DD3, s22;
	s20 =	sshrl.u32 s18, $0x1F;
	s31 =	sshra.s32 s18, $0x6;
	v9 =	vsel vm10, s26, v9  }
0x6d3: {  	v4 =	vperm.xlane v4, v33;
	v11 =	vnsel vm3, $0x0, v60;
	s30 =	sshra.s32 s15, $0x1F;
	s15 =	sadd.s32 s21, s11;
	s18 =	sshra.s32 s18, $0x1F;
	v9 =	vsel vm1, s31, v9  }
0x6d4: {  	v12 =	vsel vm0, s7, v61;
	v13 =	vsel vm0, s4, v63;
	s21 =	sadd.s32 s22, s19;
	s22 =	sshra.s32 s16, $0x6;
	s17 =	smul.u32 $0x10624DD3, s30;
	v9 =	vsel vm11, s18, v9  }
0x6d5: {  	s12 =	sshra.s32 s5, $0x6;
	s25 =	sshrl.u32 s3, $0x1F;
	v11 =	vsel vm0, s14, v11;
	v12 =	vsel vm1, s24, v12;
	s24 =	sshra.s32 s16, $0x1F;
	v9 =	vsel vm2, s22, v9  }
0x6d6: {  	s23 =	sshrl.u32 s16, $0x1F;
	v13 =	vsel vm1, s12, v13;
	v11 =	vsel vm1, s20, v11;
	s11 =	sadd.s32 s17, s29;
	s29 =	sshra.s32 s15, $0x6;
	v9 =	vsel vm12, s24, v9  }
0x6d7: {  	v12 =	vsel vm2, s25, v12;
	v11 =	vsel vm2, s23, v11;
	s20 =	sshrl.u32 s15, $0x1F;
	s30 =	sshra.s32 s15, $0x1F;
	v9 =	vsel vm4, s29, v9  }
0x6d8: {  	v7 =	vcombine.low v12, v7;
	s23 =	sshrl.u32 s21, $0x1F;
	s7 =	sshra.s32 s21, $0x6;
	v11 =	vsel vm4, s20, v11;
	s31 =	sshra.s32 s28, $0x6;
	v9 =	vsel vm13, s30, v9  }
0x6d9: {  	s1 =	sshra.s32 s1, $0x6;
	s13 =	sshra.s32 s21, $0x1F;
	v11 =	vsel vm5, s23, v11;
	s15 =	sshra.s32 s3, $0x6;
	v12 =	vsel vm0, s31, v62;
	v9 =	vsel vm5, s7, v9  }
0x6da: {  	s14 =	sshra.s32 s2, $0x6;
	s26 =	sshrl.u32 s11, $0x1F;
	s16 =	sshra.s32 s11, $0x6;
	v13 =	vsel vm2, s15, v13;
	v12 =	vsel vm1, s1, v12;
	v9 =	vsel vm14, s13, v9  }
0x6db: {  	s17 =	sshrl.u32 s8, $0x1F;
	v11 =	vsel vm6, s26, v11;
	s18 =	sshra.s32 s11, $0x1F;
	v12 =	vsel vm2, s14, v12;
	v9 =	vsel vm6, s16, v9  }
0x6dc: {  	s19 =	sshra.s32 s8, $0x6;
	v11 =	vsel vm7, s17, v11;
	v12 =	vcombine.low v13, v12;
	v9 =	vsel vm15, s18, v9  }
0x6dd: {  	v7 =	vperm.xlane v7, v32;
	v11 =	vperm.xlane v11, v33;
	v9 =	vsel vm7, s19, v9  }
0x6de: {  	v3 =	vadd.s32 v6, v3;
	v13 =	vperm.xlane v12, v32;
	v9 =	vperm.xlane v9, v33  }
0x6df: {  	v2 =	vmul.u32 $0x3E8, v2;
	v3 =	vmul.u32 $0x3E8, v3;
	v4 =	vsel vm8, v4, v5  }
0x6e0: {  	[tilespmem:$0x320] =	vst v0;
	v14 =	vadd.s32 v8, v4;
	v15 =	vsel vm8, v11, v7;
	v34 =	vsel vm8, v9, v13  }
0x6e1: {  	[tilespmem:$0x330] =	vst v1;
	v35 =	vsub.s32 v35, v2;
	v0 =	vmul.u32 $0x3E8, v14;
	v36 =	vadd.s32 v15, v34  }
0x6e2: {  	[tilespmem:$0x340] =	vst v35;
	v37 =	vsub.s32 v37, v3;
	v2 =	vmul.u32 $0x3E8, v36  }
0x6e3: {  	[tilespmem:$0x350] =	vst v37;
	v0 =	vsub.s32 v38, v0;
	s21 =	rddreg [dreg:$0x8]  }
0x6e4: {  	[tilespmem:$0x360] =	vst v0;
	s20 =	rddreg [dreg:$0x7];
	v38 =	vsub.s32 v39, v2  }
0x6e5: {  	s23 =	rddreg [dreg:$0xd];
	s22 =	simm.s32 $0x80;
	[tilespmem:$0x370] =	vst v38  }
0x6e6: {  	[tilespmem:s20], [sflag:$0x1] =	stream.indirect.gather [hbm4b:s23+s22], $0x1, s21, s22, $0xb8;
	[tilespmem:$0x680] =	vst v63  }
0x6e7: {  	v39 =	vld [tilespmem:$0x180];
	_ =	sdelay $0x4  }
0x6e8: {  	v35 =	vadd.s32 v39, v24  }
0x6e9: {  	(v2sf) =	vpush v35, $0xD;
	_ =	sdelay $0x1  }
0x6ea: {  	(v2sf) =	vpush v35, $0xC;
	_ =	sdelay $0x1  }
0x6eb: {  	(v2sf) =	vpush v35, $0xE;
	_ =	sdelay $0x1  }
0x6ec: {  	(v2sf) =	vpush v35, $0xF;
	_ =	sdelay $0x1  }
0x6ed: {  	(v2sf) =	vpush v35, $0x9;
	_ =	sdelay $0x1  }
0x6ee: {  	(v2sf) =	vpush v35, $0x8;
	_ =	sdelay $0x1  }
0x6ef: {  	(v2sf) =	vpush v35, $0xA;
	_ =	sdelay $0x1  }
0x6f0: {  	(v2sf) =	vpush v35, $0xB  }
0x6f1: {  	(v2sf) =	vpush v35, $0x0;
	s24 =	spop (v2sf)  }
0x6f2: {  	s25 =	smulhi.u32 $0x10624DD3, s24;
	s0 =	sshra.s32 s24, $0x1F  }
0x6f3: {  	s26 =	spop (v2sf);
	s14 =	smul.u32 $0x10624DD3, s0  }
0x6f4: {  	(v2sf) =	vpush v35, $0x1;
	s13 =	smulhi.u32 $0x10624DD3, s26;
	s0 =	sshra.s32 s26, $0x1F  }
0x6f5: {  	s28 =	spop (v2sf);
	s16 =	smul.u32 $0x10624DD3, s0  }
0x6f6: {  	(v2sf) =	vpush v35, $0x2;
	s15 =	smulhi.u32 $0x10624DD3, s28;
	s0 =	sshra.s32 s28, $0x1F  }
0x6f7: {  	s29 =	spop (v2sf);
	s18 =	smul.u32 $0x10624DD3, s0  }
0x6f8: {  	(v2sf) =	vpush v35, $0x3;
	s17 =	smulhi.u32 $0x10624DD3, s29;
	s0 =	sshra.s32 s29, $0x1F  }
0x6f9: {  	s30 =	spop (v2sf);
	s20 =	smul.u32 $0x10624DD3, s0  }
0x6fa: {  	v40 =	vld [tilespmem:$0x190];
	(v2sf) =	vpush v35, $0x4;
	s19 =	smulhi.u32 $0x10624DD3, s30;
	s0 =	sshra.s32 s30, $0x1F  }
0x6fb: {  	s31 =	spop (v2sf);
	(v2sf) =	vpush v35, $0x5;
	s22 =	smul.u32 $0x10624DD3, s0  }
0x6fc: {  	s21 =	smulhi.u32 $0x10624DD3, s31;
	s0 =	sshra.s32 s31, $0x1F  }
0x6fd: {  	s1 =	spop (v2sf);
	(v2sf) =	vpush v35, $0x6;
	s24 =	smul.u32 $0x10624DD3, s0  }
0x6fe: {  	[smem:$0x733] =	sst s25;
	s23 =	smulhi.u32 $0x10624DD3, s1;
	s0 =	sshra.s32 s1, $0x1F  }
0x6ff: {  	v34 =	vadd.s32 v40, v25;
	s2 =	spop (v2sf);
	(v2sf) =	vpush v35, $0x7;
	s26 =	smul.u32 $0x10624DD3, s0  }
0x700: {  	s25 =	smulhi.u32 $0x10624DD3, s2;
	s0 =	sshra.s32 s2, $0x1F;
	s3 =	spop (v2sf);
	(v2sf) =	vpush v34, $0xD  }
0x701: {  	s29 =	smul.u32 $0x10624DD3, s0  }
0x702: {  	s28 =	smulhi.u32 $0x10624DD3, s3;
	s0 =	sshra.s32 s3, $0x1F  }
0x703: {  	s4 =	spop (v2sf);
	s10 =	smul.u32 $0x10624DD3, s0  }
0x704: {  	s30 =	smulhi.u32 $0x10624DD3, s4;
	s0 =	sshra.s32 s4, $0x1F  }
0x705: {  	(v2sf) =	vpush v34, $0xC;
	s2 =	smul.u32 $0x10624DD3, s0;
	s5 =	spop (v2sf)  }
0x706: {  	s31 =	smulhi.u32 $0x10624DD3, s5;
	s0 =	sshra.s32 s5, $0x1F  }
0x707: {  	s6 =	spop (v2sf);
	s4 =	smul.u32 $0x10624DD3, s0  }
0x708: {  	(v2sf) =	vpush v34, $0xE;
	s7 =	smulhi.u32 $0x10624DD3, s6;
	s0 =	sshra.s32 s6, $0x1F  }
0x709: {  	s8 =	spop (v2sf);
	s9 =	smul.u32 $0x10624DD3, s0  }
0x70a: {  	s11 =	smulhi.u32 $0x10624DD3, s8;
	s0 =	sshra.s32 s8, $0x1F;
	s12 =	spop (v2sf)  }
0x70b: {  	(v2sf) =	vpush v34, $0xF;
	[smem:$0x734] =	sst s7;
	s3 =	smul.u32 $0x10624DD3, s0  }
0x70c: {  	s5 =	smulhi.u32 $0x10624DD3, s12;
	s0 =	sshra.s32 s12, $0x1F;
	s6 =	spop (v2sf)  }
0x70d: {  	[smem:$0x735] =	sst s11;
	s1 =	smul.u32 $0x10624DD3, s0  }
0x70e: {  	(v2sf) =	vpush v34, $0x9;
	s7 =	smulhi.u32 $0x10624DD3, s6;
	s8 =	spop (v2sf)  }
0x70f: {  	s0 =	sshra.s32 s6, $0x1F;
	s11 =	smulhi.u32 $0x10624DD3, s8;
	s12 =	spop (v2sf)  }
0x710: {  	[smem:$0x737] =	sst s7;
	s7 =	smul.u32 $0x10624DD3, s0  }
0x711: {  	(v2sf) =	vpush v34, $0x8;
	s0 =	sshra.s32 s8, $0x1F;
	s8 =	smulhi.u32 $0x10624DD3, s12  }
0x712: {  	[smem:$0x736] =	sst s5;
	s5 =	smul.u32 $0x10624DD3, s0;
	s0 =	sshra.s32 s12, $0x1F  }
0x713: {  	(v2sf) =	vpush v34, $0xA;
	s0 =	smul.u32 $0x10624DD3, s0  }
0x714: {  	[smem:$0x738] =	sst s11;
	s11 =	spop (v2sf)  }
0x715: {  	(v2sf) =	vpush v34, $0xB;
	[smem:$0x73A] =	sst s0;
	s0 =	sshra.s32 s11, $0x1F  }
0x716: {  	[smem:$0x739] =	sst s8;
	s0 =	smul.u32 $0x10624DD3, s0  }
0x717: {  	(v2sf) =	vpush v34, $0x0;
	s12 =	smulhi.u32 $0x10624DD3, s11;
	s8 =	spop (v2sf)  }
0x718: {  	[smem:$0x73C] =	sst s0;
	s0 =	sshra.s32 s8, $0x1F  }
0x719: {  	[smem:$0x73B] =	sst s12;
	s0 =	smul.u32 $0x10624DD3, s0  }
0x71a: {  	(v2sf) =	vpush v34, $0x1;
	s11 =	smulhi.u32 $0x10624DD3, s8;
	s12 =	spop (v2sf)  }
0x71b: {  	s8 =	smulhi.u32 $0x10624DD3, s12;
	[smem:$0x73E] =	sst s0;
	s0 =	sshra.s32 s12, $0x1F  }
0x71c: {  	s0 =	smul.u32 $0x10624DD3, s0  }
0x71d: {  	[smem:$0x73D] =	sst s11;
	s11 =	spop (v2sf)  }
0x71e: {  	(v2sf) =	vpush v34, $0x2;
	s12 =	smulhi.u32 $0x10624DD3, s11;
	[smem:$0x740] =	sst s0;
	s0 =	sshra.s32 s11, $0x1F  }
0x71f: {  	[smem:$0x73F] =	sst s8;
	s0 =	smul.u32 $0x10624DD3, s0  }
0x720: {  	(v2sf) =	vpush v34, $0x3;
	s8 =	spop (v2sf);
	[smem:$0x741] =	sst s12  }
0x721: {  	s11 =	smulhi.u32 $0x10624DD3, s8;
	[smem:$0x742] =	sst s0;
	s0 =	sshra.s32 s8, $0x1F  }
0x722: {  	(v2sf) =	vpush v34, $0x4;
	s12 =	spop (v2sf);
	s0 =	smul.u32 $0x10624DD3, s0  }
0x723: {  	[smem:$0x743] =	sst s11;
	s8 =	smulhi.u32 $0x10624DD3, s12  }
0x724: {  	s11 =	spop (v2sf);
	[smem:$0x744] =	sst s0;
	s0 =	sshra.s32 s12, $0x1F  }
0x725: {  	[smem:$0x745] =	sst s8;
	s0 =	smul.u32 $0x10624DD3, s0  }
0x726: {  	(v2sf) =	vpush v34, $0x5;
	s8 =	spop (v2sf);
	s12 =	smulhi.u32 $0x10624DD3, s11  }
0x727: {  	[smem:$0x746] =	sst s0;
	s0 =	sshra.s32 s11, $0x1F;
	s11 =	smulhi.u32 $0x10624DD3, s8  }
0x728: {  	[smem:$0x747] =	sst s12;
	s0 =	smul.u32 $0x10624DD3, s0  }
0x729: {  	s12 =	spop (v2sf);
	[smem:$0x749] =	sst s11  }
0x72a: {  	(v2sf) =	vpush v34, $0x6;
	s11 =	smulhi.u32 $0x10624DD3, s12;
	[smem:$0x748] =	sst s0;
	s0 =	sshra.s32 s8, $0x1F  }
0x72b: {  	s8 =	smul.u32 $0x10624DD3, s0;
	s0 =	sshra.s32 s12, $0x1F  }
0x72c: {  	v41 =	vld [tilespmem:$0x1A0];
	s0 =	smul.u32 $0x10624DD3, s0  }
0x72d: {  	[smem:$0x74A] =	sst s11;
	s12 =	spop (v2sf)  }
0x72e: {  	(v2sf) =	vpush v34, $0x7;
	s11 =	smulhi.u32 $0x10624DD3, s12;
	[smem:$0x74B] =	sst s0;
	s0 =	sshra.s32 s12, $0x1F  }
0x72f: {  	s6 =	smul.u32 $0x10624DD3, s0;
	s0 =	spop (v2sf)  }
0x730: {  	s12 =	smulhi.u32 $0x10624DD3, s0  }
0x731: {  	v36 =	vadd.s32 v41, v26;
	[smem:$0x74C] =	sst s11;
	s11 =	spop (v2sf)  }
0x732: {  	(v2sf) =	vpush v36, $0xD;
	[smem:$0x74D] =	sst s12;
	s12 =	smulhi.u32 $0x10624DD3, s11;
	s11 =	sshra.s32 s11, $0x1F  }
0x733: {  	s11 =	smul.u32 $0x10624DD3, s11;
	_ =	sdelay $0x1  }
0x734: {  	[smem:$0x74F] =	sst s11;
	s11 =	spop (v2sf)  }
0x735: {  	(v2sf) =	vpush v36, $0xC;
	[smem:$0x74E] =	sst s12;
	s12 =	smulhi.u32 $0x10624DD3, s11;
	s11 =	sshra.s32 s11, $0x1F  }
0x736: {  	s11 =	smul.u32 $0x10624DD3, s11;
	_ =	sdelay $0x1  }
0x737: {  	[smem:$0x751] =	sst s11;
	s11 =	spop (v2sf)  }
0x738: {  	(v2sf) =	vpush v36, $0xE;
	[smem:$0x750] =	sst s12;
	s12 =	smulhi.u32 $0x10624DD3, s11;
	s11 =	sshra.s32 s11, $0x1F  }
0x739: {  	s11 =	smul.u32 $0x10624DD3, s11;
	_ =	sdelay $0x1  }
0x73a: {  	[smem:$0x753] =	sst s11;
	s11 =	spop (v2sf)  }
0x73b: {  	(v2sf) =	vpush v36, $0xF;
	[smem:$0x752] =	sst s12;
	s12 =	smulhi.u32 $0x10624DD3, s11;
	s11 =	sshra.s32 s11, $0x1F  }
0x73c: {  	s11 =	smul.u32 $0x10624DD3, s11;
	_ =	sdelay $0x1  }
0x73d: {  	[smem:$0x755] =	sst s11;
	s11 =	spop (v2sf)  }
0x73e: {  	(v2sf) =	vpush v36, $0x9;
	[smem:$0x754] =	sst s12;
	s12 =	smulhi.u32 $0x10624DD3, s11;
	s11 =	sshra.s32 s11, $0x1F  }
0x73f: {  	s11 =	smul.u32 $0x10624DD3, s11;
	_ =	sdelay $0x1  }
0x740: {  	[smem:$0x757] =	sst s11;
	s11 =	spop (v2sf)  }
0x741: {  	(v2sf) =	vpush v36, $0x8;
	[smem:$0x756] =	sst s12;
	s12 =	smulhi.u32 $0x10624DD3, s11;
	s11 =	sshra.s32 s11, $0x1F  }
0x742: {  	s11 =	smul.u32 $0x10624DD3, s11;
	_ =	sdelay $0x1  }
0x743: {  	[smem:$0x759] =	sst s11;
	s11 =	spop (v2sf)  }
0x744: {  	(v2sf) =	vpush v36, $0xA;
	[smem:$0x758] =	sst s12;
	s12 =	smulhi.u32 $0x10624DD3, s11;
	s11 =	sshra.s32 s11, $0x1F  }
0x745: {  	s11 =	smul.u32 $0x10624DD3, s11;
	_ =	sdelay $0x1  }
0x746: {  	[smem:$0x75B] =	sst s11;
	s11 =	spop (v2sf)  }
0x747: {  	(v2sf) =	vpush v36, $0xB;
	[smem:$0x75A] =	sst s12;
	s12 =	smulhi.u32 $0x10624DD3, s11;
	s11 =	sshra.s32 s11, $0x1F  }
0x748: {  	s11 =	smul.u32 $0x10624DD3, s11;
	_ =	sdelay $0x1  }
0x749: {  	[smem:$0x75D] =	sst s11;
	s11 =	spop (v2sf)  }
0x74a: {  	(v2sf) =	vpush v36, $0x0;
	[smem:$0x75C] =	sst s12;
	s12 =	smulhi.u32 $0x10624DD3, s11;
	s11 =	sshra.s32 s11, $0x1F  }
0x74b: {  	s11 =	smul.u32 $0x10624DD3, s11;
	_ =	sdelay $0x1  }
0x74c: {  	[smem:$0x75F] =	sst s11;
	s11 =	spop (v2sf)  }
0x74d: {  	(v2sf) =	vpush v36, $0x1;
	[smem:$0x75E] =	sst s12;
	s12 =	smulhi.u32 $0x10624DD3, s11;
	s11 =	sshra.s32 s11, $0x1F  }
0x74e: {  	s11 =	smul.u32 $0x10624DD3, s11;
	_ =	sdelay $0x1  }
0x74f: {  	[smem:$0x761] =	sst s11;
	s11 =	spop (v2sf)  }
0x750: {  	(v2sf) =	vpush v36, $0x2;
	[smem:$0x760] =	sst s12;
	s12 =	smulhi.u32 $0x10624DD3, s11;
	s11 =	sshra.s32 s11, $0x1F  }
0x751: {  	s11 =	smul.u32 $0x10624DD3, s11;
	_ =	sdelay $0x1  }
0x752: {  	[smem:$0x763] =	sst s11;
	s11 =	spop (v2sf)  }
0x753: {  	(v2sf) =	vpush v36, $0x3;
	[smem:$0x762] =	sst s12;
	s12 =	smulhi.u32 $0x10624DD3, s11;
	s11 =	sshra.s32 s11, $0x1F  }
0x754: {  	s11 =	smul.u32 $0x10624DD3, s11;
	_ =	sdelay $0x1  }
0x755: {  	[smem:$0x765] =	sst s11;
	s11 =	spop (v2sf)  }
0x756: {  	(v2sf) =	vpush v36, $0x4;
	[smem:$0x764] =	sst s12;
	s12 =	smulhi.u32 $0x10624DD3, s11;
	s11 =	sshra.s32 s11, $0x1F  }
0x757: {  	s11 =	smul.u32 $0x10624DD3, s11;
	_ =	sdelay $0x1  }
0x758: {  	[smem:$0x767] =	sst s11;
	s11 =	spop (v2sf)  }
0x759: {  	(v2sf) =	vpush v36, $0x5;
	[smem:$0x766] =	sst s12;
	s12 =	smulhi.u32 $0x10624DD3, s11;
	s11 =	sshra.s32 s11, $0x1F  }
0x75a: {  	s11 =	smul.u32 $0x10624DD3, s11;
	_ =	sdelay $0x1  }
0x75b: {  	[smem:$0x769] =	sst s11;
	s11 =	spop (v2sf)  }
0x75c: {  	(v2sf) =	vpush v36, $0x6;
	[smem:$0x768] =	sst s12;
	s12 =	smulhi.u32 $0x10624DD3, s11;
	s11 =	sshra.s32 s11, $0x1F  }
0x75d: {  	s11 =	smul.u32 $0x10624DD3, s11  }
0x75e: {  	v42 =	vld [tilespmem:$0x1B0]  }
0x75f: {  	[smem:$0x76B] =	sst s11;
	s11 =	spop (v2sf)  }
0x760: {  	(v2sf) =	vpush v36, $0x7;
	[smem:$0x76A] =	sst s12;
	s12 =	smulhi.u32 $0x10624DD3, s11;
	s11 =	sshra.s32 s11, $0x1F  }
0x761: {  	s11 =	smul.u32 $0x10624DD3, s11;
	_ =	sdelay $0x1  }
0x762: {  	v38 =	vadd.s32 v42, v27;
	[smem:$0x76D] =	sst s11;
	s11 =	spop (v2sf)  }
0x763: {  	(v2sf) =	vpush v38, $0xD;
	[smem:$0x76C] =	sst s12;
	s12 =	smulhi.u32 $0x10624DD3, s11;
	s11 =	sshra.s32 s11, $0x1F  }
0x764: {  	s11 =	smul.u32 $0x10624DD3, s11;
	_ =	sdelay $0x1  }
0x765: {  	[smem:$0x76F] =	sst s11;
	s11 =	spop (v2sf)  }
0x766: {  	(v2sf) =	vpush v38, $0xC;
	[smem:$0x76E] =	sst s12;
	s12 =	smulhi.u32 $0x10624DD3, s11;
	s11 =	sshra.s32 s11, $0x1F  }
0x767: {  	s11 =	smul.u32 $0x10624DD3, s11;
	_ =	sdelay $0x1  }
0x768: {  	[smem:$0x771] =	sst s11;
	s11 =	spop (v2sf)  }
0x769: {  	(v2sf) =	vpush v38, $0xE;
	[smem:$0x770] =	sst s12;
	s12 =	smulhi.u32 $0x10624DD3, s11;
	s11 =	sshra.s32 s11, $0x1F  }
0x76a: {  	s11 =	smul.u32 $0x10624DD3, s11;
	_ =	sdelay $0x1  }
0x76b: {  	[smem:$0x773] =	sst s11;
	s11 =	spop (v2sf)  }
0x76c: {  	(v2sf) =	vpush v38, $0xF;
	[smem:$0x772] =	sst s12;
	s12 =	smulhi.u32 $0x10624DD3, s11;
	s11 =	sshra.s32 s11, $0x1F  }
0x76d: {  	s11 =	smul.u32 $0x10624DD3, s11;
	_ =	sdelay $0x1  }
0x76e: {  	[smem:$0x775] =	sst s11;
	s11 =	spop (v2sf)  }
0x76f: {  	(v2sf) =	vpush v38, $0x9;
	[smem:$0x774] =	sst s12;
	s12 =	smulhi.u32 $0x10624DD3, s11;
	s11 =	sshra.s32 s11, $0x1F  }
0x770: {  	s11 =	smul.u32 $0x10624DD3, s11;
	_ =	sdelay $0x1  }
0x771: {  	[smem:$0x777] =	sst s11;
	s11 =	spop (v2sf)  }
0x772: {  	(v2sf) =	vpush v38, $0x8;
	[smem:$0x776] =	sst s12;
	s12 =	smulhi.u32 $0x10624DD3, s11;
	s11 =	sshra.s32 s11, $0x1F  }
0x773: {  	s11 =	smul.u32 $0x10624DD3, s11;
	_ =	sdelay $0x1  }
0x774: {  	[smem:$0x779] =	sst s11;
	s11 =	spop (v2sf)  }
0x775: {  	(v2sf) =	vpush v38, $0xA;
	[smem:$0x778] =	sst s12;
	s12 =	smulhi.u32 $0x10624DD3, s11;
	s11 =	sshra.s32 s11, $0x1F  }
0x776: {  	s11 =	smul.u32 $0x10624DD3, s11;
	_ =	sdelay $0x1  }
0x777: {  	[smem:$0x77B] =	sst s11;
	s11 =	spop (v2sf)  }
0x778: {  	(v2sf) =	vpush v38, $0xB;
	[smem:$0x77A] =	sst s12;
	s12 =	smulhi.u32 $0x10624DD3, s11;
	s11 =	sshra.s32 s11, $0x1F  }
0x779: {  	s13 =	sadd.s32 s16, s13;
	s11 =	smul.u32 $0x10624DD3, s11  }
0x77a: {  	[smem:$0x7AC] =	sst s13  }
0x77b: {  	s16 =	sadd.s32 s18, s15;
	[smem:$0x77D] =	sst s11;
	s11 =	spop (v2sf)  }
0x77c: {  	(v2sf) =	vpush v38, $0x0;
	[smem:$0x77C] =	sst s12;
	s12 =	smulhi.u32 $0x10624DD3, s11;
	s11 =	sshra.s32 s11, $0x1F  }
0x77d: {  	[smem:$0x7AE] =	sst s16;
	s18 =	sadd.s32 s20, s17;
	s11 =	smul.u32 $0x10624DD3, s11  }
0x77e: {  	[smem:$0x7B0] =	sst s18  }
0x77f: {  	s19 =	sadd.s32 s22, s19;
	[smem:$0x77F] =	sst s11;
	s11 =	spop (v2sf)  }
0x780: {  	[smem:$0x77E] =	sst s12;
	s12 =	smulhi.u32 $0x10624DD3, s11;
	s11 =	sshra.s32 s11, $0x1F  }
0x781: {  	[smem:$0x7B2] =	sst s19;
	s22 =	sadd.s32 s24, s21;
	s11 =	smul.u32 $0x10624DD3, s11  }
0x782: {  	[smem:$0x7B3] =	sst s22  }
0x783: {  	s23 =	sadd.s32 s26, s23;
	(v2sf) =	vpush v38, $0x1;
	[smem:$0x781] =	sst s11;
	s11 =	spop (v2sf)  }
0x784: {  	[smem:$0x780] =	sst s12;
	s12 =	smulhi.u32 $0x10624DD3, s11;
	s11 =	sshra.s32 s11, $0x1F  }
0x785: {  	[smem:$0x7B5] =	sst s23;
	s26 =	sadd.s32 s29, s25;
	(v2sf) =	vpush v38, $0x2;
	s11 =	smul.u32 $0x10624DD3, s11  }
0x786: {  	[smem:$0x7B7] =	sst s26  }
0x787: {  	s10 =	sadd.s32 s10, s28;
	(v2sf) =	vpush v38, $0x3;
	[smem:$0x783] =	sst s11;
	s11 =	spop (v2sf)  }
0x788: {  	[smem:$0x782] =	sst s12;
	s12 =	smulhi.u32 $0x10624DD3, s11;
	s11 =	sshra.s32 s11, $0x1F  }
0x789: {  	[smem:$0x7AD] =	sst s10;
	s2 =	sadd.s32 s2, s30;
	(v2sf) =	vpush v38, $0x4;
	s11 =	smul.u32 $0x10624DD3, s11  }
0x78a: {  	[smem:$0x7AF] =	sst s2  }
0x78b: {  	(v2sf) =	vpush v38, $0x5;
	[smem:$0x785] =	sst s11;
	s11 =	spop (v2sf)  }
0x78c: {  	(v2sf) =	vpush v38, $0x6;
	[smem:$0x784] =	sst s12;
	s12 =	smulhi.u32 $0x10624DD3, s11  }
0x78d: {  	v43 =	vld [tilespmem:$0x1C0];
	s22 =	sld [smem:$0x735]  }
0x78e: {  	[smem:$0x786] =	sst s12  }
0x78f: {  	s4 =	sadd.s32 s4, s31;
	(v2sf) =	vpush v38, $0x7;
	s12 =	sld [smem:$0x733]  }
0x790: {  	[smem:$0x7B1] =	sst s4  }
0x791: {  	s26 =	sld [smem:$0x737];
	s3 =	sadd.s32 s3, s22;
	s11 =	sshra.s32 s11, $0x1F  }
0x792: {  	v37 =	vadd.s32 v43, v28;
	s12 =	sadd.s32 s14, s12;
	s14 =	smul.u32 $0x10624DD3, s11;
	s11 =	spop (v2sf)  }
0x793: {  	[smem:$0x7B6] =	sst s3;
	(v2sf) =	vpush v37, $0xD;
	s13 =	smulhi.u32 $0x10624DD3, s11;
	s11 =	sshra.s32 s11, $0x1F  }
0x794: {  	s16 =	smul.u32 $0x10624DD3, s11;
	s11 =	spop (v2sf)  }
0x795: {  	s22 =	sld [smem:$0x73B];
	s15 =	smulhi.u32 $0x10624DD3, s11;
	s11 =	sshra.s32 s11, $0x1F  }
0x796: {  	s20 =	spop (v2sf);
	s17 =	smul.u32 $0x10624DD3, s11  }
0x797: {  	(v2sf) =	vpush v37, $0xC;
	[smem:$0x7AA] =	sst s12;
	s18 =	smulhi.u32 $0x10624DD3, s20;
	s11 =	sshra.s32 s20, $0x1F  }
0x798: {  	s24 =	spop (v2sf);
	s19 =	smul.u32 $0x10624DD3, s11  }
0x799: {  	s20 =	sld [smem:$0x734];
	s12 =	smulhi.u32 $0x10624DD3, s24  }
0x79a: {  	s11 =	sshra.s32 s24, $0x1F;
	s29 =	spop (v2sf);
	s24 =	sld [smem:$0x736]  }
0x79b: {  	s21 =	smulhi.u32 $0x10624DD3, s29;
	s30 =	sshra.s32 s29, $0x1F;
	s31 =	spop (v2sf)  }
0x79c: {  	s29 =	sld [smem:$0x738];
	s10 =	smul.u32 $0x10624DD3, s30  }
0x79d: {  	s4 =	sadd.s32 s9, s20;
	s9 =	smulhi.u32 $0x10624DD3, s31;
	s30 =	sld [smem:$0x739]  }
0x79e: {  	s2 =	sshra.s32 s31, $0x1F;
	s23 =	spop (v2sf);
	s31 =	sld [smem:$0x73A]  }
0x79f: {  	[smem:$0x7B4] =	sst s4;
	s2 =	smul.u32 $0x10624DD3, s2;
	s1 =	sadd.s32 s1, s24  }
0x7a0: {  	s4 =	smulhi.u32 $0x10624DD3, s23;
	s25 =	sshra.s32 s23, $0x1F;
	s23 =	sld [smem:$0x73C]  }
0x7a1: {  	[smem:$0x7B8] =	sst s1  }
0x7a2: {  	s28 =	spop (v2sf);
	[smem:$0x787] =	sst s2;
	s2 =	sadd.s32 s7, s26  }
0x7a3: {  	(v2sf) =	vpush v37, $0xE;
	s1 =	sshra.s32 s28, $0x1F;
	[smem:$0x7B9] =	sst s2;
	s2 =	sadd.s32 s5, s29  }
0x7a4: {  	(v2sf) =	vpush v37, $0xF;
	s1 =	smul.u32 $0x10624DD3, s1;
	[smem:$0x7AB] =	sst s2;
	s2 =	sadd.s32 s31, s30  }
0x7a5: {  	(v2sf) =	vpush v37, $0x9;
	[smem:$0x7BA] =	sst s2  }
0x7a6: {  	(v2sf) =	vpush v37, $0x8;
	[smem:$0x788] =	sst s1;
	s20 =	spop (v2sf)  }
0x7a7: {  	(v2sf) =	vpush v37, $0xA;
	s2 =	sadd.s32 s23, s22;
	s24 =	smulhi.u32 $0x10624DD3, s20;
	s1 =	sshra.s32 s20, $0x1F  }
0x7a8: {  	(v2sf) =	vpush v37, $0xB;
	[smem:$0x7BB] =	sst s2;
	s1 =	smul.u32 $0x10624DD3, s1  }
0x7a9: {  	(v2sf) =	vpush v37, $0x0;
	[smem:$0x789] =	sst s24  }
0x7aa: {  	s16 =	sadd.s32 s16, s13;
	(v2sf) =	vpush v37, $0x1;
	[smem:$0x78A] =	sst s1  }
0x7ab: {  	s17 =	sadd.s32 s17, s15;
	s7 =	smul.u32 $0x10624DD3, s25;
	[smem:$0x7E2] =	sst s16  }
0x7ac: {  	s10 =	sadd.s32 s10, s21;
	[smem:$0x7E4] =	sst s17  }
0x7ad: {  	s13 =	sadd.s32 s7, s4;
	[smem:$0x7E8] =	sst s10  }
0x7ae: {  	[smem:$0x7DE] =	sst s13  }
0x7af: {  	s25 =	sld [smem:$0x73D]  }
0x7b0: {  	s26 =	sld [smem:$0x73E]  }
0x7b1: {  	s29 =	sld [smem:$0x73F]  }
0x7b2: {  	s30 =	sld [smem:$0x740]  }
0x7b3: {  	s3 =	sld [smem:$0x741]  }
0x7b4: {  	s5 =	smulhi.u32 $0x10624DD3, s28;
	s20 =	sld [smem:$0x742]  }
0x7b5: {  	s28 =	spop (v2sf);
	s23 =	sld [smem:$0x743]  }
0x7b6: {  	s24 =	sld [smem:$0x744];
	s31 =	smulhi.u32 $0x10624DD3, s28  }
0x7b7: {  	s1 =	sshra.s32 s28, $0x1F;
	s28 =	sld [smem:$0x746]  }
0x7b8: {  	[smem:$0x78B] =	sst s31  }
0x7b9: {  	s2 =	sadd.s32 s26, s25;
	s26 =	sld [smem:$0x745]  }
0x7ba: {  	s1 =	smul.u32 $0x10624DD3, s1;
	s31 =	sld [smem:$0x748]  }
0x7bb: {  	[smem:$0x7BD] =	sst s2  }
0x7bc: {  	s22 =	spop (v2sf);
	[smem:$0x78C] =	sst s1  }
0x7bd: {  	s25 =	smulhi.u32 $0x10624DD3, s22;
	s2 =	sadd.s32 s30, s29;
	s30 =	sld [smem:$0x747]  }
0x7be: {  	[smem:$0x7BF] =	sst s2  }
0x7bf: {  	[smem:$0x78D] =	sst s25  }
0x7c0: {  	s2 =	sadd.s32 s20, s3;
	s20 =	sld [smem:$0x749]  }
0x7c1: {  	s25 =	sld [smem:$0x74C]  }
0x7c2: {  	s4 =	sld [smem:$0x78C]  }
0x7c3: {  	[smem:$0x7C1] =	sst s2  }
0x7c4: {  	s2 =	sadd.s32 s24, s23;
	s23 =	sld [smem:$0x74A]  }
0x7c5: {  	s1 =	sshra.s32 s22, $0x1F;
	s29 =	spop (v2sf);
	s24 =	sld [smem:$0x74B]  }
0x7c6: {  	s1 =	smul.u32 $0x10624DD3, s1;
	s7 =	sld [smem:$0x78D]  }
0x7c7: {  	s3 =	smulhi.u32 $0x10624DD3, s29;
	[smem:$0x7C3] =	sst s2  }
0x7c8: {  	[smem:$0x78E] =	sst s1  }
0x7c9: {  	[smem:$0x78F] =	sst s3  }
0x7ca: {  	s2 =	sadd.s32 s28, s26;
	s28 =	sld [smem:$0x74D]  }
0x7cb: {  	[smem:$0x7C6] =	sst s2  }
0x7cc: {  	s2 =	sadd.s32 s31, s30;
	s30 =	sld [smem:$0x74E]  }
0x7cd: {  	s0 =	sshra.s32 s0, $0x1F;
	s31 =	sld [smem:$0x74F]  }
0x7ce: {  	s22 =	spop (v2sf);
	s1 =	sshra.s32 s29, $0x1F;
	s10 =	sld [smem:$0x78F]  }
0x7cf: {  	s3 =	smulhi.u32 $0x10624DD3, s22;
	[smem:$0x7C8] =	sst s2;
	s2 =	sadd.s32 s8, s20  }
0x7d0: {  	s8 =	smul.u32 $0x10624DD3, s1;
	s1 =	sshra.s32 s22, $0x1F;
	s22 =	sld [smem:$0x750]  }
0x7d1: {  	s0 =	smul.u32 $0x10624DD3, s0;
	[smem:$0x7BE] =	sst s2  }
0x7d2: {  	s2 =	sadd.s32 s24, s23;
	s23 =	sld [smem:$0x751]  }
0x7d3: {  	s26 =	spop (v2sf);
	s0 =	sadd.s32 s0, s28;
	[smem:$0x7C0] =	sst s2  }
0x7d4: {  	s20 =	spop (v2sf);
	[smem:$0x7C4] =	sst s0  }
0x7d5: {  	s1 =	smul.u32 $0x10624DD3, s1;
	s2 =	sadd.s32 s6, s25;
	s25 =	sld [smem:$0x752]  }
0x7d6: {  	s29 =	sshra.s32 s26, $0x1F;
	s6 =	smulhi.u32 $0x10624DD3, s26;
	s26 =	sld [smem:$0x753]  }
0x7d7: {  	s0 =	smul.u32 $0x10624DD3, s29;
	s29 =	sld [smem:$0x754]  }
0x7d8: {  	s24 =	smulhi.u32 $0x10624DD3, s20;
	[smem:$0x7C2] =	sst s2  }
0x7d9: {  	[smem:$0x790] =	sst s1  }
0x7da: {  	[smem:$0x792] =	sst s24  }
0x7db: {  	s1 =	sadd.s32 s31, s30;
	s30 =	sld [smem:$0x755]  }
0x7dc: {  	s2 =	sld [smem:$0x756]  }
0x7dd: {  	s24 =	sld [smem:$0x759]  }
0x7de: {  	[smem:$0x7C5] =	sst s1  }
0x7df: {  	[smem:$0x791] =	sst s0  }
0x7e0: {  	(v2sf) =	vpush v37, $0x2;
	s0 =	sshra.s32 s20, $0x1F;
	s20 =	sld [smem:$0x757]  }
0x7e1: {  	s28 =	spop (v2sf);
	s1 =	sadd.s32 s23, s22;
	s23 =	sld [smem:$0x758]  }
0x7e2: {  	s31 =	smulhi.u32 $0x10624DD3, s28;
	s13 =	sld [smem:$0x790]  }
0x7e3: {  	[smem:$0x7C7] =	sst s1  }
0x7e4: {  	[smem:$0x794] =	sst s31  }
0x7e5: {  	s1 =	sadd.s32 s26, s25;
	s26 =	sld [smem:$0x75A]  }
0x7e6: {  	s31 =	sld [smem:$0x75D]  }
0x7e7: {  	s0 =	smul.u32 $0x10624DD3, s0;
	[smem:$0x7C9] =	sst s1  }
0x7e8: {  	(v2sf) =	vpush v37, $0x3;
	s1 =	sadd.s32 s30, s29;
	s30 =	sld [smem:$0x75C]  }
0x7e9: {  	[smem:$0x793] =	sst s0  }
0x7ea: {  	[smem:$0x7BC] =	sst s1  }
0x7eb: {  	s22 =	spop (v2sf);
	s0 =	sshra.s32 s28, $0x1F;
	s28 =	sld [smem:$0x75B]  }
0x7ec: {  	s25 =	smulhi.u32 $0x10624DD3, s22;
	s1 =	sadd.s32 s20, s2;
	s2 =	sld [smem:$0x764]  }
0x7ed: {  	[smem:$0x7CA] =	sst s1  }
0x7ee: {  	[smem:$0x796] =	sst s25  }
0x7ef: {  	s29 =	spop (v2sf);
	s1 =	sadd.s32 s24, s23;
	s23 =	sld [smem:$0x75F]  }
0x7f0: {  	(v2sf) =	vpush v37, $0x4;
	s20 =	smulhi.u32 $0x10624DD3, s29;
	s25 =	sld [smem:$0x760]  }
0x7f1: {  	[smem:$0x7CB] =	sst s1  }
0x7f2: {  	s0 =	smul.u32 $0x10624DD3, s0;
	[smem:$0x798] =	sst s20  }
0x7f3: {  	s20 =	sld [smem:$0x765]  }
0x7f4: {  	[smem:$0x795] =	sst s0  }
0x7f5: {  	s0 =	sshra.s32 s22, $0x1F;
	s22 =	sld [smem:$0x75E]  }
0x7f6: {  	s1 =	sadd.s32 s28, s26;
	s26 =	sld [smem:$0x761]  }
0x7f7: {  	s24 =	spop (v2sf);
	[smem:$0x7CC] =	sst s1  }
0x7f8: {  	(v2sf) =	vpush v37, $0x5;
	s28 =	smulhi.u32 $0x10624DD3, s24;
	s1 =	sadd.s32 s31, s30;
	s30 =	sld [smem:$0x763]  }
0x7f9: {  	[smem:$0x7CE] =	sst s1  }
0x7fa: {  	s0 =	smul.u32 $0x10624DD3, s0;
	[smem:$0x79A] =	sst s28  }
0x7fb: {  	s28 =	sld [smem:$0x769]  }
0x7fc: {  	[smem:$0x797] =	sst s0  }
0x7fd: {  	s0 =	sshra.s32 s29, $0x1F;
	s29 =	sld [smem:$0x762]  }
0x7fe: {  	s1 =	sadd.s32 s23, s22;
	s23 =	sld [smem:$0x766]  }
0x7ff: {  	s31 =	spop (v2sf);
	[smem:$0x7D0] =	sst s1  }
0x800: {  	(v2sf) =	vpush v37, $0x6;
	s22 =	smulhi.u32 $0x10624DD3, s31;
	s1 =	sadd.s32 s26, s25;
	s26 =	sld [smem:$0x768]  }
0x801: {  	[smem:$0x7D2] =	sst s1  }
0x802: {  	s0 =	smul.u32 $0x10624DD3, s0;
	[smem:$0x79C] =	sst s22  }
0x803: {  	s22 =	sld [smem:$0x76C]  }
0x804: {  	[smem:$0x799] =	sst s0  }
0x805: {  	s0 =	sshra.s32 s24, $0x1F;
	s24 =	sld [smem:$0x767]  }
0x806: {  	s1 =	sadd.s32 s30, s29;
	s30 =	sld [smem:$0x76A]  }
0x807: {  	s25 =	spop (v2sf);
	[smem:$0x7D4] =	sst s1  }
0x808: {  	(v2sf) =	vpush v37, $0x7;
	s29 =	smulhi.u32 $0x10624DD3, s25;
	s1 =	sadd.s32 s20, s2;
	s2 =	sld [smem:$0x772]  }
0x809: {  	[smem:$0x7D7] =	sst s1  }
0x80a: {  	v44 =	vld [tilespmem:$0x1D0];
	s0 =	smul.u32 $0x10624DD3, s0;
	[smem:$0x79E] =	sst s29  }
0x80b: {  	s29 =	sld [smem:$0x770]  }
0x80c: {  	[smem:$0x79B] =	sst s0  }
0x80d: {  	s0 =	sshra.s32 s31, $0x1F;
	s31 =	sld [smem:$0x76B]  }
0x80e: {  	s1 =	sadd.s32 s24, s23;
	s23 =	sld [smem:$0x76D]  }
0x80f: {  	v39 =	vadd.s32 v44, v29;
	s20 =	spop (v2sf);
	[smem:$0x7CF] =	sst s1  }
0x810: {  	(v2sf) =	vpush v39, $0xD;
	s24 =	smulhi.u32 $0x10624DD3, s20;
	s1 =	sadd.s32 s28, s26;
	s26 =	sld [smem:$0x76F]  }
0x811: {  	[smem:$0x7D1] =	sst s1  }
0x812: {  	s0 =	smul.u32 $0x10624DD3, s0;
	[smem:$0x7A0] =	sst s24  }
0x813: {  	s24 =	sld [smem:$0x775]  }
0x814: {  	[smem:$0x79D] =	sst s0  }
0x815: {  	s0 =	sshra.s32 s25, $0x1F;
	s25 =	sld [smem:$0x76E]  }
0x816: {  	s1 =	sadd.s32 s31, s30;
	s30 =	sld [smem:$0x771]  }
0x817: {  	s28 =	spop (v2sf);
	[smem:$0x7D3] =	sst s1  }
0x818: {  	(v2sf) =	vpush v39, $0xC;
	s31 =	smulhi.u32 $0x10624DD3, s28;
	s1 =	sadd.s32 s23, s22;
	s23 =	sld [smem:$0x774]  }
0x819: {  	[smem:$0x7D5] =	sst s1  }
0x81a: {  	s0 =	smul.u32 $0x10624DD3, s0;
	[smem:$0x7A2] =	sst s31  }
0x81b: {  	s31 =	sld [smem:$0x779]  }
0x81c: {  	[smem:$0x79F] =	sst s0  }
0x81d: {  	s0 =	sshra.s32 s20, $0x1F;
	s20 =	sld [smem:$0x773]  }
0x81e: {  	s1 =	sadd.s32 s26, s25;
	s26 =	sld [smem:$0x776]  }
0x81f: {  	s22 =	spop (v2sf);
	[smem:$0x7D6] =	sst s1  }
0x820: {  	(v2sf) =	vpush v39, $0xE;
	s25 =	smulhi.u32 $0x10624DD3, s22;
	s1 =	sadd.s32 s30, s29;
	s30 =	sld [smem:$0x778]  }
0x821: {  	[smem:$0x7D8] =	sst s1  }
0x822: {  	s0 =	smul.u32 $0x10624DD3, s0;
	[smem:$0x7A4] =	sst s25  }
0x823: {  	s25 =	sld [smem:$0x77D]  }
0x824: {  	[smem:$0x7A1] =	sst s0  }
0x825: {  	s0 =	sshra.s32 s28, $0x1F;
	s28 =	sld [smem:$0x777]  }
0x826: {  	(v2sf) =	vpush v39, $0xF;
	s1 =	sadd.s32 s20, s2;
	s20 =	sld [smem:$0x77A]  }
0x827: {  	s29 =	spop (v2sf);
	[smem:$0x7D9] =	sst s1  }
0x828: {  	s2 =	smulhi.u32 $0x10624DD3, s29;
	s1 =	sadd.s32 s24, s23;
	s24 =	sld [smem:$0x77C]  }
0x829: {  	[smem:$0x7CD] =	sst s1  }
0x82a: {  	s0 =	smul.u32 $0x10624DD3, s0;
	[smem:$0x7A6] =	sst s2  }
0x82b: {  	s2 =	sld [smem:$0x780]  }
0x82c: {  	[smem:$0x7A3] =	sst s0  }
0x82d: {  	s0 =	sshra.s32 s22, $0x1F;
	s22 =	sld [smem:$0x77B]  }
0x82e: {  	s1 =	sadd.s32 s28, s26;
	s28 =	sld [smem:$0x77E]  }
0x82f: {  	s23 =	spop (v2sf);
	[smem:$0x7DA] =	sst s1  }
0x830: {  	s26 =	smulhi.u32 $0x10624DD3, s23;
	s1 =	sadd.s32 s31, s30;
	s30 =	sld [smem:$0x77F]  }
0x831: {  	s0 =	smul.u32 $0x10624DD3, s0;
	[smem:$0x7DB] =	sst s1  }
0x832: {  	[smem:$0x7A7] =	sst s26  }
0x833: {  	(v2sf) =	vpush v39, $0x9;
	[smem:$0x7A5] =	sst s0  }
0x834: {  	s1 =	sadd.s32 s22, s20;
	s20 =	sld [smem:$0x781]  }
0x835: {  	s31 =	spop (v2sf);
	s0 =	sshra.s32 s29, $0x1F;
	[smem:$0x7DC] =	sst s1  }
0x836: {  	s29 =	smul.u32 $0x10624DD3, s0;
	s0 =	sshra.s32 s23, $0x1F;
	s23 =	sld [smem:$0x782]  }
0x837: {  	(v2sf) =	vpush v39, $0x8;
	s22 =	smulhi.u32 $0x10624DD3, s31;
	s1 =	sadd.s32 s25, s24;
	s24 =	sld [smem:$0x783]  }
0x838: {  	[smem:$0x7DD] =	sst s1  }
0x839: {  	(v2sf) =	vpush v39, $0xA;
	[smem:$0x7A9] =	sst s22  }
0x83a: {  	s1 =	sadd.s32 s30, s28;
	s30 =	sld [smem:$0x784]  }
0x83b: {  	(v2sf) =	vpush v39, $0xB;
	s0 =	smul.u32 $0x10624DD3, s0;
	[smem:$0x7DF] =	sst s1  }
0x83c: {  	s1 =	sadd.s32 s20, s2;
	s2 =	sld [smem:$0x786]  }
0x83d: {  	[smem:$0x7A8] =	sst s0  }
0x83e: {  	(v2sf) =	vpush v39, $0x0;
	s0 =	sshra.s32 s31, $0x1F;
	s31 =	sld [smem:$0x785]  }
0x83f: {  	s11 =	smul.u32 $0x10624DD3, s11;
	[smem:$0x7E1] =	sst s1;
	s1 =	sadd.s32 s24, s23  }
0x840: {  	(v2sf) =	vpush v39, $0x1;
	[smem:$0x7E3] =	sst s1  }
0x841: {  	s1 =	sadd.s32 s31, s30;
	s31 =	sadd.s32 s11, s12;
	s11 =	sld [smem:$0x787]  }
0x842: {  	s25 =	spop (v2sf);
	s30 =	sadd.s32 s19, s18;
	[smem:$0x7E5] =	sst s1  }
0x843: {  	(v2sf) =	vpush v39, $0x2;
	s28 =	smulhi.u32 $0x10624DD3, s25;
	[smem:$0x7E6] =	sst s30  }
0x844: {  	s26 =	smul.u32 $0x10624DD3, s0;
	s0 =	sshra.s32 s25, $0x1F;
	[smem:$0x7E7] =	sst s31  }
0x845: {  	s24 =	smul.u32 $0x10624DD3, s0;
	s30 =	sld [smem:$0x789]  }
0x846: {  	s1 =	sadd.s32 s14, s2;
	s14 =	spop (v2sf);
	s31 =	sld [smem:$0x78A]  }
0x847: {  	s24 =	sadd.s32 s24, s28;
	[smem:$0x7E0] =	sst s1;
	s25 =	smulhi.u32 $0x10624DD3, s14  }
0x848: {  	(v2sf) =	vpush v39, $0x3;
	s0 =	sshra.s32 s14, $0x1F;
	s20 =	spop (v2sf);
	s14 =	sld [smem:$0x788]  }
0x849: {  	[dreg:$0x17] =	wrdreg s24;
	s22 =	smul.u32 $0x10624DD3, s0  }
0x84a: {  	s23 =	smulhi.u32 $0x10624DD3, s20;
	s0 =	sshra.s32 s20, $0x1F;
	s2 =	spop (v2sf)  }
0x84b: {  	(v2sf) =	vpush v39, $0x4;
	s1 =	sadd.s32 s11, s9;
	s9 =	sld [smem:$0x78E];
	s20 =	smul.u32 $0x10624DD3, s0  }
0x84c: {  	s21 =	smulhi.u32 $0x10624DD3, s2;
	[smem:$0x7E9] =	sst s1  }
0x84d: {  	s0 =	sshra.s32 s2, $0x1F;
	s12 =	spop (v2sf);
	s2 =	sld [smem:$0x78B]  }
0x84e: {  	s19 =	smul.u32 $0x10624DD3, s0;
	s0 =	sshra.s32 s12, $0x1F;
	s1 =	sadd.s32 s14, s5  }
0x84f: {  	s15 =	spop (v2sf);
	s22 =	sadd.s32 s22, s25;
	[smem:$0x7ED] =	sst s1  }
0x850: {  	s16 =	smul.u32 $0x10624DD3, s0;
	s1 =	sadd.s32 s31, s30;
	s30 =	sld [smem:$0x791]  }
0x851: {  	s17 =	smulhi.u32 $0x10624DD3, s15;
	[dreg:$0x14] =	wrdreg s22  }
0x852: {  	s0 =	sshra.s32 s15, $0x1F;
	s5 =	spop (v2sf);
	[smem:$0x7EC] =	sst s1  }
0x853: {  	s1 =	sadd.s32 s4, s2;
	s14 =	smul.u32 $0x10624DD3, s0;
	s4 =	sld [smem:$0x793]  }
0x854: {  	s15 =	smulhi.u32 $0x10624DD3, s5;
	s0 =	sshra.s32 s5, $0x1F;
	s5 =	sld [smem:$0x794]  }
0x855: {  	s20 =	sadd.s32 s20, s23;
	s2 =	sld [smem:$0x798]  }
0x856: {  	s18 =	smulhi.u32 $0x10624DD3, s12;
	[dreg:$0x11] =	wrdreg s20  }
0x857: {  	s11 =	spop (v2sf);
	[smem:$0x7EF] =	sst s1  }
0x858: {  	s1 =	sadd.s32 s9, s7;
	s12 =	smul.u32 $0x10624DD3, s0;
	s0 =	sshra.s32 s11, $0x1F  }
0x859: {  	(v2sf) =	vpush v39, $0x5;
	[smem:$0x7F1] =	sst s1;
	s1 =	sadd.s32 s8, s10;
	s10 =	smul.u32 $0x10624DD3, s0  }
0x85a: {  	s31 =	spop (v2sf);
	[smem:$0x7F4] =	sst s1  }
0x85b: {  	(v2sf) =	vpush v39, $0x6;
	s1 =	sadd.s32 s13, s3;
	s13 =	smulhi.u32 $0x10624DD3, s11;
	s3 =	sld [smem:$0x792]  }
0x85c: {  	s11 =	smulhi.u32 $0x10624DD3, s31;
	s0 =	sshra.s32 s31, $0x1F;
	s31 =	sld [smem:$0x797]  }
0x85d: {  	[smem:$0x7F2] =	sst s1  }
0x85e: {  	(v2sf) =	vpush v39, $0x7;
	s1 =	sadd.s32 s30, s6;
	s6 =	sld [smem:$0x795]  }
0x85f: {  	s30 =	sld [smem:$0x796]  }
0x860: {  	[smem:$0x7F6] =	sst s1  }
0x861: {  	s1 =	sadd.s32 s4, s3;
	s3 =	sld [smem:$0x799]  }
0x862: {  	[smem:$0x7F8] =	sst s1  }
0x863: {  	s1 =	sadd.s32 s6, s5;
	s5 =	sld [smem:$0x79A]  }
0x864: {  	s6 =	sld [smem:$0x79B]  }
0x865: {  	[smem:$0x7EA] =	sst s1  }
0x866: {  	s1 =	sadd.s32 s31, s30;
	s30 =	sld [smem:$0x79C]  }
0x867: {  	s8 =	smul.u32 $0x10624DD3, s0;
	s31 =	sld [smem:$0x79D]  }
0x868: {  	v45 =	vld [tilespmem:$0x1E0];
	s7 =	spop (v2sf);
	[smem:$0x7EB] =	sst s1;
	s1 =	sadd.s32 s3, s2  }
0x869: {  	s2 =	sld [smem:$0x7A0];
	s9 =	smulhi.u32 $0x10624DD3, s7;
	s0 =	sshra.s32 s7, $0x1F  }
0x86a: {  	[smem:$0x7F0] =	sst s1;
	s4 =	spop (v2sf);
	s1 =	sadd.s32 s6, s5  }
0x86b: {  	s7 =	smul.u32 $0x10624DD3, s0;
	[smem:$0x7F3] =	sst s1  }
0x86c: {  	s6 =	smulhi.u32 $0x10624DD3, s4;
	s1 =	sadd.s32 s31, s30;
	s30 =	sld [smem:$0x79E]  }
0x86d: {  	v40 =	vadd.s32 v45, v30;
	s0 =	sshra.s32 s4, $0x1F;
	s3 =	spop (v2sf);
	s31 =	sld [smem:$0x79F]  }
0x86e: {  	(v2sf) =	vpush v40, $0xD;
	[smem:$0x7F5] =	sst s1;
	s5 =	smul.u32 $0x10624DD3, s0  }
0x86f: {  	s4 =	smulhi.u32 $0x10624DD3, s3;
	s0 =	sshra.s32 s3, $0x1F;
	s3 =	sld [smem:$0x7A1]  }
0x870: {  	s1 =	sadd.s32 s31, s30;
	s30 =	sld [smem:$0x7A2]  }
0x871: {  	(v2sf) =	vpush v40, $0xC;
	s31 =	sld [smem:$0x7A3]  }
0x872: {  	[smem:$0x7F7] =	sst s1;
	s1 =	sadd.s32 s3, s2  }
0x873: {  	(v2sf) =	vpush v40, $0xE;
	[smem:$0x7F9] =	sst s1  }
0x874: {  	(v2sf) =	vpush v40, $0xF;
	s1 =	sadd.s32 s31, s30;
	s30 =	sld [smem:$0x7A5]  }
0x875: {  	[smem:$0x7EE] =	sst s1  }
0x876: {  	s16 =	sadd.s32 s16, s18;
	s1 =	sld [smem:$0x7A4]  }
0x877: {  	[smem:$0x7FB] =	sst s16;
	s14 =	sadd.s32 s14, s17  }
0x878: {  	(v2sf) =	vpush v40, $0x9;
	[dreg:$0x19] =	wrdreg s14  }
0x879: {  	s12 =	sadd.s32 s12, s15;
	s1 =	sadd.s32 s30, s1;
	s30 =	sld [smem:$0x7A6]  }
0x87a: {  	[dreg:$0x16] =	wrdreg s12;
	s10 =	sadd.s32 s10, s13;
	(v2sf) =	vpush v40, $0x8  }
0x87b: {  	[dreg:$0x15] =	wrdreg s10  }
0x87c: {  	(v2sf) =	vpush v40, $0xA;
	s3 =	smul.u32 $0x10624DD3, s0;
	s31 =	sadd.s32 s29, s30;
	s29 =	sld [smem:$0x7A7]  }
0x87d: {  	s8 =	sadd.s32 s8, s11;
	s0 =	spop (v2sf);
	s30 =	sld [smem:$0x7A8]  }
0x87e: {  	[dreg:$0x13] =	wrdreg s8;
	(v2sf) =	vpush v40, $0xB;
	s2 =	smulhi.u32 $0x10624DD3, s0;
	s0 =	sshra.s32 s0, $0x1F  }
0x87f: {  	[dreg:$0x1c] =	wrdreg s1;
	s1 =	smul.u32 $0x10624DD3, s0  }
0x880: {  	(v2sf) =	vpush v40, $0x0;
	s0 =	spop (v2sf);
	s29 =	sadd.s32 s30, s29;
	s30 =	sld [smem:$0x7A9]  }
0x881: {  	[dreg:$0x1b] =	wrdreg s31;
	s31 =	smulhi.u32 $0x10624DD3, s0  }
0x882: {  	(v2sf) =	vpush v40, $0x1;
	s0 =	sshra.s32 s0, $0x1F;
	[dreg:$0x1d] =	wrdreg s29;
	s29 =	spop (v2sf)  }
0x883: {  	s0 =	smul.u32 $0x10624DD3, s0;
	s26 =	sadd.s32 s26, s30;
	s30 =	spop (v2sf)  }
0x884: {  	[dreg:$0x18] =	wrdreg s26;
	s26 =	smulhi.u32 $0x10624DD3, s29  }
0x885: {  	s7 =	sadd.s32 s7, s9;
	s29 =	sshra.s32 s29, $0x1F;
	s22 =	smulhi.u32 $0x10624DD3, s30  }
0x886: {  	[dreg:$0x12] =	wrdreg s7;
	s28 =	sshra.s32 s30, $0x1F;
	s24 =	smul.u32 $0x10624DD3, s29  }
0x887: {  	s20 =	smul.u32 $0x10624DD3, s28;
	s29 =	spop (v2sf)  }
0x888: {  	(v2sf) =	vpush v40, $0x2;
	s30 =	sadd.s32 s19, s21;
	s19 =	smulhi.u32 $0x10624DD3, s29;
	s23 =	sshra.s32 s29, $0x1F  }
0x889: {  	s5 =	sadd.s32 s5, s6;
	(v2sf) =	vpush v40, $0x3;
	s25 =	spop (v2sf);
	s16 =	smul.u32 $0x10624DD3, s23  }
0x88a: {  	[dreg:$0x10] =	wrdreg s5;
	s14 =	smulhi.u32 $0x10624DD3, s25;
	s28 =	sshra.s32 s25, $0x1F  }
0x88b: {  	s3 =	sadd.s32 s3, s4;
	s29 =	spop (v2sf);
	s12 =	smul.u32 $0x10624DD3, s28  }
0x88c: {  	[smem:$0x7FA] =	sst s3;
	s10 =	smulhi.u32 $0x10624DD3, s29;
	s17 =	sshra.s32 s29, $0x1F  }
0x88d: {  	s1 =	sadd.s32 s1, s2;
	s18 =	spop (v2sf);
	s8 =	smul.u32 $0x10624DD3, s17  }
0x88e: {  	[dreg:$0xf] =	wrdreg s1;
	s7 =	smulhi.u32 $0x10624DD3, s18;
	s21 =	sshra.s32 s18, $0x1F  }
0x88f: {  	s15 =	sadd.s32 s24, s26;
	s23 =	spop (v2sf);
	s5 =	smul.u32 $0x10624DD3, s21  }
0x890: {  	[dreg:$0x1a] =	wrdreg s15;
	s25 =	smulhi.u32 $0x10624DD3, s23;
	s29 =	sshra.s32 s23, $0x1F  }
0x891: {  	s11 =	spop (v2sf);
	s23 =	sadd.s32 s20, s22;
	s20 =	sadd.s32 s16, s19  }
0x892: {  	s26 =	sadd.s32 s12, s14;
	s12 =	sld [smem:$0x7AF];
	s6 =	smul.u32 $0x10624DD3, s29  }
0x893: {  	s28 =	sadd.s32 s0, s31;
	s13 =	smulhi.u32 $0x10624DD3, s11;
	[smem:$0x7FC] =	sst s20  }
0x894: {  	s2 =	sshra.s32 s11, $0x1F;
	s8 =	sadd.s32 s8, s10;
	s10 =	sld [smem:$0x7AE]  }
0x895: {  	s2 =	smul.u32 $0x10624DD3, s2;
	[smem:$0x7FD] =	sst s8;
	s29 =	sadd.s32 s6, s25  }
0x896: {  	s25 =	sld [smem:$0x7AA];
	s14 =	sshra.s32 s12, $0x6;
	s15 =	sshrl.u32 s12, $0x1F  }
0x897: {  	s16 =	sshra.s32 s12, $0x1F;
	s12 =	sld [smem:$0x7B3];
	s17 =	spop (v2sf)  }
0x898: {  	s19 =	sadd.s32 s2, s13;
	s18 =	smulhi.u32 $0x10624DD3, s17;
	s21 =	spop (v2sf)  }
0x899: {  	s13 =	sld [smem:$0x7AB];
	s4 =	sshra.s32 s17, $0x1F;
	s22 =	smulhi.u32 $0x10624DD3, s21  }
0x89a: {  	s9 =	sshra.s32 s21, $0x1F;
	s21 =	sadd.s32 s5, s7;
	s5 =	sld [smem:$0x7AC]  }
0x89b: {  	s11 =	sshrl.u32 s10, $0x1F;
	s4 =	smul.u32 $0x10624DD3, s4;
	s7 =	sld [smem:$0x7AD]  }
0x89c: {  	s31 =	sshrl.u32 s25, $0x1F;
	s1 =	sshra.s32 s25, $0x6;
	s24 =	smul.u32 $0x10624DD3, s9  }
0x89d: {  	s17 =	sld [smem:$0x7B0];
	s20 =	sadd.s32 s4, s18;
	s4 =	sshra.s32 s13, $0x1F  }
0x89e: {  	v46 =	vmov s4;
	s22 =	sadd.s32 s24, s22;
	s6 =	sshrl.u32 s5, $0x1F;
	s8 =	sshra.s32 s7, $0x6  }
0x89f: {  	s3 =	sshra.s32 s5, $0x6;
	s9 =	sshrl.u32 s7, $0x1F;
	s24 =	sld [smem:$0x7B1];
	v0 =	vsel vm3, s8, v46  }
0x8a0: {  	s18 =	sshrl.u32 s17, $0x1F;
	s5 =	sshra.s32 s7, $0x1F;
	v47 =	vmov s6;
	v48 =	vmov s9;
	s8 =	sld [smem:$0x7B7];
	v51 =	vmov s3  }
0x8a1: {  	s2 =	sshra.s32 s17, $0x6;
	v0 =	vsel vm9, s5, v0;
	s5 =	sshra.s32 s10, $0x6;
	v1 =	vsel vm0, s31, v47;
	v2 =	vnsel vm3, $0x0, v48;
	s10 =	sld [smem:$0x7B2]  }
0x8a2: {  	v0 =	vsel vm0, s14, v0;
	v1 =	vsel vm1, s11, v1;
	s25 =	sshrl.u32 s24, $0x1F;
	s31 =	sshra.s32 s24, $0x6;
	v49 =	vsel vm0, s15, v2;
	s15 =	sld [smem:$0x7B4]  }
0x8a3: {  	s9 =	sshra.s32 s24, $0x1F;
	s14 =	sshrl.u32 s12, $0x1F;
	v0 =	vsel vm10, s16, v0;
	v41 =	vsel vm2, s18, v1;
	v1 =	vsel vm1, s25, v49;
	s25 =	sld [smem:$0x7B6]  }
0x8a4: {  	v52 =	vsel vm0, s1, v51;
	s6 =	sshrl.u32 s8, $0x1F;
	s1 =	sshra.s32 s8, $0x6;
	v0 =	vsel vm1, s31, v0;
	s11 =	sshrl.u32 s10, $0x1F  }
0x8a5: {  	v50 =	vmov s14;
	s0 =	sshra.s32 s10, $0x6;
	v0 =	vsel vm11, s9, v0;
	s16 =	sshrl.u32 s15, $0x1F;
	s9 =	sld [smem:$0x7B5]  }
0x8a6: {  	s17 =	sshra.s32 s15, $0x6;
	v2 =	vsel vm0, s11, v50;
	s18 =	sshra.s32 s15, $0x1F;
	s11 =	sld [smem:$0x7B8]  }
0x8a7: {  	s15 =	sshra.s32 s12, $0x6;
	v0 =	vsel vm2, s17, v0;
	s31 =	sshrl.u32 s25, $0x1F;
	s17 =	sld [smem:$0x7B9]  }
0x8a8: {  	v1 =	vsel vm2, s16, v1;
	s14 =	sshra.s32 s25, $0x6;
	s16 =	sshra.s32 s25, $0x1F;
	s25 =	sshrl.u32 s13, $0x1F  }
0x8a9: {  	v53 =	vmov s15;
	s15 =	sld [smem:$0x7BA];
	v0 =	vsel vm12, s18, v0;
	s24 =	sshrl.u32 s9, $0x1F;
	s7 =	sshrl.u32 s11, $0x1F  }
0x8aa: {  	v1 =	vsel vm4, s31, v1;
	v54 =	vsel vm0, s0, v53;
	v0 =	vsel vm4, s14, v0;
	s31 =	sshra.s32 s11, $0x6;
	s14 =	sld [smem:$0x7BC];
	s18 =	sshrl.u32 s17, $0x1F  }
0x8ab: {  	v2 =	vsel vm1, s24, v2;
	v1 =	vsel vm5, s7, v1;
	v0 =	vsel vm13, s16, v0;
	s24 =	sshra.s32 s9, $0x6;
	s9 =	sshra.s32 s11, $0x1F;
	s16 =	sld [smem:$0x7BB]  }
0x8ac: {  	s0 =	sshra.s32 s15, $0x6;
	v43 =	vsel vm2, s6, v2;
	v1 =	vsel vm6, s18, v1;
	v0 =	vsel vm5, s31, v0;
	s6 =	sshrl.u32 s15, $0x1F;
	s15 =	sld [smem:$0x7C0]  }
0x8ad: {  	s13 =	sshra.s32 s13, $0x6;
	s11 =	sshra.s32 s17, $0x6;
	v42 =	vsel vm7, s25, v1;
	v1 =	vsel vm1, s5, v52;
	v0 =	vsel vm14, s9, v0;
	s25 =	sld [smem:$0x7BE]  }
0x8ae: {  	s12 =	sshra.s32 s17, $0x1F;
	s18 =	sshra.s32 s14, $0x1F;
	v44 =	vsel vm2, s2, v1;
	v0 =	vsel vm6, s11, v0;
	v1 =	vsel vm1, s24, v54;
	s24 =	sld [smem:$0x7BD]  }
0x8af: {  	s17 =	sshrl.u32 s16, $0x1F;
	s3 =	sshra.s32 s16, $0x6;
	v0 =	vsel vm15, s12, v0;
	s12 =	sld [smem:$0x7BF]  }
0x8b0: {  	v55 =	vmov s18;
	v57 =	vmov s17;
	s16 =	sshra.s32 s15, $0x6;
	s17 =	sshrl.u32 s15, $0x1F;
	s31 =	sshra.s32 s25, $0x6  }
0x8b1: {  	v46 =	vsel vm2, s1, v1;
	s11 =	sshra.s32 s25, $0x1F;
	v1 =	vsel vm0, s6, v57;
	s4 =	sshrl.u32 s24, $0x1F;
	v56 =	vsel vm3, s31, v55;
	s31 =	sld [smem:$0x7C2]  }
0x8b2: {  	v45 =	vsel vm7, s13, v0;
	s1 =	sshra.s32 s24, $0x6;
	s24 =	sld [smem:$0x7C1];
	s13 =	sshrl.u32 s12, $0x1F;
	v1 =	vsel vm1, s4, v1  }
0x8b3: {  	s18 =	sshra.s32 s15, $0x1F;
	s10 =	sshrl.u32 s25, $0x1F;
	v0 =	vsel vm9, s11, v56;
	v48 =	vsel vm2, s13, v1;
	s13 =	sld [smem:$0x7C3]  }
0x8b4: {  	v58 =	vmov s10;
	s5 =	sshra.s32 s12, $0x6;
	v0 =	vsel vm0, s16, v0;
	s16 =	sld [smem:$0x7C4];
	s10 =	sshrl.u32 s31, $0x1F  }
0x8b5: {  	v0 =	vsel vm10, s18, v0;
	s11 =	sshra.s32 s31, $0x6;
	s12 =	sshra.s32 s31, $0x1F;
	s31 =	sld [smem:$0x7C6]  }
0x8b6: {  	v2 =	vnsel vm3, $0x0, v58;
	v0 =	vsel vm1, s11, v0;
	s15 =	sshrl.u32 s13, $0x1F;
	s2 =	sshra.s32 s13, $0x6;
	s13 =	sld [smem:$0x7C5]  }
0x8b7: {  	v2 =	vsel vm0, s17, v2;
	s25 =	sshrl.u32 s24, $0x1F;
	v0 =	vsel vm11, s12, v0;
	s12 =	sld [smem:$0x7C7]  }
0x8b8: {  	s4 =	sshra.s32 s24, $0x6;
	v59 =	vsel vm1, s10, v2;
	s17 =	sshrl.u32 s16, $0x1F;
	v60 =	vmov s15;
	s15 =	sld [smem:$0x7C8]  }
0x8b9: {  	s24 =	sshra.s32 s16, $0x6;
	v1 =	vsel vm2, s17, v59;
	s9 =	sshrl.u32 s31, $0x1F;
	s17 =	sld [smem:$0x7C9]  }
0x8ba: {  	s6 =	sshra.s32 s31, $0x6;
	s31 =	sshrl.u32 s14, $0x1F;
	v2 =	vsel vm0, s25, v60;
	s25 =	sshra.s32 s16, $0x1F  }
0x8bb: {  	v0 =	vsel vm2, s24, v0;
	s18 =	sshrl.u32 s13, $0x1F;
	s11 =	sshrl.u32 s12, $0x1F;
	s24 =	sshra.s32 s13, $0x6  }
0x8bc: {  	v0 =	vsel vm12, s25, v0;
	s25 =	sshra.s32 s13, $0x1F;
	s10 =	sshra.s32 s12, $0x6;
	s13 =	sshra.s32 s12, $0x1F  }
0x8bd: {  	s12 =	sld [smem:$0x7CD];
	v1 =	vsel vm4, s18, v1;
	s16 =	sshrl.u32 s15, $0x1F;
	s18 =	sshrl.u32 s17, $0x1F;
	v0 =	vsel vm4, s24, v0  }
0x8be: {  	v2 =	vsel vm1, s9, v2;
	s9 =	sshra.s32 s15, $0x6;
	s15 =	sshra.s32 s17, $0x6;
	v0 =	vsel vm13, s25, v0;
	s25 =	sld [smem:$0x7CB]  }
0x8bf: {  	v1 =	vsel vm5, s11, v1;
	v51 =	vsel vm2, s16, v2;
	s16 =	sshra.s32 s17, $0x1F;
	s17 =	sshra.s32 s14, $0x6;
	s14 =	sld [smem:$0x7CE]  }
0x8c0: {  	v61 =	vmov s3;
	v1 =	vsel vm6, s18, v1;
	v0 =	vsel vm5, s10, v0;
	s18 =	sld [smem:$0x7CA]  }
0x8c1: {  	s10 =	sld [smem:$0x7CC];
	v47 =	vsel vm7, s31, v1;
	v1 =	vsel vm0, s0, v61;
	v0 =	vsel vm14, s13, v0;
	s13 =	sshra.s32 s12, $0x1F;
	s31 =	sshrl.u32 s25, $0x1F  }
0x8c2: {  	v1 =	vsel vm1, s1, v1;
	v0 =	vsel vm6, s15, v0;
	s3 =	sshrl.u32 s14, $0x1F;
	s15 =	sld [smem:$0x7CF];
	s1 =	sshra.s32 s14, $0x6  }
0x8c3: {  	v4 =	vmov s13;
	s13 =	sld [smem:$0x7D2];
	s24 =	sshrl.u32 s18, $0x1F;
	s0 =	sshra.s32 s18, $0x6  }
0x8c4: {  	v52 =	vsel vm2, s5, v1;
	s5 =	sshra.s32 s25, $0x6;
	s11 =	sshrl.u32 s10, $0x1F;
	v0 =	vsel vm15, s16, v0;
	v5 =	vmov s31;
	s25 =	sld [smem:$0x7D1]  }
0x8c5: {  	v49 =	vsel vm7, s17, v0;
	v0 =	vsel vm0, s24, v5;
	s24 =	sld [smem:$0x7D0];
	s16 =	sshra.s32 s15, $0x6;
	s17 =	sshrl.u32 s15, $0x1F  }
0x8c6: {  	s18 =	sshra.s32 s15, $0x1F;
	v0 =	vsel vm1, s11, v0;
	s14 =	sshrl.u32 s13, $0x1F;
	s15 =	sld [smem:$0x7D3]  }
0x8c7: {  	v62 =	vmov s2;
	v1 =	vsel vm3, s16, v4;
	s31 =	sshra.s32 s25, $0x6;
	v55 =	vsel vm2, s3, v0;
	s3 =	sshra.s32 s13, $0x6;
	s13 =	sld [smem:$0x7D6]  }
0x8c8: {  	v2 =	vsel vm0, s4, v62;
	v1 =	vsel vm9, s18, v1;
	s7 =	sshrl.u32 s24, $0x1F;
	s4 =	sshra.s32 s24, $0x6;
	s24 =	sld [smem:$0x7D4]  }
0x8c9: {  	s2 =	sshra.s32 s10, $0x6;
	v6 =	vmov s17;
	s11 =	sshra.s32 s25, $0x1F;
	v1 =	vsel vm0, s31, v1;
	s31 =	sld [smem:$0x7D5]  }
0x8ca: {  	v63 =	vsel vm1, s6, v2;
	s10 =	sshrl.u32 s25, $0x1F;
	v2 =	vnsel vm3, $0x0, v6;
	s16 =	sshrl.u32 s15, $0x1F;
	s17 =	sshra.s32 s15, $0x6;
	v1 =	vsel vm10, s11, v1  }
0x8cb: {  	v8 =	vmov s14;
	v7 =	vsel vm0, s10, v2;
	s18 =	sshra.s32 s15, $0x1F;
	s15 =	sshrl.u32 s13, $0x1F;
	v1 =	vsel vm1, s17, v1;
	s25 =	sshrl.u32 s24, $0x1F  }
0x8cc: {  	v2 =	vsel vm0, s7, v8;
	v0 =	vsel vm1, s16, v7;
	s14 =	sshrl.u32 s31, $0x1F;
	v1 =	vsel vm11, s18, v1;
	s16 =	sshra.s32 s31, $0x6;
	s18 =	sld [smem:$0x7D7]  }
0x8cd: {  	s6 =	sshra.s32 s24, $0x6;
	v2 =	vsel vm1, s25, v2;
	s17 =	sshra.s32 s31, $0x1F;
	s25 =	sld [smem:$0x7D8];
	v0 =	vsel vm2, s14, v0;
	v1 =	vsel vm2, s16, v1  }
0x8ce: {  	s14 =	sshra.s32 s13, $0x6;
	v0 =	vsel vm4, s15, v0;
	v1 =	vsel vm12, s17, v1;
	s15 =	sshra.s32 s13, $0x1F;
	s13 =	sld [smem:$0x7DA]  }
0x8cf: {  	s24 =	sshrl.u32 s18, $0x1F;
	s7 =	sshra.s32 s18, $0x6;
	v1 =	vsel vm4, s14, v1;
	s18 =	sld [smem:$0x7D9]  }
0x8d0: {  	s16 =	sshra.s32 s25, $0x6;
	s14 =	sld [smem:$0x7DB];
	v1 =	vsel vm13, s15, v1  }
0x8d1: {  	v9 =	vmov s5;
	s31 =	sshrl.u32 s25, $0x1F;
	s17 =	sshra.s32 s25, $0x1F;
	v1 =	vsel vm5, s16, v1;
	s16 =	sld [smem:$0x7DC]  }
0x8d2: {  	s5 =	sshra.s32 s12, $0x6;
	v57 =	vsel vm2, s24, v2;
	v0 =	vsel vm5, s31, v0;
	s24 =	sshrl.u32 s18, $0x1F;
	v1 =	vsel vm14, s17, v1;
	s17 =	sld [smem:$0x7DD]  }
0x8d3: {  	s11 =	sshrl.u32 s12, $0x1F;
	v2 =	vsel vm0, s0, v9;
	s25 =	sshra.s32 s18, $0x6;
	v0 =	vsel vm6, s24, v0;
	s24 =	sld [smem:$0x7DF]  }
0x8d4: {  	v10 =	vsel vm1, s2, v2;
	s0 =	sshra.s32 s13, $0x6;
	s15 =	sshrl.u32 s14, $0x1F;
	v1 =	vsel vm6, s25, v1;
	s25 =	sld [smem:$0x7E0]  }
0x8d5: {  	(v2sf) =	vpush v40, $0x4;
	v58 =	vsel vm2, s1, v10;
	s12 =	sshrl.u32 s16, $0x1F;
	s1 =	sshra.s32 s16, $0x6;
	s16 =	sld [smem:$0x7DE]  }
0x8d6: {  	v11 =	vmov s3;
	s31 =	sshra.s32 s18, $0x1F;
	s3 =	sshra.s32 s14, $0x6;
	v15 =	vmov s15;
	s15 =	sld [smem:$0x7E1]  }
0x8d7: {  	v53 =	vsel vm2, s9, v63;
	v12 =	vsel vm0, s4, v11;
	s9 =	sshrl.u32 s17, $0x1F;
	s2 =	sshra.s32 s17, $0x6;
	s17 =	sld [smem:$0x7E2]  }
0x8d8: {  	v54 =	vsel vm7, s11, v0;
	v0 =	vsel vm1, s6, v12;
	s6 =	sshrl.u32 s24, $0x1F;
	s10 =	sshrl.u32 s25, $0x1F;
	s18 =	sshra.s32 s16, $0x1F  }
0x8d9: {  	v1 =	vsel vm15, s31, v1;
	s31 =	sshra.s32 s25, $0x6;
	s14 =	sshra.s32 s25, $0x1F;
	s25 =	sld [smem:$0x7E3];
	v50 =	vmov s10;
	v13 =	vmov s18  }
0x8da: {  	s4 =	sshra.s32 s24, $0x6;
	v2 =	vnsel vm3, $0x0, v50;
	s24 =	sshrl.u32 s17, $0x1F;
	v14 =	vsel vm3, s31, v13;
	s31 =	sld [smem:$0x7E4]  }
0x8db: {  	s11 =	sshrl.u32 s13, $0x1F;
	s18 =	sshra.s32 s17, $0x6;
	v2 =	vsel vm0, s24, v2;
	s24 =	sld [smem:$0x7E5]  }
0x8dc: {  	v59 =	vsel vm2, s7, v0;
	s13 =	sshrl.u32 s25, $0x1F;
	s8 =	sshra.s32 s25, $0x6;
	s25 =	sld [smem:$0x7E6];
	v0 =	vsel vm9, s14, v14  }
0x8dd: {  	v56 =	vsel vm7, s5, v1;
	s5 =	sshrl.u32 s15, $0x1F;
	s10 =	sshra.s32 s17, $0x1F;
	s14 =	sld [smem:$0x7E7];
	v0 =	vsel vm0, s18, v0  }
0x8de: {  	(v2sf) =	vpush v40, $0x5;
	s7 =	sshra.s32 s15, $0x6;
	v0 =	vsel vm10, s10, v0;
	s15 =	sshrl.u32 s31, $0x1F;
	s17 =	sshra.s32 s31, $0x6  }
0x8df: {  	v1 =	vsel vm0, s11, v15;
	s18 =	sshra.s32 s31, $0x1F;
	s31 =	sshrl.u32 s25, $0x1F;
	v2 =	vsel vm1, s15, v2;
	v0 =	vsel vm1, s17, v0;
	s15 =	sld [smem:$0x7E8]  }
0x8e0: {  	v1 =	vsel vm1, s12, v1;
	s11 =	sshrl.u32 s24, $0x1F;
	s17 =	sshrl.u32 s14, $0x1F;
	v60 =	vsel vm2, s31, v2;
	v0 =	vsel vm11, s18, v0;
	s18 =	sshra.s32 s25, $0x6  }
0x8e1: {  	v61 =	vsel vm2, s9, v1;
	s9 =	sshra.s32 s24, $0x6;
	s24 =	sshra.s32 s25, $0x1F;
	v1 =	vsel vm4, s17, v60;
	v0 =	vsel vm2, s18, v0;
	s17 =	sld [smem:$0x7E9]  }
0x8e2: {  	(v2sf) =	vpush v40, $0x6;
	v62 =	vmov s5;
	s31 =	sshra.s32 s14, $0x6;
	s14 =	sshra.s32 s14, $0x1F;
	s25 =	sshrl.u32 s15, $0x1F;
	v0 =	vsel vm12, s24, v0  }
0x8e3: {  	v2 =	vsel vm0, s6, v62;
	s24 =	sshra.s32 s15, $0x6;
	s15 =	sshra.s32 s15, $0x1F;
	v1 =	vsel vm5, s25, v1;
	v0 =	vsel vm4, s31, v0;
	s25 =	sshrl.u32 s16, $0x1F  }
0x8e4: {  	v2 =	vsel vm1, s13, v2;
	s18 =	sshrl.u32 s17, $0x1F;
	v0 =	vsel vm13, s14, v0;
	s14 =	sshra.s32 s16, $0x6;
	s16 =	spop (v2sf)  }
0x8e5: {  	s31 =	sshra.s32 s17, $0x6;
	v63 =	vsel vm6, s18, v1;
	v1 =	vsel vm2, s11, v2;
	s11 =	sshra.s32 s17, $0x1F;
	v0 =	vsel vm5, s24, v0;
	s17 =	sshra.s32 s16, $0x1F  }
0x8e6: {  	v0 =	vsel vm14, s15, v0;
	s15 =	smul.u32 $0x10624DD3, s17;
	s17 =	sld [smem:$0x7EC]  }
0x8e7: {  	_ = 	snop  }
0x8e8: {  	s24 =	sld [smem:$0x7EA]  }
0x8e9: {  	s12 =	sld [smem:$0x7ED];
	s6 =	sshrl.u32 s17, $0x1F  }
0x8ea: {  	v8 =	vmov s6;
	s6 =	sld [smem:$0x7EE]  }
0x8eb: {  	v60 =	vsel vm7, s25, v63;
	v0 =	vsel vm6, s31, v0;
	s31 =	sld [smem:$0x7EB];
	s25 =	sshrl.u32 s24, $0x1F  }
0x8ec: {  	v6 =	vmov s3;
	v9 =	vmov s25;
	s25 =	sld [smem:$0x7F0]  }
0x8ed: {  	v7 =	vmov s7;
	s10 =	sld [smem:$0x7F4];
	s18 =	smulhi.u32 $0x10624DD3, s16;
	v2 =	vsel vm0, s0, v6;
	s13 =	sshra.s32 s6, $0x1F  }
0x8ee: {  	v2 =	vsel vm1, s1, v2;
	s16 =	sshrl.u32 s31, $0x1F;
	s7 =	sshra.s32 s31, $0x6;
	v4 =	vnsel vm3, $0x0, v9;
	v10 =	vmov s13;
	s13 =	sld [smem:$0x7EF]  }
0x8ef: {  	v3 =	vsel vm0, s4, v7;
	v2 =	vsel vm2, s2, v2;
	s2 =	sshra.s32 s31, $0x1F;
	v4 =	vsel vm0, s16, v4;
	s16 =	sld [smem:$0x7F1];
	s31 =	sshrl.u32 s25, $0x1F  }
0x8f0: {  	v3 =	vsel vm1, s8, v3;
	s3 =	spop (v2sf);
	v0 =	vsel vm15, s11, v0;
	s11 =	sshrl.u32 s12, $0x1F;
	v11 =	vsel vm1, s31, v4;
	s31 =	sld [smem:$0x7F2]  }
0x8f1: {  	v3 =	vsel vm2, s9, v3;
	s9 =	sshra.s32 s3, $0x1F;
	s0 =	sshra.s32 s24, $0x6;
	v63 =	vsel vm7, s14, v0;
	v0 =	vsel vm0, s11, v8;
	s14 =	sshrl.u32 s13, $0x1F  }
0x8f2: {  	s8 =	spop (v2sf);
	s4 =	sshra.s32 s24, $0x1F;
	v5 =	vsel vm3, s0, v10;
	s0 =	sshrl.u32 s16, $0x1F;
	v0 =	vsel vm1, s14, v0  }
0x8f3: {  	s24 =	smulhi.u32 $0x10624DD3, s3;
	v12 =	vsel vm9, s4, v5;
	s1 =	sshrl.u32 s31, $0x1F;
	v62 =	vsel vm2, s0, v0;
	s0 =	sld [smem:$0x7F3]  }
0x8f4: {  	s11 =	sshra.s32 s25, $0x6;
	v14 =	vmov s1;
	v4 =	vsel vm0, s7, v12;
	s7 =	sshrl.u32 s10, $0x1F;
	s1 =	sld [smem:$0x7F5]  }
0x8f5: {  	s14 =	sshra.s32 s25, $0x1F;
	s25 =	smul.u32 $0x10624DD3, s9;
	v6 =	vsel vm0, s7, v14;
	v4 =	vsel vm10, s2, v4;
	s7 =	sld [smem:$0x7F7]  }
0x8f6: {  	s2 =	sshra.s32 s8, $0x1F;
	v15 =	vsel vm1, s11, v4;
	s11 =	sld [smem:$0x7F8];
	s3 =	sshrl.u32 s0, $0x1F  }
0x8f7: {  	s9 =	sshrl.u32 s1, $0x1F;
	v0 =	vsel vm2, s3, v11;
	s3 =	smulhi.u32 $0x10624DD3, s8;
	s8 =	sld [smem:$0x7F6]  }
0x8f8: {  	s31 =	sshra.s32 s31, $0x6;
	v0 =	vsel vm4, s9, v0;
	s9 =	sshrl.u32 s7, $0x1F  }
0x8f9: {  	s4 =	smul.u32 $0x10624DD3, s2;
	s24 =	sadd.s32 s25, s24;
	v0 =	vsel vm5, s9, v0;
	s9 =	sld [smem:$0x7F9]  }
0x8fa: {  	s2 =	sshrl.u32 s11, $0x1F;
	v11 =	vmov s31;
	s31 =	rddreg [dreg:$0x1b];
	s5 =	sshrl.u32 s8, $0x1F  }
0x8fb: {  	v13 =	vld [tilespmem:$0x1F0];
	s11 =	sshra.s32 s11, $0x6;
	s25 =	sadd.s32 s4, s3;
	s4 =	rddreg [dreg:$0x1d];
	v6 =	vsel vm1, s5, v6  }
0x8fc: {  	s5 =	sshrl.u32 s9, $0x1F;
	v4 =	vsel vm2, s2, v6;
	s2 =	sadd.s32 s15, s18;
	s18 =	smov.u32 s0  }
0x8fd: {  	v50 =	vsel vm11, s14, v15;
	s0 =	sshra.s32 s0, $0x6;
	s15 =	smov.u32 s6;
	s14 =	sshra.s32 s18, $0x1F  }
0x8fe: {  	v6 =	vsel vm2, s0, v50;
	s18 =	sshrl.u32 s6, $0x1F;
	s0 =	sshra.s32 s12, $0x6;
	s6 =	sshra.s32 s17, $0x6  }
0x8ff: {  	v0 =	vsel vm6, s5, v0;
	s12 =	sshra.s32 s1, $0x6;
	s5 =	sshra.s32 s16, $0x6;
	s17 =	sshra.s32 s1, $0x1F  }
0x900: {  	(v2sf) =	vpush v40, $0x7;
	v50 =	vadd.s32 v13, v31;
	s1 =	smov.u32 s7;
	s7 =	sshra.s32 s7, $0x6;
	s16 =	sshra.s32 s15, $0x6;
	v0 =	vsel vm7, s18, v0  }
0x901: {  	v9 =	vsel vm12, s14, v6;
	(v2sf) =	vpush v50, $0xD;
	v10 =	vmov s6;
	s14 =	sshra.s32 s13, $0x6;
	s18 =	sshra.s32 s10, $0x6;
	s6 =	sshra.s32 s31, $0x6  }
0x902: {  	v5 =	vsel vm4, s12, v9;
	(v2sf) =	vpush v50, $0xC;
	s12 =	sshra.s32 s1, $0x1F;
	s1 =	sshrl.u32 s31, $0x1F;
	s31 =	sld [smem:$0x7FA]  }
0x903: {  	s10 =	sshra.s32 s8, $0x6;
	s13 =	sshra.s32 s9, $0x6;
	v6 =	vsel vm0, s0, v10;
	v7 =	vsel vm0, s18, v11;
	v5 =	vsel vm13, s17, v5;
	s17 =	rddreg [dreg:$0x1c]  }
0x904: {  	s8 =	sshrl.u32 s4, $0x1F;
	s4 =	sshra.s32 s4, $0x6;
	(v2sf) =	vpush v50, $0xE;
	v12 =	vmov s1;
	s1 =	rddreg [dreg:$0x19];
	v5 =	vsel vm5, s7, v5  }
0x905: {  	v6 =	vsel vm1, s14, v6;
	s14 =	sshra.s32 s9, $0x1F;
	(v2sf) =	vpush v50, $0xF;
	s18 =	sshrl.u32 s17, $0x1F;
	s7 =	rddreg [dreg:$0x18];
	v5 =	vsel vm14, s12, v5  }
0x906: {  	s3 =	sshra.s32 s17, $0x6;
	s9 =	sshrl.u32 s7, $0x1F;
	v8 =	vsel vm0, s18, v12;
	s18 =	rddreg [dreg:$0x14];
	v5 =	vsel vm6, s13, v5  }
0x907: {  	v7 =	vsel vm1, s10, v7;
	v6 =	vsel vm2, s5, v6;
	s5 =	sshra.s32 s7, $0x6;
	s12 =	sshra.s32 s31, $0x1F;
	v5 =	vsel vm15, s14, v5;
	s14 =	sld [smem:$0x7FB]  }
0x908: {  	(v2sf) =	vpush v50, $0x9;
	v13 =	vmov s12;
	s13 =	rddreg [dreg:$0x17];
	s12 =	sshrl.u32 s18, $0x1F;
	v8 =	vsel vm1, s8, v8;
	s8 =	sshra.s32 s18, $0x6  }
0x909: {  	v7 =	vsel vm2, s11, v7;
	(v2sf) =	vpush v50, $0x8;
	s18 =	rddreg [dreg:$0x11];
	s11 =	sshrl.u32 s13, $0x1F;
	s7 =	sshra.s32 s13, $0x6  }
0x90a: {  	(v2sf) =	vpush v50, $0xA;
	s10 =	sshrl.u32 s18, $0x1F;
	v5 =	vsel vm7, s16, v5;
	s15 =	sshrl.u32 s14, $0x1F;
	s16 =	sshra.s32 s14, $0x6  }
0x90b: {  	s13 =	sshra.s32 s18, $0x6;
	v15 =	vmov s12;
	s17 =	sshra.s32 s14, $0x1F;
	s14 =	sshrl.u32 s1, $0x1F;
	v14 =	vmov s15;
	v9 =	vsel vm3, s16, v13  }
0x90c: {  	(v2sf) =	vpush v50, $0xB;
	s15 =	sshra.s32 s1, $0x6;
	s16 =	sshra.s32 s1, $0x1F;
	s1 =	rddreg [dreg:$0x16];
	v9 =	vsel vm9, s17, v9;
	v10 =	vnsel vm3, $0x0, v14  }
0x90d: {  	v11 =	vsel vm0, s11, v15;
	s11 =	sshrl.u32 s30, $0x1F;
	s17 =	sshrl.u32 s1, $0x1F;
	v10 =	vsel vm0, s14, v10;
	v9 =	vsel vm0, s15, v9;
	s15 =	rddreg [dreg:$0x15]  }
0x90e: {  	(v2sf) =	vpush v50, $0x0;
	s0 =	sshra.s32 s1, $0x6;
	s14 =	rddreg [dreg:$0x13];
	v10 =	vsel vm1, s17, v10;
	v9 =	vsel vm10, s16, v9;
	s18 =	sshrl.u32 s15, $0x1F  }
0x90f: {  	s1 =	sshra.s32 s1, $0x1F;
	s16 =	sshrl.u32 s14, $0x1F;
	s17 =	sshra.s32 s15, $0x6;
	v10 =	vsel vm2, s18, v10;
	v9 =	vsel vm1, s0, v9  }
0x910: {  	s18 =	sshra.s32 s15, $0x1F;
	s15 =	spop (v2sf);
	v10 =	vsel vm4, s16, v10;
	v9 =	vsel vm11, s1, v9;
	s16 =	rddreg [dreg:$0x12]  }
0x911: {  	v43 =	vcombine.low v43, v41;
	v11 =	vsel vm1, s10, v11;
	s0 =	rddreg [dreg:$0x10];
	s12 =	spop (v2sf);
	s1 =	sshrl.u32 s16, $0x1F;
	v9 =	vsel vm2, s17, v9  }
0x912: {  	v11 =	vsel vm2, s11, v11;
	s17 =	sshrl.u32 s0, $0x1F;
	s11 =	spop (v2sf);
	v10 =	vsel vm5, s1, v10;
	v12 =	vsel vm12, s18, v9;
	s1 =	sshra.s32 s14, $0x6  }
0x913: {  	v8 =	vsel vm2, s9, v8;
	v13 =	vmov s8;
	s18 =	sshrl.u32 s31, $0x1F;
	s14 =	sshra.s32 s14, $0x1F;
	s10 =	spop (v2sf);
	v12 =	vsel vm4, s1, v12  }
0x914: {  	v13 =	vsel vm0, s7, v13;
	v10 =	vsel vm6, s17, v10;
	s17 =	sshra.s32 s16, $0x6;
	s9 =	spop (v2sf);
	s1 =	sshra.s32 s31, $0x6;
	v12 =	vsel vm13, s14, v12  }
0x915: {  	s31 =	sshrl.u32 s19, $0x1F;
	v9 =	vsel vm7, s18, v10;
	v10 =	vmov s6;
	s6 =	sshra.s32 s30, $0x6;
	s18 =	sshra.s32 s16, $0x1F;
	v12 =	vsel vm5, s17, v12  }
0x916: {  	v13 =	vsel vm1, s13, v13;
	(v2sf) =	vpush v50, $0x1;
	s30 =	sshra.s32 s0, $0x6;
	s0 =	sshra.s32 s0, $0x1F;
	s14 =	sshrl.u32 s29, $0x1F;
	v12 =	vsel vm14, s18, v12  }
0x917: {  	s8 =	spop (v2sf);
	s16 =	sshrl.u32 s26, $0x1F;
	v10 =	vsel vm0, s3, v10;
	v14 =	vmov s14;
	s3 =	smulhi.u32 $0x10624DD3, s15;
	v12 =	vsel vm6, s30, v12  }
0x918: {  	s17 =	sshra.s32 s15, $0x1F;
	s14 =	sshrl.u32 s23, $0x1F;
	v10 =	vsel vm1, s4, v10;
	s4 =	spop (v2sf);
	v14 =	vnsel vm3, $0x0, v14;
	v12 =	vsel vm15, s0, v12  }
0x919: {  	(v2sf) =	vpush v50, $0x2;
	s7 =	smul.u32 $0x10624DD3, s17;
	s17 =	sshrl.u32 s22, $0x1F;
	v14 =	vsel vm0, s31, v14;
	v12 =	vsel vm7, s1, v12;
	s1 =	sshrl.u32 s20, $0x1F  }
0x91a: {  	v13 =	vsel vm2, s6, v13;
	v10 =	vsel vm2, s5, v10;
	s5 =	spop (v2sf);
	s30 =	sshrl.u32 s28, $0x1F;
	s0 =	rddreg [dreg:$0xf];
	v14 =	vsel vm1, s1, v14  }
0x91b: {  	s31 =	sshrl.u32 s2, $0x1F;
	s6 =	spop (v2sf);
	v15 =	vmov s30;
	(v2sf) =	vpush v50, $0x3;
	s30 =	sld [smem:$0x7FC];
	v14 =	vsel vm2, s17, v14  }
0x91c: {  	v4 =	vcombine.low v4, v62;
	v16 =	vmov s16;
	s16 =	sshrl.u32 s24, $0x1F;
	s3 =	sadd.s32 s7, s3;
	v14 =	vsel vm4, s31, v14;
	s31 =	sld [smem:$0x7FD]  }
0x91d: {  	v42 =	vperm.xlane v42, v33;
	v45 =	vperm.xlane v45, v33;
	s18 =	sshrl.u32 s0, $0x1F;
	s7 =	spop (v2sf);
	s1 =	rddreg [dreg:$0x1a]  }
0x91e: {  	v2 =	vcombine.low v3, v2;
	v4 =	vperm.xlane v4, v32;
	s0 =	sshra.s32 s0, $0x6;
	v15 =	vsel vm0, s18, v15;
	s13 =	sshrl.u32 s1, $0x1F;
	s18 =	sshrl.u32 s30, $0x1F  }
0x91f: {  	v0 =	vperm.xlane v0, v33;
	(v2sf) =	vpush v50, $0x4;
	s17 =	sshrl.u32 s21, $0x1F;
	s1 =	sshra.s32 s1, $0x6;
	v16 =	vsel vm0, s18, v16;
	s15 =	sshrl.u32 s31, $0x1F  }
0x920: {  	v15 =	vsel vm1, s13, v15;
	s18 =	sshrl.u32 s25, $0x1F;
	s13 =	sshra.s32 s23, $0x6;
	s23 =	sshra.s32 s29, $0x1F;
	v17 =	vsel vm5, s16, v14;
	v16 =	vsel vm1, s15, v16  }
0x921: {  	v14 =	vsel vm2, s14, v15;
	s16 =	sshrl.u32 s3, $0x1F;
	v15 =	vsel vm2, s17, v16;
	v16 =	vsel vm6, s18, v17;
	s18 =	sshra.s32 s28, $0x6;
	s28 =	sshra.s32 s3, $0x1F  }
0x922: {  	s17 =	sshra.s32 s29, $0x6;
	v17 =	vmov s18;
	v18 =	vmov s28;
	v41 =	vsel vm7, s16, v16;
	s28 =	smulhi.u32 $0x10624DD3, s12;
	s12 =	sshra.s32 s12, $0x1F  }
0x923: {  	s29 =	sshra.s32 s19, $0x1F;
	s18 =	sshra.s32 s26, $0x6;
	v16 =	vsel vm0, s0, v17;
	v17 =	vsel vm3, s17, v18;
	v18 =	vperm.xlane v43, v32;
	s12 =	smul.u32 $0x10624DD3, s12  }
0x924: {  	s26 =	sshra.s32 s19, $0x6;
	v43 =	vcombine.low v46, v44;
	v44 =	vmov s18;
	s18 =	sshra.s32 s11, $0x1F;
	v16 =	vsel vm1, s1, v16;
	s1 =	smulhi.u32 $0x10624DD3, s11  }
0x925: {  	v47 =	vperm.xlane v47, v33;
	v6 =	vcombine.low v7, v6;
	s19 =	sshra.s32 s30, $0x6;
	s30 =	sshra.s32 s21, $0x6;
	s15 =	smul.u32 $0x10624DD3, s18  }
0x926: {  	v54 =	vperm.xlane v54, v33;
	v2 =	vperm.xlane v2, v32;
	v0 =	vsel vm8, v0, v4;
	s0 =	sshra.s32 s20, $0x6;
	s11 =	spop (v2sf);
	s18 =	smulhi.u32 $0x10624DD3, s10  }
0x927: {  	v6 =	vperm.xlane v6, v32;
	v17 =	vsel vm9, s23, v17;
	s23 =	sshra.s32 s31, $0x6;
	v44 =	vsel vm0, s19, v44;
	s31 =	sshra.s32 s22, $0x1F;
	s19 =	smulhi.u32 $0x10624DD3, s8  }
0x928: {  	v5 =	vperm.xlane v5, v33;
	(v2sf) =	vpush v50, $0x5;
	v17 =	vsel vm0, s26, v17;
	s26 =	sshra.s32 s10, $0x1F;
	s10 =	sadd.s32 s12, s28;
	s12 =	smulhi.u32 $0x10624DD3, s9  }
0x929: {  	v8 =	vcombine.low v11, v8;
	v17 =	vsel vm10, s29, v17;
	s16 =	smul.u32 $0x10624DD3, s26;
	s29 =	sshra.s32 s9, $0x1F;
	s9 =	spop (v2sf);
	(v2sf) =	vpush v50, $0x6  }
0x92a: {  	v46 =	vcombine.low v57, v55;
	s26 =	smulhi.u32 $0x10624DD3, s4;
	v17 =	vsel vm1, s0, v17;
	s0 =	sshra.s32 s8, $0x1F;
	s8 =	spop (v2sf);
	(v2sf) =	vpush v50, $0x7  }
0x92b: {  	v57 =	vcombine.low v1, v61;
	v43 =	vperm.xlane v43, v32;
	v18 =	vsel vm8, v42, v18;
	s28 =	sshra.s32 s22, $0x6;
	s15 =	sadd.s32 s15, s1;
	s22 =	smul.u32 $0x10624DD3, s29  }
0x92c: {  	s20 =	sshra.s32 s20, $0x1F;
	v42 =	vcombine.low v51, v48;
	v48 =	vcombine.low v59, v58;
	v58 =	vsel vm1, s23, v44;
	s23 =	sshrl.u32 s15, $0x1F;
	s21 =	smul.u32 $0x10624DD3, s0  }
0x92d: {  	v57 =	vperm.xlane v57, v32;
	s1 =	sshra.s32 s2, $0x6;
	v44 =	vsel vm2, s30, v58;
	s2 =	sshra.s32 s2, $0x1F;
	v61 =	vmov s23;
	s23 =	smulhi.u32 $0x10624DD3, s8  }
0x92e: {  	v58 =	vperm.xlane v60, v33;
	v43 =	vsel vm8, v45, v43;
	v17 =	vsel vm11, s20, v17;
	s8 =	sshra.s32 s8, $0x1F;
	s12 =	sadd.s32 s22, s12;
	s22 =	smulhi.u32 $0x10624DD3, s11  }
0x92f: {  	v45 =	vcombine.low v53, v52;
	v59 =	vperm.xlane v42, v32;
	s29 =	sshrl.u32 s10, $0x1F;
	v17 =	vsel vm2, s28, v17;
	s28 =	sshra.s32 s4, $0x1F;
	s8 =	smul.u32 $0x10624DD3, s8  }
0x930: {  	v55 =	vperm.xlane v48, v32;
	s15 =	sshra.s32 s15, $0x6;
	s10 =	sshra.s32 s10, $0x6;
	v48 =	vcombine.low v13, v10;
	v18 =	vadd.s32 v18, v43;
	s30 =	smul.u32 $0x10624DD3, s28  }
0x931: {  	v43 =	vsel vm2, s13, v16;
	s17 =	sadd.s32 s16, s18;
	v18 =	vmul.u32 $0x3E8, v18;
	s4 =	spop (v2sf);
	v17 =	vsel vm12, s31, v17;
	s31 =	smulhi.u32 $0x10624DD3, s5  }
0x932: {  	v16 =	vperm.xlane v45, v32;
	v53 =	vsel vm8, v47, v59;
	v59 =	vperm.xlane v63, v33;
	s5 =	sshra.s32 s5, $0x1F;
	s13 =	sadd.s32 s21, s19;
	s19 =	smulhi.u32 $0x10624DD3, s9  }
0x933: {  	s18 =	sshrl.u32 s17, $0x1F;
	v3 =	vsel vm0, s29, v61;
	s17 =	sshra.s32 s17, $0x6;
	v45 =	vsel vm8, v5, v6;
	v47 =	vperm.xlane v9, v33;
	s0 =	smul.u32 $0x10624DD3, s5  }
0x934: {  	v6 =	vperm.xlane v48, v32;
	v3 =	vsel vm1, s18, v3;
	s20 =	sshrl.u32 s12, $0x1F;
	s9 =	sshra.s32 s9, $0x1F;
	v42 =	vsel vm4, s1, v17;
	s1 =	smulhi.u32 $0x10624DD3, s6  }
0x935: {  	v0 =	vadd.s32 v0, v45;
	s12 =	sshra.s32 s12, $0x6;
	v1 =	vsub.s32 v35, v18;
	v17 =	vperm.xlane v49, v33;
	s6 =	sshra.s32 s6, $0x1F;
	s9 =	smul.u32 $0x10624DD3, s9  }
0x936: {  	v18 =	vperm.xlane v46, v32;
	s29 =	sshrl.u32 s13, $0x1F;
	v35 =	vsel vm8, v58, v57;
	v2 =	vsel vm8, v59, v2;
	s14 =	sadd.s32 s30, s26;
	s28 =	smul.u32 $0x10624DD3, s6  }
0x937: {  	v3 =	vsel vm2, s20, v3;
	v46 =	vperm.xlane v8, v32;
	v49 =	vcombine.low v15, v14;
	s30 =	smulhi.u32 $0x10624DD3, s7;
	s7 =	sshra.s32 s7, $0x1F;
	s5 =	spop (v2sf)  }
0x938: {  	v58 =	vcombine.low v44, v43;
	v0 =	vmul.u32 $0x3E8, v0;
	v2 =	vadd.s32 v35, v2;
	s26 =	sshrl.u32 s14, $0x1F;
	s21 =	smul.u32 $0x10624DD3, s7;
	s7 =	spop (v2sf)  }
0x939: {  	v35 =	vmov s15;
	v62 =	vsel vm13, s2, v42;
	s16 =	sadd.s32 s0, s31;
	s31 =	sshra.s32 s11, $0x1F;
	v60 =	vmov s26;
	s26 =	spop (v2sf)  }
0x93a: {  	v16 =	vsel vm8, v17, v16;
	v17 =	vperm.xlane v56, v33;
	v11 =	vsel vm0, s10, v35;
	s11 =	sadd.s32 s28, s1;
	s28 =	smulhi.u32 $0x10624DD3, s26;
	s10 =	sshra.s32 s26, $0x1F  }
0x93b: {  	s8 =	sadd.s32 s8, s23;
	v18 =	vsel vm8, v54, v18;
	v2 =	vmul.u32 $0x3E8, v2;
	v61 =	vsel vm0, s29, v60;
	s29 =	sadd.s32 s21, s30;
	s30 =	smul.u32 $0x10624DD3, s10  }
0x93c: {  	s23 =	smulhi.u32 $0x10624DD3, s4;
	s4 =	sshra.s32 s4, $0x1F;
	s14 =	sshra.s32 s14, $0x6;
	v8 =	vperm.xlane v49, v32;
	v4 =	vsel vm8, v47, v46;
	v0 =	vsub.s32 v37, v0  }
0x93d: {  	s4 =	smul.u32 $0x10624DD3, s4;
	v16 =	vadd.s32 v53, v16;
	s0 =	sshrl.u32 s16, $0x1F;
	v11 =	vsel vm1, s17, v11;
	v52 =	vmov s14;
	s6 =	sadd.s32 s30, s28  }
0x93e: {  	s13 =	sshra.s32 s13, $0x6;
	s1 =	smul.u32 $0x10624DD3, s31;
	v53 =	vperm.xlane v12, v33;
	v17 =	vsel vm8, v17, v55;
	v63 =	vsel vm1, s0, v61;
	s0 =	sshra.s32 s6, $0x1F  }
0x93f: {  	s9 =	sadd.s32 s9, s19;
	s18 =	sshrl.u32 s11, $0x1F;
	v16 =	vmul.u32 $0x3E8, v16;
	v2 =	vsub.s32 v38, v2;
	s15 =	sshra.s32 s29, $0x6;
	v54 =	vmov s0  }
0x940: {  	s17 =	sshra.s32 s16, $0x6;
	v51 =	vsel vm2, s12, v11;
	s31 =	sadd.s32 s1, s22;
	v7 =	vsel vm2, s18, v63;
	s18 =	sshra.s32 s29, $0x1F;
	v12 =	vsel vm3, s15, v54  }
0x941: {  	s4 =	sadd.s32 s4, s23;
	s12 =	sshra.s32 s24, $0x6;
	v10 =	vsel vm0, s13, v52;
	v55 =	vperm.xlane v41, v33;
	s21 =	sshra.s32 s31, $0x6;
	v12 =	vsel vm9, s18, v12  }
0x942: {  	s13 =	sshra.s32 s25, $0x6;
	s11 =	sshra.s32 s11, $0x6;
	v17 =	vadd.s32 v18, v17;
	v10 =	vsel vm1, s17, v10;
	s10 =	sshra.s32 s31, $0x1F;
	v57 =	vsel vm0, s21, v12  }
0x943: {  	s1 =	sshra.s32 s24, $0x1F;
	s19 =	sshrl.u32 s29, $0x1F;
	v56 =	vsel vm8, v53, v6;
	s24 =	sshra.s32 s9, $0x6;
	v61 =	vperm.xlane v58, v32;
	v6 =	vsel vm10, s10, v57  }
0x944: {  	s22 =	sshrl.u32 s9, $0x1F;
	s9 =	sshra.s32 s9, $0x1F;
	v11 =	vsel vm5, s12, v62;
	v17 =	vmul.u32 $0x3E8, v17;
	s20 =	sshrl.u32 s31, $0x1F;
	v6 =	vsel vm1, s24, v6  }
0x945: {  	v16 =	vsub.s32 v34, v16;
	v10 =	vsel vm2, s11, v10;
	s29 =	sshra.s32 s8, $0x6;
	s28 =	smulhi.u32 $0x10624DD3, s5;
	s5 =	sshra.s32 s5, $0x1F;
	v6 =	vsel vm11, s9, v6  }
0x946: {  	v60 =	vmov s19;
	v11 =	vsel vm14, s1, v11;
	s26 =	sshrl.u32 s8, $0x1F;
	s8 =	sshra.s32 s8, $0x1F;
	s5 =	smul.u32 $0x10624DD3, s5;
	v6 =	vsel vm2, s29, v6  }
0x947: {  	v3 =	vcombine.low v7, v3;
	v9 =	vnsel vm3, $0x0, v60;
	s31 =	sshra.s32 s4, $0x6;
	s30 =	smulhi.u32 $0x10624DD3, s7;
	s7 =	sshra.s32 s7, $0x1F;
	v6 =	vsel vm12, s8, v6  }
0x948: {  	v59 =	vcombine.low v10, v51;
	v9 =	vsel vm0, s20, v9;
	s7 =	smul.u32 $0x10624DD3, s7;
	s0 =	sshra.s32 s4, $0x1F;
	s5 =	sadd.s32 s5, s28;
	v6 =	vsel vm4, s31, v6  }
0x949: {  	v11 =	vsel vm6, s13, v11;
	v9 =	vsel vm1, s22, v9;
	s11 =	sshra.s32 s5, $0x6;
	v6 =	vsel vm13, s0, v6  }
0x94a: {  	v3 =	vperm.xlane v3, v32;
	v9 =	vsel vm2, s26, v9;
	s2 =	sadd.s32 s7, s30;
	s13 =	sshra.s32 s5, $0x1F;
	s10 =	sshrl.u32 s4, $0x1F;
	v6 =	vsel vm5, s11, v6  }
0x94b: {  	v7 =	vperm.xlane v59, v32;
	s12 =	sshrl.u32 s5, $0x1F;
	s16 =	sshra.s32 s2, $0x6;
	v9 =	vsel vm4, s10, v9;
	s9 =	sshra.s32 s25, $0x1F;
	v6 =	vsel vm14, s13, v6  }
0x94c: {  	s14 =	sshra.s32 s3, $0x6;
	s15 =	sshrl.u32 s2, $0x1F;
	s18 =	sshra.s32 s2, $0x1F;
	v9 =	vsel vm5, s12, v9;
	v11 =	vsel vm15, s9, v11;
	v6 =	vsel vm6, s16, v6  }
0x94d: {  	s17 =	sshrl.u32 s6, $0x1F;
	s20 =	sshra.s32 s6, $0x6;
	v9 =	vsel vm6, s15, v9;
	v11 =	vsel vm7, s14, v11;
	v6 =	vsel vm15, s18, v6  }
0x94e: {  	v9 =	vsel vm7, s17, v9;
	v11 =	vperm.xlane v11, v33;
	v6 =	vsel vm7, s20, v6  }
0x94f: {  	[tilespmem:$0x380] =	vst v1;
	v4 =	vadd.s32 v4, v56;
	v9 =	vperm.xlane v9, v33;
	v6 =	vperm.xlane v6, v33  }
0x950: {  	[tilespmem:$0x3C0] =	vst v0;
	v8 =	vsel vm8, v55, v8;
	v4 =	vmul.u32 $0x3E8, v4;
	v63 =	vsel vm8, v11, v61  }
0x951: {  	[tilespmem:$0x3B0] =	vst v2;
	v3 =	vsel vm8, v9, v3;
	v1 =	vadd.s32 v8, v63;
	v9 =	vsel vm8, v6, v7  }
0x952: {  	[tilespmem:$0x390] =	vst v16;
	v17 =	vsub.s32 v36, v17;
	v1 =	vmul.u32 $0x3E8, v1;
	v10 =	vadd.s32 v3, v9  }
0x953: {  	[tilespmem:$0x3A0] =	vst v17;
	v11 =	vsub.s32 v39, v4;
	v2 =	vmul.u32 $0x3E8, v10  }
0x954: {  	s22 =	rddreg [dreg:$0xa];
	[tilespmem:$0x3D0] =	vst v11;
	v12 =	vsub.s32 v40, v1  }
0x955: {  	s21 =	rddreg [dreg:$0x9];
	[tilespmem:$0x3E0] =	vst v12;
	v13 =	vsub.s32 v50, v2  }
0x956: {  	s23 =	simm.s32 $0x80;
	s24 =	rddreg [dreg:$0xd];
	s25 =	simm.s32 $0x1;
	[tilespmem:$0x3F0] =	vst v13  }
0x957: {  	[tilespmem:s21], [sflag:$0x1] =	stream.indirect.gather [hbm4b:s24+s23], $0x1, s22, s23, $0xb8;
	[tilespmem:$0x680] =	vst v63  }
0x958: {  	s19 =	rddreg [dreg:$0xe];
	_ =	swait.ge [sflag:s25], $0x80  }
0x959: {  	[sflag:s25] =	ssyncset.done $0x0  }
0x95a: {  	[sflag:s25] =	ssyncadd.s32 $0xFFFFFF80  }
0x95b: {  	_ =	swait.ge [sflag:s25], $0x80  }
0x95c: {  	[sflag:s25] =	ssyncset.done $0x0  }
0x95d: {  	[sflag:s25] =	ssyncadd.s32 $0xFFFFFF80  }
0x95e: {  	_ =	swait.ge [sflag:s25], $0x80  }
0x95f: {  	[sflag:s25] =	ssyncset.done $0x0  }
0x960: {  	[sflag:s25] =	ssyncadd.s32 $0xFFFFFF80  }
0x961: {  	_ =	swait.ge [sflag:s25], $0x80  }
0x962: {  	[sflag:s25] =	ssyncset.done $0x0  }
0x963: {  	[sflag:s25] =	ssyncadd.s32 $0xFFFFFF80  }
0x964: {  	v14 =	vld [tilespmem:$0x400];
	_ =	sdelay $0x1  }
0x965: {  	v15 =	vld [tilespmem:$0x410];
	_ =	sdelay $0x1  }
0x966: {  	v34 =	vld [tilespmem:$0x420]  }
0x967: {  	v0 =	vadd.f32 $0.0e+00, v14  }
0x968: {  	v35 =	vld [tilespmem:$0x430]  }
0x969: {  	v0 =	vadd.f32 v15, v0  }
0x96a: {  	v36 =	vld [tilespmem:$0x440]  }
0x96b: {  	v0 =	vadd.f32 v34, v0  }
0x96c: {  	v37 =	vld [tilespmem:$0x450]  }
0x96d: {  	v0 =	vadd.f32 v35, v0  }
0x96e: {  	v38 =	vld [tilespmem:$0x460]  }
0x96f: {  	v0 =	vadd.f32 v36, v0  }
0x970: {  	v39 =	vld [tilespmem:$0x470]  }
0x971: {  	v0 =	vadd.f32 v37, v0  }
0x972: {  	v40 =	vld [tilespmem:$0x480]  }
0x973: {  	v0 =	vadd.f32 v38, v0  }
0x974: {  	v41 =	vld [tilespmem:$0x490]  }
0x975: {  	v0 =	vadd.f32 v39, v0  }
0x976: {  	v42 =	vld [tilespmem:$0x4A0]  }
0x977: {  	v0 =	vadd.f32 v40, v0  }
0x978: {  	v43 =	vld [tilespmem:$0x4B0]  }
0x979: {  	v0 =	vadd.f32 v41, v0  }
0x97a: {  	v44 =	vld [tilespmem:$0x4C0]  }
0x97b: {  	v0 =	vadd.f32 v42, v0  }
0x97c: {  	v45 =	vld [tilespmem:$0x4D0]  }
0x97d: {  	v0 =	vadd.f32 v43, v0  }
0x97e: {  	v46 =	vld [tilespmem:$0x4E0]  }
0x97f: {  	v0 =	vadd.f32 v44, v0  }
0x980: {  	v47 =	vld [tilespmem:$0x4F0]  }
0x981: {  	v0 =	vadd.f32 v45, v0  }
0x982: {  	v48 =	vld [tilespmem:$0x500]  }
0x983: {  	v0 =	vadd.f32 v46, v0  }
0x984: {  	v49 =	vld [tilespmem:$0x510]  }
0x985: {  	v0 =	vadd.f32 v47, v0  }
0x986: {  	v50 =	vld [tilespmem:$0x520]  }
0x987: {  	v0 =	vadd.f32 v48, v0  }
0x988: {  	v51 =	vld [tilespmem:$0x530]  }
0x989: {  	v0 =	vadd.f32 v49, v0  }
0x98a: {  	v52 =	vld [tilespmem:$0x540]  }
0x98b: {  	v0 =	vadd.f32 v50, v0  }
0x98c: {  	v53 =	vld [tilespmem:$0x550]  }
0x98d: {  	v0 =	vadd.f32 v51, v0  }
0x98e: {  	v54 =	vld [tilespmem:$0x560]  }
0x98f: {  	v0 =	vadd.f32 v52, v0  }
0x990: {  	v55 =	vld [tilespmem:$0x570]  }
0x991: {  	v0 =	vadd.f32 v53, v0  }
0x992: {  	v56 =	vld [tilespmem:$0x580]  }
0x993: {  	v0 =	vadd.f32 v54, v0  }
0x994: {  	v57 =	vld [tilespmem:$0x590]  }
0x995: {  	v0 =	vadd.f32 v55, v0  }
0x996: {  	v58 =	vld [tilespmem:$0x5A0]  }
0x997: {  	v0 =	vadd.f32 v56, v0  }
0x998: {  	v59 =	vld [tilespmem:$0x5B0]  }
0x999: {  	v0 =	vadd.f32 v57, v0  }
0x99a: {  	v60 =	vld [tilespmem:$0x5C0]  }
0x99b: {  	v0 =	vadd.f32 v58, v0  }
0x99c: {  	v61 =	vld [tilespmem:$0x5D0]  }
0x99d: {  	v0 =	vadd.f32 v59, v0  }
0x99e: {  	v62 =	vld [tilespmem:$0x5E0]  }
0x99f: {  	v0 =	vadd.f32 v60, v0  }
0x9a0: {  	v63 =	vld [tilespmem:$0x5F0]  }
0x9a1: {  	v0 =	vadd.f32 v61, v0;
	_ =	sdelay $0x1  }
0x9a2: {  	v0 =	vadd.f32 v62, v0;
	_ =	sdelay $0x1  }
0x9a3: {  	v0 =	vadd.f32 v63, v0  }
0x9a4: {  	p0 =	sne.s32 s19, $0x1;
	s30 =	simm.s32 $0x2;
	s26 =	rddreg [dreg:$0xb]  }
.Ltmp0:
0x9a5: {  	s29 =	simm.s32 $0x0;
	s28 =	rddreg [dreg:$0xc];
	[tilespmem:$0x600] =	vst v0;
	(pc) =	sbr.rel @p0 .LBB2_1-.Ltmp0, $4  }
0x9a6: {  	[hbm4b:s26+s29] =	stream.linear.scatter [tilespmem:s28], [sflag:$0x2], $0x80, $0x38;
	[tilespmem:$0x680] =	vst v63  }
0x9a7: {  	_ =	swait.ge [sflag:s30], $0x80  }
0x9a8: {  	s31 =	simm.s32 $0x2;
	[sflag:s30] =	ssyncset.done $0x0  }
0x9a9: {  	s2 =	sadd.s32 $0xFFFFFFFF, s19;
	[sflag:s31] =	ssyncadd.s32 $0xFFFFFF80  }
0x9aa: {  	_ =	sfence.sel $0x180000  }
0x9ab: {  	[bflag:$0x0] =	sbarrier.arrive $0xFFFF  }
0x9ac: {  	_ =	strace $0x90000047  }
0x9ad: {  	s0 =	stileid.u32;
	[bflag:$0x2] =	sbarrier.arrive $0xFFFF  }
0x9ae: {  	p0 =	sne.s32 s0, $0x0;
	s0 =	rddreg [dreg:$0x1]  }
0x9af: {  	s0 =	sadd.s32 @!p0 $0x100000, s0  }
0x9b0: {  	[sflag:s0] =	ssyncadd.tile.s32 @!p0 $0x1;
	_ =	shalt  }
.Lfunc_end2:
_tile_overlayer_lowered:
.L_overlay_start_2:
0x9b1: {  	(tag) =	ssettag $0x2  }
0x9b2: {  	s0 =	rddreg [dreg:$0x0];
	s2 =	stileid.u32  }
0x9b3: {  	s1 =	rddreg [dreg:$0x1];
	p0 =	sne.s32 s2, $0x0  }
0x9b4: {  	s3 =	rddreg [dreg:$0x2];
	[bflag:$0x3] =	sbarrier.arrive $0xFFFF;
	s2 =	simm.s32 @!p0 $0x1C02  }
0x9b5: {  	[timem:s3], [sflag:s2] =	dma.local @!p0 [hbm:s0], s1  }
0x9b6: {  	s0 =	simm.s32 @!p0 $0x2  }
0x9b7: {  	_ =	swait.ge @!p0 [sflag:s0], s1  }
0x9b8: {  	s1 =	ssub.s32 @!p0 $0x0, s1;
	[sflag:s0] =	ssyncset.done @!p0 $0x0  }
0x9b9: {  	[sflag:s0] =	ssyncadd.s32 @!p0 s1  }
0x9ba: {  	[bflag:$0x3] =	sbarrier.arrive $0xFFFF  }
0x9bb: {  	_ =	shalt  }

</sc_bundles>
